<compile_context>
chip_gen: v7x
topology: tpu7x:2x2x1
jax: 0.10.2.dev20260603
libtpu: 0.0.44.dev20260713+nightly
codegen_flags: <defaults>
</compile_context>

<pallas_src>
import jax
import jax.numpy as jnp
from jax import lax
from jax.experimental import pallas as pl
from jax.experimental.pallas import tpu as pltpu
from jax.experimental.pallas import tpu_sc as plsc

N = 10000
D = 128
DH = 64
NUM_MSG = 10000
NC = 2
NS = 16
L = 16

HB = 160
CK = 80
MPT = 640
NHP = 10240
RT = 640


def _body(m_hbm, nodes2_hbm, zeros_hbm, out_hbm,
          sums_sh, cnts_sh,
          rows4, lidx4, ones_v, z16_v,
          sem_ldn, sem_ldr, sem_scr, sem_sco, sem_wr, sem_rd, sem_zs, sem_zc):
    core = lax.axis_index("c")
    sub = lax.axis_index("s")
    zvec = jnp.zeros((L,), jnp.float32)
    onevec = jnp.ones((L,), jnp.float32)
    cb = core * DH
    rbase = sub * RT
    mbase = sub * MPT
    bbase = sub * (MPT // CK)

    def fire_load(step):
        mb = jnp.minimum(mbase + step * HB, NUM_MSG - HB)
        blk = jnp.minimum(bbase + step * (HB // CK),
                          NUM_MSG // CK - HB // CK)
        dn = pltpu.async_copy(nodes2_hbm.at[pl.ds(blk, HB // CK)],
                              lidx4.at[step], sem_ldn)
        dr = pltpu.async_copy(m_hbm.at[pl.ds(mb, HB), pl.ds(cb, DH)],
                              rows4.at[step], sem_ldr)
        return dn, dr

    lds = [fire_load(0), fire_load(1), fire_load(2), fire_load(3)]

    for i in range(CK):
        ones_v[i, :] = onevec

    dz = pltpu.async_copy(zeros_hbm, sums_sh.at[pl.ds(rbase, RT)], sem_zs)
    dc = pltpu.async_copy(zeros_hbm.at[:, pl.ds(0, L)],
                          cnts_sh.at[pl.ds(rbase, RT)], sem_zc)
    dz.wait()
    dc.wait()
    plsc.subcore_barrier()

    def fire_scatter(step, nchunks):
        ds = []
        for j in range(nchunks):
            ds.append(pltpu.async_copy(rows4.at[step, pl.ds(j * CK, CK)],
                                       sums_sh.at[lidx4.at[step, j]],
                                       sem_scr, add=True))
            ds.append(pltpu.async_copy(ones_v,
                                       cnts_sh.at[lidx4.at[step, j]],
                                       sem_sco, add=True))
        return ds

    def wait_all(ds):
        for d in ds:
            d.wait()

    scs = []
    for k in range(2):
        lds[k][0].wait(); lds[k][1].wait()
        scs += fire_scatter(k, HB // CK)

    @pl.when(sub < NS - 1)
    def _steps_23():
        lds[2][0].wait(); lds[2][1].wait()
        sc2 = fire_scatter(2, HB // CK)
        lds[3][0].wait(); lds[3][1].wait()
        sc3 = fire_scatter(3, HB // CK)
        wait_all(sc2)
        wait_all(sc3)

    @pl.when(sub == NS - 1)
    def _step_2t():
        lds[2][0].wait(); lds[2][1].wait()
        lds[3][0].wait(); lds[3][1].wait()
        sct = [pltpu.async_copy(rows4.at[2, pl.ds(CK, CK)],
                                sums_sh.at[lidx4.at[2, 1]],
                                sem_scr, add=True),
               pltpu.async_copy(ones_v, cnts_sh.at[lidx4.at[2, 1]],
                                sem_sco, add=True)]
        wait_all(sct)

    wait_all(scs)
    plsc.subcore_barrier()

    dcr = pltpu.async_copy(cnts_sh.at[pl.ds(rbase, RT)], z16_v, sem_rd)

    def read_q(h, rows):
        return pltpu.async_copy(sums_sh.at[pl.ds(rbase + h * HB, rows)],
                                rows4.at[h, pl.ds(0, rows)], sem_ldr)

    def scale_q(h, rows):
        def body(r4, _):
            for k in range(4):
                r = r4 * 4 + k
                c = z16_v[h * HB + r, :]
                s_v = jnp.where(c > 0, 1.0 / c, 0.0)
                for g in range(DH // L):
                    rows4[h, r, pl.ds(g * L, L)] = \
                        rows4[h, r, pl.ds(g * L, L)] * s_v
            return 0
        lax.fori_loop(0, rows // 4, body, 0)

    def write_q(h, rows):
        return pltpu.async_copy(
            rows4.at[h, pl.ds(0, rows)],
            out_hbm.at[pl.ds(rbase + h * HB, rows), pl.ds(cb, DH)], sem_wr)

    rds = [read_q(k, HB) for k in range(4)]
    dcr.wait()

    rds[0].wait()
    scale_q(0, HB)
    wr0 = write_q(0, HB)
    rds[1].wait()
    scale_q(1, HB)
    wr1 = write_q(1, HB)

    @pl.when(sub < NS - 1)
    def _out_full():
        rds[2].wait()
        scale_q(2, HB)
        wr2 = write_q(2, HB)
        rds[3].wait()
        scale_q(3, HB)
        wr3 = write_q(3, HB)
        wr2.wait(); wr3.wait()

    @pl.when(sub == NS - 1)
    def _out_short():
        rds[2].wait()
        rds[3].wait()
        scale_q(2, CK)
        wrt = write_q(2, CK)
        wrt.wait()

    wr0.wait(); wr1.wait()


_agg = pl.kernel(
    _body,
    out_type=jax.ShapeDtypeStruct((N, D), jnp.float32),
    mesh=plsc.VectorSubcoreMesh(core_axis_name="c", subcore_axis_name="s",
                                num_cores=NC, num_subcores=NS),
    compiler_params=pltpu.CompilerParams(use_tc_tiling_on_sc=False),
    scratch_types=[
        pltpu.VMEM_SHARED((NHP, DH), jnp.float32),
        pltpu.VMEM_SHARED((NHP, L), jnp.float32),
        pltpu.VMEM((4, HB, DH), jnp.float32),
        pltpu.VMEM((4, HB // CK, CK), jnp.int32),
        pltpu.VMEM((CK, L), jnp.float32),
        pltpu.VMEM((RT, L), jnp.float32),
        pltpu.SemaphoreType.DMA,
        pltpu.SemaphoreType.DMA,
        pltpu.SemaphoreType.DMA,
        pltpu.SemaphoreType.DMA,
        pltpu.SemaphoreType.DMA,
        pltpu.SemaphoreType.DMA,
        pltpu.SemaphoreType.DMA,
        pltpu.SemaphoreType.DMA,
    ],
)


@jax.jit
def kernel(M, nodes):
    zeros = jnp.zeros((RT, DH), jnp.float32)
    nodes2 = nodes.astype(jnp.int32).reshape(NUM_MSG // CK, CK)
    return _agg(M, nodes2, zeros)

# --- scband reference (transcript-rebuilt; emitter-appended) ---
"""Pipeline reference for scband-mean-message-aggregator-45681272160567 (READ-ONLY COPY).

The authoritative reference and input builder live on the scoring server;
editing this copy changes nothing except your own understanding.
"""

import jax, jax.numpy as jnp
import numpy as np

N = 10000
NUM_MSG = 10000
D = 128

def setup_inputs(seed: int = 0) -> dict:
    key = jax.random.key(seed)
    k1, k2 = jax.random.split(key)
    M = jax.random.normal(k1, (NUM_MSG, D), dtype=jnp.float32)
    nodes = jax.random.randint(k2, (NUM_MSG,), 0, N, dtype=jnp.int64 if jax.config.jax_enable_x64 else jnp.int32)
    return {"M": M, "nodes": nodes}

def reference(M, nodes):
    # Torch builds selector[N, num_msg] one-hot over message->node and does
    # matmul(selector, M) / rowsum(selector), then zeros NaNs (0/0 rows).
    # Mathematically identical: per-node scatter-add of messages divided by
    # per-node message count, with empty nodes set to 0.
    sums = jax.ops.segment_sum(M, nodes, num_segments=N)
    counts = jax.ops.segment_sum(jnp.ones((M.shape[0],), dtype=M.dtype), nodes, num_segments=N)
    mask = counts > 0
    safe_counts = jnp.where(mask, counts, jnp.ones_like(counts))
    agg = jnp.where(mask[:, None], sums / safe_counts[:, None], jnp.zeros_like(sums))
    return agg

if __name__ == "__main__":
    import jax
    _d = setup_inputs()
    print(jax.jit(kernel)(*tuple(_d.values())))

</pallas_src>

<mosaic_0001>
#map = affine_map<(d0, d1) -> (0, 0)>
module attributes {stable_mosaic.version = 14 : i64} {
  func.func @_body(%arg0: i32, %arg1: i32, %arg2: memref<10000x128xf32, #tpu.memory_space<hbm>>, %arg3: memref<125x80xi32, #tpu.memory_space<hbm>>, %arg4: memref<640x64xf32, #tpu.memory_space<hbm>>, %arg5: memref<10000x128xf32, #tpu.memory_space<hbm>>, %arg6: memref<10240x64xf32, #tpu.memory_space<vmem_shared>>, %arg7: memref<10240x16xf32, #tpu.memory_space<vmem_shared>>, %arg8: memref<4x160x64xf32, #tpu.memory_space<vmem>>, %arg9: memref<4x2x80xi32, #tpu.memory_space<vmem>>, %arg10: memref<80x16xf32, #tpu.memory_space<vmem>>, %arg11: memref<640x16xf32, #tpu.memory_space<vmem>>, %arg12: memref<!tpu.dma_semaphore, #tpu.memory_space<semaphore_mem>>, %arg13: memref<!tpu.dma_semaphore, #tpu.memory_space<semaphore_mem>>, %arg14: memref<!tpu.dma_semaphore, #tpu.memory_space<semaphore_mem>>, %arg15: memref<!tpu.dma_semaphore, #tpu.memory_space<semaphore_mem>>, %arg16: memref<!tpu.dma_semaphore, #tpu.memory_space<semaphore_mem>>, %arg17: memref<!tpu.dma_semaphore, #tpu.memory_space<semaphore_mem>>, %arg18: memref<!tpu.dma_semaphore, #tpu.memory_space<semaphore_mem>>, %arg19: memref<!tpu.dma_semaphore, #tpu.memory_space<semaphore_mem>>) attributes {dimension_semantics = [#tpu.dimension_semantics<core_parallel>, #tpu.dimension_semantics<subcore_parallel>], iteration_bounds = array<i64: 2, 16>, scalar_prefetch = 0 : i64, scratch_operands = 14 : i64, tpu.core_type = #tpu.core_type<sc_vector_subcore>, window_params = [{transform_indices = #map}, {transform_indices = #map}, {transform_indices = #map}, {transform_indices = #map}]} {
    %broadcast_in_dim3A = arith.constant 0.000000e+00 : f32
    %broadcast_in_dim3A_0 = vector.broadcast %broadcast_in_dim3A : f32 to vector<16xf32>
    %broadcast_in_dim3A_1 = arith.constant 1.000000e+00 : f32
    %broadcast_in_dim3A_2 = vector.broadcast %broadcast_in_dim3A_1 : f32 to vector<16xf32>
    %mul3A = arith.constant 64 : i32
    %mul3A_3 = arith.muli %arg0, %mul3A : i32
    %mul3A_4 = arith.constant 640 : i32
    %mul3A_5 = arith.muli %arg1, %mul3A_4 : i32
    %mul3A_6 = arith.constant 640 : i32
    %mul3A_7 = arith.muli %arg1, %mul3A_6 : i32
    %mul3A_8 = arith.constant 8 : i32
    %mul3A_9 = arith.muli %arg1, %mul3A_8 : i32
    %add3A = arith.constant 0 : i32
    %add3A_10 = arith.addi %mul3A_7, %add3A : i32
    %min3A = arith.constant 9840 : i32
    %min3A_11 = arith.minsi %add3A_10, %min3A : i32
    %add3A_12 = arith.constant 0 : i32
    %add3A_13 = arith.addi %mul3A_9, %add3A_12 : i32
    %min3A_14 = arith.constant 123 : i32
    %min3A_15 = arith.minsi %add3A_13, %min3A_14 : i32
    %dma_start3A = arith.constant 0 : i32
    %dma_start3A_16 = arith.constant 0 : i32
    %dma_start3A_17 = arith.constant 0 : i32
    %dma_start3A_18 = tpu.memref_slice %arg9[%dma_start3A, %dma_start3A_16, %dma_start3A_17] : memref<4x2x80xi32, #tpu.memory_space<vmem>> -> memref<1x2x80xi32, #tpu.memory_space<vmem>>
    %dma_start3A_19 = tpu.memref_squeeze %dma_start3A_18 : memref<1x2x80xi32, #tpu.memory_space<vmem>> -> memref<2x80xi32, #tpu.memory_space<vmem>>
    %dma_start3A_20 = arith.constant 0 : i32
    %dma_start3A_21 = tpu.memref_slice %arg3[%min3A_15, %dma_start3A_20] : memref<125x80xi32, #tpu.memory_space<hbm>> -> memref<2x80xi32, #tpu.memory_space<hbm>>
    %dma_start3A_22 = arith.constant 0 : i32
    %dma_start3A_23 = arith.constant 0 : i32
    %dma_start3A_24 = tpu.memref_slice %arg9[%dma_start3A, %dma_start3A_22, %dma_start3A_23] : memref<4x2x80xi32, #tpu.memory_space<vmem>> -> memref<1x2x80xi32, #tpu.memory_space<vmem>>
    %dma_start3A_25 = tpu.memref_squeeze %dma_start3A_24 : memref<1x2x80xi32, #tpu.memory_space<vmem>> -> memref<2x80xi32, #tpu.memory_space<vmem>>
    %dma_start3A_26 = arith.constant 0 : i32
    %dma_start3A_27 = tpu.memref_slice %arg3[%min3A_15, %dma_start3A_26] : memref<125x80xi32, #tpu.memory_space<hbm>> -> memref<2x80xi32, #tpu.memory_space<hbm>>
    tpu.enqueue_dma source(%dma_start3A_27 : memref<2x80xi32, #tpu.memory_space<hbm>>) target(%dma_start3A_25 : memref<2x80xi32, #tpu.memory_space<vmem>>) target_semaphore(%arg12 : memref<!tpu.dma_semaphore, #tpu.memory_space<semaphore_mem>>)
    %dma_start3A_28 = arith.constant 0 : i32
    %dma_start3A_29 = arith.constant 0 : i32
    %dma_start3A_30 = arith.constant 0 : i32
    %dma_start3A_31 = tpu.memref_slice %arg8[%dma_start3A_28, %dma_start3A_29, %dma_start3A_30] : memref<4x160x64xf32, #tpu.memory_space<vmem>> -> memref<1x160x64xf32, #tpu.memory_space<vmem>>
    %dma_start3A_32 = tpu.memref_squeeze %dma_start3A_31 : memref<1x160x64xf32, #tpu.memory_space<vmem>> -> memref<160x64xf32, #tpu.memory_space<vmem>>
    %dma_start3A_33 = tpu.memref_slice %arg2[%min3A_11, %mul3A_3] : memref<10000x128xf32, #tpu.memory_space<hbm>> -> memref<160x64xf32, #tpu.memory_space<hbm>>
    %dma_start3A_34 = arith.constant 0 : i32
    %dma_start3A_35 = arith.constant 0 : i32
    %dma_start3A_36 = tpu.memref_slice %arg8[%dma_start3A_28, %dma_start3A_34, %dma_start3A_35] : memref<4x160x64xf32, #tpu.memory_space<vmem>> -> memref<1x160x64xf32, #tpu.memory_space<vmem>>
    %dma_start3A_37 = tpu.memref_squeeze %dma_start3A_36 : memref<1x160x64xf32, #tpu.memory_space<vmem>> -> memref<160x64xf32, #tpu.memory_space<vmem>>
    %dma_start3A_38 = tpu.memref_slice %arg2[%min3A_11, %mul3A_3] : memref<10000x128xf32, #tpu.memory_space<hbm>> -> memref<160x64xf32, #tpu.memory_space<hbm>>
    tpu.enqueue_dma source(%dma_start3A_38 : memref<160x64xf32, #tpu.memory_space<hbm>>) target(%dma_start3A_37 : memref<160x64xf32, #tpu.memory_space<vmem>>) target_semaphore(%arg13 : memref<!tpu.dma_semaphore, #tpu.memory_space<semaphore_mem>>)
    %add3A_39 = arith.constant 160 : i32
    %add3A_40 = arith.addi %mul3A_7, %add3A_39 : i32
    %min3A_41 = arith.constant 9840 : i32
    %min3A_42 = arith.minsi %add3A_40, %min3A_41 : i32
    %add3A_43 = arith.constant 2 : i32
    %add3A_44 = arith.addi %mul3A_9, %add3A_43 : i32
    %min3A_45 = arith.constant 123 : i32
    %min3A_46 = arith.minsi %add3A_44, %min3A_45 : i32
    %dma_start3A_47 = arith.constant 1 : i32
    %dma_start3A_48 = arith.constant 0 : i32
    %dma_start3A_49 = arith.constant 0 : i32
    %dma_start3A_50 = tpu.memref_slice %arg9[%dma_start3A_47, %dma_start3A_48, %dma_start3A_49] : memref<4x2x80xi32, #tpu.memory_space<vmem>> -> memref<1x2x80xi32, #tpu.memory_space<vmem>>
    %dma_start3A_51 = tpu.memref_squeeze %dma_start3A_50 : memref<1x2x80xi32, #tpu.memory_space<vmem>> -> memref<2x80xi32, #tpu.memory_space<vmem>>
    %dma_start3A_52 = arith.constant 0 : i32
    %dma_start3A_53 = tpu.memref_slice %arg3[%min3A_46, %dma_start3A_52] : memref<125x80xi32, #tpu.memory_space<hbm>> -> memref<2x80xi32, #tpu.memory_space<hbm>>
    %dma_start3A_54 = arith.constant 0 : i32
    %dma_start3A_55 = arith.constant 0 : i32
    %dma_start3A_56 = tpu.memref_slice %arg9[%dma_start3A_47, %dma_start3A_54, %dma_start3A_55] : memref<4x2x80xi32, #tpu.memory_space<vmem>> -> memref<1x2x80xi32, #tpu.memory_space<vmem>>
    %dma_start3A_57 = tpu.memref_squeeze %dma_start3A_56 : memref<1x2x80xi32, #tpu.memory_space<vmem>> -> memref<2x80xi32, #tpu.memory_space<vmem>>
    %dma_start3A_58 = arith.constant 0 : i32
    %dma_start3A_59 = tpu.memref_slice %arg3[%min3A_46, %dma_start3A_58] : memref<125x80xi32, #tpu.memory_space<hbm>> -> memref<2x80xi32, #tpu.memory_space<hbm>>
    tpu.enqueue_dma source(%dma_start3A_59 : memref<2x80xi32, #tpu.memory_space<hbm>>) target(%dma_start3A_57 : memref<2x80xi32, #tpu.memory_space<vmem>>) target_semaphore(%arg12 : memref<!tpu.dma_semaphore, #tpu.memory_space<semaphore_mem>>)
    %dma_start3A_60 = arith.constant 1 : i32
    %dma_start3A_61 = arith.constant 0 : i32
    %dma_start3A_62 = arith.constant 0 : i32
    %dma_start3A_63 = tpu.memref_slice %arg8[%dma_start3A_60, %dma_start3A_61, %dma_start3A_62] : memref<4x160x64xf32, #tpu.memory_space<vmem>> -> memref<1x160x64xf32, #tpu.memory_space<vmem>>
    %dma_start3A_64 = tpu.memref_squeeze %dma_start3A_63 : memref<1x160x64xf32, #tpu.memory_space<vmem>> -> memref<160x64xf32, #tpu.memory_space<vmem>>
    %dma_start3A_65 = tpu.memref_slice %arg2[%min3A_42, %mul3A_3] : memref<10000x128xf32, #tpu.memory_space<hbm>> -> memref<160x64xf32, #tpu.memory_space<hbm>>
    %dma_start3A_66 = arith.constant 0 : i32
    %dma_start3A_67 = arith.constant 0 : i32
    %dma_start3A_68 = tpu.memref_slice %arg8[%dma_start3A_60, %dma_start3A_66, %dma_start3A_67] : memref<4x160x64xf32, #tpu.memory_space<vmem>> -> memref<1x160x64xf32, #tpu.memory_space<vmem>>
    %dma_start3A_69 = tpu.memref_squeeze %dma_start3A_68 : memref<1x160x64xf32, #tpu.memory_space<vmem>> -> memref<160x64xf32, #tpu.memory_space<vmem>>
    %dma_start3A_70 = tpu.memref_slice %arg2[%min3A_42, %mul3A_3] : memref<10000x128xf32, #tpu.memory_space<hbm>> -> memref<160x64xf32, #tpu.memory_space<hbm>>
    tpu.enqueue_dma source(%dma_start3A_70 : memref<160x64xf32, #tpu.memory_space<hbm>>) target(%dma_start3A_69 : memref<160x64xf32, #tpu.memory_space<vmem>>) target_semaphore(%arg13 : memref<!tpu.dma_semaphore, #tpu.memory_space<semaphore_mem>>)
    %add3A_71 = arith.constant 320 : i32
    %add3A_72 = arith.addi %mul3A_7, %add3A_71 : i32
    %min3A_73 = arith.constant 9840 : i32
    %min3A_74 = arith.minsi %add3A_72, %min3A_73 : i32
    %add3A_75 = arith.constant 4 : i32
    %add3A_76 = arith.addi %mul3A_9, %add3A_75 : i32
    %min3A_77 = arith.constant 123 : i32
    %min3A_78 = arith.minsi %add3A_76, %min3A_77 : i32
    %dma_start3A_79 = arith.constant 2 : i32
    %dma_start3A_80 = arith.constant 0 : i32
    %dma_start3A_81 = arith.constant 0 : i32
    %dma_start3A_82 = tpu.memref_slice %arg9[%dma_start3A_79, %dma_start3A_80, %dma_start3A_81] : memref<4x2x80xi32, #tpu.memory_space<vmem>> -> memref<1x2x80xi32, #tpu.memory_space<vmem>>
    %dma_start3A_83 = tpu.memref_squeeze %dma_start3A_82 : memref<1x2x80xi32, #tpu.memory_space<vmem>> -> memref<2x80xi32, #tpu.memory_space<vmem>>
    %dma_start3A_84 = arith.constant 0 : i32
    %dma_start3A_85 = tpu.memref_slice %arg3[%min3A_78, %dma_start3A_84] : memref<125x80xi32, #tpu.memory_space<hbm>> -> memref<2x80xi32, #tpu.memory_space<hbm>>
    %dma_start3A_86 = arith.constant 0 : i32
    %dma_start3A_87 = arith.constant 0 : i32
    %dma_start3A_88 = tpu.memref_slice %arg9[%dma_start3A_79, %dma_start3A_86, %dma_start3A_87] : memref<4x2x80xi32, #tpu.memory_space<vmem>> -> memref<1x2x80xi32, #tpu.memory_space<vmem>>
    %dma_start3A_89 = tpu.memref_squeeze %dma_start3A_88 : memref<1x2x80xi32, #tpu.memory_space<vmem>> -> memref<2x80xi32, #tpu.memory_space<vmem>>
    %dma_start3A_90 = arith.constant 0 : i32
    %dma_start3A_91 = tpu.memref_slice %arg3[%min3A_78, %dma_start3A_90] : memref<125x80xi32, #tpu.memory_space<hbm>> -> memref<2x80xi32, #tpu.memory_space<hbm>>
    tpu.enqueue_dma source(%dma_start3A_91 : memref<2x80xi32, #tpu.memory_space<hbm>>) target(%dma_start3A_89 : memref<2x80xi32, #tpu.memory_space<vmem>>) target_semaphore(%arg12 : memref<!tpu.dma_semaphore, #tpu.memory_space<semaphore_mem>>)
    %dma_start3A_92 = arith.constant 2 : i32
    %dma_start3A_93 = arith.constant 0 : i32
    %dma_start3A_94 = arith.constant 0 : i32
    %dma_start3A_95 = tpu.memref_slice %arg8[%dma_start3A_92, %dma_start3A_93, %dma_start3A_94] : memref<4x160x64xf32, #tpu.memory_space<vmem>> -> memref<1x160x64xf32, #tpu.memory_space<vmem>>
    %dma_start3A_96 = tpu.memref_squeeze %dma_start3A_95 : memref<1x160x64xf32, #tpu.memory_space<vmem>> -> memref<160x64xf32, #tpu.memory_space<vmem>>
    %dma_start3A_97 = tpu.memref_slice %arg2[%min3A_74, %mul3A_3] : memref<10000x128xf32, #tpu.memory_space<hbm>> -> memref<160x64xf32, #tpu.memory_space<hbm>>
    %dma_start3A_98 = arith.constant 0 : i32
    %dma_start3A_99 = arith.constant 0 : i32
    %dma_start3A_100 = tpu.memref_slice %arg8[%dma_start3A_92, %dma_start3A_98, %dma_start3A_99] : memref<4x160x64xf32, #tpu.memory_space<vmem>> -> memref<1x160x64xf32, #tpu.memory_space<vmem>>
    %dma_start3A_101 = tpu.memref_squeeze %dma_start3A_100 : memref<1x160x64xf32, #tpu.memory_space<vmem>> -> memref<160x64xf32, #tpu.memory_space<vmem>>
    %dma_start3A_102 = tpu.memref_slice %arg2[%min3A_74, %mul3A_3] : memref<10000x128xf32, #tpu.memory_space<hbm>> -> memref<160x64xf32, #tpu.memory_space<hbm>>
    tpu.enqueue_dma source(%dma_start3A_102 : memref<160x64xf32, #tpu.memory_space<hbm>>) target(%dma_start3A_101 : memref<160x64xf32, #tpu.memory_space<vmem>>) target_semaphore(%arg13 : memref<!tpu.dma_semaphore, #tpu.memory_space<semaphore_mem>>)
    %add3A_103 = arith.constant 480 : i32
    %add3A_104 = arith.addi %mul3A_7, %add3A_103 : i32
    %min3A_105 = arith.constant 9840 : i32
    %min3A_106 = arith.minsi %add3A_104, %min3A_105 : i32
    %add3A_107 = arith.constant 6 : i32
    %add3A_108 = arith.addi %mul3A_9, %add3A_107 : i32
    %min3A_109 = arith.constant 123 : i32
    %min3A_110 = arith.minsi %add3A_108, %min3A_109 : i32
    %dma_start3A_111 = arith.constant 3 : i32
    %dma_start3A_112 = arith.constant 0 : i32
    %dma_start3A_113 = arith.constant 0 : i32
    %dma_start3A_114 = tpu.memref_slice %arg9[%dma_start3A_111, %dma_start3A_112, %dma_start3A_113] : memref<4x2x80xi32, #tpu.memory_space<vmem>> -> memref<1x2x80xi32, #tpu.memory_space<vmem>>
    %dma_start3A_115 = tpu.memref_squeeze %dma_start3A_114 : memref<1x2x80xi32, #tpu.memory_space<vmem>> -> memref<2x80xi32, #tpu.memory_space<vmem>>
    %dma_start3A_116 = arith.constant 0 : i32
    %dma_start3A_117 = tpu.memref_slice %arg3[%min3A_110, %dma_start3A_116] : memref<125x80xi32, #tpu.memory_space<hbm>> -> memref<2x80xi32, #tpu.memory_space<hbm>>
    %dma_start3A_118 = arith.constant 0 : i32
    %dma_start3A_119 = arith.constant 0 : i32
    %dma_start3A_120 = tpu.memref_slice %arg9[%dma_start3A_111, %dma_start3A_118, %dma_start3A_119] : memref<4x2x80xi32, #tpu.memory_space<vmem>> -> memref<1x2x80xi32, #tpu.memory_space<vmem>>
    %dma_start3A_121 = tpu.memref_squeeze %dma_start3A_120 : memref<1x2x80xi32, #tpu.memory_space<vmem>> -> memref<2x80xi32, #tpu.memory_space<vmem>>
    %dma_start3A_122 = arith.constant 0 : i32
    %dma_start3A_123 = tpu.memref_slice %arg3[%min3A_110, %dma_start3A_122] : memref<125x80xi32, #tpu.memory_space<hbm>> -> memref<2x80xi32, #tpu.memory_space<hbm>>
    tpu.enqueue_dma source(%dma_start3A_123 : memref<2x80xi32, #tpu.memory_space<hbm>>) target(%dma_start3A_121 : memref<2x80xi32, #tpu.memory_space<vmem>>) target_semaphore(%arg12 : memref<!tpu.dma_semaphore, #tpu.memory_space<semaphore_mem>>)
    %dma_start3A_124 = arith.constant 3 : i32
    %dma_start3A_125 = arith.constant 0 : i32
    %dma_start3A_126 = arith.constant 0 : i32
    %dma_start3A_127 = tpu.memref_slice %arg8[%dma_start3A_124, %dma_start3A_125, %dma_start3A_126] : memref<4x160x64xf32, #tpu.memory_space<vmem>> -> memref<1x160x64xf32, #tpu.memory_space<vmem>>
    %dma_start3A_128 = tpu.memref_squeeze %dma_start3A_127 : memref<1x160x64xf32, #tpu.memory_space<vmem>> -> memref<160x64xf32, #tpu.memory_space<vmem>>
    %dma_start3A_129 = tpu.memref_slice %arg2[%min3A_106, %mul3A_3] : memref<10000x128xf32, #tpu.memory_space<hbm>> -> memref<160x64xf32, #tpu.memory_space<hbm>>
    %dma_start3A_130 = arith.constant 0 : i32
    %dma_start3A_131 = arith.constant 0 : i32
    %dma_start3A_132 = tpu.memref_slice %arg8[%dma_start3A_124, %dma_start3A_130, %dma_start3A_131] : memref<4x160x64xf32, #tpu.memory_space<vmem>> -> memref<1x160x64xf32, #tpu.memory_space<vmem>>
    %dma_start3A_133 = tpu.memref_squeeze %dma_start3A_132 : memref<1x160x64xf32, #tpu.memory_space<vmem>> -> memref<160x64xf32, #tpu.memory_space<vmem>>
    %dma_start3A_134 = tpu.memref_slice %arg2[%min3A_106, %mul3A_3] : memref<10000x128xf32, #tpu.memory_space<hbm>> -> memref<160x64xf32, #tpu.memory_space<hbm>>
    tpu.enqueue_dma source(%dma_start3A_134 : memref<160x64xf32, #tpu.memory_space<hbm>>) target(%dma_start3A_133 : memref<160x64xf32, #tpu.memory_space<vmem>>) target_semaphore(%arg13 : memref<!tpu.dma_semaphore, #tpu.memory_space<semaphore_mem>>)
    %swap3A = arith.constant 0 : i32
    %swap3A_135 = arith.index_cast %swap3A : i32 to index
    %swap3A_136 = arith.constant 0 : index
    %swap3A_137 = tpu.vector_load %arg10[%swap3A_135, %swap3A_136] {strides = array<i32>} : memref<80x16xf32, #tpu.memory_space<vmem>>, vector<1x16xf32>,
    %swap3A_138 = vector.shape_cast %swap3A_137 : vector<1x16xf32> to vector<16xf32>
    %swap3A_139 = vector.shape_cast %broadcast_in_dim3A_2 : vector<16xf32> to vector<1x16xf32>
    tpu.vector_store %arg10[%swap3A_135, %swap3A_136], %swap3A_139 {strides = array<i32>} : memref<80x16xf32, #tpu.memory_space<vmem>>, vector<1x16xf32>,
    %swap3A_140 = arith.constant 1 : i32
    %swap3A_141 = arith.index_cast %swap3A_140 : i32 to index
    %swap3A_142 = arith.constant 0 : index
    %swap3A_143 = tpu.vector_load %arg10[%swap3A_141, %swap3A_142] {strides = array<i32>} : memref<80x16xf32, #tpu.memory_space<vmem>>, vector<1x16xf32>,
    %swap3A_144 = vector.shape_cast %swap3A_143 : vector<1x16xf32> to vector<16xf32>
    %swap3A_145 = vector.shape_cast %broadcast_in_dim3A_2 : vector<16xf32> to vector<1x16xf32>
    tpu.vector_store %arg10[%swap3A_141, %swap3A_142], %swap3A_145 {strides = array<i32>} : memref<80x16xf32, #tpu.memory_space<vmem>>, vector<1x16xf32>,
    %swap3A_146 = arith.constant 2 : i32
    %swap3A_147 = arith.index_cast %swap3A_146 : i32 to index
    %swap3A_148 = arith.constant 0 : index
    %swap3A_149 = tpu.vector_load %arg10[%swap3A_147, %swap3A_148] {strides = array<i32>} : memref<80x16xf32, #tpu.memory_space<vmem>>, vector<1x16xf32>,
    %swap3A_150 = vector.shape_cast %swap3A_149 : vector<1x16xf32> to vector<16xf32>
    %swap3A_151 = vector.shape_cast %broadcast_in_dim3A_2 : vector<16xf32> to vector<1x16xf32>
    tpu.vector_store %arg10[%swap3A_147, %swap3A_148], %swap3A_151 {strides = array<i32>} : memref<80x16xf32, #tpu.memory_space<vmem>>, vector<1x16xf32>,
    %swap3A_152 = arith.constant 3 : i32
    %swap3A_153 = arith.index_cast %swap3A_152 : i32 to index
    %swap3A_154 = arith.constant 0 : index
    %swap3A_155 = tpu.vector_load %arg10[%swap3A_153, %swap3A_154] {strides = array<i32>} : memref<80x16xf32, #tpu.memory_space<vmem>>, vector<1x16xf32>,
    %swap3A_156 = vector.shape_cast %swap3A_155 : vector<1x16xf32> to vector<16xf32>
    %swap3A_157 = vector.shape_cast %broadcast_in_dim3A_2 : vector<16xf32> to vector<1x16xf32>
    tpu.vector_store %arg10[%swap3A_153, %swap3A_154], %swap3A_157 {strides = array<i32>} : memref<80x16xf32, #tpu.memory_space<vmem>>, vector<1x16xf32>,
    %swap3A_158 = arith.constant 4 : i32
    %swap3A_159 = arith.index_cast %swap3A_158 : i32 to index
    %swap3A_160 = arith.constant 0 : index
    %swap3A_161 = tpu.vector_load %arg10[%swap3A_159, %swap3A_160] {strides = array<i32>} : memref<80x16xf32, #tpu.memory_space<vmem>>, vector<1x16xf32>,
    %swap3A_162 = vector.shape_cast %swap3A_161 : vector<1x16xf32> to vector<16xf32>
    %swap3A_163 = vector.shape_cast %broadcast_in_dim3A_2 : vector<16xf32> to vector<1x16xf32>
    tpu.vector_store %arg10[%swap3A_159, %swap3A_160], %swap3A_163 {strides = array<i32>} : memref<80x16xf32, #tpu.memory_space<vmem>>, vector<1x16xf32>,
    %swap3A_164 = arith.constant 5 : i32
    %swap3A_165 = arith.index_cast %swap3A_164 : i32 to index
    %swap3A_166 = arith.constant 0 : index
    %swap3A_167 = tpu.vector_load %arg10[%swap3A_165, %swap3A_166] {strides = array<i32>} : memref<80x16xf32, #tpu.memory_space<vmem>>, vector<1x16xf32>,
    %swap3A_168 = vector.shape_cast %swap3A_167 : vector<1x16xf32> to vector<16xf32>
    %swap3A_169 = vector.shape_cast %broadcast_in_dim3A_2 : vector<16xf32> to vector<1x16xf32>
    tpu.vector_store %arg10[%swap3A_165, %swap3A_166], %swap3A_169 {strides = array<i32>} : memref<80x16xf32, #tpu.memory_space<vmem>>, vector<1x16xf32>,
    %swap3A_170 = arith.constant 6 : i32
    %swap3A_171 = arith.index_cast %swap3A_170 : i32 to index
    %swap3A_172 = arith.constant 0 : index
    %swap3A_173 = tpu.vector_load %arg10[%swap3A_171, %swap3A_172] {strides = array<i32>} : memref<80x16xf32, #tpu.memory_space<vmem>>, vector<1x16xf32>,
    %swap3A_174 = vector.shape_cast %swap3A_173 : vector<1x16xf32> to vector<16xf32>
    %swap3A_175 = vector.shape_cast %broadcast_in_dim3A_2 : vector<16xf32> to vector<1x16xf32>
    tpu.vector_store %arg10[%swap3A_171, %swap3A_172], %swap3A_175 {strides = array<i32>} : memref<80x16xf32, #tpu.memory_space<vmem>>, vector<1x16xf32>,
    %swap3A_176 = arith.constant 7 : i32
    %swap3A_177 = arith.index_cast %swap3A_176 : i32 to index
    %swap3A_178 = arith.constant 0 : index
    %swap3A_179 = tpu.vector_load %arg10[%swap3A_177, %swap3A_178] {strides = array<i32>} : memref<80x16xf32, #tpu.memory_space<vmem>>, vector<1x16xf32>,
    %swap3A_180 = vector.shape_cast %swap3A_179 : vector<1x16xf32> to vector<16xf32>
    %swap3A_181 = vector.shape_cast %broadcast_in_dim3A_2 : vector<16xf32> to vector<1x16xf32>
    tpu.vector_store %arg10[%swap3A_177, %swap3A_178], %swap3A_181 {strides = array<i32>} : memref<80x16xf32, #tpu.memory_space<vmem>>, vector<1x16xf32>,
    %swap3A_182 = arith.constant 8 : i32
    %swap3A_183 = arith.index_cast %swap3A_182 : i32 to index
    %swap3A_184 = arith.constant 0 : index
    %swap3A_185 = tpu.vector_load %arg10[%swap3A_183, %swap3A_184] {strides = array<i32>} : memref<80x16xf32, #tpu.memory_space<vmem>>, vector<1x16xf32>,
    %swap3A_186 = vector.shape_cast %swap3A_185 : vector<1x16xf32> to vector<16xf32>
    %swap3A_187 = vector.shape_cast %broadcast_in_dim3A_2 : vector<16xf32> to vector<1x16xf32>
    tpu.vector_store %arg10[%swap3A_183, %swap3A_184], %swap3A_187 {strides = array<i32>} : memref<80x16xf32, #tpu.memory_space<vmem>>, vector<1x16xf32>,
    %swap3A_188 = arith.constant 9 : i32
    %swap3A_189 = arith.index_cast %swap3A_188 : i32 to index
    %swap3A_190 = arith.constant 0 : index
    %swap3A_191 = tpu.vector_load %arg10[%swap3A_189, %swap3A_190] {strides = array<i32>} : memref<80x16xf32, #tpu.memory_space<vmem>>, vector<1x16xf32>,
    %swap3A_192 = vector.shape_cast %swap3A_191 : vector<1x16xf32> to vector<16xf32>
    %swap3A_193 = vector.shape_cast %broadcast_in_dim3A_2 : vector<16xf32> to vector<1x16xf32>
    tpu.vector_store %arg10[%swap3A_189, %swap3A_190], %swap3A_193 {strides = array<i32>} : memref<80x16xf32, #tpu.memory_space<vmem>>, vector<1x16xf32>,
    %swap3A_194 = arith.constant 10 : i32
    %swap3A_195 = arith.index_cast %swap3A_194 : i32 to index
    %swap3A_196 = arith.constant 0 : index
    %swap3A_197 = tpu.vector_load %arg10[%swap3A_195, %swap3A_196] {strides = array<i32>} : memref<80x16xf32, #tpu.memory_space<vmem>>, vector<1x16xf32>,
    %swap3A_198 = vector.shape_cast %swap3A_197 : vector<1x16xf32> to vector<16xf32>
    %swap3A_199 = vector.shape_cast %broadcast_in_dim3A_2 : vector<16xf32> to vector<1x16xf32>
    tpu.vector_store %arg10[%swap3A_195, %swap3A_196], %swap3A_199 {strides = array<i32>} : memref<80x16xf32, #tpu.memory_space<vmem>>, vector<1x16xf32>,
    %swap3A_200 = arith.constant 11 : i32
    %swap3A_201 = arith.index_cast %swap3A_200 : i32 to index
    %swap3A_202 = arith.constant 0 : index
    %swap3A_203 = tpu.vector_load %arg10[%swap3A_201, %swap3A_202] {strides = array<i32>} : memref<80x16xf32, #tpu.memory_space<vmem>>, vector<1x16xf32>,
    %swap3A_204 = vector.shape_cast %swap3A_203 : vector<1x16xf32> to vector<16xf32>
    %swap3A_205 = vector.shape_cast %broadcast_in_dim3A_2 : vector<16xf32> to vector<1x16xf32>
    tpu.vector_store %arg10[%swap3A_201, %swap3A_202], %swap3A_205 {strides = array<i32>} : memref<80x16xf32, #tpu.memory_space<vmem>>, vector<1x16xf32>,
    %swap3A_206 = arith.constant 12 : i32
    %swap3A_207 = arith.index_cast %swap3A_206 : i32 to index
    %swap3A_208 = arith.constant 0 : index
    %swap3A_209 = tpu.vector_load %arg10[%swap3A_207, %swap3A_208] {strides = array<i32>} : memref<80x16xf32, #tpu.memory_space<vmem>>, vector<1x16xf32>,
    %swap3A_210 = vector.shape_cast %swap3A_209 : vector<1x16xf32> to vector<16xf32>
    %swap3A_211 = vector.shape_cast %broadcast_in_dim3A_2 : vector<16xf32> to vector<1x16xf32>
    tpu.vector_store %arg10[%swap3A_207, %swap3A_208], %swap3A_211 {strides = array<i32>} : memref<80x16xf32, #tpu.memory_space<vmem>>, vector<1x16xf32>,
    %swap3A_212 = arith.constant 13 : i32
    %swap3A_213 = arith.index_cast %swap3A_212 : i32 to index
    %swap3A_214 = arith.constant 0 : index
    %swap3A_215 = tpu.vector_load %arg10[%swap3A_213, %swap3A_214] {strides = array<i32>} : memref<80x16xf32, #tpu.memory_space<vmem>>, vector<1x16xf32>,
    %swap3A_216 = vector.shape_cast %swap3A_215 : vector<1x16xf32> to vector<16xf32>
    %swap3A_217 = vector.shape_cast %broadcast_in_dim3A_2 : vector<16xf32> to vector<1x16xf32>
    tpu.vector_store %arg10[%swap3A_213, %swap3A_214], %swap3A_217 {strides = array<i32>} : memref<80x16xf32, #tpu.memory_space<vmem>>, vector<1x16xf32>,
    %swap3A_218 = arith.constant 14 : i32
    %swap3A_219 = arith.index_cast %swap3A_218 : i32 to index
    %swap3A_220 = arith.constant 0 : index
    %swap3A_221 = tpu.vector_load %arg10[%swap3A_219, %swap3A_220] {strides = array<i32>} : memref<80x16xf32, #tpu.memory_space<vmem>>, vector<1x16xf32>,
    %swap3A_222 = vector.shape_cast %swap3A_221 : vector<1x16xf32> to vector<16xf32>
    %swap3A_223 = vector.shape_cast %broadcast_in_dim3A_2 : vector<16xf32> to vector<1x16xf32>
    tpu.vector_store %arg10[%swap3A_219, %swap3A_220], %swap3A_223 {strides = array<i32>} : memref<80x16xf32, #tpu.memory_space<vmem>>, vector<1x16xf32>,
    %swap3A_224 = arith.constant 15 : i32
    %swap3A_225 = arith.index_cast %swap3A_224 : i32 to index
    %swap3A_226 = arith.constant 0 : index
    %swap3A_227 = tpu.vector_load %arg10[%swap3A_225, %swap3A_226] {strides = array<i32>} : memref<80x16xf32, #tpu.memory_space<vmem>>, vector<1x16xf32>,
    %swap3A_228 = vector.shape_cast %swap3A_227 : vector<1x16xf32> to vector<16xf32>
    %swap3A_229 = vector.shape_cast %broadcast_in_dim3A_2 : vector<16xf32> to vector<1x16xf32>
    tpu.vector_store %arg10[%swap3A_225, %swap3A_226], %swap3A_229 {strides = array<i32>} : memref<80x16xf32, #tpu.memory_space<vmem>>, vector<1x16xf32>,
    %swap3A_230 = arith.constant 16 : i32
    %swap3A_231 = arith.index_cast %swap3A_230 : i32 to index
    %swap3A_232 = arith.constant 0 : index
    %swap3A_233 = tpu.vector_load %arg10[%swap3A_231, %swap3A_232] {strides = array<i32>} : memref<80x16xf32, #tpu.memory_space<vmem>>, vector<1x16xf32>,
    %swap3A_234 = vector.shape_cast %swap3A_233 : vector<1x16xf32> to vector<16xf32>
    %swap3A_235 = vector.shape_cast %broadcast_in_dim3A_2 : vector<16xf32> to vector<1x16xf32>
    tpu.vector_store %arg10[%swap3A_231, %swap3A_232], %swap3A_235 {strides = array<i32>} : memref<80x16xf32, #tpu.memory_space<vmem>>, vector<1x16xf32>,
    %swap3A_236 = arith.constant 17 : i32
    %swap3A_237 = arith.index_cast %swap3A_236 : i32 to index
    %swap3A_238 = arith.constant 0 : index
    %swap3A_239 = tpu.vector_load %arg10[%swap3A_237, %swap3A_238] {strides = array<i32>} : memref<80x16xf32, #tpu.memory_space<vmem>>, vector<1x16xf32>,
    %swap3A_240 = vector.shape_cast %swap3A_239 : vector<1x16xf32> to vector<16xf32>
    %swap3A_241 = vector.shape_cast %broadcast_in_dim3A_2 : vector<16xf32> to vector<1x16xf32>
    tpu.vector_store %arg10[%swap3A_237, %swap3A_238], %swap3A_241 {strides = array<i32>} : memref<80x16xf32, #tpu.memory_space<vmem>>, vector<1x16xf32>,
    %swap3A_242 = arith.constant 18 : i32
    %swap3A_243 = arith.index_cast %swap3A_242 : i32 to index
    %swap3A_244 = arith.constant 0 : index
    %swap3A_245 = tpu.vector_load %arg10[%swap3A_243, %swap3A_244] {strides = array<i32>} : memref<80x16xf32, #tpu.memory_space<vmem>>, vector<1x16xf32>,
    %swap3A_246 = vector.shape_cast %swap3A_245 : vector<1x16xf32> to vector<16xf32>
    %swap3A_247 = vector.shape_cast %broadcast_in_dim3A_2 : vector<16xf32> to vector<1x16xf32>
    tpu.vector_store %arg10[%swap3A_243, %swap3A_244], %swap3A_247 {strides = array<i32>} : memref<80x16xf32, #tpu.memory_space<vmem>>, vector<1x16xf32>,
    %swap3A_248 = arith.constant 19 : i32
    %swap3A_249 = arith.index_cast %swap3A_248 : i32 to index
    %swap3A_250 = arith.constant 0 : index
    %swap3A_251 = tpu.vector_load %arg10[%swap3A_249, %swap3A_250] {strides = array<i32>} : memref<80x16xf32, #tpu.memory_space<vmem>>, vector<1x16xf32>,
    %swap3A_252 = vector.shape_cast %swap3A_251 : vector<1x16xf32> to vector<16xf32>
    %swap3A_253 = vector.shape_cast %broadcast_in_dim3A_2 : vector<16xf32> to vector<1x16xf32>
    tpu.vector_store %arg10[%swap3A_249, %swap3A_250], %swap3A_253 {strides = array<i32>} : memref<80x16xf32, #tpu.memory_space<vmem>>, vector<1x16xf32>,
    %swap3A_254 = arith.constant 20 : i32
    %swap3A_255 = arith.index_cast %swap3A_254 : i32 to index
    %swap3A_256 = arith.constant 0 : index
    %swap3A_257 = tpu.vector_load %arg10[%swap3A_255, %swap3A_256] {strides = array<i32>} : memref<80x16xf32, #tpu.memory_space<vmem>>, vector<1x16xf32>,
    %swap3A_258 = vector.shape_cast %swap3A_257 : vector<1x16xf32> to vector<16xf32>
    %swap3A_259 = vector.shape_cast %broadcast_in_dim3A_2 : vector<16xf32> to vector<1x16xf32>
    tpu.vector_store %arg10[%swap3A_255, %swap3A_256], %swap3A_259 {strides = array<i32>} : memref<80x16xf32, #tpu.memory_space<vmem>>, vector<1x16xf32>,
    %swap3A_260 = arith.constant 21 : i32
    %swap3A_261 = arith.index_cast %swap3A_260 : i32 to index
    %swap3A_262 = arith.constant 0 : index
    %swap3A_263 = tpu.vector_load %arg10[%swap3A_261, %swap3A_262] {strides = array<i32>} : memref<80x16xf32, #tpu.memory_space<vmem>>, vector<1x16xf32>,
    %swap3A_264 = vector.shape_cast %swap3A_263 : vector<1x16xf32> to vector<16xf32>
    %swap3A_265 = vector.shape_cast %broadcast_in_dim3A_2 : vector<16xf32> to vector<1x16xf32>
    tpu.vector_store %arg10[%swap3A_261, %swap3A_262], %swap3A_265 {strides = array<i32>} : memref<80x16xf32, #tpu.memory_space<vmem>>, vector<1x16xf32>,
    %swap3A_266 = arith.constant 22 : i32
    %swap3A_267 = arith.index_cast %swap3A_266 : i32 to index
    %swap3A_268 = arith.constant 0 : index
    %swap3A_269 = tpu.vector_load %arg10[%swap3A_267, %swap3A_268] {strides = array<i32>} : memref<80x16xf32, #tpu.memory_space<vmem>>, vector<1x16xf32>,
    %swap3A_270 = vector.shape_cast %swap3A_269 : vector<1x16xf32> to vector<16xf32>
    %swap3A_271 = vector.shape_cast %broadcast_in_dim3A_2 : vector<16xf32> to vector<1x16xf32>
    tpu.vector_store %arg10[%swap3A_267, %swap3A_268], %swap3A_271 {strides = array<i32>} : memref<80x16xf32, #tpu.memory_space<vmem>>, vector<1x16xf32>,
    %swap3A_272 = arith.constant 23 : i32
    %swap3A_273 = arith.index_cast %swap3A_272 : i32 to index
    %swap3A_274 = arith.constant 0 : index
    %swap3A_275 = tpu.vector_load %arg10[%swap3A_273, %swap3A_274] {strides = array<i32>} : memref<80x16xf32, #tpu.memory_space<vmem>>, vector<1x16xf32>,
    %swap3A_276 = vector.shape_cast %swap3A_275 : vector<1x16xf32> to vector<16xf32>
    %swap3A_277 = vector.shape_cast %broadcast_in_dim3A_2 : vector<16xf32> to vector<1x16xf32>
    tpu.vector_store %arg10[%swap3A_273, %swap3A_274], %swap3A_277 {strides = array<i32>} : memref<80x16xf32, #tpu.memory_space<vmem>>, vector<1x16xf32>,
    %swap3A_278 = arith.constant 24 : i32
    %swap3A_279 = arith.index_cast %swap3A_278 : i32 to index
    %swap3A_280 = arith.constant 0 : index
    %swap3A_281 = tpu.vector_load %arg10[%swap3A_279, %swap3A_280] {strides = array<i32>} : memref<80x16xf32, #tpu.memory_space<vmem>>, vector<1x16xf32>,
    %swap3A_282 = vector.shape_cast %swap3A_281 : vector<1x16xf32> to vector<16xf32>
    %swap3A_283 = vector.shape_cast %broadcast_in_dim3A_2 : vector<16xf32> to vector<1x16xf32>
    tpu.vector_store %arg10[%swap3A_279, %swap3A_280], %swap3A_283 {strides = array<i32>} : memref<80x16xf32, #tpu.memory_space<vmem>>, vector<1x16xf32>,
    %swap3A_284 = arith.constant 25 : i32
    %swap3A_285 = arith.index_cast %swap3A_284 : i32 to index
    %swap3A_286 = arith.constant 0 : index
    %swap3A_287 = tpu.vector_load %arg10[%swap3A_285, %swap3A_286] {strides = array<i32>} : memref<80x16xf32, #tpu.memory_space<vmem>>, vector<1x16xf32>,
    %swap3A_288 = vector.shape_cast %swap3A_287 : vector<1x16xf32> to vector<16xf32>
    %swap3A_289 = vector.shape_cast %broadcast_in_dim3A_2 : vector<16xf32> to vector<1x16xf32>
    tpu.vector_store %arg10[%swap3A_285, %swap3A_286], %swap3A_289 {strides = array<i32>} : memref<80x16xf32, #tpu.memory_space<vmem>>, vector<1x16xf32>,
    %swap3A_290 = arith.constant 26 : i32
    %swap3A_291 = arith.index_cast %swap3A_290 : i32 to index
    %swap3A_292 = arith.constant 0 : index
    %swap3A_293 = tpu.vector_load %arg10[%swap3A_291, %swap3A_292] {strides = array<i32>} : memref<80x16xf32, #tpu.memory_space<vmem>>, vector<1x16xf32>,
    %swap3A_294 = vector.shape_cast %swap3A_293 : vector<1x16xf32> to vector<16xf32>
    %swap3A_295 = vector.shape_cast %broadcast_in_dim3A_2 : vector<16xf32> to vector<1x16xf32>
    tpu.vector_store %arg10[%swap3A_291, %swap3A_292], %swap3A_295 {strides = array<i32>} : memref<80x16xf32, #tpu.memory_space<vmem>>, vector<1x16xf32>,
    %swap3A_296 = arith.constant 27 : i32
    %swap3A_297 = arith.index_cast %swap3A_296 : i32 to index
    %swap3A_298 = arith.constant 0 : index
    %swap3A_299 = tpu.vector_load %arg10[%swap3A_297, %swap3A_298] {strides = array<i32>} : memref<80x16xf32, #tpu.memory_space<vmem>>, vector<1x16xf32>,
    %swap3A_300 = vector.shape_cast %swap3A_299 : vector<1x16xf32> to vector<16xf32>
    %swap3A_301 = vector.shape_cast %broadcast_in_dim3A_2 : vector<16xf32> to vector<1x16xf32>
    tpu.vector_store %arg10[%swap3A_297, %swap3A_298], %swap3A_301 {strides = array<i32>} : memref<80x16xf32, #tpu.memory_space<vmem>>, vector<1x16xf32>,
    %swap3A_302 = arith.constant 28 : i32
    %swap3A_303 = arith.index_cast %swap3A_302 : i32 to index
    %swap3A_304 = arith.constant 0 : index
    %swap3A_305 = tpu.vector_load %arg10[%swap3A_303, %swap3A_304] {strides = array<i32>} : memref<80x16xf32, #tpu.memory_space<vmem>>, vector<1x16xf32>,
    %swap3A_306 = vector.shape_cast %swap3A_305 : vector<1x16xf32> to vector<16xf32>
    %swap3A_307 = vector.shape_cast %broadcast_in_dim3A_2 : vector<16xf32> to vector<1x16xf32>
    tpu.vector_store %arg10[%swap3A_303, %swap3A_304], %swap3A_307 {strides = array<i32>} : memref<80x16xf32, #tpu.memory_space<vmem>>, vector<1x16xf32>,
    %swap3A_308 = arith.constant 29 : i32
    %swap3A_309 = arith.index_cast %swap3A_308 : i32 to index
    %swap3A_310 = arith.constant 0 : index
    %swap3A_311 = tpu.vector_load %arg10[%swap3A_309, %swap3A_310] {strides = array<i32>} : memref<80x16xf32, #tpu.memory_space<vmem>>, vector<1x16xf32>,
    %swap3A_312 = vector.shape_cast %swap3A_311 : vector<1x16xf32> to vector<16xf32>
    %swap3A_313 = vector.shape_cast %broadcast_in_dim3A_2 : vector<16xf32> to vector<1x16xf32>
    tpu.vector_store %arg10[%swap3A_309, %swap3A_310], %swap3A_313 {strides = array<i32>} : memref<80x16xf32, #tpu.memory_space<vmem>>, vector<1x16xf32>,
    %swap3A_314 = arith.constant 30 : i32
    %swap3A_315 = arith.index_cast %swap3A_314 : i32 to index
    %swap3A_316 = arith.constant 0 : index
    %swap3A_317 = tpu.vector_load %arg10[%swap3A_315, %swap3A_316] {strides = array<i32>} : memref<80x16xf32, #tpu.memory_space<vmem>>, vector<1x16xf32>,
    %swap3A_318 = vector.shape_cast %swap3A_317 : vector<1x16xf32> to vector<16xf32>
    %swap3A_319 = vector.shape_cast %broadcast_in_dim3A_2 : vector<16xf32> to vector<1x16xf32>
    tpu.vector_store %arg10[%swap3A_315, %swap3A_316], %swap3A_319 {strides = array<i32>} : memref<80x16xf32, #tpu.memory_space<vmem>>, vector<1x16xf32>,
    %swap3A_320 = arith.constant 31 : i32
    %swap3A_321 = arith.index_cast %swap3A_320 : i32 to index
    %swap3A_322 = arith.constant 0 : index
    %swap3A_323 = tpu.vector_load %arg10[%swap3A_321, %swap3A_322] {strides = array<i32>} : memref<80x16xf32, #tpu.memory_space<vmem>>, vector<1x16xf32>,
    %swap3A_324 = vector.shape_cast %swap3A_323 : vector<1x16xf32> to vector<16xf32>
    %swap3A_325 = vector.shape_cast %broadcast_in_dim3A_2 : vector<16xf32> to vector<1x16xf32>
    tpu.vector_store %arg10[%swap3A_321, %swap3A_322], %swap3A_325 {strides = array<i32>} : memref<80x16xf32, #tpu.memory_space<vmem>>, vector<1x16xf32>,
    %swap3A_326 = arith.constant 32 : i32
    %swap3A_327 = arith.index_cast %swap3A_326 : i32 to index
    %swap3A_328 = arith.constant 0 : index
    %swap3A_329 = tpu.vector_load %arg10[%swap3A_327, %swap3A_328] {strides = array<i32>} : memref<80x16xf32, #tpu.memory_space<vmem>>, vector<1x16xf32>,
    %swap3A_330 = vector.shape_cast %swap3A_329 : vector<1x16xf32> to vector<16xf32>
    %swap3A_331 = vector.shape_cast %broadcast_in_dim3A_2 : vector<16xf32> to vector<1x16xf32>
    tpu.vector_store %arg10[%swap3A_327, %swap3A_328], %swap3A_331 {strides = array<i32>} : memref<80x16xf32, #tpu.memory_space<vmem>>, vector<1x16xf32>,
    %swap3A_332 = arith.constant 33 : i32
    %swap3A_333 = arith.index_cast %swap3A_332 : i32 to index
    %swap3A_334 = arith.constant 0 : index
    %swap3A_335 = tpu.vector_load %arg10[%swap3A_333, %swap3A_334] {strides = array<i32>} : memref<80x16xf32, #tpu.memory_space<vmem>>, vector<1x16xf32>,
    %swap3A_336 = vector.shape_cast %swap3A_335 : vector<1x16xf32> to vector<16xf32>
    %swap3A_337 = vector.shape_cast %broadcast_in_dim3A_2 : vector<16xf32> to vector<1x16xf32>
    tpu.vector_store %arg10[%swap3A_333, %swap3A_334], %swap3A_337 {strides = array<i32>} : memref<80x16xf32, #tpu.memory_space<vmem>>, vector<1x16xf32>,
    %swap3A_338 = arith.constant 34 : i32
    %swap3A_339 = arith.index_cast %swap3A_338 : i32 to index
    %swap3A_340 = arith.constant 0 : index
    %swap3A_341 = tpu.vector_load %arg10[%swap3A_339, %swap3A_340] {strides = array<i32>} : memref<80x16xf32, #tpu.memory_space<vmem>>, vector<1x16xf32>,
    %swap3A_342 = vector.shape_cast %swap3A_341 : vector<1x16xf32> to vector<16xf32>
    %swap3A_343 = vector.shape_cast %broadcast_in_dim3A_2 : vector<16xf32> to vector<1x16xf32>
    tpu.vector_store %arg10[%swap3A_339, %swap3A_340], %swap3A_343 {strides = array<i32>} : memref<80x16xf32, #tpu.memory_space<vmem>>, vector<1x16xf32>,
    %swap3A_344 = arith.constant 35 : i32
    %swap3A_345 = arith.index_cast %swap3A_344 : i32 to index
    %swap3A_346 = arith.constant 0 : index
    %swap3A_347 = tpu.vector_load %arg10[%swap3A_345, %swap3A_346] {strides = array<i32>} : memref<80x16xf32, #tpu.memory_space<vmem>>, vector<1x16xf32>,
    %swap3A_348 = vector.shape_cast %swap3A_347 : vector<1x16xf32> to vector<16xf32>
    %swap3A_349 = vector.shape_cast %broadcast_in_dim3A_2 : vector<16xf32> to vector<1x16xf32>
    tpu.vector_store %arg10[%swap3A_345, %swap3A_346], %swap3A_349 {strides = array<i32>} : memref<80x16xf32, #tpu.memory_space<vmem>>, vector<1x16xf32>,
    %swap3A_350 = arith.constant 36 : i32
    %swap3A_351 = arith.index_cast %swap3A_350 : i32 to index
    %swap3A_352 = arith.constant 0 : index
    %swap3A_353 = tpu.vector_load %arg10[%swap3A_351, %swap3A_352] {strides = array<i32>} : memref<80x16xf32, #tpu.memory_space<vmem>>, vector<1x16xf32>,
    %swap3A_354 = vector.shape_cast %swap3A_353 : vector<1x16xf32> to vector<16xf32>
    %swap3A_355 = vector.shape_cast %broadcast_in_dim3A_2 : vector<16xf32> to vector<1x16xf32>
    tpu.vector_store %arg10[%swap3A_351, %swap3A_352], %swap3A_355 {strides = array<i32>} : memref<80x16xf32, #tpu.memory_space<vmem>>, vector<1x16xf32>,
    %swap3A_356 = arith.constant 37 : i32
    %swap3A_357 = arith.index_cast %swap3A_356 : i32 to index
    %swap3A_358 = arith.constant 0 : index
    %swap3A_359 = tpu.vector_load %arg10[%swap3A_357, %swap3A_358] {strides = array<i32>} : memref<80x16xf32, #tpu.memory_space<vmem>>, vector<1x16xf32>,
    %swap3A_360 = vector.shape_cast %swap3A_359 : vector<1x16xf32> to vector<16xf32>
    %swap3A_361 = vector.shape_cast %broadcast_in_dim3A_2 : vector<16xf32> to vector<1x16xf32>
    tpu.vector_store %arg10[%swap3A_357, %swap3A_358], %swap3A_361 {strides = array<i32>} : memref<80x16xf32, #tpu.memory_space<vmem>>, vector<1x16xf32>,
    %swap3A_362 = arith.constant 38 : i32
    %swap3A_363 = arith.index_cast %swap3A_362 : i32 to index
    %swap3A_364 = arith.constant 0 : index
    %swap3A_365 = tpu.vector_load %arg10[%swap3A_363, %swap3A_364] {strides = array<i32>} : memref<80x16xf32, #tpu.memory_space<vmem>>, vector<1x16xf32>,
    %swap3A_366 = vector.shape_cast %swap3A_365 : vector<1x16xf32> to vector<16xf32>
    %swap3A_367 = vector.shape_cast %broadcast_in_dim3A_2 : vector<16xf32> to vector<1x16xf32>
    tpu.vector_store %arg10[%swap3A_363, %swap3A_364], %swap3A_367 {strides = array<i32>} : memref<80x16xf32, #tpu.memory_space<vmem>>, vector<1x16xf32>,
    %swap3A_368 = arith.constant 39 : i32
    %swap3A_369 = arith.index_cast %swap3A_368 : i32 to index
    %swap3A_370 = arith.constant 0 : index
    %swap3A_371 = tpu.vector_load %arg10[%swap3A_369, %swap3A_370] {strides = array<i32>} : memref<80x16xf32, #tpu.memory_space<vmem>>, vector<1x16xf32>,
    %swap3A_372 = vector.shape_cast %swap3A_371 : vector<1x16xf32> to vector<16xf32>
    %swap3A_373 = vector.shape_cast %broadcast_in_dim3A_2 : vector<16xf32> to vector<1x16xf32>
    tpu.vector_store %arg10[%swap3A_369, %swap3A_370], %swap3A_373 {strides = array<i32>} : memref<80x16xf32, #tpu.memory_space<vmem>>, vector<1x16xf32>,
    %swap3A_374 = arith.constant 40 : i32
    %swap3A_375 = arith.index_cast %swap3A_374 : i32 to index
    %swap3A_376 = arith.constant 0 : index
    %swap3A_377 = tpu.vector_load %arg10[%swap3A_375, %swap3A_376] {strides = array<i32>} : memref<80x16xf32, #tpu.memory_space<vmem>>, vector<1x16xf32>,
    %swap3A_378 = vector.shape_cast %swap3A_377 : vector<1x16xf32> to vector<16xf32>
    %swap3A_379 = vector.shape_cast %broadcast_in_dim3A_2 : vector<16xf32> to vector<1x16xf32>
    tpu.vector_store %arg10[%swap3A_375, %swap3A_376], %swap3A_379 {strides = array<i32>} : memref<80x16xf32, #tpu.memory_space<vmem>>, vector<1x16xf32>,
    %swap3A_380 = arith.constant 41 : i32
    %swap3A_381 = arith.index_cast %swap3A_380 : i32 to index
    %swap3A_382 = arith.constant 0 : index
    %swap3A_383 = tpu.vector_load %arg10[%swap3A_381, %swap3A_382] {strides = array<i32>} : memref<80x16xf32, #tpu.memory_space<vmem>>, vector<1x16xf32>,
    %swap3A_384 = vector.shape_cast %swap3A_383 : vector<1x16xf32> to vector<16xf32>
    %swap3A_385 = vector.shape_cast %broadcast_in_dim3A_2 : vector<16xf32> to vector<1x16xf32>
    tpu.vector_store %arg10[%swap3A_381, %swap3A_382], %swap3A_385 {strides = array<i32>} : memref<80x16xf32, #tpu.memory_space<vmem>>, vector<1x16xf32>,
    %swap3A_386 = arith.constant 42 : i32
    %swap3A_387 = arith.index_cast %swap3A_386 : i32 to index
    %swap3A_388 = arith.constant 0 : index
    %swap3A_389 = tpu.vector_load %arg10[%swap3A_387, %swap3A_388] {strides = array<i32>} : memref<80x16xf32, #tpu.memory_space<vmem>>, vector<1x16xf32>,
    %swap3A_390 = vector.shape_cast %swap3A_389 : vector<1x16xf32> to vector<16xf32>
    %swap3A_391 = vector.shape_cast %broadcast_in_dim3A_2 : vector<16xf32> to vector<1x16xf32>
    tpu.vector_store %arg10[%swap3A_387, %swap3A_388], %swap3A_391 {strides = array<i32>} : memref<80x16xf32, #tpu.memory_space<vmem>>, vector<1x16xf32>,
    %swap3A_392 = arith.constant 43 : i32
    %swap3A_393 = arith.index_cast %swap3A_392 : i32 to index
    %swap3A_394 = arith.constant 0 : index
    %swap3A_395 = tpu.vector_load %arg10[%swap3A_393, %swap3A_394] {strides = array<i32>} : memref<80x16xf32, #tpu.memory_space<vmem>>, vector<1x16xf32>,
    %swap3A_396 = vector.shape_cast %swap3A_395 : vector<1x16xf32> to vector<16xf32>
    %swap3A_397 = vector.shape_cast %broadcast_in_dim3A_2 : vector<16xf32> to vector<1x16xf32>
    tpu.vector_store %arg10[%swap3A_393, %swap3A_394], %swap3A_397 {strides = array<i32>} : memref<80x16xf32, #tpu.memory_space<vmem>>, vector<1x16xf32>,
    %swap3A_398 = arith.constant 44 : i32
    %swap3A_399 = arith.index_cast %swap3A_398 : i32 to index
    %swap3A_400 = arith.constant 0 : index
    %swap3A_401 = tpu.vector_load %arg10[%swap3A_399, %swap3A_400] {strides = array<i32>} : memref<80x16xf32, #tpu.memory_space<vmem>>, vector<1x16xf32>,
    %swap3A_402 = vector.shape_cast %swap3A_401 : vector<1x16xf32> to vector<16xf32>
    %swap3A_403 = vector.shape_cast %broadcast_in_dim3A_2 : vector<16xf32> to vector<1x16xf32>
    tpu.vector_store %arg10[%swap3A_399, %swap3A_400], %swap3A_403 {strides = array<i32>} : memref<80x16xf32, #tpu.memory_space<vmem>>, vector<1x16xf32>,
    %swap3A_404 = arith.constant 45 : i32
    %swap3A_405 = arith.index_cast %swap3A_404 : i32 to index
    %swap3A_406 = arith.constant 0 : index
    %swap3A_407 = tpu.vector_load %arg10[%swap3A_405, %swap3A_406] {strides = array<i32>} : memref<80x16xf32, #tpu.memory_space<vmem>>, vector<1x16xf32>,
    %swap3A_408 = vector.shape_cast %swap3A_407 : vector<1x16xf32> to vector<16xf32>
    %swap3A_409 = vector.shape_cast %broadcast_in_dim3A_2 : vector<16xf32> to vector<1x16xf32>
    tpu.vector_store %arg10[%swap3A_405, %swap3A_406], %swap3A_409 {strides = array<i32>} : memref<80x16xf32, #tpu.memory_space<vmem>>, vector<1x16xf32>,
    %swap3A_410 = arith.constant 46 : i32
    %swap3A_411 = arith.index_cast %swap3A_410 : i32 to index
    %swap3A_412 = arith.constant 0 : index
    %swap3A_413 = tpu.vector_load %arg10[%swap3A_411, %swap3A_412] {strides = array<i32>} : memref<80x16xf32, #tpu.memory_space<vmem>>, vector<1x16xf32>,
    %swap3A_414 = vector.shape_cast %swap3A_413 : vector<1x16xf32> to vector<16xf32>
    %swap3A_415 = vector.shape_cast %broadcast_in_dim3A_2 : vector<16xf32> to vector<1x16xf32>
    tpu.vector_store %arg10[%swap3A_411, %swap3A_412], %swap3A_415 {strides = array<i32>} : memref<80x16xf32, #tpu.memory_space<vmem>>, vector<1x16xf32>,
    %swap3A_416 = arith.constant 47 : i32
    %swap3A_417 = arith.index_cast %swap3A_416 : i32 to index
    %swap3A_418 = arith.constant 0 : index
    %swap3A_419 = tpu.vector_load %arg10[%swap3A_417, %swap3A_418] {strides = array<i32>} : memref<80x16xf32, #tpu.memory_space<vmem>>, vector<1x16xf32>,
    %swap3A_420 = vector.shape_cast %swap3A_419 : vector<1x16xf32> to vector<16xf32>
    %swap3A_421 = vector.shape_cast %broadcast_in_dim3A_2 : vector<16xf32> to vector<1x16xf32>
    tpu.vector_store %arg10[%swap3A_417, %swap3A_418], %swap3A_421 {strides = array<i32>} : memref<80x16xf32, #tpu.memory_space<vmem>>, vector<1x16xf32>,
    %swap3A_422 = arith.constant 48 : i32
    %swap3A_423 = arith.index_cast %swap3A_422 : i32 to index
    %swap3A_424 = arith.constant 0 : index
    %swap3A_425 = tpu.vector_load %arg10[%swap3A_423, %swap3A_424] {strides = array<i32>} : memref<80x16xf32, #tpu.memory_space<vmem>>, vector<1x16xf32>,
    %swap3A_426 = vector.shape_cast %swap3A_425 : vector<1x16xf32> to vector<16xf32>
    %swap3A_427 = vector.shape_cast %broadcast_in_dim3A_2 : vector<16xf32> to vector<1x16xf32>
    tpu.vector_store %arg10[%swap3A_423, %swap3A_424], %swap3A_427 {strides = array<i32>} : memref<80x16xf32, #tpu.memory_space<vmem>>, vector<1x16xf32>,
    %swap3A_428 = arith.constant 49 : i32
    %swap3A_429 = arith.index_cast %swap3A_428 : i32 to index
    %swap3A_430 = arith.constant 0 : index
    %swap3A_431 = tpu.vector_load %arg10[%swap3A_429, %swap3A_430] {strides = array<i32>} : memref<80x16xf32, #tpu.memory_space<vmem>>, vector<1x16xf32>,
    %swap3A_432 = vector.shape_cast %swap3A_431 : vector<1x16xf32> to vector<16xf32>
    %swap3A_433 = vector.shape_cast %broadcast_in_dim3A_2 : vector<16xf32> to vector<1x16xf32>
    tpu.vector_store %arg10[%swap3A_429, %swap3A_430], %swap3A_433 {strides = array<i32>} : memref<80x16xf32, #tpu.memory_space<vmem>>, vector<1x16xf32>,
    %swap3A_434 = arith.constant 50 : i32
    %swap3A_435 = arith.index_cast %swap3A_434 : i32 to index
    %swap3A_436 = arith.constant 0 : index
    %swap3A_437 = tpu.vector_load %arg10[%swap3A_435, %swap3A_436] {strides = array<i32>} : memref<80x16xf32, #tpu.memory_space<vmem>>, vector<1x16xf32>,
    %swap3A_438 = vector.shape_cast %swap3A_437 : vector<1x16xf32> to vector<16xf32>
    %swap3A_439 = vector.shape_cast %broadcast_in_dim3A_2 : vector<16xf32> to vector<1x16xf32>
    tpu.vector_store %arg10[%swap3A_435, %swap3A_436], %swap3A_439 {strides = array<i32>} : memref<80x16xf32, #tpu.memory_space<vmem>>, vector<1x16xf32>,
    %swap3A_440 = arith.constant 51 : i32
    %swap3A_441 = arith.index_cast %swap3A_440 : i32 to index
    %swap3A_442 = arith.constant 0 : index
    %swap3A_443 = tpu.vector_load %arg10[%swap3A_441, %swap3A_442] {strides = array<i32>} : memref<80x16xf32, #tpu.memory_space<vmem>>, vector<1x16xf32>,
    %swap3A_444 = vector.shape_cast %swap3A_443 : vector<1x16xf32> to vector<16xf32>
    %swap3A_445 = vector.shape_cast %broadcast_in_dim3A_2 : vector<16xf32> to vector<1x16xf32>
    tpu.vector_store %arg10[%swap3A_441, %swap3A_442], %swap3A_445 {strides = array<i32>} : memref<80x16xf32, #tpu.memory_space<vmem>>, vector<1x16xf32>,
    %swap3A_446 = arith.constant 52 : i32
    %swap3A_447 = arith.index_cast %swap3A_446 : i32 to index
    %swap3A_448 = arith.constant 0 : index
    %swap3A_449 = tpu.vector_load %arg10[%swap3A_447, %swap3A_448] {strides = array<i32>} : memref<80x16xf32, #tpu.memory_space<vmem>>, vector<1x16xf32>,
    %swap3A_450 = vector.shape_cast %swap3A_449 : vector<1x16xf32> to vector<16xf32>
    %swap3A_451 = vector.shape_cast %broadcast_in_dim3A_2 : vector<16xf32> to vector<1x16xf32>
    tpu.vector_store %arg10[%swap3A_447, %swap3A_448], %swap3A_451 {strides = array<i32>} : memref<80x16xf32, #tpu.memory_space<vmem>>, vector<1x16xf32>,
    %swap3A_452 = arith.constant 53 : i32
    %swap3A_453 = arith.index_cast %swap3A_452 : i32 to index
    %swap3A_454 = arith.constant 0 : index
    %swap3A_455 = tpu.vector_load %arg10[%swap3A_453, %swap3A_454] {strides = array<i32>} : memref<80x16xf32, #tpu.memory_space<vmem>>, vector<1x16xf32>,
    %swap3A_456 = vector.shape_cast %swap3A_455 : vector<1x16xf32> to vector<16xf32>
    %swap3A_457 = vector.shape_cast %broadcast_in_dim3A_2 : vector<16xf32> to vector<1x16xf32>
    tpu.vector_store %arg10[%swap3A_453, %swap3A_454], %swap3A_457 {strides = array<i32>} : memref<80x16xf32, #tpu.memory_space<vmem>>, vector<1x16xf32>,
    %swap3A_458 = arith.constant 54 : i32
    %swap3A_459 = arith.index_cast %swap3A_458 : i32 to index
    %swap3A_460 = arith.constant 0 : index
    %swap3A_461 = tpu.vector_load %arg10[%swap3A_459, %swap3A_460] {strides = array<i32>} : memref<80x16xf32, #tpu.memory_space<vmem>>, vector<1x16xf32>,
    %swap3A_462 = vector.shape_cast %swap3A_461 : vector<1x16xf32> to vector<16xf32>
    %swap3A_463 = vector.shape_cast %broadcast_in_dim3A_2 : vector<16xf32> to vector<1x16xf32>
    tpu.vector_store %arg10[%swap3A_459, %swap3A_460], %swap3A_463 {strides = array<i32>} : memref<80x16xf32, #tpu.memory_space<vmem>>, vector<1x16xf32>,
    %swap3A_464 = arith.constant 55 : i32
    %swap3A_465 = arith.index_cast %swap3A_464 : i32 to index
    %swap3A_466 = arith.constant 0 : index
    %swap3A_467 = tpu.vector_load %arg10[%swap3A_465, %swap3A_466] {strides = array<i32>} : memref<80x16xf32, #tpu.memory_space<vmem>>, vector<1x16xf32>,
    %swap3A_468 = vector.shape_cast %swap3A_467 : vector<1x16xf32> to vector<16xf32>
    %swap3A_469 = vector.shape_cast %broadcast_in_dim3A_2 : vector<16xf32> to vector<1x16xf32>
    tpu.vector_store %arg10[%swap3A_465, %swap3A_466], %swap3A_469 {strides = array<i32>} : memref<80x16xf32, #tpu.memory_space<vmem>>, vector<1x16xf32>,
    %swap3A_470 = arith.constant 56 : i32
    %swap3A_471 = arith.index_cast %swap3A_470 : i32 to index
    %swap3A_472 = arith.constant 0 : index
    %swap3A_473 = tpu.vector_load %arg10[%swap3A_471, %swap3A_472] {strides = array<i32>} : memref<80x16xf32, #tpu.memory_space<vmem>>, vector<1x16xf32>,
    %swap3A_474 = vector.shape_cast %swap3A_473 : vector<1x16xf32> to vector<16xf32>
    %swap3A_475 = vector.shape_cast %broadcast_in_dim3A_2 : vector<16xf32> to vector<1x16xf32>
    tpu.vector_store %arg10[%swap3A_471, %swap3A_472], %swap3A_475 {strides = array<i32>} : memref<80x16xf32, #tpu.memory_space<vmem>>, vector<1x16xf32>,
    %swap3A_476 = arith.constant 57 : i32
    %swap3A_477 = arith.index_cast %swap3A_476 : i32 to index
    %swap3A_478 = arith.constant 0 : index
    %swap3A_479 = tpu.vector_load %arg10[%swap3A_477, %swap3A_478] {strides = array<i32>} : memref<80x16xf32, #tpu.memory_space<vmem>>, vector<1x16xf32>,
    %swap3A_480 = vector.shape_cast %swap3A_479 : vector<1x16xf32> to vector<16xf32>
    %swap3A_481 = vector.shape_cast %broadcast_in_dim3A_2 : vector<16xf32> to vector<1x16xf32>
    tpu.vector_store %arg10[%swap3A_477, %swap3A_478], %swap3A_481 {strides = array<i32>} : memref<80x16xf32, #tpu.memory_space<vmem>>, vector<1x16xf32>,
    %swap3A_482 = arith.constant 58 : i32
    %swap3A_483 = arith.index_cast %swap3A_482 : i32 to index
    %swap3A_484 = arith.constant 0 : index
    %swap3A_485 = tpu.vector_load %arg10[%swap3A_483, %swap3A_484] {strides = array<i32>} : memref<80x16xf32, #tpu.memory_space<vmem>>, vector<1x16xf32>,
    %swap3A_486 = vector.shape_cast %swap3A_485 : vector<1x16xf32> to vector<16xf32>
    %swap3A_487 = vector.shape_cast %broadcast_in_dim3A_2 : vector<16xf32> to vector<1x16xf32>
    tpu.vector_store %arg10[%swap3A_483, %swap3A_484], %swap3A_487 {strides = array<i32>} : memref<80x16xf32, #tpu.memory_space<vmem>>, vector<1x16xf32>,
    %swap3A_488 = arith.constant 59 : i32
    %swap3A_489 = arith.index_cast %swap3A_488 : i32 to index
    %swap3A_490 = arith.constant 0 : index
    %swap3A_491 = tpu.vector_load %arg10[%swap3A_489, %swap3A_490] {strides = array<i32>} : memref<80x16xf32, #tpu.memory_space<vmem>>, vector<1x16xf32>,
    %swap3A_492 = vector.shape_cast %swap3A_491 : vector<1x16xf32> to vector<16xf32>
    %swap3A_493 = vector.shape_cast %broadcast_in_dim3A_2 : vector<16xf32> to vector<1x16xf32>
    tpu.vector_store %arg10[%swap3A_489, %swap3A_490], %swap3A_493 {strides = array<i32>} : memref<80x16xf32, #tpu.memory_space<vmem>>, vector<1x16xf32>,
    %swap3A_494 = arith.constant 60 : i32
    %swap3A_495 = arith.index_cast %swap3A_494 : i32 to index
    %swap3A_496 = arith.constant 0 : index
    %swap3A_497 = tpu.vector_load %arg10[%swap3A_495, %swap3A_496] {strides = array<i32>} : memref<80x16xf32, #tpu.memory_space<vmem>>, vector<1x16xf32>,
    %swap3A_498 = vector.shape_cast %swap3A_497 : vector<1x16xf32> to vector<16xf32>
    %swap3A_499 = vector.shape_cast %broadcast_in_dim3A_2 : vector<16xf32> to vector<1x16xf32>
    tpu.vector_store %arg10[%swap3A_495, %swap3A_496], %swap3A_499 {strides = array<i32>} : memref<80x16xf32, #tpu.memory_space<vmem>>, vector<1x16xf32>,
    %swap3A_500 = arith.constant 61 : i32
    %swap3A_501 = arith.index_cast %swap3A_500 : i32 to index
    %swap3A_502 = arith.constant 0 : index
    %swap3A_503 = tpu.vector_load %arg10[%swap3A_501, %swap3A_502] {strides = array<i32>} : memref<80x16xf32, #tpu.memory_space<vmem>>, vector<1x16xf32>,
    %swap3A_504 = vector.shape_cast %swap3A_503 : vector<1x16xf32> to vector<16xf32>
    %swap3A_505 = vector.shape_cast %broadcast_in_dim3A_2 : vector<16xf32> to vector<1x16xf32>
    tpu.vector_store %arg10[%swap3A_501, %swap3A_502], %swap3A_505 {strides = array<i32>} : memref<80x16xf32, #tpu.memory_space<vmem>>, vector<1x16xf32>,
    %swap3A_506 = arith.constant 62 : i32
    %swap3A_507 = arith.index_cast %swap3A_506 : i32 to index
    %swap3A_508 = arith.constant 0 : index
    %swap3A_509 = tpu.vector_load %arg10[%swap3A_507, %swap3A_508] {strides = array<i32>} : memref<80x16xf32, #tpu.memory_space<vmem>>, vector<1x16xf32>,
    %swap3A_510 = vector.shape_cast %swap3A_509 : vector<1x16xf32> to vector<16xf32>
    %swap3A_511 = vector.shape_cast %broadcast_in_dim3A_2 : vector<16xf32> to vector<1x16xf32>
    tpu.vector_store %arg10[%swap3A_507, %swap3A_508], %swap3A_511 {strides = array<i32>} : memref<80x16xf32, #tpu.memory_space<vmem>>, vector<1x16xf32>,
    %swap3A_512 = arith.constant 63 : i32
    %swap3A_513 = arith.index_cast %swap3A_512 : i32 to index
    %swap3A_514 = arith.constant 0 : index
    %swap3A_515 = tpu.vector_load %arg10[%swap3A_513, %swap3A_514] {strides = array<i32>} : memref<80x16xf32, #tpu.memory_space<vmem>>, vector<1x16xf32>,
    %swap3A_516 = vector.shape_cast %swap3A_515 : vector<1x16xf32> to vector<16xf32>
    %swap3A_517 = vector.shape_cast %broadcast_in_dim3A_2 : vector<16xf32> to vector<1x16xf32>
    tpu.vector_store %arg10[%swap3A_513, %swap3A_514], %swap3A_517 {strides = array<i32>} : memref<80x16xf32, #tpu.memory_space<vmem>>, vector<1x16xf32>,
    %swap3A_518 = arith.constant 64 : i32
    %swap3A_519 = arith.index_cast %swap3A_518 : i32 to index
    %swap3A_520 = arith.constant 0 : index
    %swap3A_521 = tpu.vector_load %arg10[%swap3A_519, %swap3A_520] {strides = array<i32>} : memref<80x16xf32, #tpu.memory_space<vmem>>, vector<1x16xf32>,
    %swap3A_522 = vector.shape_cast %swap3A_521 : vector<1x16xf32> to vector<16xf32>
    %swap3A_523 = vector.shape_cast %broadcast_in_dim3A_2 : vector<16xf32> to vector<1x16xf32>
    tpu.vector_store %arg10[%swap3A_519, %swap3A_520], %swap3A_523 {strides = array<i32>} : memref<80x16xf32, #tpu.memory_space<vmem>>, vector<1x16xf32>,
    %swap3A_524 = arith.constant 65 : i32
    %swap3A_525 = arith.index_cast %swap3A_524 : i32 to index
    %swap3A_526 = arith.constant 0 : index
    %swap3A_527 = tpu.vector_load %arg10[%swap3A_525, %swap3A_526] {strides = array<i32>} : memref<80x16xf32, #tpu.memory_space<vmem>>, vector<1x16xf32>,
    %swap3A_528 = vector.shape_cast %swap3A_527 : vector<1x16xf32> to vector<16xf32>
    %swap3A_529 = vector.shape_cast %broadcast_in_dim3A_2 : vector<16xf32> to vector<1x16xf32>
    tpu.vector_store %arg10[%swap3A_525, %swap3A_526], %swap3A_529 {strides = array<i32>} : memref<80x16xf32, #tpu.memory_space<vmem>>, vector<1x16xf32>,
    %swap3A_530 = arith.constant 66 : i32
    %swap3A_531 = arith.index_cast %swap3A_530 : i32 to index
    %swap3A_532 = arith.constant 0 : index
    %swap3A_533 = tpu.vector_load %arg10[%swap3A_531, %swap3A_532] {strides = array<i32>} : memref<80x16xf32, #tpu.memory_space<vmem>>, vector<1x16xf32>,
    %swap3A_534 = vector.shape_cast %swap3A_533 : vector<1x16xf32> to vector<16xf32>
    %swap3A_535 = vector.shape_cast %broadcast_in_dim3A_2 : vector<16xf32> to vector<1x16xf32>
    tpu.vector_store %arg10[%swap3A_531, %swap3A_532], %swap3A_535 {strides = array<i32>} : memref<80x16xf32, #tpu.memory_space<vmem>>, vector<1x16xf32>,
    %swap3A_536 = arith.constant 67 : i32
    %swap3A_537 = arith.index_cast %swap3A_536 : i32 to index
    %swap3A_538 = arith.constant 0 : index
    %swap3A_539 = tpu.vector_load %arg10[%swap3A_537, %swap3A_538] {strides = array<i32>} : memref<80x16xf32, #tpu.memory_space<vmem>>, vector<1x16xf32>,
    %swap3A_540 = vector.shape_cast %swap3A_539 : vector<1x16xf32> to vector<16xf32>
    %swap3A_541 = vector.shape_cast %broadcast_in_dim3A_2 : vector<16xf32> to vector<1x16xf32>
    tpu.vector_store %arg10[%swap3A_537, %swap3A_538], %swap3A_541 {strides = array<i32>} : memref<80x16xf32, #tpu.memory_space<vmem>>, vector<1x16xf32>,
    %swap3A_542 = arith.constant 68 : i32
    %swap3A_543 = arith.index_cast %swap3A_542 : i32 to index
    %swap3A_544 = arith.constant 0 : index
    %swap3A_545 = tpu.vector_load %arg10[%swap3A_543, %swap3A_544] {strides = array<i32>} : memref<80x16xf32, #tpu.memory_space<vmem>>, vector<1x16xf32>,
    %swap3A_546 = vector.shape_cast %swap3A_545 : vector<1x16xf32> to vector<16xf32>
    %swap3A_547 = vector.shape_cast %broadcast_in_dim3A_2 : vector<16xf32> to vector<1x16xf32>
    tpu.vector_store %arg10[%swap3A_543, %swap3A_544], %swap3A_547 {strides = array<i32>} : memref<80x16xf32, #tpu.memory_space<vmem>>, vector<1x16xf32>,
    %swap3A_548 = arith.constant 69 : i32
    %swap3A_549 = arith.index_cast %swap3A_548 : i32 to index
    %swap3A_550 = arith.constant 0 : index
    %swap3A_551 = tpu.vector_load %arg10[%swap3A_549, %swap3A_550] {strides = array<i32>} : memref<80x16xf32, #tpu.memory_space<vmem>>, vector<1x16xf32>,
    %swap3A_552 = vector.shape_cast %swap3A_551 : vector<1x16xf32> to vector<16xf32>
    %swap3A_553 = vector.shape_cast %broadcast_in_dim3A_2 : vector<16xf32> to vector<1x16xf32>
    tpu.vector_store %arg10[%swap3A_549, %swap3A_550], %swap3A_553 {strides = array<i32>} : memref<80x16xf32, #tpu.memory_space<vmem>>, vector<1x16xf32>,
    %swap3A_554 = arith.constant 70 : i32
    %swap3A_555 = arith.index_cast %swap3A_554 : i32 to index
    %swap3A_556 = arith.constant 0 : index
    %swap3A_557 = tpu.vector_load %arg10[%swap3A_555, %swap3A_556] {strides = array<i32>} : memref<80x16xf32, #tpu.memory_space<vmem>>, vector<1x16xf32>,
    %swap3A_558 = vector.shape_cast %swap3A_557 : vector<1x16xf32> to vector<16xf32>
    %swap3A_559 = vector.shape_cast %broadcast_in_dim3A_2 : vector<16xf32> to vector<1x16xf32>
    tpu.vector_store %arg10[%swap3A_555, %swap3A_556], %swap3A_559 {strides = array<i32>} : memref<80x16xf32, #tpu.memory_space<vmem>>, vector<1x16xf32>,
    %swap3A_560 = arith.constant 71 : i32
    %swap3A_561 = arith.index_cast %swap3A_560 : i32 to index
    %swap3A_562 = arith.constant 0 : index
    %swap3A_563 = tpu.vector_load %arg10[%swap3A_561, %swap3A_562] {strides = array<i32>} : memref<80x16xf32, #tpu.memory_space<vmem>>, vector<1x16xf32>,
    %swap3A_564 = vector.shape_cast %swap3A_563 : vector<1x16xf32> to vector<16xf32>
    %swap3A_565 = vector.shape_cast %broadcast_in_dim3A_2 : vector<16xf32> to vector<1x16xf32>
    tpu.vector_store %arg10[%swap3A_561, %swap3A_562], %swap3A_565 {strides = array<i32>} : memref<80x16xf32, #tpu.memory_space<vmem>>, vector<1x16xf32>,
    %swap3A_566 = arith.constant 72 : i32
    %swap3A_567 = arith.index_cast %swap3A_566 : i32 to index
    %swap3A_568 = arith.constant 0 : index
    %swap3A_569 = tpu.vector_load %arg10[%swap3A_567, %swap3A_568] {strides = array<i32>} : memref<80x16xf32, #tpu.memory_space<vmem>>, vector<1x16xf32>,
    %swap3A_570 = vector.shape_cast %swap3A_569 : vector<1x16xf32> to vector<16xf32>
    %swap3A_571 = vector.shape_cast %broadcast_in_dim3A_2 : vector<16xf32> to vector<1x16xf32>
    tpu.vector_store %arg10[%swap3A_567, %swap3A_568], %swap3A_571 {strides = array<i32>} : memref<80x16xf32, #tpu.memory_space<vmem>>, vector<1x16xf32>,
    %swap3A_572 = arith.constant 73 : i32
    %swap3A_573 = arith.index_cast %swap3A_572 : i32 to index
    %swap3A_574 = arith.constant 0 : index
    %swap3A_575 = tpu.vector_load %arg10[%swap3A_573, %swap3A_574] {strides = array<i32>} : memref<80x16xf32, #tpu.memory_space<vmem>>, vector<1x16xf32>,
    %swap3A_576 = vector.shape_cast %swap3A_575 : vector<1x16xf32> to vector<16xf32>
    %swap3A_577 = vector.shape_cast %broadcast_in_dim3A_2 : vector<16xf32> to vector<1x16xf32>
    tpu.vector_store %arg10[%swap3A_573, %swap3A_574], %swap3A_577 {strides = array<i32>} : memref<80x16xf32, #tpu.memory_space<vmem>>, vector<1x16xf32>,
    %swap3A_578 = arith.constant 74 : i32
    %swap3A_579 = arith.index_cast %swap3A_578 : i32 to index
    %swap3A_580 = arith.constant 0 : index
    %swap3A_581 = tpu.vector_load %arg10[%swap3A_579, %swap3A_580] {strides = array<i32>} : memref<80x16xf32, #tpu.memory_space<vmem>>, vector<1x16xf32>,
    %swap3A_582 = vector.shape_cast %swap3A_581 : vector<1x16xf32> to vector<16xf32>
    %swap3A_583 = vector.shape_cast %broadcast_in_dim3A_2 : vector<16xf32> to vector<1x16xf32>
    tpu.vector_store %arg10[%swap3A_579, %swap3A_580], %swap3A_583 {strides = array<i32>} : memref<80x16xf32, #tpu.memory_space<vmem>>, vector<1x16xf32>,
    %swap3A_584 = arith.constant 75 : i32
    %swap3A_585 = arith.index_cast %swap3A_584 : i32 to index
    %swap3A_586 = arith.constant 0 : index
    %swap3A_587 = tpu.vector_load %arg10[%swap3A_585, %swap3A_586] {strides = array<i32>} : memref<80x16xf32, #tpu.memory_space<vmem>>, vector<1x16xf32>,
    %swap3A_588 = vector.shape_cast %swap3A_587 : vector<1x16xf32> to vector<16xf32>
    %swap3A_589 = vector.shape_cast %broadcast_in_dim3A_2 : vector<16xf32> to vector<1x16xf32>
    tpu.vector_store %arg10[%swap3A_585, %swap3A_586], %swap3A_589 {strides = array<i32>} : memref<80x16xf32, #tpu.memory_space<vmem>>, vector<1x16xf32>,
    %swap3A_590 = arith.constant 76 : i32
    %swap3A_591 = arith.index_cast %swap3A_590 : i32 to index
    %swap3A_592 = arith.constant 0 : index
    %swap3A_593 = tpu.vector_load %arg10[%swap3A_591, %swap3A_592] {strides = array<i32>} : memref<80x16xf32, #tpu.memory_space<vmem>>, vector<1x16xf32>,
    %swap3A_594 = vector.shape_cast %swap3A_593 : vector<1x16xf32> to vector<16xf32>
    %swap3A_595 = vector.shape_cast %broadcast_in_dim3A_2 : vector<16xf32> to vector<1x16xf32>
    tpu.vector_store %arg10[%swap3A_591, %swap3A_592], %swap3A_595 {strides = array<i32>} : memref<80x16xf32, #tpu.memory_space<vmem>>, vector<1x16xf32>,
    %swap3A_596 = arith.constant 77 : i32
    %swap3A_597 = arith.index_cast %swap3A_596 : i32 to index
    %swap3A_598 = arith.constant 0 : index
    %swap3A_599 = tpu.vector_load %arg10[%swap3A_597, %swap3A_598] {strides = array<i32>} : memref<80x16xf32, #tpu.memory_space<vmem>>, vector<1x16xf32>,
    %swap3A_600 = vector.shape_cast %swap3A_599 : vector<1x16xf32> to vector<16xf32>
    %swap3A_601 = vector.shape_cast %broadcast_in_dim3A_2 : vector<16xf32> to vector<1x16xf32>
    tpu.vector_store %arg10[%swap3A_597, %swap3A_598], %swap3A_601 {strides = array<i32>} : memref<80x16xf32, #tpu.memory_space<vmem>>, vector<1x16xf32>,
    %swap3A_602 = arith.constant 78 : i32
    %swap3A_603 = arith.index_cast %swap3A_602 : i32 to index
    %swap3A_604 = arith.constant 0 : index
    %swap3A_605 = tpu.vector_load %arg10[%swap3A_603, %swap3A_604] {strides = array<i32>} : memref<80x16xf32, #tpu.memory_space<vmem>>, vector<1x16xf32>,
    %swap3A_606 = vector.shape_cast %swap3A_605 : vector<1x16xf32> to vector<16xf32>
    %swap3A_607 = vector.shape_cast %broadcast_in_dim3A_2 : vector<16xf32> to vector<1x16xf32>
    tpu.vector_store %arg10[%swap3A_603, %swap3A_604], %swap3A_607 {strides = array<i32>} : memref<80x16xf32, #tpu.memory_space<vmem>>, vector<1x16xf32>,
    %swap3A_608 = arith.constant 79 : i32
    %swap3A_609 = arith.index_cast %swap3A_608 : i32 to index
    %swap3A_610 = arith.constant 0 : index
    %swap3A_611 = tpu.vector_load %arg10[%swap3A_609, %swap3A_610] {strides = array<i32>} : memref<80x16xf32, #tpu.memory_space<vmem>>, vector<1x16xf32>,
    %swap3A_612 = vector.shape_cast %swap3A_611 : vector<1x16xf32> to vector<16xf32>
    %swap3A_613 = vector.shape_cast %broadcast_in_dim3A_2 : vector<16xf32> to vector<1x16xf32>
    tpu.vector_store %arg10[%swap3A_609, %swap3A_610], %swap3A_613 {strides = array<i32>} : memref<80x16xf32, #tpu.memory_space<vmem>>, vector<1x16xf32>,
    %dma_start3A_614 = arith.constant 0 : i32
    %dma_start3A_615 = tpu.memref_slice %arg6[%mul3A_5, %dma_start3A_614] : memref<10240x64xf32, #tpu.memory_space<vmem_shared>> -> memref<640x64xf32, #tpu.memory_space<vmem_shared>>
    tpu.enqueue_dma source(%arg4 : memref<640x64xf32, #tpu.memory_space<hbm>>) target(%dma_start3A_615 : memref<640x64xf32, #tpu.memory_space<vmem_shared>>) target_semaphore(%arg18 : memref<!tpu.dma_semaphore, #tpu.memory_space<semaphore_mem>>)
    %dma_start3A_616 = arith.constant 0 : i32
    %dma_start3A_617 = tpu.memref_slice %arg7[%mul3A_5, %dma_start3A_616] : memref<10240x16xf32, #tpu.memory_space<vmem_shared>> -> memref<640x16xf32, #tpu.memory_space<vmem_shared>>
    %dma_start3A_618 = arith.constant 0 : i32
    %dma_start3A_619 = arith.constant 0 : i32
    %dma_start3A_620 = tpu.memref_slice %arg4[%dma_start3A_618, %dma_start3A_619] : memref<640x64xf32, #tpu.memory_space<hbm>> -> memref<640x16xf32, #tpu.memory_space<hbm>>
    tpu.enqueue_dma source(%dma_start3A_620 : memref<640x16xf32, #tpu.memory_space<hbm>>) target(%dma_start3A_617 : memref<640x16xf32, #tpu.memory_space<vmem_shared>>) target_semaphore(%arg19 : memref<!tpu.dma_semaphore, #tpu.memory_space<semaphore_mem>>)
    %dma_wait3A = arith.constant 0 : i32
    %dma_wait3A_621 = tpu.memref_slice %arg6[%mul3A_5, %dma_wait3A] : memref<10240x64xf32, #tpu.memory_space<vmem_shared>> -> memref<640x64xf32, #tpu.memory_space<vmem_shared>>
    tpu.wait_dma2 semaphore(%arg18 : memref<!tpu.dma_semaphore, #tpu.memory_space<semaphore_mem>>) src(%arg4 : memref<640x64xf32, #tpu.memory_space<hbm>>) dst(%dma_wait3A_621 : memref<640x64xf32, #tpu.memory_space<vmem_shared>>)
    %dma_wait3A_622 = arith.constant 0 : i32
    %dma_wait3A_623 = tpu.memref_slice %arg7[%mul3A_5, %dma_wait3A_622] : memref<10240x16xf32, #tpu.memory_space<vmem_shared>> -> memref<640x16xf32, #tpu.memory_space<vmem_shared>>
    %dma_wait3A_624 = arith.constant 0 : i32
    %dma_wait3A_625 = arith.constant 0 : i32
    %dma_wait3A_626 = tpu.memref_slice %arg4[%dma_wait3A_624, %dma_wait3A_625] : memref<640x64xf32, #tpu.memory_space<hbm>> -> memref<640x16xf32, #tpu.memory_space<hbm>>
    tpu.wait_dma2 semaphore(%arg19 : memref<!tpu.dma_semaphore, #tpu.memory_space<semaphore_mem>>) src(%dma_wait3A_626 : memref<640x16xf32, #tpu.memory_space<hbm>>) dst(%dma_wait3A_623 : memref<640x16xf32, #tpu.memory_space<vmem_shared>>)
    %barrier3A = arith.constant 0 : index
    tpu.barrier barrier_id(%barrier3A)
    %dma_wait3A_627 = arith.constant 0 : i32
    %dma_wait3A_628 = arith.constant 0 : i32
    %dma_wait3A_629 = arith.constant 0 : i32
    %dma_wait3A_630 = tpu.memref_slice %arg9[%dma_wait3A_627, %dma_wait3A_628, %dma_wait3A_629] : memref<4x2x80xi32, #tpu.memory_space<vmem>> -> memref<1x2x80xi32, #tpu.memory_space<vmem>>
    %dma_wait3A_631 = tpu.memref_squeeze %dma_wait3A_630 : memref<1x2x80xi32, #tpu.memory_space<vmem>> -> memref<2x80xi32, #tpu.memory_space<vmem>>
    %dma_wait3A_632 = arith.constant 0 : i32
    %dma_wait3A_633 = tpu.memref_slice %arg3[%min3A_15, %dma_wait3A_632] : memref<125x80xi32, #tpu.memory_space<hbm>> -> memref<2x80xi32, #tpu.memory_space<hbm>>
    %dma_wait3A_634 = arith.constant 0 : i32
    %dma_wait3A_635 = arith.constant 0 : i32
    %dma_wait3A_636 = tpu.memref_slice %arg9[%dma_wait3A_627, %dma_wait3A_634, %dma_wait3A_635] : memref<4x2x80xi32, #tpu.memory_space<vmem>> -> memref<1x2x80xi32, #tpu.memory_space<vmem>>
    %dma_wait3A_637 = tpu.memref_squeeze %dma_wait3A_636 : memref<1x2x80xi32, #tpu.memory_space<vmem>> -> memref<2x80xi32, #tpu.memory_space<vmem>>
    %dma_wait3A_638 = arith.constant 0 : i32
    %dma_wait3A_639 = tpu.memref_slice %arg3[%min3A_15, %dma_wait3A_638] : memref<125x80xi32, #tpu.memory_space<hbm>> -> memref<2x80xi32, #tpu.memory_space<hbm>>
    tpu.wait_dma2 semaphore(%arg12 : memref<!tpu.dma_semaphore, #tpu.memory_space<semaphore_mem>>) src(%dma_wait3A_639 : memref<2x80xi32, #tpu.memory_space<hbm>>) dst(%dma_wait3A_637 : memref<2x80xi32, #tpu.memory_space<vmem>>)
    %dma_wait3A_640 = arith.constant 0 : i32
    %dma_wait3A_641 = arith.constant 0 : i32
    %dma_wait3A_642 = arith.constant 0 : i32
    %dma_wait3A_643 = tpu.memref_slice %arg8[%dma_wait3A_640, %dma_wait3A_641, %dma_wait3A_642] : memref<4x160x64xf32, #tpu.memory_space<vmem>> -> memref<1x160x64xf32, #tpu.memory_space<vmem>>
    %dma_wait3A_644 = tpu.memref_squeeze %dma_wait3A_643 : memref<1x160x64xf32, #tpu.memory_space<vmem>> -> memref<160x64xf32, #tpu.memory_space<vmem>>
    %dma_wait3A_645 = tpu.memref_slice %arg2[%min3A_11, %mul3A_3] : memref<10000x128xf32, #tpu.memory_space<hbm>> -> memref<160x64xf32, #tpu.memory_space<hbm>>
    %dma_wait3A_646 = arith.constant 0 : i32
    %dma_wait3A_647 = arith.constant 0 : i32
    %dma_wait3A_648 = tpu.memref_slice %arg8[%dma_wait3A_640, %dma_wait3A_646, %dma_wait3A_647] : memref<4x160x64xf32, #tpu.memory_space<vmem>> -> memref<1x160x64xf32, #tpu.memory_space<vmem>>
    %dma_wait3A_649 = tpu.memref_squeeze %dma_wait3A_648 : memref<1x160x64xf32, #tpu.memory_space<vmem>> -> memref<160x64xf32, #tpu.memory_space<vmem>>
    %dma_wait3A_650 = tpu.memref_slice %arg2[%min3A_11, %mul3A_3] : memref<10000x128xf32, #tpu.memory_space<hbm>> -> memref<160x64xf32, #tpu.memory_space<hbm>>
    tpu.wait_dma2 semaphore(%arg13 : memref<!tpu.dma_semaphore, #tpu.memory_space<semaphore_mem>>) src(%dma_wait3A_650 : memref<160x64xf32, #tpu.memory_space<hbm>>) dst(%dma_wait3A_649 : memref<160x64xf32, #tpu.memory_space<vmem>>)
    %dma_start3A_651 = arith.constant 0 : i32
    %dma_start3A_652 = arith.constant 0 : i32
    %dma_start3A_653 = arith.constant 0 : i32
    %dma_start3A_654 = arith.constant 0 : i32
    %dma_start3A_655 = arith.constant 0 : i32
    %dma_start3A_656 = tpu.memref_slice %arg8[%dma_start3A_651, %dma_start3A_654, %dma_start3A_655] : memref<4x160x64xf32, #tpu.memory_space<vmem>> -> memref<1x80x64xf32, #tpu.memory_space<vmem>>
    %dma_start3A_657 = tpu.memref_squeeze %dma_start3A_656 : memref<1x80x64xf32, #tpu.memory_space<vmem>> -> memref<80x64xf32, #tpu.memory_space<vmem>>
    %dma_start3A_658 = arith.constant 0 : i32
    %dma_start3A_659 = tpu.memref_slice %arg9[%dma_start3A_652, %dma_start3A_653, %dma_start3A_658] : memref<4x2x80xi32, #tpu.memory_space<vmem>> -> memref<1x1x80xi32, #tpu.memory_space<vmem>>
    %dma_start3A_660 = tpu.memref_squeeze %dma_start3A_659 : memref<1x1x80xi32, #tpu.memory_space<vmem>> -> memref<80xi32, #tpu.memory_space<vmem>>
    %dma_start3A_661 = arith.constant 0 : i32
    %dma_start3A_662 = arith.constant 0 : i32
    %dma_start3A_663 = tpu.memref_slice %arg6[%dma_start3A_661, %dma_start3A_662] : memref<10240x64xf32, #tpu.memory_space<vmem_shared>> -> memref<10240x64xf32, #tpu.memory_space<vmem_shared>>
    tpu.enqueue_indirect_dma source(%dma_start3A_657 : memref<80x64xf32, #tpu.memory_space<vmem>>) target(%dma_start3A_663 : memref<10240x64xf32, #tpu.memory_space<vmem_shared>>) offsets(%dma_start3A_660 : memref<80xi32, #tpu.memory_space<vmem>>) semaphore(%arg14 : memref<!tpu.dma_semaphore, #tpu.memory_space<semaphore_mem>>) {add = true}
    %dma_start3A_664 = arith.constant 0 : i32
    %dma_start3A_665 = arith.constant 0 : i32
    %dma_start3A_666 = arith.constant 0 : i32
    %dma_start3A_667 = tpu.memref_slice %arg9[%dma_start3A_664, %dma_start3A_665, %dma_start3A_666] : memref<4x2x80xi32, #tpu.memory_space<vmem>> -> memref<1x1x80xi32, #tpu.memory_space<vmem>>
    %dma_start3A_668 = tpu.memref_squeeze %dma_start3A_667 : memref<1x1x80xi32, #tpu.memory_space<vmem>> -> memref<80xi32, #tpu.memory_space<vmem>>
    %dma_start3A_669 = arith.constant 0 : i32
    %dma_start3A_670 = arith.constant 0 : i32
    %dma_start3A_671 = tpu.memref_slice %arg7[%dma_start3A_669, %dma_start3A_670] : memref<10240x16xf32, #tpu.memory_space<vmem_shared>> -> memref<10240x16xf32, #tpu.memory_space<vmem_shared>>
    tpu.enqueue_indirect_dma source(%arg10 : memref<80x16xf32, #tpu.memory_space<vmem>>) target(%dma_start3A_671 : memref<10240x16xf32, #tpu.memory_space<vmem_shared>>) offsets(%dma_start3A_668 : memref<80xi32, #tpu.memory_space<vmem>>) semaphore(%arg15 : memref<!tpu.dma_semaphore, #tpu.memory_space<semaphore_mem>>) {add = true}
    %dma_start3A_672 = arith.constant 0 : i32
    %dma_start3A_673 = arith.constant 0 : i32
    %dma_start3A_674 = arith.constant 1 : i32
    %dma_start3A_675 = arith.constant 80 : i32
    %dma_start3A_676 = arith.constant 0 : i32
    %dma_start3A_677 = tpu.memref_slice %arg8[%dma_start3A_672, %dma_start3A_675, %dma_start3A_676] : memref<4x160x64xf32, #tpu.memory_space<vmem>> -> memref<1x80x64xf32, #tpu.memory_space<vmem>>
    %dma_start3A_678 = tpu.memref_squeeze %dma_start3A_677 : memref<1x80x64xf32, #tpu.memory_space<vmem>> -> memref<80x64xf32, #tpu.memory_space<vmem>>
    %dma_start3A_679 = arith.constant 0 : i32
    %dma_start3A_680 = tpu.memref_slice %arg9[%dma_start3A_673, %dma_start3A_674, %dma_start3A_679] : memref<4x2x80xi32, #tpu.memory_space<vmem>> -> memref<1x1x80xi32, #tpu.memory_space<vmem>>
    %dma_start3A_681 = tpu.memref_squeeze %dma_start3A_680 : memref<1x1x80xi32, #tpu.memory_space<vmem>> -> memref<80xi32, #tpu.memory_space<vmem>>
    %dma_start3A_682 = arith.constant 0 : i32
    %dma_start3A_683 = arith.constant 0 : i32
    %dma_start3A_684 = tpu.memref_slice %arg6[%dma_start3A_682, %dma_start3A_683] : memref<10240x64xf32, #tpu.memory_space<vmem_shared>> -> memref<10240x64xf32, #tpu.memory_space<vmem_shared>>
    tpu.enqueue_indirect_dma source(%dma_start3A_678 : memref<80x64xf32, #tpu.memory_space<vmem>>) target(%dma_start3A_684 : memref<10240x64xf32, #tpu.memory_space<vmem_shared>>) offsets(%dma_start3A_681 : memref<80xi32, #tpu.memory_space<vmem>>) semaphore(%arg14 : memref<!tpu.dma_semaphore, #tpu.memory_space<semaphore_mem>>) {add = true}
    %dma_start3A_685 = arith.constant 0 : i32
    %dma_start3A_686 = arith.constant 1 : i32
    %dma_start3A_687 = arith.constant 0 : i32
    %dma_start3A_688 = tpu.memref_slice %arg9[%dma_start3A_685, %dma_start3A_686, %dma_start3A_687] : memref<4x2x80xi32, #tpu.memory_space<vmem>> -> memref<1x1x80xi32, #tpu.memory_space<vmem>>
    %dma_start3A_689 = tpu.memref_squeeze %dma_start3A_688 : memref<1x1x80xi32, #tpu.memory_space<vmem>> -> memref<80xi32, #tpu.memory_space<vmem>>
    %dma_start3A_690 = arith.constant 0 : i32
    %dma_start3A_691 = arith.constant 0 : i32
    %dma_start3A_692 = tpu.memref_slice %arg7[%dma_start3A_690, %dma_start3A_691] : memref<10240x16xf32, #tpu.memory_space<vmem_shared>> -> memref<10240x16xf32, #tpu.memory_space<vmem_shared>>
    tpu.enqueue_indirect_dma source(%arg10 : memref<80x16xf32, #tpu.memory_space<vmem>>) target(%dma_start3A_692 : memref<10240x16xf32, #tpu.memory_space<vmem_shared>>) offsets(%dma_start3A_689 : memref<80xi32, #tpu.memory_space<vmem>>) semaphore(%arg15 : memref<!tpu.dma_semaphore, #tpu.memory_space<semaphore_mem>>) {add = true}
    %dma_wait3A_693 = arith.constant 1 : i32
    %dma_wait3A_694 = arith.constant 0 : i32
    %dma_wait3A_695 = arith.constant 0 : i32
    %dma_wait3A_696 = tpu.memref_slice %arg9[%dma_wait3A_693, %dma_wait3A_694, %dma_wait3A_695] : memref<4x2x80xi32, #tpu.memory_space<vmem>> -> memref<1x2x80xi32, #tpu.memory_space<vmem>>
    %dma_wait3A_697 = tpu.memref_squeeze %dma_wait3A_696 : memref<1x2x80xi32, #tpu.memory_space<vmem>> -> memref<2x80xi32, #tpu.memory_space<vmem>>
    %dma_wait3A_698 = arith.constant 0 : i32
    %dma_wait3A_699 = tpu.memref_slice %arg3[%min3A_46, %dma_wait3A_698] : memref<125x80xi32, #tpu.memory_space<hbm>> -> memref<2x80xi32, #tpu.memory_space<hbm>>
    %dma_wait3A_700 = arith.constant 0 : i32
    %dma_wait3A_701 = arith.constant 0 : i32
    %dma_wait3A_702 = tpu.memref_slice %arg9[%dma_wait3A_693, %dma_wait3A_700, %dma_wait3A_701] : memref<4x2x80xi32, #tpu.memory_space<vmem>> -> memref<1x2x80xi32, #tpu.memory_space<vmem>>
    %dma_wait3A_703 = tpu.memref_squeeze %dma_wait3A_702 : memref<1x2x80xi32, #tpu.memory_space<vmem>> -> memref<2x80xi32, #tpu.memory_space<vmem>>
    %dma_wait3A_704 = arith.constant 0 : i32
    %dma_wait3A_705 = tpu.memref_slice %arg3[%min3A_46, %dma_wait3A_704] : memref<125x80xi32, #tpu.memory_space<hbm>> -> memref<2x80xi32, #tpu.memory_space<hbm>>
    tpu.wait_dma2 semaphore(%arg12 : memref<!tpu.dma_semaphore, #tpu.memory_space<semaphore_mem>>) src(%dma_wait3A_705 : memref<2x80xi32, #tpu.memory_space<hbm>>) dst(%dma_wait3A_703 : memref<2x80xi32, #tpu.memory_space<vmem>>)
    %dma_wait3A_706 = arith.constant 1 : i32
    %dma_wait3A_707 = arith.constant 0 : i32
    %dma_wait3A_708 = arith.constant 0 : i32
    %dma_wait3A_709 = tpu.memref_slice %arg8[%dma_wait3A_706, %dma_wait3A_707, %dma_wait3A_708] : memref<4x160x64xf32, #tpu.memory_space<vmem>> -> memref<1x160x64xf32, #tpu.memory_space<vmem>>
    %dma_wait3A_710 = tpu.memref_squeeze %dma_wait3A_709 : memref<1x160x64xf32, #tpu.memory_space<vmem>> -> memref<160x64xf32, #tpu.memory_space<vmem>>
    %dma_wait3A_711 = tpu.memref_slice %arg2[%min3A_42, %mul3A_3] : memref<10000x128xf32, #tpu.memory_space<hbm>> -> memref<160x64xf32, #tpu.memory_space<hbm>>
    %dma_wait3A_712 = arith.constant 0 : i32
    %dma_wait3A_713 = arith.constant 0 : i32
    %dma_wait3A_714 = tpu.memref_slice %arg8[%dma_wait3A_706, %dma_wait3A_712, %dma_wait3A_713] : memref<4x160x64xf32, #tpu.memory_space<vmem>> -> memref<1x160x64xf32, #tpu.memory_space<vmem>>
    %dma_wait3A_715 = tpu.memref_squeeze %dma_wait3A_714 : memref<1x160x64xf32, #tpu.memory_space<vmem>> -> memref<160x64xf32, #tpu.memory_space<vmem>>
    %dma_wait3A_716 = tpu.memref_slice %arg2[%min3A_42, %mul3A_3] : memref<10000x128xf32, #tpu.memory_space<hbm>> -> memref<160x64xf32, #tpu.memory_space<hbm>>
    tpu.wait_dma2 semaphore(%arg13 : memref<!tpu.dma_semaphore, #tpu.memory_space<semaphore_mem>>) src(%dma_wait3A_716 : memref<160x64xf32, #tpu.memory_space<hbm>>) dst(%dma_wait3A_715 : memref<160x64xf32, #tpu.memory_space<vmem>>)
    %dma_start3A_717 = arith.constant 1 : i32
    %dma_start3A_718 = arith.constant 1 : i32
    %dma_start3A_719 = arith.constant 0 : i32
    %dma_start3A_720 = arith.constant 0 : i32
    %dma_start3A_721 = arith.constant 0 : i32
    %dma_start3A_722 = tpu.memref_slice %arg8[%dma_start3A_717, %dma_start3A_720, %dma_start3A_721] : memref<4x160x64xf32, #tpu.memory_space<vmem>> -> memref<1x80x64xf32, #tpu.memory_space<vmem>>
    %dma_start3A_723 = tpu.memref_squeeze %dma_start3A_722 : memref<1x80x64xf32, #tpu.memory_space<vmem>> -> memref<80x64xf32, #tpu.memory_space<vmem>>
    %dma_start3A_724 = arith.constant 0 : i32
    %dma_start3A_725 = tpu.memref_slice %arg9[%dma_start3A_718, %dma_start3A_719, %dma_start3A_724] : memref<4x2x80xi32, #tpu.memory_space<vmem>> -> memref<1x1x80xi32, #tpu.memory_space<vmem>>
    %dma_start3A_726 = tpu.memref_squeeze %dma_start3A_725 : memref<1x1x80xi32, #tpu.memory_space<vmem>> -> memref<80xi32, #tpu.memory_space<vmem>>
    %dma_start3A_727 = arith.constant 0 : i32
    %dma_start3A_728 = arith.constant 0 : i32
    %dma_start3A_729 = tpu.memref_slice %arg6[%dma_start3A_727, %dma_start3A_728] : memref<10240x64xf32, #tpu.memory_space<vmem_shared>> -> memref<10240x64xf32, #tpu.memory_space<vmem_shared>>
    tpu.enqueue_indirect_dma source(%dma_start3A_723 : memref<80x64xf32, #tpu.memory_space<vmem>>) target(%dma_start3A_729 : memref<10240x64xf32, #tpu.memory_space<vmem_shared>>) offsets(%dma_start3A_726 : memref<80xi32, #tpu.memory_space<vmem>>) semaphore(%arg14 : memref<!tpu.dma_semaphore, #tpu.memory_space<semaphore_mem>>) {add = true}
    %dma_start3A_730 = arith.constant 1 : i32
    %dma_start3A_731 = arith.constant 0 : i32
    %dma_start3A_732 = arith.constant 0 : i32
    %dma_start3A_733 = tpu.memref_slice %arg9[%dma_start3A_730, %dma_start3A_731, %dma_start3A_732] : memref<4x2x80xi32, #tpu.memory_space<vmem>> -> memref<1x1x80xi32, #tpu.memory_space<vmem>>
    %dma_start3A_734 = tpu.memref_squeeze %dma_start3A_733 : memref<1x1x80xi32, #tpu.memory_space<vmem>> -> memref<80xi32, #tpu.memory_space<vmem>>
    %dma_start3A_735 = arith.constant 0 : i32
    %dma_start3A_736 = arith.constant 0 : i32
    %dma_start3A_737 = tpu.memref_slice %arg7[%dma_start3A_735, %dma_start3A_736] : memref<10240x16xf32, #tpu.memory_space<vmem_shared>> -> memref<10240x16xf32, #tpu.memory_space<vmem_shared>>
    tpu.enqueue_indirect_dma source(%arg10 : memref<80x16xf32, #tpu.memory_space<vmem>>) target(%dma_start3A_737 : memref<10240x16xf32, #tpu.memory_space<vmem_shared>>) offsets(%dma_start3A_734 : memref<80xi32, #tpu.memory_space<vmem>>) semaphore(%arg15 : memref<!tpu.dma_semaphore, #tpu.memory_space<semaphore_mem>>) {add = true}
    %dma_start3A_738 = arith.constant 1 : i32
    %dma_start3A_739 = arith.constant 1 : i32
    %dma_start3A_740 = arith.constant 1 : i32
    %dma_start3A_741 = arith.constant 80 : i32
    %dma_start3A_742 = arith.constant 0 : i32
    %dma_start3A_743 = tpu.memref_slice %arg8[%dma_start3A_738, %dma_start3A_741, %dma_start3A_742] : memref<4x160x64xf32, #tpu.memory_space<vmem>> -> memref<1x80x64xf32, #tpu.memory_space<vmem>>
    %dma_start3A_744 = tpu.memref_squeeze %dma_start3A_743 : memref<1x80x64xf32, #tpu.memory_space<vmem>> -> memref<80x64xf32, #tpu.memory_space<vmem>>
    %dma_start3A_745 = arith.constant 0 : i32
    %dma_start3A_746 = tpu.memref_slice %arg9[%dma_start3A_739, %dma_start3A_740, %dma_start3A_745] : memref<4x2x80xi32, #tpu.memory_space<vmem>> -> memref<1x1x80xi32, #tpu.memory_space<vmem>>
    %dma_start3A_747 = tpu.memref_squeeze %dma_start3A_746 : memref<1x1x80xi32, #tpu.memory_space<vmem>> -> memref<80xi32, #tpu.memory_space<vmem>>
    %dma_start3A_748 = arith.constant 0 : i32
    %dma_start3A_749 = arith.constant 0 : i32
    %dma_start3A_750 = tpu.memref_slice %arg6[%dma_start3A_748, %dma_start3A_749] : memref<10240x64xf32, #tpu.memory_space<vmem_shared>> -> memref<10240x64xf32, #tpu.memory_space<vmem_shared>>
    tpu.enqueue_indirect_dma source(%dma_start3A_744 : memref<80x64xf32, #tpu.memory_space<vmem>>) target(%dma_start3A_750 : memref<10240x64xf32, #tpu.memory_space<vmem_shared>>) offsets(%dma_start3A_747 : memref<80xi32, #tpu.memory_space<vmem>>) semaphore(%arg14 : memref<!tpu.dma_semaphore, #tpu.memory_space<semaphore_mem>>) {add = true}
    %dma_start3A_751 = arith.constant 1 : i32
    %dma_start3A_752 = arith.constant 1 : i32
    %dma_start3A_753 = arith.constant 0 : i32
    %dma_start3A_754 = tpu.memref_slice %arg9[%dma_start3A_751, %dma_start3A_752, %dma_start3A_753] : memref<4x2x80xi32, #tpu.memory_space<vmem>> -> memref<1x1x80xi32, #tpu.memory_space<vmem>>
    %dma_start3A_755 = tpu.memref_squeeze %dma_start3A_754 : memref<1x1x80xi32, #tpu.memory_space<vmem>> -> memref<80xi32, #tpu.memory_space<vmem>>
    %dma_start3A_756 = arith.constant 0 : i32
    %dma_start3A_757 = arith.constant 0 : i32
    %dma_start3A_758 = tpu.memref_slice %arg7[%dma_start3A_756, %dma_start3A_757] : memref<10240x16xf32, #tpu.memory_space<vmem_shared>> -> memref<10240x16xf32, #tpu.memory_space<vmem_shared>>
    tpu.enqueue_indirect_dma source(%arg10 : memref<80x16xf32, #tpu.memory_space<vmem>>) target(%dma_start3A_758 : memref<10240x16xf32, #tpu.memory_space<vmem_shared>>) offsets(%dma_start3A_755 : memref<80xi32, #tpu.memory_space<vmem>>) semaphore(%arg15 : memref<!tpu.dma_semaphore, #tpu.memory_space<semaphore_mem>>) {add = true}
    %lt3A = arith.constant 15 : i32
    %lt3A_759 = arith.cmpi slt, %arg1, %lt3A : i32
    %convert_element_type3A = arith.extui %lt3A_759 : i1 to i32
    %cond3A = arith.constant 2 : i32
    %cond3A_760 = arith.constant 2 : i32
    %cond3A_761 = arith.constant 3 : i32
    %cond3A_762 = arith.constant 3 : i32
    %cond3A_763 = arith.constant 0 : i32
    %cond3A_764 = arith.cmpi ne, %convert_element_type3A, %cond3A_763 : i32
    scf.if %cond3A_764 {
      %dma_wait3A_1027 = arith.constant 0 : i32
      %dma_wait3A_1028 = arith.constant 0 : i32
      %dma_wait3A_1029 = tpu.memref_slice %arg9[%cond3A, %dma_wait3A_1027, %dma_wait3A_1028] : memref<4x2x80xi32, #tpu.memory_space<vmem>> -> memref<1x2x80xi32, #tpu.memory_space<vmem>>
      %dma_wait3A_1030 = tpu.memref_squeeze %dma_wait3A_1029 : memref<1x2x80xi32, #tpu.memory_space<vmem>> -> memref<2x80xi32, #tpu.memory_space<vmem>>
      %dma_wait3A_1031 = arith.constant 0 : i32
      %dma_wait3A_1032 = tpu.memref_slice %arg3[%min3A_78, %dma_wait3A_1031] : memref<125x80xi32, #tpu.memory_space<hbm>> -> memref<2x80xi32, #tpu.memory_space<hbm>>
      %dma_wait3A_1033 = arith.constant 0 : i32
      %dma_wait3A_1034 = arith.constant 0 : i32
      %dma_wait3A_1035 = tpu.memref_slice %arg9[%cond3A, %dma_wait3A_1033, %dma_wait3A_1034] : memref<4x2x80xi32, #tpu.memory_space<vmem>> -> memref<1x2x80xi32, #tpu.memory_space<vmem>>
      %dma_wait3A_1036 = tpu.memref_squeeze %dma_wait3A_1035 : memref<1x2x80xi32, #tpu.memory_space<vmem>> -> memref<2x80xi32, #tpu.memory_space<vmem>>
      %dma_wait3A_1037 = arith.constant 0 : i32
      %dma_wait3A_1038 = tpu.memref_slice %arg3[%min3A_78, %dma_wait3A_1037] : memref<125x80xi32, #tpu.memory_space<hbm>> -> memref<2x80xi32, #tpu.memory_space<hbm>>
      tpu.wait_dma2 semaphore(%arg12 : memref<!tpu.dma_semaphore, #tpu.memory_space<semaphore_mem>>) src(%dma_wait3A_1038 : memref<2x80xi32, #tpu.memory_space<hbm>>) dst(%dma_wait3A_1036 : memref<2x80xi32, #tpu.memory_space<vmem>>)
      %dma_wait3A_1039 = arith.constant 0 : i32
      %dma_wait3A_1040 = arith.constant 0 : i32
      %dma_wait3A_1041 = tpu.memref_slice %arg8[%cond3A_760, %dma_wait3A_1039, %dma_wait3A_1040] : memref<4x160x64xf32, #tpu.memory_space<vmem>> -> memref<1x160x64xf32, #tpu.memory_space<vmem>>
      %dma_wait3A_1042 = tpu.memref_squeeze %dma_wait3A_1041 : memref<1x160x64xf32, #tpu.memory_space<vmem>> -> memref<160x64xf32, #tpu.memory_space<vmem>>
      %dma_wait3A_1043 = tpu.memref_slice %arg2[%min3A_74, %mul3A_3] : memref<10000x128xf32, #tpu.memory_space<hbm>> -> memref<160x64xf32, #tpu.memory_space<hbm>>
      %dma_wait3A_1044 = arith.constant 0 : i32
      %dma_wait3A_1045 = arith.constant 0 : i32
      %dma_wait3A_1046 = tpu.memref_slice %arg8[%cond3A_760, %dma_wait3A_1044, %dma_wait3A_1045] : memref<4x160x64xf32, #tpu.memory_space<vmem>> -> memref<1x160x64xf32, #tpu.memory_space<vmem>>
      %dma_wait3A_1047 = tpu.memref_squeeze %dma_wait3A_1046 : memref<1x160x64xf32, #tpu.memory_space<vmem>> -> memref<160x64xf32, #tpu.memory_space<vmem>>
      %dma_wait3A_1048 = tpu.memref_slice %arg2[%min3A_74, %mul3A_3] : memref<10000x128xf32, #tpu.memory_space<hbm>> -> memref<160x64xf32, #tpu.memory_space<hbm>>
      tpu.wait_dma2 semaphore(%arg13 : memref<!tpu.dma_semaphore, #tpu.memory_space<semaphore_mem>>) src(%dma_wait3A_1048 : memref<160x64xf32, #tpu.memory_space<hbm>>) dst(%dma_wait3A_1047 : memref<160x64xf32, #tpu.memory_space<vmem>>)
      %dma_start3A_1049 = arith.constant 2 : i32
      %dma_start3A_1050 = arith.constant 2 : i32
      %dma_start3A_1051 = arith.constant 0 : i32
      %dma_start3A_1052 = arith.constant 0 : i32
      %dma_start3A_1053 = arith.constant 0 : i32
      %dma_start3A_1054 = tpu.memref_slice %arg8[%dma_start3A_1049, %dma_start3A_1052, %dma_start3A_1053] : memref<4x160x64xf32, #tpu.memory_space<vmem>> -> memref<1x80x64xf32, #tpu.memory_space<vmem>>
      %dma_start3A_1055 = tpu.memref_squeeze %dma_start3A_1054 : memref<1x80x64xf32, #tpu.memory_space<vmem>> -> memref<80x64xf32, #tpu.memory_space<vmem>>
      %dma_start3A_1056 = arith.constant 0 : i32
      %dma_start3A_1057 = tpu.memref_slice %arg9[%dma_start3A_1050, %dma_start3A_1051, %dma_start3A_1056] : memref<4x2x80xi32, #tpu.memory_space<vmem>> -> memref<1x1x80xi32, #tpu.memory_space<vmem>>
      %dma_start3A_1058 = tpu.memref_squeeze %dma_start3A_1057 : memref<1x1x80xi32, #tpu.memory_space<vmem>> -> memref<80xi32, #tpu.memory_space<vmem>>
      %dma_start3A_1059 = arith.constant 0 : i32
      %dma_start3A_1060 = arith.constant 0 : i32
      %dma_start3A_1061 = tpu.memref_slice %arg6[%dma_start3A_1059, %dma_start3A_1060] : memref<10240x64xf32, #tpu.memory_space<vmem_shared>> -> memref<10240x64xf32, #tpu.memory_space<vmem_shared>>
      tpu.enqueue_indirect_dma source(%dma_start3A_1055 : memref<80x64xf32, #tpu.memory_space<vmem>>) target(%dma_start3A_1061 : memref<10240x64xf32, #tpu.memory_space<vmem_shared>>) offsets(%dma_start3A_1058 : memref<80xi32, #tpu.memory_space<vmem>>) semaphore(%arg14 : memref<!tpu.dma_semaphore, #tpu.memory_space<semaphore_mem>>) {add = true}
      %dma_start3A_1062 = arith.constant 2 : i32
      %dma_start3A_1063 = arith.constant 0 : i32
      %dma_start3A_1064 = arith.constant 0 : i32
      %dma_start3A_1065 = tpu.memref_slice %arg9[%dma_start3A_1062, %dma_start3A_1063, %dma_start3A_1064] : memref<4x2x80xi32, #tpu.memory_space<vmem>> -> memref<1x1x80xi32, #tpu.memory_space<vmem>>
      %dma_start3A_1066 = tpu.memref_squeeze %dma_start3A_1065 : memref<1x1x80xi32, #tpu.memory_space<vmem>> -> memref<80xi32, #tpu.memory_space<vmem>>
      %dma_start3A_1067 = arith.constant 0 : i32
      %dma_start3A_1068 = arith.constant 0 : i32
      %dma_start3A_1069 = tpu.memref_slice %arg7[%dma_start3A_1067, %dma_start3A_1068] : memref<10240x16xf32, #tpu.memory_space<vmem_shared>> -> memref<10240x16xf32, #tpu.memory_space<vmem_shared>>
      tpu.enqueue_indirect_dma source(%arg10 : memref<80x16xf32, #tpu.memory_space<vmem>>) target(%dma_start3A_1069 : memref<10240x16xf32, #tpu.memory_space<vmem_shared>>) offsets(%dma_start3A_1066 : memref<80xi32, #tpu.memory_space<vmem>>) semaphore(%arg15 : memref<!tpu.dma_semaphore, #tpu.memory_space<semaphore_mem>>) {add = true}
      %dma_start3A_1070 = arith.constant 2 : i32
      %dma_start3A_1071 = arith.constant 2 : i32
      %dma_start3A_1072 = arith.constant 1 : i32
      %dma_start3A_1073 = arith.constant 80 : i32
      %dma_start3A_1074 = arith.constant 0 : i32
      %dma_start3A_1075 = tpu.memref_slice %arg8[%dma_start3A_1070, %dma_start3A_1073, %dma_start3A_1074] : memref<4x160x64xf32, #tpu.memory_space<vmem>> -> memref<1x80x64xf32, #tpu.memory_space<vmem>>
      %dma_start3A_1076 = tpu.memref_squeeze %dma_start3A_1075 : memref<1x80x64xf32, #tpu.memory_space<vmem>> -> memref<80x64xf32, #tpu.memory_space<vmem>>
      %dma_start3A_1077 = arith.constant 0 : i32
      %dma_start3A_1078 = tpu.memref_slice %arg9[%dma_start3A_1071, %dma_start3A_1072, %dma_start3A_1077] : memref<4x2x80xi32, #tpu.memory_space<vmem>> -> memref<1x1x80xi32, #tpu.memory_space<vmem>>
      %dma_start3A_1079 = tpu.memref_squeeze %dma_start3A_1078 : memref<1x1x80xi32, #tpu.memory_space<vmem>> -> memref<80xi32, #tpu.memory_space<vmem>>
      %dma_start3A_1080 = arith.constant 0 : i32
      %dma_start3A_1081 = arith.constant 0 : i32
      %dma_start3A_1082 = tpu.memref_slice %arg6[%dma_start3A_1080, %dma_start3A_1081] : memref<10240x64xf32, #tpu.memory_space<vmem_shared>> -> memref<10240x64xf32, #tpu.memory_space<vmem_shared>>
      tpu.enqueue_indirect_dma source(%dma_start3A_1076 : memref<80x64xf32, #tpu.memory_space<vmem>>) target(%dma_start3A_1082 : memref<10240x64xf32, #tpu.memory_space<vmem_shared>>) offsets(%dma_start3A_1079 : memref<80xi32, #tpu.memory_space<vmem>>) semaphore(%arg14 : memref<!tpu.dma_semaphore, #tpu.memory_space<semaphore_mem>>) {add = true}
      %dma_start3A_1083 = arith.constant 2 : i32
      %dma_start3A_1084 = arith.constant 1 : i32
      %dma_start3A_1085 = arith.constant 0 : i32
      %dma_start3A_1086 = tpu.memref_slice %arg9[%dma_start3A_1083, %dma_start3A_1084, %dma_start3A_1085] : memref<4x2x80xi32, #tpu.memory_space<vmem>> -> memref<1x1x80xi32, #tpu.memory_space<vmem>>
      %dma_start3A_1087 = tpu.memref_squeeze %dma_start3A_1086 : memref<1x1x80xi32, #tpu.memory_space<vmem>> -> memref<80xi32, #tpu.memory_space<vmem>>
      %dma_start3A_1088 = arith.constant 0 : i32
      %dma_start3A_1089 = arith.constant 0 : i32
      %dma_start3A_1090 = tpu.memref_slice %arg7[%dma_start3A_1088, %dma_start3A_1089] : memref<10240x16xf32, #tpu.memory_space<vmem_shared>> -> memref<10240x16xf32, #tpu.memory_space<vmem_shared>>
      tpu.enqueue_indirect_dma source(%arg10 : memref<80x16xf32, #tpu.memory_space<vmem>>) target(%dma_start3A_1090 : memref<10240x16xf32, #tpu.memory_space<vmem_shared>>) offsets(%dma_start3A_1087 : memref<80xi32, #tpu.memory_space<vmem>>) semaphore(%arg15 : memref<!tpu.dma_semaphore, #tpu.memory_space<semaphore_mem>>) {add = true}
      %dma_wait3A_1091 = arith.constant 0 : i32
      %dma_wait3A_1092 = arith.constant 0 : i32
      %dma_wait3A_1093 = tpu.memref_slice %arg9[%cond3A_761, %dma_wait3A_1091, %dma_wait3A_1092] : memref<4x2x80xi32, #tpu.memory_space<vmem>> -> memref<1x2x80xi32, #tpu.memory_space<vmem>>
      %dma_wait3A_1094 = tpu.memref_squeeze %dma_wait3A_1093 : memref<1x2x80xi32, #tpu.memory_space<vmem>> -> memref<2x80xi32, #tpu.memory_space<vmem>>
      %dma_wait3A_1095 = arith.constant 0 : i32
      %dma_wait3A_1096 = tpu.memref_slice %arg3[%min3A_110, %dma_wait3A_1095] : memref<125x80xi32, #tpu.memory_space<hbm>> -> memref<2x80xi32, #tpu.memory_space<hbm>>
      %dma_wait3A_1097 = arith.constant 0 : i32
      %dma_wait3A_1098 = arith.constant 0 : i32
      %dma_wait3A_1099 = tpu.memref_slice %arg9[%cond3A_761, %dma_wait3A_1097, %dma_wait3A_1098] : memref<4x2x80xi32, #tpu.memory_space<vmem>> -> memref<1x2x80xi32, #tpu.memory_space<vmem>>
      %dma_wait3A_1100 = tpu.memref_squeeze %dma_wait3A_1099 : memref<1x2x80xi32, #tpu.memory_space<vmem>> -> memref<2x80xi32, #tpu.memory_space<vmem>>
      %dma_wait3A_1101 = arith.constant 0 : i32
      %dma_wait3A_1102 = tpu.memref_slice %arg3[%min3A_110, %dma_wait3A_1101] : memref<125x80xi32, #tpu.memory_space<hbm>> -> memref<2x80xi32, #tpu.memory_space<hbm>>
      tpu.wait_dma2 semaphore(%arg12 : memref<!tpu.dma_semaphore, #tpu.memory_space<semaphore_mem>>) src(%dma_wait3A_1102 : memref<2x80xi32, #tpu.memory_space<hbm>>) dst(%dma_wait3A_1100 : memref<2x80xi32, #tpu.memory_space<vmem>>)
      %dma_wait3A_1103 = arith.constant 0 : i32
      %dma_wait3A_1104 = arith.constant 0 : i32
      %dma_wait3A_1105 = tpu.memref_slice %arg8[%cond3A_762, %dma_wait3A_1103, %dma_wait3A_1104] : memref<4x160x64xf32, #tpu.memory_space<vmem>> -> memref<1x160x64xf32, #tpu.memory_space<vmem>>
      %dma_wait3A_1106 = tpu.memref_squeeze %dma_wait3A_1105 : memref<1x160x64xf32, #tpu.memory_space<vmem>> -> memref<160x64xf32, #tpu.memory_space<vmem>>
      %dma_wait3A_1107 = tpu.memref_slice %arg2[%min3A_106, %mul3A_3] : memref<10000x128xf32, #tpu.memory_space<hbm>> -> memref<160x64xf32, #tpu.memory_space<hbm>>
      %dma_wait3A_1108 = arith.constant 0 : i32
      %dma_wait3A_1109 = arith.constant 0 : i32
      %dma_wait3A_1110 = tpu.memref_slice %arg8[%cond3A_762, %dma_wait3A_1108, %dma_wait3A_1109] : memref<4x160x64xf32, #tpu.memory_space<vmem>> -> memref<1x160x64xf32, #tpu.memory_space<vmem>>
      %dma_wait3A_1111 = tpu.memref_squeeze %dma_wait3A_1110 : memref<1x160x64xf32, #tpu.memory_space<vmem>> -> memref<160x64xf32, #tpu.memory_space<vmem>>
      %dma_wait3A_1112 = tpu.memref_slice %arg2[%min3A_106, %mul3A_3] : memref<10000x128xf32, #tpu.memory_space<hbm>> -> memref<160x64xf32, #tpu.memory_space<hbm>>
      tpu.wait_dma2 semaphore(%arg13 : memref<!tpu.dma_semaphore, #tpu.memory_space<semaphore_mem>>) src(%dma_wait3A_1112 : memref<160x64xf32, #tpu.memory_space<hbm>>) dst(%dma_wait3A_1111 : memref<160x64xf32, #tpu.memory_space<vmem>>)
      %dma_start3A_1113 = arith.constant 3 : i32
      %dma_start3A_1114 = arith.constant 3 : i32
      %dma_start3A_1115 = arith.constant 0 : i32
      %dma_start3A_1116 = arith.constant 0 : i32
      %dma_start3A_1117 = arith.constant 0 : i32
      %dma_start3A_1118 = tpu.memref_slice %arg8[%dma_start3A_1113, %dma_start3A_1116, %dma_start3A_1117] : memref<4x160x64xf32, #tpu.memory_space<vmem>> -> memref<1x80x64xf32, #tpu.memory_space<vmem>>
      %dma_start3A_1119 = tpu.memref_squeeze %dma_start3A_1118 : memref<1x80x64xf32, #tpu.memory_space<vmem>> -> memref<80x64xf32, #tpu.memory_space<vmem>>
      %dma_start3A_1120 = arith.constant 0 : i32
      %dma_start3A_1121 = tpu.memref_slice %arg9[%dma_start3A_1114, %dma_start3A_1115, %dma_start3A_1120] : memref<4x2x80xi32, #tpu.memory_space<vmem>> -> memref<1x1x80xi32, #tpu.memory_space<vmem>>
      %dma_start3A_1122 = tpu.memref_squeeze %dma_start3A_1121 : memref<1x1x80xi32, #tpu.memory_space<vmem>> -> memref<80xi32, #tpu.memory_space<vmem>>
      %dma_start3A_1123 = arith.constant 0 : i32
      %dma_start3A_1124 = arith.constant 0 : i32
      %dma_start3A_1125 = tpu.memref_slice %arg6[%dma_start3A_1123, %dma_start3A_1124] : memref<10240x64xf32, #tpu.memory_space<vmem_shared>> -> memref<10240x64xf32, #tpu.memory_space<vmem_shared>>
      tpu.enqueue_indirect_dma source(%dma_start3A_1119 : memref<80x64xf32, #tpu.memory_space<vmem>>) target(%dma_start3A_1125 : memref<10240x64xf32, #tpu.memory_space<vmem_shared>>) offsets(%dma_start3A_1122 : memref<80xi32, #tpu.memory_space<vmem>>) semaphore(%arg14 : memref<!tpu.dma_semaphore, #tpu.memory_space<semaphore_mem>>) {add = true}
      %dma_start3A_1126 = arith.constant 3 : i32
      %dma_start3A_1127 = arith.constant 0 : i32
      %dma_start3A_1128 = arith.constant 0 : i32
      %dma_start3A_1129 = tpu.memref_slice %arg9[%dma_start3A_1126, %dma_start3A_1127, %dma_start3A_1128] : memref<4x2x80xi32, #tpu.memory_space<vmem>> -> memref<1x1x80xi32, #tpu.memory_space<vmem>>
      %dma_start3A_1130 = tpu.memref_squeeze %dma_start3A_1129 : memref<1x1x80xi32, #tpu.memory_space<vmem>> -> memref<80xi32, #tpu.memory_space<vmem>>
      %dma_start3A_1131 = arith.constant 0 : i32
      %dma_start3A_1132 = arith.constant 0 : i32
      %dma_start3A_1133 = tpu.memref_slice %arg7[%dma_start3A_1131, %dma_start3A_1132] : memref<10240x16xf32, #tpu.memory_space<vmem_shared>> -> memref<10240x16xf32, #tpu.memory_space<vmem_shared>>
      tpu.enqueue_indirect_dma source(%arg10 : memref<80x16xf32, #tpu.memory_space<vmem>>) target(%dma_start3A_1133 : memref<10240x16xf32, #tpu.memory_space<vmem_shared>>) offsets(%dma_start3A_1130 : memref<80xi32, #tpu.memory_space<vmem>>) semaphore(%arg15 : memref<!tpu.dma_semaphore, #tpu.memory_space<semaphore_mem>>) {add = true}
      %dma_start3A_1134 = arith.constant 3 : i32
      %dma_start3A_1135 = arith.constant 3 : i32
      %dma_start3A_1136 = arith.constant 1 : i32
      %dma_start3A_1137 = arith.constant 80 : i32
      %dma_start3A_1138 = arith.constant 0 : i32
      %dma_start3A_1139 = tpu.memref_slice %arg8[%dma_start3A_1134, %dma_start3A_1137, %dma_start3A_1138] : memref<4x160x64xf32, #tpu.memory_space<vmem>> -> memref<1x80x64xf32, #tpu.memory_space<vmem>>
      %dma_start3A_1140 = tpu.memref_squeeze %dma_start3A_1139 : memref<1x80x64xf32, #tpu.memory_space<vmem>> -> memref<80x64xf32, #tpu.memory_space<vmem>>
      %dma_start3A_1141 = arith.constant 0 : i32
      %dma_start3A_1142 = tpu.memref_slice %arg9[%dma_start3A_1135, %dma_start3A_1136, %dma_start3A_1141] : memref<4x2x80xi32, #tpu.memory_space<vmem>> -> memref<1x1x80xi32, #tpu.memory_space<vmem>>
      %dma_start3A_1143 = tpu.memref_squeeze %dma_start3A_1142 : memref<1x1x80xi32, #tpu.memory_space<vmem>> -> memref<80xi32, #tpu.memory_space<vmem>>
      %dma_start3A_1144 = arith.constant 0 : i32
      %dma_start3A_1145 = arith.constant 0 : i32
      %dma_start3A_1146 = tpu.memref_slice %arg6[%dma_start3A_1144, %dma_start3A_1145] : memref<10240x64xf32, #tpu.memory_space<vmem_shared>> -> memref<10240x64xf32, #tpu.memory_space<vmem_shared>>
      tpu.enqueue_indirect_dma source(%dma_start3A_1140 : memref<80x64xf32, #tpu.memory_space<vmem>>) target(%dma_start3A_1146 : memref<10240x64xf32, #tpu.memory_space<vmem_shared>>) offsets(%dma_start3A_1143 : memref<80xi32, #tpu.memory_space<vmem>>) semaphore(%arg14 : memref<!tpu.dma_semaphore, #tpu.memory_space<semaphore_mem>>) {add = true}
      %dma_start3A_1147 = arith.constant 3 : i32
      %dma_start3A_1148 = arith.constant 1 : i32
      %dma_start3A_1149 = arith.constant 0 : i32
      %dma_start3A_1150 = tpu.memref_slice %arg9[%dma_start3A_1147, %dma_start3A_1148, %dma_start3A_1149] : memref<4x2x80xi32, #tpu.memory_space<vmem>> -> memref<1x1x80xi32, #tpu.memory_space<vmem>>
      %dma_start3A_1151 = tpu.memref_squeeze %dma_start3A_1150 : memref<1x1x80xi32, #tpu.memory_space<vmem>> -> memref<80xi32, #tpu.memory_space<vmem>>
      %dma_start3A_1152 = arith.constant 0 : i32
      %dma_start3A_1153 = arith.constant 0 : i32
      %dma_start3A_1154 = tpu.memref_slice %arg7[%dma_start3A_1152, %dma_start3A_1153] : memref<10240x16xf32, #tpu.memory_space<vmem_shared>> -> memref<10240x16xf32, #tpu.memory_space<vmem_shared>>
      tpu.enqueue_indirect_dma source(%arg10 : memref<80x16xf32, #tpu.memory_space<vmem>>) target(%dma_start3A_1154 : memref<10240x16xf32, #tpu.memory_space<vmem_shared>>) offsets(%dma_start3A_1151 : memref<80xi32, #tpu.memory_space<vmem>>) semaphore(%arg15 : memref<!tpu.dma_semaphore, #tpu.memory_space<semaphore_mem>>) {add = true}
      %dma_wait3A_1155 = arith.constant 2 : i32
      %dma_wait3A_1156 = arith.constant 2 : i32
      %dma_wait3A_1157 = arith.constant 0 : i32
      %dma_wait3A_1158 = arith.constant 0 : i32
      %dma_wait3A_1159 = arith.constant 0 : i32
      %dma_wait3A_1160 = tpu.memref_slice %arg8[%dma_wait3A_1155, %dma_wait3A_1158, %dma_wait3A_1159] : memref<4x160x64xf32, #tpu.memory_space<vmem>> -> memref<1x80x64xf32, #tpu.memory_space<vmem>>
      %dma_wait3A_1161 = tpu.memref_squeeze %dma_wait3A_1160 : memref<1x80x64xf32, #tpu.memory_space<vmem>> -> memref<80x64xf32, #tpu.memory_space<vmem>>
      %dma_wait3A_1162 = arith.constant 0 : i32
      %dma_wait3A_1163 = tpu.memref_slice %arg9[%dma_wait3A_1156, %dma_wait3A_1157, %dma_wait3A_1162] : memref<4x2x80xi32, #tpu.memory_space<vmem>> -> memref<1x1x80xi32, #tpu.memory_space<vmem>>
      %dma_wait3A_1164 = tpu.memref_squeeze %dma_wait3A_1163 : memref<1x1x80xi32, #tpu.memory_space<vmem>> -> memref<80xi32, #tpu.memory_space<vmem>>
      %dma_wait3A_1165 = arith.constant 0 : i32
      %dma_wait3A_1166 = arith.constant 0 : i32
      %dma_wait3A_1167 = tpu.memref_slice %arg6[%dma_wait3A_1165, %dma_wait3A_1166] : memref<10240x64xf32, #tpu.memory_space<vmem_shared>> -> memref<10240x64xf32, #tpu.memory_space<vmem_shared>>
      tpu.wait_indirect_dma semaphore(%arg14 : memref<!tpu.dma_semaphore, #tpu.memory_space<semaphore_mem>>) src(%dma_wait3A_1161 : memref<80x64xf32, #tpu.memory_space<vmem>>) dst(%dma_wait3A_1167 : memref<10240x64xf32, #tpu.memory_space<vmem_shared>>)
      %dma_wait3A_1168 = arith.constant 2 : i32
      %dma_wait3A_1169 = arith.constant 0 : i32
      %dma_wait3A_1170 = arith.constant 0 : i32
      %dma_wait3A_1171 = tpu.memref_slice %arg9[%dma_wait3A_1168, %dma_wait3A_1169, %dma_wait3A_1170] : memref<4x2x80xi32, #tpu.memory_space<vmem>> -> memref<1x1x80xi32, #tpu.memory_space<vmem>>
      %dma_wait3A_1172 = tpu.memref_squeeze %dma_wait3A_1171 : memref<1x1x80xi32, #tpu.memory_space<vmem>> -> memref<80xi32, #tpu.memory_space<vmem>>
      %dma_wait3A_1173 = arith.constant 0 : i32
      %dma_wait3A_1174 = arith.constant 0 : i32
      %dma_wait3A_1175 = tpu.memref_slice %arg7[%dma_wait3A_1173, %dma_wait3A_1174] : memref<10240x16xf32, #tpu.memory_space<vmem_shared>> -> memref<10240x16xf32, #tpu.memory_space<vmem_shared>>
      tpu.wait_indirect_dma semaphore(%arg15 : memref<!tpu.dma_semaphore, #tpu.memory_space<semaphore_mem>>) src(%arg10 : memref<80x16xf32, #tpu.memory_space<vmem>>) dst(%dma_wait3A_1175 : memref<10240x16xf32, #tpu.memory_space<vmem_shared>>)
      %dma_wait3A_1176 = arith.constant 2 : i32
      %dma_wait3A_1177 = arith.constant 2 : i32
      %dma_wait3A_1178 = arith.constant 1 : i32
      %dma_wait3A_1179 = arith.constant 80 : i32
      %dma_wait3A_1180 = arith.constant 0 : i32
      %dma_wait3A_1181 = tpu.memref_slice %arg8[%dma_wait3A_1176, %dma_wait3A_1179, %dma_wait3A_1180] : memref<4x160x64xf32, #tpu.memory_space<vmem>> -> memref<1x80x64xf32, #tpu.memory_space<vmem>>
      %dma_wait3A_1182 = tpu.memref_squeeze %dma_wait3A_1181 : memref<1x80x64xf32, #tpu.memory_space<vmem>> -> memref<80x64xf32, #tpu.memory_space<vmem>>
      %dma_wait3A_1183 = arith.constant 0 : i32
      %dma_wait3A_1184 = tpu.memref_slice %arg9[%dma_wait3A_1177, %dma_wait3A_1178, %dma_wait3A_1183] : memref<4x2x80xi32, #tpu.memory_space<vmem>> -> memref<1x1x80xi32, #tpu.memory_space<vmem>>
      %dma_wait3A_1185 = tpu.memref_squeeze %dma_wait3A_1184 : memref<1x1x80xi32, #tpu.memory_space<vmem>> -> memref<80xi32, #tpu.memory_space<vmem>>
      %dma_wait3A_1186 = arith.constant 0 : i32
      %dma_wait3A_1187 = arith.constant 0 : i32
      %dma_wait3A_1188 = tpu.memref_slice %arg6[%dma_wait3A_1186, %dma_wait3A_1187] : memref<10240x64xf32, #tpu.memory_space<vmem_shared>> -> memref<10240x64xf32, #tpu.memory_space<vmem_shared>>
      tpu.wait_indirect_dma semaphore(%arg14 : memref<!tpu.dma_semaphore, #tpu.memory_space<semaphore_mem>>) src(%dma_wait3A_1182 : memref<80x64xf32, #tpu.memory_space<vmem>>) dst(%dma_wait3A_1188 : memref<10240x64xf32, #tpu.memory_space<vmem_shared>>)
      %dma_wait3A_1189 = arith.constant 2 : i32
      %dma_wait3A_1190 = arith.constant 1 : i32
      %dma_wait3A_1191 = arith.constant 0 : i32
      %dma_wait3A_1192 = tpu.memref_slice %arg9[%dma_wait3A_1189, %dma_wait3A_1190, %dma_wait3A_1191] : memref<4x2x80xi32, #tpu.memory_space<vmem>> -> memref<1x1x80xi32, #tpu.memory_space<vmem>>
      %dma_wait3A_1193 = tpu.memref_squeeze %dma_wait3A_1192 : memref<1x1x80xi32, #tpu.memory_space<vmem>> -> memref<80xi32, #tpu.memory_space<vmem>>
      %dma_wait3A_1194 = arith.constant 0 : i32
      %dma_wait3A_1195 = arith.constant 0 : i32
      %dma_wait3A_1196 = tpu.memref_slice %arg7[%dma_wait3A_1194, %dma_wait3A_1195] : memref<10240x16xf32, #tpu.memory_space<vmem_shared>> -> memref<10240x16xf32, #tpu.memory_space<vmem_shared>>
      tpu.wait_indirect_dma semaphore(%arg15 : memref<!tpu.dma_semaphore, #tpu.memory_space<semaphore_mem>>) src(%arg10 : memref<80x16xf32, #tpu.memory_space<vmem>>) dst(%dma_wait3A_1196 : memref<10240x16xf32, #tpu.memory_space<vmem_shared>>)
      %dma_wait3A_1197 = arith.constant 3 : i32
      %dma_wait3A_1198 = arith.constant 3 : i32
      %dma_wait3A_1199 = arith.constant 0 : i32
      %dma_wait3A_1200 = arith.constant 0 : i32
      %dma_wait3A_1201 = arith.constant 0 : i32
      %dma_wait3A_1202 = tpu.memref_slice %arg8[%dma_wait3A_1197, %dma_wait3A_1200, %dma_wait3A_1201] : memref<4x160x64xf32, #tpu.memory_space<vmem>> -> memref<1x80x64xf32, #tpu.memory_space<vmem>>
      %dma_wait3A_1203 = tpu.memref_squeeze %dma_wait3A_1202 : memref<1x80x64xf32, #tpu.memory_space<vmem>> -> memref<80x64xf32, #tpu.memory_space<vmem>>
      %dma_wait3A_1204 = arith.constant 0 : i32
      %dma_wait3A_1205 = tpu.memref_slice %arg9[%dma_wait3A_1198, %dma_wait3A_1199, %dma_wait3A_1204] : memref<4x2x80xi32, #tpu.memory_space<vmem>> -> memref<1x1x80xi32, #tpu.memory_space<vmem>>
      %dma_wait3A_1206 = tpu.memref_squeeze %dma_wait3A_1205 : memref<1x1x80xi32, #tpu.memory_space<vmem>> -> memref<80xi32, #tpu.memory_space<vmem>>
      %dma_wait3A_1207 = arith.constant 0 : i32
      %dma_wait3A_1208 = arith.constant 0 : i32
      %dma_wait3A_1209 = tpu.memref_slice %arg6[%dma_wait3A_1207, %dma_wait3A_1208] : memref<10240x64xf32, #tpu.memory_space<vmem_shared>> -> memref<10240x64xf32, #tpu.memory_space<vmem_shared>>
      tpu.wait_indirect_dma semaphore(%arg14 : memref<!tpu.dma_semaphore, #tpu.memory_space<semaphore_mem>>) src(%dma_wait3A_1203 : memref<80x64xf32, #tpu.memory_space<vmem>>) dst(%dma_wait3A_1209 : memref<10240x64xf32, #tpu.memory_space<vmem_shared>>)
      %dma_wait3A_1210 = arith.constant 3 : i32
      %dma_wait3A_1211 = arith.constant 0 : i32
      %dma_wait3A_1212 = arith.constant 0 : i32
      %dma_wait3A_1213 = tpu.memref_slice %arg9[%dma_wait3A_1210, %dma_wait3A_1211, %dma_wait3A_1212] : memref<4x2x80xi32, #tpu.memory_space<vmem>> -> memref<1x1x80xi32, #tpu.memory_space<vmem>>
      %dma_wait3A_1214 = tpu.memref_squeeze %dma_wait3A_1213 : memref<1x1x80xi32, #tpu.memory_space<vmem>> -> memref<80xi32, #tpu.memory_space<vmem>>
      %dma_wait3A_1215 = arith.constant 0 : i32
      %dma_wait3A_1216 = arith.constant 0 : i32
      %dma_wait3A_1217 = tpu.memref_slice %arg7[%dma_wait3A_1215, %dma_wait3A_1216] : memref<10240x16xf32, #tpu.memory_space<vmem_shared>> -> memref<10240x16xf32, #tpu.memory_space<vmem_shared>>
      tpu.wait_indirect_dma semaphore(%arg15 : memref<!tpu.dma_semaphore, #tpu.memory_space<semaphore_mem>>) src(%arg10 : memref<80x16xf32, #tpu.memory_space<vmem>>) dst(%dma_wait3A_1217 : memref<10240x16xf32, #tpu.memory_space<vmem_shared>>)
      %dma_wait3A_1218 = arith.constant 3 : i32
      %dma_wait3A_1219 = arith.constant 3 : i32
      %dma_wait3A_1220 = arith.constant 1 : i32
      %dma_wait3A_1221 = arith.constant 80 : i32
      %dma_wait3A_1222 = arith.constant 0 : i32
      %dma_wait3A_1223 = tpu.memref_slice %arg8[%dma_wait3A_1218, %dma_wait3A_1221, %dma_wait3A_1222] : memref<4x160x64xf32, #tpu.memory_space<vmem>> -> memref<1x80x64xf32, #tpu.memory_space<vmem>>
      %dma_wait3A_1224 = tpu.memref_squeeze %dma_wait3A_1223 : memref<1x80x64xf32, #tpu.memory_space<vmem>> -> memref<80x64xf32, #tpu.memory_space<vmem>>
      %dma_wait3A_1225 = arith.constant 0 : i32
      %dma_wait3A_1226 = tpu.memref_slice %arg9[%dma_wait3A_1219, %dma_wait3A_1220, %dma_wait3A_1225] : memref<4x2x80xi32, #tpu.memory_space<vmem>> -> memref<1x1x80xi32, #tpu.memory_space<vmem>>
      %dma_wait3A_1227 = tpu.memref_squeeze %dma_wait3A_1226 : memref<1x1x80xi32, #tpu.memory_space<vmem>> -> memref<80xi32, #tpu.memory_space<vmem>>
      %dma_wait3A_1228 = arith.constant 0 : i32
      %dma_wait3A_1229 = arith.constant 0 : i32
      %dma_wait3A_1230 = tpu.memref_slice %arg6[%dma_wait3A_1228, %dma_wait3A_1229] : memref<10240x64xf32, #tpu.memory_space<vmem_shared>> -> memref<10240x64xf32, #tpu.memory_space<vmem_shared>>
      tpu.wait_indirect_dma semaphore(%arg14 : memref<!tpu.dma_semaphore, #tpu.memory_space<semaphore_mem>>) src(%dma_wait3A_1224 : memref<80x64xf32, #tpu.memory_space<vmem>>) dst(%dma_wait3A_1230 : memref<10240x64xf32, #tpu.memory_space<vmem_shared>>)
      %dma_wait3A_1231 = arith.constant 3 : i32
      %dma_wait3A_1232 = arith.constant 1 : i32
      %dma_wait3A_1233 = arith.constant 0 : i32
      %dma_wait3A_1234 = tpu.memref_slice %arg9[%dma_wait3A_1231, %dma_wait3A_1232, %dma_wait3A_1233] : memref<4x2x80xi32, #tpu.memory_space<vmem>> -> memref<1x1x80xi32, #tpu.memory_space<vmem>>
      %dma_wait3A_1235 = tpu.memref_squeeze %dma_wait3A_1234 : memref<1x1x80xi32, #tpu.memory_space<vmem>> -> memref<80xi32, #tpu.memory_space<vmem>>
      %dma_wait3A_1236 = arith.constant 0 : i32
      %dma_wait3A_1237 = arith.constant 0 : i32
      %dma_wait3A_1238 = tpu.memref_slice %arg7[%dma_wait3A_1236, %dma_wait3A_1237] : memref<10240x16xf32, #tpu.memory_space<vmem_shared>> -> memref<10240x16xf32, #tpu.memory_space<vmem_shared>>
      tpu.wait_indirect_dma semaphore(%arg15 : memref<!tpu.dma_semaphore, #tpu.memory_space<semaphore_mem>>) src(%arg10 : memref<80x16xf32, #tpu.memory_space<vmem>>) dst(%dma_wait3A_1238 : memref<10240x16xf32, #tpu.memory_space<vmem_shared>>)
    } else {
    }
    %eq3A = arith.constant 15 : i32
    %eq3A_765 = arith.cmpi eq, %arg1, %eq3A : i32
    %convert_element_type3A_766 = arith.extui %eq3A_765 : i1 to i32
    %cond3A_767 = arith.constant 2 : i32
    %cond3A_768 = arith.constant 2 : i32
    %cond3A_769 = arith.constant 3 : i32
    %cond3A_770 = arith.constant 3 : i32
    %cond3A_771 = arith.constant 0 : i32
    %cond3A_772 = arith.cmpi ne, %convert_element_type3A_766, %cond3A_771 : i32
    scf.if %cond3A_772 {
      %dma_wait3A_1027 = arith.constant 0 : i32
      %dma_wait3A_1028 = arith.constant 0 : i32
      %dma_wait3A_1029 = tpu.memref_slice %arg9[%cond3A_767, %dma_wait3A_1027, %dma_wait3A_1028] : memref<4x2x80xi32, #tpu.memory_space<vmem>> -> memref<1x2x80xi32, #tpu.memory_space<vmem>>
      %dma_wait3A_1030 = tpu.memref_squeeze %dma_wait3A_1029 : memref<1x2x80xi32, #tpu.memory_space<vmem>> -> memref<2x80xi32, #tpu.memory_space<vmem>>
      %dma_wait3A_1031 = arith.constant 0 : i32
      %dma_wait3A_1032 = tpu.memref_slice %arg3[%min3A_78, %dma_wait3A_1031] : memref<125x80xi32, #tpu.memory_space<hbm>> -> memref<2x80xi32, #tpu.memory_space<hbm>>
      %dma_wait3A_1033 = arith.constant 0 : i32
      %dma_wait3A_1034 = arith.constant 0 : i32
      %dma_wait3A_1035 = tpu.memref_slice %arg9[%cond3A_767, %dma_wait3A_1033, %dma_wait3A_1034] : memref<4x2x80xi32, #tpu.memory_space<vmem>> -> memref<1x2x80xi32, #tpu.memory_space<vmem>>
      %dma_wait3A_1036 = tpu.memref_squeeze %dma_wait3A_1035 : memref<1x2x80xi32, #tpu.memory_space<vmem>> -> memref<2x80xi32, #tpu.memory_space<vmem>>
      %dma_wait3A_1037 = arith.constant 0 : i32
      %dma_wait3A_1038 = tpu.memref_slice %arg3[%min3A_78, %dma_wait3A_1037] : memref<125x80xi32, #tpu.memory_space<hbm>> -> memref<2x80xi32, #tpu.memory_space<hbm>>
      tpu.wait_dma2 semaphore(%arg12 : memref<!tpu.dma_semaphore, #tpu.memory_space<semaphore_mem>>) src(%dma_wait3A_1038 : memref<2x80xi32, #tpu.memory_space<hbm>>) dst(%dma_wait3A_1036 : memref<2x80xi32, #tpu.memory_space<vmem>>)
      %dma_wait3A_1039 = arith.constant 0 : i32
      %dma_wait3A_1040 = arith.constant 0 : i32
      %dma_wait3A_1041 = tpu.memref_slice %arg8[%cond3A_768, %dma_wait3A_1039, %dma_wait3A_1040] : memref<4x160x64xf32, #tpu.memory_space<vmem>> -> memref<1x160x64xf32, #tpu.memory_space<vmem>>
      %dma_wait3A_1042 = tpu.memref_squeeze %dma_wait3A_1041 : memref<1x160x64xf32, #tpu.memory_space<vmem>> -> memref<160x64xf32, #tpu.memory_space<vmem>>
      %dma_wait3A_1043 = tpu.memref_slice %arg2[%min3A_74, %mul3A_3] : memref<10000x128xf32, #tpu.memory_space<hbm>> -> memref<160x64xf32, #tpu.memory_space<hbm>>
      %dma_wait3A_1044 = arith.constant 0 : i32
      %dma_wait3A_1045 = arith.constant 0 : i32
      %dma_wait3A_1046 = tpu.memref_slice %arg8[%cond3A_768, %dma_wait3A_1044, %dma_wait3A_1045] : memref<4x160x64xf32, #tpu.memory_space<vmem>> -> memref<1x160x64xf32, #tpu.memory_space<vmem>>
      %dma_wait3A_1047 = tpu.memref_squeeze %dma_wait3A_1046 : memref<1x160x64xf32, #tpu.memory_space<vmem>> -> memref<160x64xf32, #tpu.memory_space<vmem>>
      %dma_wait3A_1048 = tpu.memref_slice %arg2[%min3A_74, %mul3A_3] : memref<10000x128xf32, #tpu.memory_space<hbm>> -> memref<160x64xf32, #tpu.memory_space<hbm>>
      tpu.wait_dma2 semaphore(%arg13 : memref<!tpu.dma_semaphore, #tpu.memory_space<semaphore_mem>>) src(%dma_wait3A_1048 : memref<160x64xf32, #tpu.memory_space<hbm>>) dst(%dma_wait3A_1047 : memref<160x64xf32, #tpu.memory_space<vmem>>)
      %dma_wait3A_1049 = arith.constant 0 : i32
      %dma_wait3A_1050 = arith.constant 0 : i32
      %dma_wait3A_1051 = tpu.memref_slice %arg9[%cond3A_769, %dma_wait3A_1049, %dma_wait3A_1050] : memref<4x2x80xi32, #tpu.memory_space<vmem>> -> memref<1x2x80xi32, #tpu.memory_space<vmem>>
      %dma_wait3A_1052 = tpu.memref_squeeze %dma_wait3A_1051 : memref<1x2x80xi32, #tpu.memory_space<vmem>> -> memref<2x80xi32, #tpu.memory_space<vmem>>
      %dma_wait3A_1053 = arith.constant 0 : i32
      %dma_wait3A_1054 = tpu.memref_slice %arg3[%min3A_110, %dma_wait3A_1053] : memref<125x80xi32, #tpu.memory_space<hbm>> -> memref<2x80xi32, #tpu.memory_space<hbm>>
      %dma_wait3A_1055 = arith.constant 0 : i32
      %dma_wait3A_1056 = arith.constant 0 : i32
      %dma_wait3A_1057 = tpu.memref_slice %arg9[%cond3A_769, %dma_wait3A_1055, %dma_wait3A_1056] : memref<4x2x80xi32, #tpu.memory_space<vmem>> -> memref<1x2x80xi32, #tpu.memory_space<vmem>>
      %dma_wait3A_1058 = tpu.memref_squeeze %dma_wait3A_1057 : memref<1x2x80xi32, #tpu.memory_space<vmem>> -> memref<2x80xi32, #tpu.memory_space<vmem>>
      %dma_wait3A_1059 = arith.constant 0 : i32
      %dma_wait3A_1060 = tpu.memref_slice %arg3[%min3A_110, %dma_wait3A_1059] : memref<125x80xi32, #tpu.memory_space<hbm>> -> memref<2x80xi32, #tpu.memory_space<hbm>>
      tpu.wait_dma2 semaphore(%arg12 : memref<!tpu.dma_semaphore, #tpu.memory_space<semaphore_mem>>) src(%dma_wait3A_1060 : memref<2x80xi32, #tpu.memory_space<hbm>>) dst(%dma_wait3A_1058 : memref<2x80xi32, #tpu.memory_space<vmem>>)
      %dma_wait3A_1061 = arith.constant 0 : i32
      %dma_wait3A_1062 = arith.constant 0 : i32
      %dma_wait3A_1063 = tpu.memref_slice %arg8[%cond3A_770, %dma_wait3A_1061, %dma_wait3A_1062] : memref<4x160x64xf32, #tpu.memory_space<vmem>> -> memref<1x160x64xf32, #tpu.memory_space<vmem>>
      %dma_wait3A_1064 = tpu.memref_squeeze %dma_wait3A_1063 : memref<1x160x64xf32, #tpu.memory_space<vmem>> -> memref<160x64xf32, #tpu.memory_space<vmem>>
      %dma_wait3A_1065 = tpu.memref_slice %arg2[%min3A_106, %mul3A_3] : memref<10000x128xf32, #tpu.memory_space<hbm>> -> memref<160x64xf32, #tpu.memory_space<hbm>>
      %dma_wait3A_1066 = arith.constant 0 : i32
      %dma_wait3A_1067 = arith.constant 0 : i32
      %dma_wait3A_1068 = tpu.memref_slice %arg8[%cond3A_770, %dma_wait3A_1066, %dma_wait3A_1067] : memref<4x160x64xf32, #tpu.memory_space<vmem>> -> memref<1x160x64xf32, #tpu.memory_space<vmem>>
      %dma_wait3A_1069 = tpu.memref_squeeze %dma_wait3A_1068 : memref<1x160x64xf32, #tpu.memory_space<vmem>> -> memref<160x64xf32, #tpu.memory_space<vmem>>
      %dma_wait3A_1070 = tpu.memref_slice %arg2[%min3A_106, %mul3A_3] : memref<10000x128xf32, #tpu.memory_space<hbm>> -> memref<160x64xf32, #tpu.memory_space<hbm>>
      tpu.wait_dma2 semaphore(%arg13 : memref<!tpu.dma_semaphore, #tpu.memory_space<semaphore_mem>>) src(%dma_wait3A_1070 : memref<160x64xf32, #tpu.memory_space<hbm>>) dst(%dma_wait3A_1069 : memref<160x64xf32, #tpu.memory_space<vmem>>)
      %dma_start3A_1071 = arith.constant 2 : i32
      %dma_start3A_1072 = arith.constant 2 : i32
      %dma_start3A_1073 = arith.constant 1 : i32
      %dma_start3A_1074 = arith.constant 80 : i32
      %dma_start3A_1075 = arith.constant 0 : i32
      %dma_start3A_1076 = tpu.memref_slice %arg8[%dma_start3A_1071, %dma_start3A_1074, %dma_start3A_1075] : memref<4x160x64xf32, #tpu.memory_space<vmem>> -> memref<1x80x64xf32, #tpu.memory_space<vmem>>
      %dma_start3A_1077 = tpu.memref_squeeze %dma_start3A_1076 : memref<1x80x64xf32, #tpu.memory_space<vmem>> -> memref<80x64xf32, #tpu.memory_space<vmem>>
      %dma_start3A_1078 = arith.constant 0 : i32
      %dma_start3A_1079 = tpu.memref_slice %arg9[%dma_start3A_1072, %dma_start3A_1073, %dma_start3A_1078] : memref<4x2x80xi32, #tpu.memory_space<vmem>> -> memref<1x1x80xi32, #tpu.memory_space<vmem>>
      %dma_start3A_1080 = tpu.memref_squeeze %dma_start3A_1079 : memref<1x1x80xi32, #tpu.memory_space<vmem>> -> memref<80xi32, #tpu.memory_space<vmem>>
      %dma_start3A_1081 = arith.constant 0 : i32
      %dma_start3A_1082 = arith.constant 0 : i32
      %dma_start3A_1083 = tpu.memref_slice %arg6[%dma_start3A_1081, %dma_start3A_1082] : memref<10240x64xf32, #tpu.memory_space<vmem_shared>> -> memref<10240x64xf32, #tpu.memory_space<vmem_shared>>
      tpu.enqueue_indirect_dma source(%dma_start3A_1077 : memref<80x64xf32, #tpu.memory_space<vmem>>) target(%dma_start3A_1083 : memref<10240x64xf32, #tpu.memory_space<vmem_shared>>) offsets(%dma_start3A_1080 : memref<80xi32, #tpu.memory_space<vmem>>) semaphore(%arg14 : memref<!tpu.dma_semaphore, #tpu.memory_space<semaphore_mem>>) {add = true}
      %dma_start3A_1084 = arith.constant 2 : i32
      %dma_start3A_1085 = arith.constant 1 : i32
      %dma_start3A_1086 = arith.constant 0 : i32
      %dma_start3A_1087 = tpu.memref_slice %arg9[%dma_start3A_1084, %dma_start3A_1085, %dma_start3A_1086] : memref<4x2x80xi32, #tpu.memory_space<vmem>> -> memref<1x1x80xi32, #tpu.memory_space<vmem>>
      %dma_start3A_1088 = tpu.memref_squeeze %dma_start3A_1087 : memref<1x1x80xi32, #tpu.memory_space<vmem>> -> memref<80xi32, #tpu.memory_space<vmem>>
      %dma_start3A_1089 = arith.constant 0 : i32
      %dma_start3A_1090 = arith.constant 0 : i32
      %dma_start3A_1091 = tpu.memref_slice %arg7[%dma_start3A_1089, %dma_start3A_1090] : memref<10240x16xf32, #tpu.memory_space<vmem_shared>> -> memref<10240x16xf32, #tpu.memory_space<vmem_shared>>
      tpu.enqueue_indirect_dma source(%arg10 : memref<80x16xf32, #tpu.memory_space<vmem>>) target(%dma_start3A_1091 : memref<10240x16xf32, #tpu.memory_space<vmem_shared>>) offsets(%dma_start3A_1088 : memref<80xi32, #tpu.memory_space<vmem>>) semaphore(%arg15 : memref<!tpu.dma_semaphore, #tpu.memory_space<semaphore_mem>>) {add = true}
      %dma_wait3A_1092 = arith.constant 2 : i32
      %dma_wait3A_1093 = arith.constant 2 : i32
      %dma_wait3A_1094 = arith.constant 1 : i32
      %dma_wait3A_1095 = arith.constant 80 : i32
      %dma_wait3A_1096 = arith.constant 0 : i32
      %dma_wait3A_1097 = tpu.memref_slice %arg8[%dma_wait3A_1092, %dma_wait3A_1095, %dma_wait3A_1096] : memref<4x160x64xf32, #tpu.memory_space<vmem>> -> memref<1x80x64xf32, #tpu.memory_space<vmem>>
      %dma_wait3A_1098 = tpu.memref_squeeze %dma_wait3A_1097 : memref<1x80x64xf32, #tpu.memory_space<vmem>> -> memref<80x64xf32, #tpu.memory_space<vmem>>
      %dma_wait3A_1099 = arith.constant 0 : i32
      %dma_wait3A_1100 = tpu.memref_slice %arg9[%dma_wait3A_1093, %dma_wait3A_1094, %dma_wait3A_1099] : memref<4x2x80xi32, #tpu.memory_space<vmem>> -> memref<1x1x80xi32, #tpu.memory_space<vmem>>
      %dma_wait3A_1101 = tpu.memref_squeeze %dma_wait3A_1100 : memref<1x1x80xi32, #tpu.memory_space<vmem>> -> memref<80xi32, #tpu.memory_space<vmem>>
      %dma_wait3A_1102 = arith.constant 0 : i32
      %dma_wait3A_1103 = arith.constant 0 : i32
      %dma_wait3A_1104 = tpu.memref_slice %arg6[%dma_wait3A_1102, %dma_wait3A_1103] : memref<10240x64xf32, #tpu.memory_space<vmem_shared>> -> memref<10240x64xf32, #tpu.memory_space<vmem_shared>>
      tpu.wait_indirect_dma semaphore(%arg14 : memref<!tpu.dma_semaphore, #tpu.memory_space<semaphore_mem>>) src(%dma_wait3A_1098 : memref<80x64xf32, #tpu.memory_space<vmem>>) dst(%dma_wait3A_1104 : memref<10240x64xf32, #tpu.memory_space<vmem_shared>>)
      %dma_wait3A_1105 = arith.constant 2 : i32
      %dma_wait3A_1106 = arith.constant 1 : i32
      %dma_wait3A_1107 = arith.constant 0 : i32
      %dma_wait3A_1108 = tpu.memref_slice %arg9[%dma_wait3A_1105, %dma_wait3A_1106, %dma_wait3A_1107] : memref<4x2x80xi32, #tpu.memory_space<vmem>> -> memref<1x1x80xi32, #tpu.memory_space<vmem>>
      %dma_wait3A_1109 = tpu.memref_squeeze %dma_wait3A_1108 : memref<1x1x80xi32, #tpu.memory_space<vmem>> -> memref<80xi32, #tpu.memory_space<vmem>>
      %dma_wait3A_1110 = arith.constant 0 : i32
      %dma_wait3A_1111 = arith.constant 0 : i32
      %dma_wait3A_1112 = tpu.memref_slice %arg7[%dma_wait3A_1110, %dma_wait3A_1111] : memref<10240x16xf32, #tpu.memory_space<vmem_shared>> -> memref<10240x16xf32, #tpu.memory_space<vmem_shared>>
      tpu.wait_indirect_dma semaphore(%arg15 : memref<!tpu.dma_semaphore, #tpu.memory_space<semaphore_mem>>) src(%arg10 : memref<80x16xf32, #tpu.memory_space<vmem>>) dst(%dma_wait3A_1112 : memref<10240x16xf32, #tpu.memory_space<vmem_shared>>)
    } else {
    }
    %dma_wait3A_773 = arith.constant 0 : i32
    %dma_wait3A_774 = arith.constant 0 : i32
    %dma_wait3A_775 = arith.constant 0 : i32
    %dma_wait3A_776 = arith.constant 0 : i32
    %dma_wait3A_777 = arith.constant 0 : i32
    %dma_wait3A_778 = tpu.memref_slice %arg8[%dma_wait3A_773, %dma_wait3A_776, %dma_wait3A_777] : memref<4x160x64xf32, #tpu.memory_space<vmem>> -> memref<1x80x64xf32, #tpu.memory_space<vmem>>
    %dma_wait3A_779 = tpu.memref_squeeze %dma_wait3A_778 : memref<1x80x64xf32, #tpu.memory_space<vmem>> -> memref<80x64xf32, #tpu.memory_space<vmem>>
    %dma_wait3A_780 = arith.constant 0 : i32
    %dma_wait3A_781 = tpu.memref_slice %arg9[%dma_wait3A_774, %dma_wait3A_775, %dma_wait3A_780] : memref<4x2x80xi32, #tpu.memory_space<vmem>> -> memref<1x1x80xi32, #tpu.memory_space<vmem>>
    %dma_wait3A_782 = tpu.memref_squeeze %dma_wait3A_781 : memref<1x1x80xi32, #tpu.memory_space<vmem>> -> memref<80xi32, #tpu.memory_space<vmem>>
    %dma_wait3A_783 = arith.constant 0 : i32
    %dma_wait3A_784 = arith.constant 0 : i32
    %dma_wait3A_785 = tpu.memref_slice %arg6[%dma_wait3A_783, %dma_wait3A_784] : memref<10240x64xf32, #tpu.memory_space<vmem_shared>> -> memref<10240x64xf32, #tpu.memory_space<vmem_shared>>
    tpu.wait_indirect_dma semaphore(%arg14 : memref<!tpu.dma_semaphore, #tpu.memory_space<semaphore_mem>>) src(%dma_wait3A_779 : memref<80x64xf32, #tpu.memory_space<vmem>>) dst(%dma_wait3A_785 : memref<10240x64xf32, #tpu.memory_space<vmem_shared>>)
    %dma_wait3A_786 = arith.constant 0 : i32
    %dma_wait3A_787 = arith.constant 0 : i32
    %dma_wait3A_788 = arith.constant 0 : i32
    %dma_wait3A_789 = tpu.memref_slice %arg9[%dma_wait3A_786, %dma_wait3A_787, %dma_wait3A_788] : memref<4x2x80xi32, #tpu.memory_space<vmem>> -> memref<1x1x80xi32, #tpu.memory_space<vmem>>
    %dma_wait3A_790 = tpu.memref_squeeze %dma_wait3A_789 : memref<1x1x80xi32, #tpu.memory_space<vmem>> -> memref<80xi32, #tpu.memory_space<vmem>>
    %dma_wait3A_791 = arith.constant 0 : i32
    %dma_wait3A_792 = arith.constant 0 : i32
    %dma_wait3A_793 = tpu.memref_slice %arg7[%dma_wait3A_791, %dma_wait3A_792] : memref<10240x16xf32, #tpu.memory_space<vmem_shared>> -> memref<10240x16xf32, #tpu.memory_space<vmem_shared>>
    tpu.wait_indirect_dma semaphore(%arg15 : memref<!tpu.dma_semaphore, #tpu.memory_space<semaphore_mem>>) src(%arg10 : memref<80x16xf32, #tpu.memory_space<vmem>>) dst(%dma_wait3A_793 : memref<10240x16xf32, #tpu.memory_space<vmem_shared>>)
    %dma_wait3A_794 = arith.constant 0 : i32
    %dma_wait3A_795 = arith.constant 0 : i32
    %dma_wait3A_796 = arith.constant 1 : i32
    %dma_wait3A_797 = arith.constant 80 : i32
    %dma_wait3A_798 = arith.constant 0 : i32
    %dma_wait3A_799 = tpu.memref_slice %arg8[%dma_wait3A_794, %dma_wait3A_797, %dma_wait3A_798] : memref<4x160x64xf32, #tpu.memory_space<vmem>> -> memref<1x80x64xf32, #tpu.memory_space<vmem>>
    %dma_wait3A_800 = tpu.memref_squeeze %dma_wait3A_799 : memref<1x80x64xf32, #tpu.memory_space<vmem>> -> memref<80x64xf32, #tpu.memory_space<vmem>>
    %dma_wait3A_801 = arith.constant 0 : i32
    %dma_wait3A_802 = tpu.memref_slice %arg9[%dma_wait3A_795, %dma_wait3A_796, %dma_wait3A_801] : memref<4x2x80xi32, #tpu.memory_space<vmem>> -> memref<1x1x80xi32, #tpu.memory_space<vmem>>
    %dma_wait3A_803 = tpu.memref_squeeze %dma_wait3A_802 : memref<1x1x80xi32, #tpu.memory_space<vmem>> -> memref<80xi32, #tpu.memory_space<vmem>>
    %dma_wait3A_804 = arith.constant 0 : i32
    %dma_wait3A_805 = arith.constant 0 : i32
    %dma_wait3A_806 = tpu.memref_slice %arg6[%dma_wait3A_804, %dma_wait3A_805] : memref<10240x64xf32, #tpu.memory_space<vmem_shared>> -> memref<10240x64xf32, #tpu.memory_space<vmem_shared>>
    tpu.wait_indirect_dma semaphore(%arg14 : memref<!tpu.dma_semaphore, #tpu.memory_space<semaphore_mem>>) src(%dma_wait3A_800 : memref<80x64xf32, #tpu.memory_space<vmem>>) dst(%dma_wait3A_806 : memref<10240x64xf32, #tpu.memory_space<vmem_shared>>)
    %dma_wait3A_807 = arith.constant 0 : i32
    %dma_wait3A_808 = arith.constant 1 : i32
    %dma_wait3A_809 = arith.constant 0 : i32
    %dma_wait3A_810 = tpu.memref_slice %arg9[%dma_wait3A_807, %dma_wait3A_808, %dma_wait3A_809] : memref<4x2x80xi32, #tpu.memory_space<vmem>> -> memref<1x1x80xi32, #tpu.memory_space<vmem>>
    %dma_wait3A_811 = tpu.memref_squeeze %dma_wait3A_810 : memref<1x1x80xi32, #tpu.memory_space<vmem>> -> memref<80xi32, #tpu.memory_space<vmem>>
    %dma_wait3A_812 = arith.constant 0 : i32
    %dma_wait3A_813 = arith.constant 0 : i32
    %dma_wait3A_814 = tpu.memref_slice %arg7[%dma_wait3A_812, %dma_wait3A_813] : memref<10240x16xf32, #tpu.memory_space<vmem_shared>> -> memref<10240x16xf32, #tpu.memory_space<vmem_shared>>
    tpu.wait_indirect_dma semaphore(%arg15 : memref<!tpu.dma_semaphore, #tpu.memory_space<semaphore_mem>>) src(%arg10 : memref<80x16xf32, #tpu.memory_space<vmem>>) dst(%dma_wait3A_814 : memref<10240x16xf32, #tpu.memory_space<vmem_shared>>)
    %dma_wait3A_815 = arith.constant 1 : i32
    %dma_wait3A_816 = arith.constant 1 : i32
    %dma_wait3A_817 = arith.constant 0 : i32
    %dma_wait3A_818 = arith.constant 0 : i32
    %dma_wait3A_819 = arith.constant 0 : i32
    %dma_wait3A_820 = tpu.memref_slice %arg8[%dma_wait3A_815, %dma_wait3A_818, %dma_wait3A_819] : memref<4x160x64xf32, #tpu.memory_space<vmem>> -> memref<1x80x64xf32, #tpu.memory_space<vmem>>
    %dma_wait3A_821 = tpu.memref_squeeze %dma_wait3A_820 : memref<1x80x64xf32, #tpu.memory_space<vmem>> -> memref<80x64xf32, #tpu.memory_space<vmem>>
    %dma_wait3A_822 = arith.constant 0 : i32
    %dma_wait3A_823 = tpu.memref_slice %arg9[%dma_wait3A_816, %dma_wait3A_817, %dma_wait3A_822] : memref<4x2x80xi32, #tpu.memory_space<vmem>> -> memref<1x1x80xi32, #tpu.memory_space<vmem>>
    %dma_wait3A_824 = tpu.memref_squeeze %dma_wait3A_823 : memref<1x1x80xi32, #tpu.memory_space<vmem>> -> memref<80xi32, #tpu.memory_space<vmem>>
    %dma_wait3A_825 = arith.constant 0 : i32
    %dma_wait3A_826 = arith.constant 0 : i32
    %dma_wait3A_827 = tpu.memref_slice %arg6[%dma_wait3A_825, %dma_wait3A_826] : memref<10240x64xf32, #tpu.memory_space<vmem_shared>> -> memref<10240x64xf32, #tpu.memory_space<vmem_shared>>
    tpu.wait_indirect_dma semaphore(%arg14 : memref<!tpu.dma_semaphore, #tpu.memory_space<semaphore_mem>>) src(%dma_wait3A_821 : memref<80x64xf32, #tpu.memory_space<vmem>>) dst(%dma_wait3A_827 : memref<10240x64xf32, #tpu.memory_space<vmem_shared>>)
    %dma_wait3A_828 = arith.constant 1 : i32
    %dma_wait3A_829 = arith.constant 0 : i32
    %dma_wait3A_830 = arith.constant 0 : i32
    %dma_wait3A_831 = tpu.memref_slice %arg9[%dma_wait3A_828, %dma_wait3A_829, %dma_wait3A_830] : memref<4x2x80xi32, #tpu.memory_space<vmem>> -> memref<1x1x80xi32, #tpu.memory_space<vmem>>
    %dma_wait3A_832 = tpu.memref_squeeze %dma_wait3A_831 : memref<1x1x80xi32, #tpu.memory_space<vmem>> -> memref<80xi32, #tpu.memory_space<vmem>>
    %dma_wait3A_833 = arith.constant 0 : i32
    %dma_wait3A_834 = arith.constant 0 : i32
    %dma_wait3A_835 = tpu.memref_slice %arg7[%dma_wait3A_833, %dma_wait3A_834] : memref<10240x16xf32, #tpu.memory_space<vmem_shared>> -> memref<10240x16xf32, #tpu.memory_space<vmem_shared>>
    tpu.wait_indirect_dma semaphore(%arg15 : memref<!tpu.dma_semaphore, #tpu.memory_space<semaphore_mem>>) src(%arg10 : memref<80x16xf32, #tpu.memory_space<vmem>>) dst(%dma_wait3A_835 : memref<10240x16xf32, #tpu.memory_space<vmem_shared>>)
    %dma_wait3A_836 = arith.constant 1 : i32
    %dma_wait3A_837 = arith.constant 1 : i32
    %dma_wait3A_838 = arith.constant 1 : i32
    %dma_wait3A_839 = arith.constant 80 : i32
    %dma_wait3A_840 = arith.constant 0 : i32
    %dma_wait3A_841 = tpu.memref_slice %arg8[%dma_wait3A_836, %dma_wait3A_839, %dma_wait3A_840] : memref<4x160x64xf32, #tpu.memory_space<vmem>> -> memref<1x80x64xf32, #tpu.memory_space<vmem>>
    %dma_wait3A_842 = tpu.memref_squeeze %dma_wait3A_841 : memref<1x80x64xf32, #tpu.memory_space<vmem>> -> memref<80x64xf32, #tpu.memory_space<vmem>>
    %dma_wait3A_843 = arith.constant 0 : i32
    %dma_wait3A_844 = tpu.memref_slice %arg9[%dma_wait3A_837, %dma_wait3A_838, %dma_wait3A_843] : memref<4x2x80xi32, #tpu.memory_space<vmem>> -> memref<1x1x80xi32, #tpu.memory_space<vmem>>
    %dma_wait3A_845 = tpu.memref_squeeze %dma_wait3A_844 : memref<1x1x80xi32, #tpu.memory_space<vmem>> -> memref<80xi32, #tpu.memory_space<vmem>>
    %dma_wait3A_846 = arith.constant 0 : i32
    %dma_wait3A_847 = arith.constant 0 : i32
    %dma_wait3A_848 = tpu.memref_slice %arg6[%dma_wait3A_846, %dma_wait3A_847] : memref<10240x64xf32, #tpu.memory_space<vmem_shared>> -> memref<10240x64xf32, #tpu.memory_space<vmem_shared>>
    tpu.wait_indirect_dma semaphore(%arg14 : memref<!tpu.dma_semaphore, #tpu.memory_space<semaphore_mem>>) src(%dma_wait3A_842 : memref<80x64xf32, #tpu.memory_space<vmem>>) dst(%dma_wait3A_848 : memref<10240x64xf32, #tpu.memory_space<vmem_shared>>)
    %dma_wait3A_849 = arith.constant 1 : i32
    %dma_wait3A_850 = arith.constant 1 : i32
    %dma_wait3A_851 = arith.constant 0 : i32
    %dma_wait3A_852 = tpu.memref_slice %arg9[%dma_wait3A_849, %dma_wait3A_850, %dma_wait3A_851] : memref<4x2x80xi32, #tpu.memory_space<vmem>> -> memref<1x1x80xi32, #tpu.memory_space<vmem>>
    %dma_wait3A_853 = tpu.memref_squeeze %dma_wait3A_852 : memref<1x1x80xi32, #tpu.memory_space<vmem>> -> memref<80xi32, #tpu.memory_space<vmem>>
    %dma_wait3A_854 = arith.constant 0 : i32
    %dma_wait3A_855 = arith.constant 0 : i32
    %dma_wait3A_856 = tpu.memref_slice %arg7[%dma_wait3A_854, %dma_wait3A_855] : memref<10240x16xf32, #tpu.memory_space<vmem_shared>> -> memref<10240x16xf32, #tpu.memory_space<vmem_shared>>
    tpu.wait_indirect_dma semaphore(%arg15 : memref<!tpu.dma_semaphore, #tpu.memory_space<semaphore_mem>>) src(%arg10 : memref<80x16xf32, #tpu.memory_space<vmem>>) dst(%dma_wait3A_856 : memref<10240x16xf32, #tpu.memory_space<vmem_shared>>)
    %barrier3A_857 = arith.constant 0 : index
    tpu.barrier barrier_id(%barrier3A_857)
    %dma_start3A_858 = arith.constant 0 : i32
    %dma_start3A_859 = tpu.memref_slice %arg7[%mul3A_5, %dma_start3A_858] : memref<10240x16xf32, #tpu.memory_space<vmem_shared>> -> memref<640x16xf32, #tpu.memory_space<vmem_shared>>
    %dma_start3A_860 = arith.constant 0 : i32
    %dma_start3A_861 = tpu.memref_slice %arg7[%mul3A_5, %dma_start3A_860] : memref<10240x16xf32, #tpu.memory_space<vmem_shared>> -> memref<640x16xf32, #tpu.memory_space<vmem_shared>>
    tpu.enqueue_dma source(%dma_start3A_861 : memref<640x16xf32, #tpu.memory_space<vmem_shared>>) target(%arg11 : memref<640x16xf32, #tpu.memory_space<vmem>>) target_semaphore(%arg17 : memref<!tpu.dma_semaphore, #tpu.memory_space<semaphore_mem>>)
    %add3A_862 = arith.constant 0 : i32
    %add3A_863 = arith.addi %mul3A_5, %add3A_862 : i32
    %dma_start3A_864 = arith.constant 0 : i32
    %dma_start3A_865 = arith.constant 0 : i32
    %dma_start3A_866 = arith.constant 0 : i32
    %dma_start3A_867 = tpu.memref_slice %arg8[%dma_start3A_864, %dma_start3A_865, %dma_start3A_866] : memref<4x160x64xf32, #tpu.memory_space<vmem>> -> memref<1x160x64xf32, #tpu.memory_space<vmem>>
    %dma_start3A_868 = tpu.memref_squeeze %dma_start3A_867 : memref<1x160x64xf32, #tpu.memory_space<vmem>> -> memref<160x64xf32, #tpu.memory_space<vmem>>
    %dma_start3A_869 = arith.constant 0 : i32
    %dma_start3A_870 = tpu.memref_slice %arg6[%add3A_863, %dma_start3A_869] : memref<10240x64xf32, #tpu.memory_space<vmem_shared>> -> memref<160x64xf32, #tpu.memory_space<vmem_shared>>
    %dma_start3A_871 = arith.constant 0 : i32
    %dma_start3A_872 = arith.constant 0 : i32
    %dma_start3A_873 = tpu.memref_slice %arg8[%dma_start3A_864, %dma_start3A_871, %dma_start3A_872] : memref<4x160x64xf32, #tpu.memory_space<vmem>> -> memref<1x160x64xf32, #tpu.memory_space<vmem>>
    %dma_start3A_874 = tpu.memref_squeeze %dma_start3A_873 : memref<1x160x64xf32, #tpu.memory_space<vmem>> -> memref<160x64xf32, #tpu.memory_space<vmem>>
    %dma_start3A_875 = arith.constant 0 : i32
    %dma_start3A_876 = tpu.memref_slice %arg6[%add3A_863, %dma_start3A_875] : memref<10240x64xf32, #tpu.memory_space<vmem_shared>> -> memref<160x64xf32, #tpu.memory_space<vmem_shared>>
    tpu.enqueue_dma source(%dma_start3A_876 : memref<160x64xf32, #tpu.memory_space<vmem_shared>>) target(%dma_start3A_874 : memref<160x64xf32, #tpu.memory_space<vmem>>) target_semaphore(%arg13 : memref<!tpu.dma_semaphore, #tpu.memory_space<semaphore_mem>>)
    %add3A_877 = arith.constant 160 : i32
    %add3A_878 = arith.addi %mul3A_5, %add3A_877 : i32
    %dma_start3A_879 = arith.constant 1 : i32
    %dma_start3A_880 = arith.constant 0 : i32
    %dma_start3A_881 = arith.constant 0 : i32
    %dma_start3A_882 = tpu.memref_slice %arg8[%dma_start3A_879, %dma_start3A_880, %dma_start3A_881] : memref<4x160x64xf32, #tpu.memory_space<vmem>> -> memref<1x160x64xf32, #tpu.memory_space<vmem>>
    %dma_start3A_883 = tpu.memref_squeeze %dma_start3A_882 : memref<1x160x64xf32, #tpu.memory_space<vmem>> -> memref<160x64xf32, #tpu.memory_space<vmem>>
    %dma_start3A_884 = arith.constant 0 : i32
    %dma_start3A_885 = tpu.memref_slice %arg6[%add3A_878, %dma_start3A_884] : memref<10240x64xf32, #tpu.memory_space<vmem_shared>> -> memref<160x64xf32, #tpu.memory_space<vmem_shared>>
    %dma_start3A_886 = arith.constant 0 : i32
    %dma_start3A_887 = arith.constant 0 : i32
    %dma_start3A_888 = tpu.memref_slice %arg8[%dma_start3A_879, %dma_start3A_886, %dma_start3A_887] : memref<4x160x64xf32, #tpu.memory_space<vmem>> -> memref<1x160x64xf32, #tpu.memory_space<vmem>>
    %dma_start3A_889 = tpu.memref_squeeze %dma_start3A_888 : memref<1x160x64xf32, #tpu.memory_space<vmem>> -> memref<160x64xf32, #tpu.memory_space<vmem>>
    %dma_start3A_890 = arith.constant 0 : i32
    %dma_start3A_891 = tpu.memref_slice %arg6[%add3A_878, %dma_start3A_890] : memref<10240x64xf32, #tpu.memory_space<vmem_shared>> -> memref<160x64xf32, #tpu.memory_space<vmem_shared>>
    tpu.enqueue_dma source(%dma_start3A_891 : memref<160x64xf32, #tpu.memory_space<vmem_shared>>) target(%dma_start3A_889 : memref<160x64xf32, #tpu.memory_space<vmem>>) target_semaphore(%arg13 : memref<!tpu.dma_semaphore, #tpu.memory_space<semaphore_mem>>)
    %add3A_892 = arith.constant 320 : i32
    %add3A_893 = arith.addi %mul3A_5, %add3A_892 : i32
    %dma_start3A_894 = arith.constant 2 : i32
    %dma_start3A_895 = arith.constant 0 : i32
    %dma_start3A_896 = arith.constant 0 : i32
    %dma_start3A_897 = tpu.memref_slice %arg8[%dma_start3A_894, %dma_start3A_895, %dma_start3A_896] : memref<4x160x64xf32, #tpu.memory_space<vmem>> -> memref<1x160x64xf32, #tpu.memory_space<vmem>>
    %dma_start3A_898 = tpu.memref_squeeze %dma_start3A_897 : memref<1x160x64xf32, #tpu.memory_space<vmem>> -> memref<160x64xf32, #tpu.memory_space<vmem>>
    %dma_start3A_899 = arith.constant 0 : i32
    %dma_start3A_900 = tpu.memref_slice %arg6[%add3A_893, %dma_start3A_899] : memref<10240x64xf32, #tpu.memory_space<vmem_shared>> -> memref<160x64xf32, #tpu.memory_space<vmem_shared>>
    %dma_start3A_901 = arith.constant 0 : i32
    %dma_start3A_902 = arith.constant 0 : i32
    %dma_start3A_903 = tpu.memref_slice %arg8[%dma_start3A_894, %dma_start3A_901, %dma_start3A_902] : memref<4x160x64xf32, #tpu.memory_space<vmem>> -> memref<1x160x64xf32, #tpu.memory_space<vmem>>
    %dma_start3A_904 = tpu.memref_squeeze %dma_start3A_903 : memref<1x160x64xf32, #tpu.memory_space<vmem>> -> memref<160x64xf32, #tpu.memory_space<vmem>>
    %dma_start3A_905 = arith.constant 0 : i32
    %dma_start3A_906 = tpu.memref_slice %arg6[%add3A_893, %dma_start3A_905] : memref<10240x64xf32, #tpu.memory_space<vmem_shared>> -> memref<160x64xf32, #tpu.memory_space<vmem_shared>>
    tpu.enqueue_dma source(%dma_start3A_906 : memref<160x64xf32, #tpu.memory_space<vmem_shared>>) target(%dma_start3A_904 : memref<160x64xf32, #tpu.memory_space<vmem>>) target_semaphore(%arg13 : memref<!tpu.dma_semaphore, #tpu.memory_space<semaphore_mem>>)
    %add3A_907 = arith.constant 480 : i32
    %add3A_908 = arith.addi %mul3A_5, %add3A_907 : i32
    %dma_start3A_909 = arith.constant 3 : i32
    %dma_start3A_910 = arith.constant 0 : i32
    %dma_start3A_911 = arith.constant 0 : i32
    %dma_start3A_912 = tpu.memref_slice %arg8[%dma_start3A_909, %dma_start3A_910, %dma_start3A_911] : memref<4x160x64xf32, #tpu.memory_space<vmem>> -> memref<1x160x64xf32, #tpu.memory_space<vmem>>
    %dma_start3A_913 = tpu.memref_squeeze %dma_start3A_912 : memref<1x160x64xf32, #tpu.memory_space<vmem>> -> memref<160x64xf32, #tpu.memory_space<vmem>>
    %dma_start3A_914 = arith.constant 0 : i32
    %dma_start3A_915 = tpu.memref_slice %arg6[%add3A_908, %dma_start3A_914] : memref<10240x64xf32, #tpu.memory_space<vmem_shared>> -> memref<160x64xf32, #tpu.memory_space<vmem_shared>>
    %dma_start3A_916 = arith.constant 0 : i32
    %dma_start3A_917 = arith.constant 0 : i32
    %dma_start3A_918 = tpu.memref_slice %arg8[%dma_start3A_909, %dma_start3A_916, %dma_start3A_917] : memref<4x160x64xf32, #tpu.memory_space<vmem>> -> memref<1x160x64xf32, #tpu.memory_space<vmem>>
    %dma_start3A_919 = tpu.memref_squeeze %dma_start3A_918 : memref<1x160x64xf32, #tpu.memory_space<vmem>> -> memref<160x64xf32, #tpu.memory_space<vmem>>
    %dma_start3A_920 = arith.constant 0 : i32
    %dma_start3A_921 = tpu.memref_slice %arg6[%add3A_908, %dma_start3A_920] : memref<10240x64xf32, #tpu.memory_space<vmem_shared>> -> memref<160x64xf32, #tpu.memory_space<vmem_shared>>
    tpu.enqueue_dma source(%dma_start3A_921 : memref<160x64xf32, #tpu.memory_space<vmem_shared>>) target(%dma_start3A_919 : memref<160x64xf32, #tpu.memory_space<vmem>>) target_semaphore(%arg13 : memref<!tpu.dma_semaphore, #tpu.memory_space<semaphore_mem>>)
    %dma_wait3A_922 = arith.constant 0 : i32
    %dma_wait3A_923 = tpu.memref_slice %arg7[%mul3A_5, %dma_wait3A_922] : memref<10240x16xf32, #tpu.memory_space<vmem_shared>> -> memref<640x16xf32, #tpu.memory_space<vmem_shared>>
    %dma_wait3A_924 = arith.constant 0 : i32
    %dma_wait3A_925 = tpu.memref_slice %arg7[%mul3A_5, %dma_wait3A_924] : memref<10240x16xf32, #tpu.memory_space<vmem_shared>> -> memref<640x16xf32, #tpu.memory_space<vmem_shared>>
    tpu.wait_dma2 semaphore(%arg17 : memref<!tpu.dma_semaphore, #tpu.memory_space<semaphore_mem>>) src(%dma_wait3A_925 : memref<640x16xf32, #tpu.memory_space<vmem_shared>>) dst(%arg11 : memref<640x16xf32, #tpu.memory_space<vmem>>)
    %dma_wait3A_926 = arith.constant 0 : i32
    %dma_wait3A_927 = arith.constant 0 : i32
    %dma_wait3A_928 = arith.constant 0 : i32
    %dma_wait3A_929 = tpu.memref_slice %arg8[%dma_wait3A_926, %dma_wait3A_927, %dma_wait3A_928] : memref<4x160x64xf32, #tpu.memory_space<vmem>> -> memref<1x160x64xf32, #tpu.memory_space<vmem>>
    %dma_wait3A_930 = tpu.memref_squeeze %dma_wait3A_929 : memref<1x160x64xf32, #tpu.memory_space<vmem>> -> memref<160x64xf32, #tpu.memory_space<vmem>>
    %dma_wait3A_931 = arith.constant 0 : i32
    %dma_wait3A_932 = tpu.memref_slice %arg6[%add3A_863, %dma_wait3A_931] : memref<10240x64xf32, #tpu.memory_space<vmem_shared>> -> memref<160x64xf32, #tpu.memory_space<vmem_shared>>
    %dma_wait3A_933 = arith.constant 0 : i32
    %dma_wait3A_934 = arith.constant 0 : i32
    %dma_wait3A_935 = tpu.memref_slice %arg8[%dma_wait3A_926, %dma_wait3A_933, %dma_wait3A_934] : memref<4x160x64xf32, #tpu.memory_space<vmem>> -> memref<1x160x64xf32, #tpu.memory_space<vmem>>
    %dma_wait3A_936 = tpu.memref_squeeze %dma_wait3A_935 : memref<1x160x64xf32, #tpu.memory_space<vmem>> -> memref<160x64xf32, #tpu.memory_space<vmem>>
    %dma_wait3A_937 = arith.constant 0 : i32
    %dma_wait3A_938 = tpu.memref_slice %arg6[%add3A_863, %dma_wait3A_937] : memref<10240x64xf32, #tpu.memory_space<vmem_shared>> -> memref<160x64xf32, #tpu.memory_space<vmem_shared>>
    tpu.wait_dma2 semaphore(%arg13 : memref<!tpu.dma_semaphore, #tpu.memory_space<semaphore_mem>>) src(%dma_wait3A_938 : memref<160x64xf32, #tpu.memory_space<vmem_shared>>) dst(%dma_wait3A_936 : memref<160x64xf32, #tpu.memory_space<vmem>>)
    %scan3A = arith.constant 0 : i32
    %scan3A_939 = arith.constant 0 : i32
    %scan3A_940 = arith.constant 40 : i32
    %scan3A_941 = arith.addi %scan3A_939, %scan3A_940 : i32
    %scan3A_942 = arith.constant 1 : i32
    %scan3A_943 = scf.for %scan3A_1027 = %scan3A_939 to %scan3A_941 step %scan3A_942 iter_args(%scan3A_1028 = %scan3A) -> (i32)  : i32 {
      %mul3A_1029 = arith.constant 4 : i32
      %mul3A_1030 = arith.muli %scan3A_1027, %mul3A_1029 : i32
      %add3A_1031 = arith.constant 0 : i32
      %add3A_1032 = arith.addi %mul3A_1030, %add3A_1031 : i32
      %add3A_1033 = arith.constant 0 : i32
      %add3A_1034 = arith.addi %add3A_1033, %add3A_1032 : i32
      %get3A = arith.index_cast %add3A_1034 : i32 to index
      %get3A_1035 = arith.constant 0 : index
      %get3A_1036 = tpu.vector_load %arg11[%get3A, %get3A_1035] {strides = array<i32>} : memref<640x16xf32, #tpu.memory_space<vmem>>, vector<1x16xf32>,
      %get3A_1037 = vector.shape_cast %get3A_1036 : vector<1x16xf32> to vector<16xf32>
      %gt3A = arith.constant 0.000000e+00 : f32
      %gt3A_1038 = vector.broadcast %gt3A : f32 to vector<16xf32>
      %gt3A_1039 = arith.cmpf ogt, %get3A_1037, %gt3A_1038 : vector<16xf32>
      %div3A = arith.constant 1.000000e+00 : f32
      %div3A_1040 = vector.broadcast %div3A : f32 to vector<16xf32>
      %div3A_1041 = arith.divf %div3A_1040, %get3A_1037 : vector<16xf32>
      %jit3A = arith.constant 0.000000e+00 : f32
      %broadcast_in_dim3A_1042 = vector.broadcast %jit3A : f32 to vector<16xf32>
      %select_n3A = arith.select %gt3A_1039, %div3A_1041, %broadcast_in_dim3A_1042 : vector<16xi1>, vector<16xf32>
      %get3A_1043 = arith.constant 0 : i32
      %get3A_1044 = arith.index_cast %get3A_1043 : i32 to index
      %get3A_1045 = arith.index_cast %add3A_1032 : i32 to index
      %get3A_1046 = arith.constant 0 : index
      %get3A_1047 = tpu.vector_load %arg8[%get3A_1044, %get3A_1045, %get3A_1046] {strides = array<i32>} : memref<4x160x64xf32, #tpu.memory_space<vmem>>, vector<1x1x16xf32>,
      %get3A_1048 = vector.shape_cast %get3A_1047 : vector<1x1x16xf32> to vector<16xf32>
      %mul3A_1049 = arith.mulf %get3A_1048, %select_n3A : vector<16xf32>
      %swap3A_1050 = arith.constant 0 : i32
      %swap3A_1051 = arith.index_cast %swap3A_1050 : i32 to index
      %swap3A_1052 = arith.index_cast %add3A_1032 : i32 to index
      %swap3A_1053 = arith.constant 0 : index
      %swap3A_1054 = tpu.vector_load %arg8[%swap3A_1051, %swap3A_1052, %swap3A_1053] {strides = array<i32>} : memref<4x160x64xf32, #tpu.memory_space<vmem>>, vector<1x1x16xf32>,
      %swap3A_1055 = vector.shape_cast %swap3A_1054 : vector<1x1x16xf32> to vector<16xf32>
      %swap3A_1056 = vector.shape_cast %mul3A_1049 : vector<16xf32> to vector<1x1x16xf32>
      tpu.vector_store %arg8[%swap3A_1051, %swap3A_1052, %swap3A_1053], %swap3A_1056 {strides = array<i32>} : memref<4x160x64xf32, #tpu.memory_space<vmem>>, vector<1x1x16xf32>,
      %get3A_1057 = arith.constant 0 : i32
      %get3A_1058 = arith.index_cast %get3A_1057 : i32 to index
      %get3A_1059 = arith.index_cast %add3A_1032 : i32 to index
      %get3A_1060 = arith.constant 16 : index
      %get3A_1061 = tpu.vector_load %arg8[%get3A_1058, %get3A_1059, %get3A_1060] {strides = array<i32>} : memref<4x160x64xf32, #tpu.memory_space<vmem>>, vector<1x1x16xf32>,
      %get3A_1062 = vector.shape_cast %get3A_1061 : vector<1x1x16xf32> to vector<16xf32>
      %mul3A_1063 = arith.mulf %get3A_1062, %select_n3A : vector<16xf32>
      %swap3A_1064 = arith.constant 0 : i32
      %swap3A_1065 = arith.index_cast %swap3A_1064 : i32 to index
      %swap3A_1066 = arith.index_cast %add3A_1032 : i32 to index
      %swap3A_1067 = arith.constant 16 : index
      %swap3A_1068 = tpu.vector_load %arg8[%swap3A_1065, %swap3A_1066, %swap3A_1067] {strides = array<i32>} : memref<4x160x64xf32, #tpu.memory_space<vmem>>, vector<1x1x16xf32>,
      %swap3A_1069 = vector.shape_cast %swap3A_1068 : vector<1x1x16xf32> to vector<16xf32>
      %swap3A_1070 = vector.shape_cast %mul3A_1063 : vector<16xf32> to vector<1x1x16xf32>
      tpu.vector_store %arg8[%swap3A_1065, %swap3A_1066, %swap3A_1067], %swap3A_1070 {strides = array<i32>} : memref<4x160x64xf32, #tpu.memory_space<vmem>>, vector<1x1x16xf32>,
      %get3A_1071 = arith.constant 0 : i32
      %get3A_1072 = arith.index_cast %get3A_1071 : i32 to index
      %get3A_1073 = arith.index_cast %add3A_1032 : i32 to index
      %get3A_1074 = arith.constant 32 : index
      %get3A_1075 = tpu.vector_load %arg8[%get3A_1072, %get3A_1073, %get3A_1074] {strides = array<i32>} : memref<4x160x64xf32, #tpu.memory_space<vmem>>, vector<1x1x16xf32>,
      %get3A_1076 = vector.shape_cast %get3A_1075 : vector<1x1x16xf32> to vector<16xf32>
      %mul3A_1077 = arith.mulf %get3A_1076, %select_n3A : vector<16xf32>
      %swap3A_1078 = arith.constant 0 : i32
      %swap3A_1079 = arith.index_cast %swap3A_1078 : i32 to index
      %swap3A_1080 = arith.index_cast %add3A_1032 : i32 to index
      %swap3A_1081 = arith.constant 32 : index
      %swap3A_1082 = tpu.vector_load %arg8[%swap3A_1079, %swap3A_1080, %swap3A_1081] {strides = array<i32>} : memref<4x160x64xf32, #tpu.memory_space<vmem>>, vector<1x1x16xf32>,
      %swap3A_1083 = vector.shape_cast %swap3A_1082 : vector<1x1x16xf32> to vector<16xf32>
      %swap3A_1084 = vector.shape_cast %mul3A_1077 : vector<16xf32> to vector<1x1x16xf32>
      tpu.vector_store %arg8[%swap3A_1079, %swap3A_1080, %swap3A_1081], %swap3A_1084 {strides = array<i32>} : memref<4x160x64xf32, #tpu.memory_space<vmem>>, vector<1x1x16xf32>,
      %get3A_1085 = arith.constant 0 : i32
      %get3A_1086 = arith.index_cast %get3A_1085 : i32 to index
      %get3A_1087 = arith.index_cast %add3A_1032 : i32 to index
      %get3A_1088 = arith.constant 48 : index
      %get3A_1089 = tpu.vector_load %arg8[%get3A_1086, %get3A_1087, %get3A_1088] {strides = array<i32>} : memref<4x160x64xf32, #tpu.memory_space<vmem>>, vector<1x1x16xf32>,
      %get3A_1090 = vector.shape_cast %get3A_1089 : vector<1x1x16xf32> to vector<16xf32>
      %mul3A_1091 = arith.mulf %get3A_1090, %select_n3A : vector<16xf32>
      %swap3A_1092 = arith.constant 0 : i32
      %swap3A_1093 = arith.index_cast %swap3A_1092 : i32 to index
      %swap3A_1094 = arith.index_cast %add3A_1032 : i32 to index
      %swap3A_1095 = arith.constant 48 : index
      %swap3A_1096 = tpu.vector_load %arg8[%swap3A_1093, %swap3A_1094, %swap3A_1095] {strides = array<i32>} : memref<4x160x64xf32, #tpu.memory_space<vmem>>, vector<1x1x16xf32>,
      %swap3A_1097 = vector.shape_cast %swap3A_1096 : vector<1x1x16xf32> to vector<16xf32>
      %swap3A_1098 = vector.shape_cast %mul3A_1091 : vector<16xf32> to vector<1x1x16xf32>
      tpu.vector_store %arg8[%swap3A_1093, %swap3A_1094, %swap3A_1095], %swap3A_1098 {strides = array<i32>} : memref<4x160x64xf32, #tpu.memory_space<vmem>>, vector<1x1x16xf32>,
      %mul3A_1099 = arith.constant 4 : i32
      %mul3A_1100 = arith.muli %scan3A_1027, %mul3A_1099 : i32
      %add3A_1101 = arith.constant 1 : i32
      %add3A_1102 = arith.addi %mul3A_1100, %add3A_1101 : i32
      %add3A_1103 = arith.constant 0 : i32
      %add3A_1104 = arith.addi %add3A_1103, %add3A_1102 : i32
      %get3A_1105 = arith.index_cast %add3A_1104 : i32 to index
      %get3A_1106 = arith.constant 0 : index
      %get3A_1107 = tpu.vector_load %arg11[%get3A_1105, %get3A_1106] {strides = array<i32>} : memref<640x16xf32, #tpu.memory_space<vmem>>, vector<1x16xf32>,
      %get3A_1108 = vector.shape_cast %get3A_1107 : vector<1x16xf32> to vector<16xf32>
      %gt3A_1109 = arith.constant 0.000000e+00 : f32
      %gt3A_1110 = vector.broadcast %gt3A_1109 : f32 to vector<16xf32>
      %gt3A_1111 = arith.cmpf ogt, %get3A_1108, %gt3A_1110 : vector<16xf32>
      %div3A_1112 = arith.constant 1.000000e+00 : f32
      %div3A_1113 = vector.broadcast %div3A_1112 : f32 to vector<16xf32>
      %div3A_1114 = arith.divf %div3A_1113, %get3A_1108 : vector<16xf32>
      %jit3A_1115 = arith.constant 0.000000e+00 : f32
      %broadcast_in_dim3A_1116 = vector.broadcast %jit3A_1115 : f32 to vector<16xf32>
      %select_n3A_1117 = arith.select %gt3A_1111, %div3A_1114, %broadcast_in_dim3A_1116 : vector<16xi1>, vector<16xf32>
      %get3A_1118 = arith.constant 0 : i32
      %get3A_1119 = arith.index_cast %get3A_1118 : i32 to index
      %get3A_1120 = arith.index_cast %add3A_1102 : i32 to index
      %get3A_1121 = arith.constant 0 : index
      %get3A_1122 = tpu.vector_load %arg8[%get3A_1119, %get3A_1120, %get3A_1121] {strides = array<i32>} : memref<4x160x64xf32, #tpu.memory_space<vmem>>, vector<1x1x16xf32>,
      %get3A_1123 = vector.shape_cast %get3A_1122 : vector<1x1x16xf32> to vector<16xf32>
      %mul3A_1124 = arith.mulf %get3A_1123, %select_n3A_1117 : vector<16xf32>
      %swap3A_1125 = arith.constant 0 : i32
      %swap3A_1126 = arith.index_cast %swap3A_1125 : i32 to index
      %swap3A_1127 = arith.index_cast %add3A_1102 : i32 to index
      %swap3A_1128 = arith.constant 0 : index
      %swap3A_1129 = tpu.vector_load %arg8[%swap3A_1126, %swap3A_1127, %swap3A_1128] {strides = array<i32>} : memref<4x160x64xf32, #tpu.memory_space<vmem>>, vector<1x1x16xf32>,
      %swap3A_1130 = vector.shape_cast %swap3A_1129 : vector<1x1x16xf32> to vector<16xf32>
      %swap3A_1131 = vector.shape_cast %mul3A_1124 : vector<16xf32> to vector<1x1x16xf32>
      tpu.vector_store %arg8[%swap3A_1126, %swap3A_1127, %swap3A_1128], %swap3A_1131 {strides = array<i32>} : memref<4x160x64xf32, #tpu.memory_space<vmem>>, vector<1x1x16xf32>,
      %get3A_1132 = arith.constant 0 : i32
      %get3A_1133 = arith.index_cast %get3A_1132 : i32 to index
      %get3A_1134 = arith.index_cast %add3A_1102 : i32 to index
      %get3A_1135 = arith.constant 16 : index
      %get3A_1136 = tpu.vector_load %arg8[%get3A_1133, %get3A_1134, %get3A_1135] {strides = array<i32>} : memref<4x160x64xf32, #tpu.memory_space<vmem>>, vector<1x1x16xf32>,
      %get3A_1137 = vector.shape_cast %get3A_1136 : vector<1x1x16xf32> to vector<16xf32>
      %mul3A_1138 = arith.mulf %get3A_1137, %select_n3A_1117 : vector<16xf32>
      %swap3A_1139 = arith.constant 0 : i32
      %swap3A_1140 = arith.index_cast %swap3A_1139 : i32 to index
      %swap3A_1141 = arith.index_cast %add3A_1102 : i32 to index
      %swap3A_1142 = arith.constant 16 : index
      %swap3A_1143 = tpu.vector_load %arg8[%swap3A_1140, %swap3A_1141, %swap3A_1142] {strides = array<i32>} : memref<4x160x64xf32, #tpu.memory_space<vmem>>, vector<1x1x16xf32>,
      %swap3A_1144 = vector.shape_cast %swap3A_1143 : vector<1x1x16xf32> to vector<16xf32>
      %swap3A_1145 = vector.shape_cast %mul3A_1138 : vector<16xf32> to vector<1x1x16xf32>
      tpu.vector_store %arg8[%swap3A_1140, %swap3A_1141, %swap3A_1142], %swap3A_1145 {strides = array<i32>} : memref<4x160x64xf32, #tpu.memory_space<vmem>>, vector<1x1x16xf32>,
      %get3A_1146 = arith.constant 0 : i32
      %get3A_1147 = arith.index_cast %get3A_1146 : i32 to index
      %get3A_1148 = arith.index_cast %add3A_1102 : i32 to index
      %get3A_1149 = arith.constant 32 : index
      %get3A_1150 = tpu.vector_load %arg8[%get3A_1147, %get3A_1148, %get3A_1149] {strides = array<i32>} : memref<4x160x64xf32, #tpu.memory_space<vmem>>, vector<1x1x16xf32>,
      %get3A_1151 = vector.shape_cast %get3A_1150 : vector<1x1x16xf32> to vector<16xf32>
      %mul3A_1152 = arith.mulf %get3A_1151, %select_n3A_1117 : vector<16xf32>
      %swap3A_1153 = arith.constant 0 : i32
      %swap3A_1154 = arith.index_cast %swap3A_1153 : i32 to index
      %swap3A_1155 = arith.index_cast %add3A_1102 : i32 to index
      %swap3A_1156 = arith.constant 32 : index
      %swap3A_1157 = tpu.vector_load %arg8[%swap3A_1154, %swap3A_1155, %swap3A_1156] {strides = array<i32>} : memref<4x160x64xf32, #tpu.memory_space<vmem>>, vector<1x1x16xf32>,
      %swap3A_1158 = vector.shape_cast %swap3A_1157 : vector<1x1x16xf32> to vector<16xf32>
      %swap3A_1159 = vector.shape_cast %mul3A_1152 : vector<16xf32> to vector<1x1x16xf32>
      tpu.vector_store %arg8[%swap3A_1154, %swap3A_1155, %swap3A_1156], %swap3A_1159 {strides = array<i32>} : memref<4x160x64xf32, #tpu.memory_space<vmem>>, vector<1x1x16xf32>,
      %get3A_1160 = arith.constant 0 : i32
      %get3A_1161 = arith.index_cast %get3A_1160 : i32 to index
      %get3A_1162 = arith.index_cast %add3A_1102 : i32 to index
      %get3A_1163 = arith.constant 48 : index
      %get3A_1164 = tpu.vector_load %arg8[%get3A_1161, %get3A_1162, %get3A_1163] {strides = array<i32>} : memref<4x160x64xf32, #tpu.memory_space<vmem>>, vector<1x1x16xf32>,
      %get3A_1165 = vector.shape_cast %get3A_1164 : vector<1x1x16xf32> to vector<16xf32>
      %mul3A_1166 = arith.mulf %get3A_1165, %select_n3A_1117 : vector<16xf32>
      %swap3A_1167 = arith.constant 0 : i32
      %swap3A_1168 = arith.index_cast %swap3A_1167 : i32 to index
      %swap3A_1169 = arith.index_cast %add3A_1102 : i32 to index
      %swap3A_1170 = arith.constant 48 : index
      %swap3A_1171 = tpu.vector_load %arg8[%swap3A_1168, %swap3A_1169, %swap3A_1170] {strides = array<i32>} : memref<4x160x64xf32, #tpu.memory_space<vmem>>, vector<1x1x16xf32>,
      %swap3A_1172 = vector.shape_cast %swap3A_1171 : vector<1x1x16xf32> to vector<16xf32>
      %swap3A_1173 = vector.shape_cast %mul3A_1166 : vector<16xf32> to vector<1x1x16xf32>
      tpu.vector_store %arg8[%swap3A_1168, %swap3A_1169, %swap3A_1170], %swap3A_1173 {strides = array<i32>} : memref<4x160x64xf32, #tpu.memory_space<vmem>>, vector<1x1x16xf32>,
      %mul3A_1174 = arith.constant 4 : i32
      %mul3A_1175 = arith.muli %scan3A_1027, %mul3A_1174 : i32
      %add3A_1176 = arith.constant 2 : i32
      %add3A_1177 = arith.addi %mul3A_1175, %add3A_1176 : i32
      %add3A_1178 = arith.constant 0 : i32
      %add3A_1179 = arith.addi %add3A_1178, %add3A_1177 : i32
      %get3A_1180 = arith.index_cast %add3A_1179 : i32 to index
      %get3A_1181 = arith.constant 0 : index
      %get3A_1182 = tpu.vector_load %arg11[%get3A_1180, %get3A_1181] {strides = array<i32>} : memref<640x16xf32, #tpu.memory_space<vmem>>, vector<1x16xf32>,
      %get3A_1183 = vector.shape_cast %get3A_1182 : vector<1x16xf32> to vector<16xf32>
      %gt3A_1184 = arith.constant 0.000000e+00 : f32
      %gt3A_1185 = vector.broadcast %gt3A_1184 : f32 to vector<16xf32>
      %gt3A_1186 = arith.cmpf ogt, %get3A_1183, %gt3A_1185 : vector<16xf32>
      %div3A_1187 = arith.constant 1.000000e+00 : f32
      %div3A_1188 = vector.broadcast %div3A_1187 : f32 to vector<16xf32>
      %div3A_1189 = arith.divf %div3A_1188, %get3A_1183 : vector<16xf32>
      %jit3A_1190 = arith.constant 0.000000e+00 : f32
      %broadcast_in_dim3A_1191 = vector.broadcast %jit3A_1190 : f32 to vector<16xf32>
      %select_n3A_1192 = arith.select %gt3A_1186, %div3A_1189, %broadcast_in_dim3A_1191 : vector<16xi1>, vector<16xf32>
      %get3A_1193 = arith.constant 0 : i32
      %get3A_1194 = arith.index_cast %get3A_1193 : i32 to index
      %get3A_1195 = arith.index_cast %add3A_1177 : i32 to index
      %get3A_1196 = arith.constant 0 : index
      %get3A_1197 = tpu.vector_load %arg8[%get3A_1194, %get3A_1195, %get3A_1196] {strides = array<i32>} : memref<4x160x64xf32, #tpu.memory_space<vmem>>, vector<1x1x16xf32>,
      %get3A_1198 = vector.shape_cast %get3A_1197 : vector<1x1x16xf32> to vector<16xf32>
      %mul3A_1199 = arith.mulf %get3A_1198, %select_n3A_1192 : vector<16xf32>
      %swap3A_1200 = arith.constant 0 : i32
      %swap3A_1201 = arith.index_cast %swap3A_1200 : i32 to index
      %swap3A_1202 = arith.index_cast %add3A_1177 : i32 to index
      %swap3A_1203 = arith.constant 0 : index
      %swap3A_1204 = tpu.vector_load %arg8[%swap3A_1201, %swap3A_1202, %swap3A_1203] {strides = array<i32>} : memref<4x160x64xf32, #tpu.memory_space<vmem>>, vector<1x1x16xf32>,
      %swap3A_1205 = vector.shape_cast %swap3A_1204 : vector<1x1x16xf32> to vector<16xf32>
      %swap3A_1206 = vector.shape_cast %mul3A_1199 : vector<16xf32> to vector<1x1x16xf32>
      tpu.vector_store %arg8[%swap3A_1201, %swap3A_1202, %swap3A_1203], %swap3A_1206 {strides = array<i32>} : memref<4x160x64xf32, #tpu.memory_space<vmem>>, vector<1x1x16xf32>,
      %get3A_1207 = arith.constant 0 : i32
      %get3A_1208 = arith.index_cast %get3A_1207 : i32 to index
      %get3A_1209 = arith.index_cast %add3A_1177 : i32 to index
      %get3A_1210 = arith.constant 16 : index
      %get3A_1211 = tpu.vector_load %arg8[%get3A_1208, %get3A_1209, %get3A_1210] {strides = array<i32>} : memref<4x160x64xf32, #tpu.memory_space<vmem>>, vector<1x1x16xf32>,
      %get3A_1212 = vector.shape_cast %get3A_1211 : vector<1x1x16xf32> to vector<16xf32>
      %mul3A_1213 = arith.mulf %get3A_1212, %select_n3A_1192 : vector<16xf32>
      %swap3A_1214 = arith.constant 0 : i32
      %swap3A_1215 = arith.index_cast %swap3A_1214 : i32 to index
      %swap3A_1216 = arith.index_cast %add3A_1177 : i32 to index
      %swap3A_1217 = arith.constant 16 : index
      %swap3A_1218 = tpu.vector_load %arg8[%swap3A_1215, %swap3A_1216, %swap3A_1217] {strides = array<i32>} : memref<4x160x64xf32, #tpu.memory_space<vmem>>, vector<1x1x16xf32>,
      %swap3A_1219 = vector.shape_cast %swap3A_1218 : vector<1x1x16xf32> to vector<16xf32>
      %swap3A_1220 = vector.shape_cast %mul3A_1213 : vector<16xf32> to vector<1x1x16xf32>
      tpu.vector_store %arg8[%swap3A_1215, %swap3A_1216, %swap3A_1217], %swap3A_1220 {strides = array<i32>} : memref<4x160x64xf32, #tpu.memory_space<vmem>>, vector<1x1x16xf32>,
      %get3A_1221 = arith.constant 0 : i32
      %get3A_1222 = arith.index_cast %get3A_1221 : i32 to index
      %get3A_1223 = arith.index_cast %add3A_1177 : i32 to index
      %get3A_1224 = arith.constant 32 : index
      %get3A_1225 = tpu.vector_load %arg8[%get3A_1222, %get3A_1223, %get3A_1224] {strides = array<i32>} : memref<4x160x64xf32, #tpu.memory_space<vmem>>, vector<1x1x16xf32>,
      %get3A_1226 = vector.shape_cast %get3A_1225 : vector<1x1x16xf32> to vector<16xf32>
      %mul3A_1227 = arith.mulf %get3A_1226, %select_n3A_1192 : vector<16xf32>
      %swap3A_1228 = arith.constant 0 : i32
      %swap3A_1229 = arith.index_cast %swap3A_1228 : i32 to index
      %swap3A_1230 = arith.index_cast %add3A_1177 : i32 to index
      %swap3A_1231 = arith.constant 32 : index
      %swap3A_1232 = tpu.vector_load %arg8[%swap3A_1229, %swap3A_1230, %swap3A_1231] {strides = array<i32>} : memref<4x160x64xf32, #tpu.memory_space<vmem>>, vector<1x1x16xf32>,
      %swap3A_1233 = vector.shape_cast %swap3A_1232 : vector<1x1x16xf32> to vector<16xf32>
      %swap3A_1234 = vector.shape_cast %mul3A_1227 : vector<16xf32> to vector<1x1x16xf32>
      tpu.vector_store %arg8[%swap3A_1229, %swap3A_1230, %swap3A_1231], %swap3A_1234 {strides = array<i32>} : memref<4x160x64xf32, #tpu.memory_space<vmem>>, vector<1x1x16xf32>,
      %get3A_1235 = arith.constant 0 : i32
      %get3A_1236 = arith.index_cast %get3A_1235 : i32 to index
      %get3A_1237 = arith.index_cast %add3A_1177 : i32 to index
      %get3A_1238 = arith.constant 48 : index
      %get3A_1239 = tpu.vector_load %arg8[%get3A_1236, %get3A_1237, %get3A_1238] {strides = array<i32>} : memref<4x160x64xf32, #tpu.memory_space<vmem>>, vector<1x1x16xf32>,
      %get3A_1240 = vector.shape_cast %get3A_1239 : vector<1x1x16xf32> to vector<16xf32>
      %mul3A_1241 = arith.mulf %get3A_1240, %select_n3A_1192 : vector<16xf32>
      %swap3A_1242 = arith.constant 0 : i32
      %swap3A_1243 = arith.index_cast %swap3A_1242 : i32 to index
      %swap3A_1244 = arith.index_cast %add3A_1177 : i32 to index
      %swap3A_1245 = arith.constant 48 : index
      %swap3A_1246 = tpu.vector_load %arg8[%swap3A_1243, %swap3A_1244, %swap3A_1245] {strides = array<i32>} : memref<4x160x64xf32, #tpu.memory_space<vmem>>, vector<1x1x16xf32>,
      %swap3A_1247 = vector.shape_cast %swap3A_1246 : vector<1x1x16xf32> to vector<16xf32>
      %swap3A_1248 = vector.shape_cast %mul3A_1241 : vector<16xf32> to vector<1x1x16xf32>
      tpu.vector_store %arg8[%swap3A_1243, %swap3A_1244, %swap3A_1245], %swap3A_1248 {strides = array<i32>} : memref<4x160x64xf32, #tpu.memory_space<vmem>>, vector<1x1x16xf32>,
      %mul3A_1249 = arith.constant 4 : i32
      %mul3A_1250 = arith.muli %scan3A_1027, %mul3A_1249 : i32
      %add3A_1251 = arith.constant 3 : i32
      %add3A_1252 = arith.addi %mul3A_1250, %add3A_1251 : i32
      %add3A_1253 = arith.constant 0 : i32
      %add3A_1254 = arith.addi %add3A_1253, %add3A_1252 : i32
      %get3A_1255 = arith.index_cast %add3A_1254 : i32 to index
      %get3A_1256 = arith.constant 0 : index
      %get3A_1257 = tpu.vector_load %arg11[%get3A_1255, %get3A_1256] {strides = array<i32>} : memref<640x16xf32, #tpu.memory_space<vmem>>, vector<1x16xf32>,
      %get3A_1258 = vector.shape_cast %get3A_1257 : vector<1x16xf32> to vector<16xf32>
      %gt3A_1259 = arith.constant 0.000000e+00 : f32
      %gt3A_1260 = vector.broadcast %gt3A_1259 : f32 to vector<16xf32>
      %gt3A_1261 = arith.cmpf ogt, %get3A_1258, %gt3A_1260 : vector<16xf32>
      %div3A_1262 = arith.constant 1.000000e+00 : f32
      %div3A_1263 = vector.broadcast %div3A_1262 : f32 to vector<16xf32>
      %div3A_1264 = arith.divf %div3A_1263, %get3A_1258 : vector<16xf32>
      %jit3A_1265 = arith.constant 0.000000e+00 : f32
      %broadcast_in_dim3A_1266 = vector.broadcast %jit3A_1265 : f32 to vector<16xf32>
      %select_n3A_1267 = arith.select %gt3A_1261, %div3A_1264, %broadcast_in_dim3A_1266 : vector<16xi1>, vector<16xf32>
      %get3A_1268 = arith.constant 0 : i32
      %get3A_1269 = arith.index_cast %get3A_1268 : i32 to index
      %get3A_1270 = arith.index_cast %add3A_1252 : i32 to index
      %get3A_1271 = arith.constant 0 : index
      %get3A_1272 = tpu.vector_load %arg8[%get3A_1269, %get3A_1270, %get3A_1271] {strides = array<i32>} : memref<4x160x64xf32, #tpu.memory_space<vmem>>, vector<1x1x16xf32>,
      %get3A_1273 = vector.shape_cast %get3A_1272 : vector<1x1x16xf32> to vector<16xf32>
      %mul3A_1274 = arith.mulf %get3A_1273, %select_n3A_1267 : vector<16xf32>
      %swap3A_1275 = arith.constant 0 : i32
      %swap3A_1276 = arith.index_cast %swap3A_1275 : i32 to index
      %swap3A_1277 = arith.index_cast %add3A_1252 : i32 to index
      %swap3A_1278 = arith.constant 0 : index
      %swap3A_1279 = tpu.vector_load %arg8[%swap3A_1276, %swap3A_1277, %swap3A_1278] {strides = array<i32>} : memref<4x160x64xf32, #tpu.memory_space<vmem>>, vector<1x1x16xf32>,
      %swap3A_1280 = vector.shape_cast %swap3A_1279 : vector<1x1x16xf32> to vector<16xf32>
      %swap3A_1281 = vector.shape_cast %mul3A_1274 : vector<16xf32> to vector<1x1x16xf32>
      tpu.vector_store %arg8[%swap3A_1276, %swap3A_1277, %swap3A_1278], %swap3A_1281 {strides = array<i32>} : memref<4x160x64xf32, #tpu.memory_space<vmem>>, vector<1x1x16xf32>,
      %get3A_1282 = arith.constant 0 : i32
      %get3A_1283 = arith.index_cast %get3A_1282 : i32 to index
      %get3A_1284 = arith.index_cast %add3A_1252 : i32 to index
      %get3A_1285 = arith.constant 16 : index
      %get3A_1286 = tpu.vector_load %arg8[%get3A_1283, %get3A_1284, %get3A_1285] {strides = array<i32>} : memref<4x160x64xf32, #tpu.memory_space<vmem>>, vector<1x1x16xf32>,
      %get3A_1287 = vector.shape_cast %get3A_1286 : vector<1x1x16xf32> to vector<16xf32>
      %mul3A_1288 = arith.mulf %get3A_1287, %select_n3A_1267 : vector<16xf32>
      %swap3A_1289 = arith.constant 0 : i32
      %swap3A_1290 = arith.index_cast %swap3A_1289 : i32 to index
      %swap3A_1291 = arith.index_cast %add3A_1252 : i32 to index
      %swap3A_1292 = arith.constant 16 : index
      %swap3A_1293 = tpu.vector_load %arg8[%swap3A_1290, %swap3A_1291, %swap3A_1292] {strides = array<i32>} : memref<4x160x64xf32, #tpu.memory_space<vmem>>, vector<1x1x16xf32>,
      %swap3A_1294 = vector.shape_cast %swap3A_1293 : vector<1x1x16xf32> to vector<16xf32>
      %swap3A_1295 = vector.shape_cast %mul3A_1288 : vector<16xf32> to vector<1x1x16xf32>
      tpu.vector_store %arg8[%swap3A_1290, %swap3A_1291, %swap3A_1292], %swap3A_1295 {strides = array<i32>} : memref<4x160x64xf32, #tpu.memory_space<vmem>>, vector<1x1x16xf32>,
      %get3A_1296 = arith.constant 0 : i32
      %get3A_1297 = arith.index_cast %get3A_1296 : i32 to index
      %get3A_1298 = arith.index_cast %add3A_1252 : i32 to index
      %get3A_1299 = arith.constant 32 : index
      %get3A_1300 = tpu.vector_load %arg8[%get3A_1297, %get3A_1298, %get3A_1299] {strides = array<i32>} : memref<4x160x64xf32, #tpu.memory_space<vmem>>, vector<1x1x16xf32>,
      %get3A_1301 = vector.shape_cast %get3A_1300 : vector<1x1x16xf32> to vector<16xf32>
      %mul3A_1302 = arith.mulf %get3A_1301, %select_n3A_1267 : vector<16xf32>
      %swap3A_1303 = arith.constant 0 : i32
      %swap3A_1304 = arith.index_cast %swap3A_1303 : i32 to index
      %swap3A_1305 = arith.index_cast %add3A_1252 : i32 to index
      %swap3A_1306 = arith.constant 32 : index
      %swap3A_1307 = tpu.vector_load %arg8[%swap3A_1304, %swap3A_1305, %swap3A_1306] {strides = array<i32>} : memref<4x160x64xf32, #tpu.memory_space<vmem>>, vector<1x1x16xf32>,
      %swap3A_1308 = vector.shape_cast %swap3A_1307 : vector<1x1x16xf32> to vector<16xf32>
      %swap3A_1309 = vector.shape_cast %mul3A_1302 : vector<16xf32> to vector<1x1x16xf32>
      tpu.vector_store %arg8[%swap3A_1304, %swap3A_1305, %swap3A_1306], %swap3A_1309 {strides = array<i32>} : memref<4x160x64xf32, #tpu.memory_space<vmem>>, vector<1x1x16xf32>,
      %get3A_1310 = arith.constant 0 : i32
      %get3A_1311 = arith.index_cast %get3A_1310 : i32 to index
      %get3A_1312 = arith.index_cast %add3A_1252 : i32 to index
      %get3A_1313 = arith.constant 48 : index
      %get3A_1314 = tpu.vector_load %arg8[%get3A_1311, %get3A_1312, %get3A_1313] {strides = array<i32>} : memref<4x160x64xf32, #tpu.memory_space<vmem>>, vector<1x1x16xf32>,
      %get3A_1315 = vector.shape_cast %get3A_1314 : vector<1x1x16xf32> to vector<16xf32>
      %mul3A_1316 = arith.mulf %get3A_1315, %select_n3A_1267 : vector<16xf32>
      %swap3A_1317 = arith.constant 0 : i32
      %swap3A_1318 = arith.index_cast %swap3A_1317 : i32 to index
      %swap3A_1319 = arith.index_cast %add3A_1252 : i32 to index
      %swap3A_1320 = arith.constant 48 : index
      %swap3A_1321 = tpu.vector_load %arg8[%swap3A_1318, %swap3A_1319, %swap3A_1320] {strides = array<i32>} : memref<4x160x64xf32, #tpu.memory_space<vmem>>, vector<1x1x16xf32>,
      %swap3A_1322 = vector.shape_cast %swap3A_1321 : vector<1x1x16xf32> to vector<16xf32>
      %swap3A_1323 = vector.shape_cast %mul3A_1316 : vector<16xf32> to vector<1x1x16xf32>
      tpu.vector_store %arg8[%swap3A_1318, %swap3A_1319, %swap3A_1320], %swap3A_1323 {strides = array<i32>} : memref<4x160x64xf32, #tpu.memory_space<vmem>>, vector<1x1x16xf32>,
      %scan3A_1324 = arith.constant 0 : i32
      scf.yield %scan3A_1324 : i32
    }
    %scan3A_944 = arith.constant 40 : i32
    %add3A_945 = arith.constant 0 : i32
    %add3A_946 = arith.addi %mul3A_5, %add3A_945 : i32
    %dma_start3A_947 = arith.constant 0 : i32
    %dma_start3A_948 = arith.constant 0 : i32
    %dma_start3A_949 = arith.constant 0 : i32
    %dma_start3A_950 = tpu.memref_slice %arg8[%dma_start3A_947, %dma_start3A_948, %dma_start3A_949] : memref<4x160x64xf32, #tpu.memory_space<vmem>> -> memref<1x160x64xf32, #tpu.memory_space<vmem>>
    %dma_start3A_951 = tpu.memref_squeeze %dma_start3A_950 : memref<1x160x64xf32, #tpu.memory_space<vmem>> -> memref<160x64xf32, #tpu.memory_space<vmem>>
    %dma_start3A_952 = tpu.memref_slice %arg5[%add3A_946, %mul3A_3] : memref<10000x128xf32, #tpu.memory_space<hbm>> -> memref<160x64xf32, #tpu.memory_space<hbm>>
    %dma_start3A_953 = tpu.memref_slice %arg5[%add3A_946, %mul3A_3] : memref<10000x128xf32, #tpu.memory_space<hbm>> -> memref<160x64xf32, #tpu.memory_space<hbm>>
    %dma_start3A_954 = arith.constant 0 : i32
    %dma_start3A_955 = arith.constant 0 : i32
    %dma_start3A_956 = tpu.memref_slice %arg8[%dma_start3A_947, %dma_start3A_954, %dma_start3A_955] : memref<4x160x64xf32, #tpu.memory_space<vmem>> -> memref<1x160x64xf32, #tpu.memory_space<vmem>>
    %dma_start3A_957 = tpu.memref_squeeze %dma_start3A_956 : memref<1x160x64xf32, #tpu.memory_space<vmem>> -> memref<160x64xf32, #tpu.memory_space<vmem>>
    tpu.enqueue_dma source(%dma_start3A_957 : memref<160x64xf32, #tpu.memory_space<vmem>>) target(%dma_start3A_953 : memref<160x64xf32, #tpu.memory_space<hbm>>) target_semaphore(%arg16 : memref<!tpu.dma_semaphore, #tpu.memory_space<semaphore_mem>>)
    %dma_wait3A_958 = arith.constant 1 : i32
    %dma_wait3A_959 = arith.constant 0 : i32
    %dma_wait3A_960 = arith.constant 0 : i32
    %dma_wait3A_961 = tpu.memref_slice %arg8[%dma_wait3A_958, %dma_wait3A_959, %dma_wait3A_960] : memref<4x160x64xf32, #tpu.memory_space<vmem>> -> memref<1x160x64xf32, #tpu.memory_space<vmem>>
    %dma_wait3A_962 = tpu.memref_squeeze %dma_wait3A_961 : memref<1x160x64xf32, #tpu.memory_space<vmem>> -> memref<160x64xf32, #tpu.memory_space<vmem>>
    %dma_wait3A_963 = arith.constant 0 : i32
    %dma_wait3A_964 = tpu.memref_slice %arg6[%add3A_878, %dma_wait3A_963] : memref<10240x64xf32, #tpu.memory_space<vmem_shared>> -> memref<160x64xf32, #tpu.memory_space<vmem_shared>>
    %dma_wait3A_965 = arith.constant 0 : i32
    %dma_wait3A_966 = arith.constant 0 : i32
    %dma_wait3A_967 = tpu.memref_slice %arg8[%dma_wait3A_958, %dma_wait3A_965, %dma_wait3A_966] : memref<4x160x64xf32, #tpu.memory_space<vmem>> -> memref<1x160x64xf32, #tpu.memory_space<vmem>>
    %dma_wait3A_968 = tpu.memref_squeeze %dma_wait3A_967 : memref<1x160x64xf32, #tpu.memory_space<vmem>> -> memref<160x64xf32, #tpu.memory_space<vmem>>
    %dma_wait3A_969 = arith.constant 0 : i32
    %dma_wait3A_970 = tpu.memref_slice %arg6[%add3A_878, %dma_wait3A_969] : memref<10240x64xf32, #tpu.memory_space<vmem_shared>> -> memref<160x64xf32, #tpu.memory_space<vmem_shared>>
    tpu.wait_dma2 semaphore(%arg13 : memref<!tpu.dma_semaphore, #tpu.memory_space<semaphore_mem>>) src(%dma_wait3A_970 : memref<160x64xf32, #tpu.memory_space<vmem_shared>>) dst(%dma_wait3A_968 : memref<160x64xf32, #tpu.memory_space<vmem>>)
    %scan3A_971 = arith.constant 0 : i32
    %scan3A_972 = arith.constant 0 : i32
    %scan3A_973 = arith.constant 40 : i32
    %scan3A_974 = arith.addi %scan3A_972, %scan3A_973 : i32
    %scan3A_975 = arith.constant 1 : i32
    %scan3A_976 = scf.for %scan3A_1027 = %scan3A_972 to %scan3A_974 step %scan3A_975 iter_args(%scan3A_1028 = %scan3A_971) -> (i32)  : i32 {
      %mul3A_1029 = arith.constant 4 : i32
      %mul3A_1030 = arith.muli %scan3A_1027, %mul3A_1029 : i32
      %add3A_1031 = arith.constant 0 : i32
      %add3A_1032 = arith.addi %mul3A_1030, %add3A_1031 : i32
      %add3A_1033 = arith.constant 160 : i32
      %add3A_1034 = arith.addi %add3A_1033, %add3A_1032 : i32
      %get3A = arith.index_cast %add3A_1034 : i32 to index
      %get3A_1035 = arith.constant 0 : index
      %get3A_1036 = tpu.vector_load %arg11[%get3A, %get3A_1035] {strides = array<i32>} : memref<640x16xf32, #tpu.memory_space<vmem>>, vector<1x16xf32>,
      %get3A_1037 = vector.shape_cast %get3A_1036 : vector<1x16xf32> to vector<16xf32>
      %gt3A = arith.constant 0.000000e+00 : f32
      %gt3A_1038 = vector.broadcast %gt3A : f32 to vector<16xf32>
      %gt3A_1039 = arith.cmpf ogt, %get3A_1037, %gt3A_1038 : vector<16xf32>
      %div3A = arith.constant 1.000000e+00 : f32
      %div3A_1040 = vector.broadcast %div3A : f32 to vector<16xf32>
      %div3A_1041 = arith.divf %div3A_1040, %get3A_1037 : vector<16xf32>
      %jit3A = arith.constant 0.000000e+00 : f32
      %broadcast_in_dim3A_1042 = vector.broadcast %jit3A : f32 to vector<16xf32>
      %select_n3A = arith.select %gt3A_1039, %div3A_1041, %broadcast_in_dim3A_1042 : vector<16xi1>, vector<16xf32>
      %get3A_1043 = arith.constant 1 : i32
      %get3A_1044 = arith.index_cast %get3A_1043 : i32 to index
      %get3A_1045 = arith.index_cast %add3A_1032 : i32 to index
      %get3A_1046 = arith.constant 0 : index
      %get3A_1047 = tpu.vector_load %arg8[%get3A_1044, %get3A_1045, %get3A_1046] {strides = array<i32>} : memref<4x160x64xf32, #tpu.memory_space<vmem>>, vector<1x1x16xf32>,
      %get3A_1048 = vector.shape_cast %get3A_1047 : vector<1x1x16xf32> to vector<16xf32>
      %mul3A_1049 = arith.mulf %get3A_1048, %select_n3A : vector<16xf32>
      %swap3A_1050 = arith.constant 1 : i32
      %swap3A_1051 = arith.index_cast %swap3A_1050 : i32 to index
      %swap3A_1052 = arith.index_cast %add3A_1032 : i32 to index
      %swap3A_1053 = arith.constant 0 : index
      %swap3A_1054 = tpu.vector_load %arg8[%swap3A_1051, %swap3A_1052, %swap3A_1053] {strides = array<i32>} : memref<4x160x64xf32, #tpu.memory_space<vmem>>, vector<1x1x16xf32>,
      %swap3A_1055 = vector.shape_cast %swap3A_1054 : vector<1x1x16xf32> to vector<16xf32>
      %swap3A_1056 = vector.shape_cast %mul3A_1049 : vector<16xf32> to vector<1x1x16xf32>
      tpu.vector_store %arg8[%swap3A_1051, %swap3A_1052, %swap3A_1053], %swap3A_1056 {strides = array<i32>} : memref<4x160x64xf32, #tpu.memory_space<vmem>>, vector<1x1x16xf32>,
      %get3A_1057 = arith.constant 1 : i32
      %get3A_1058 = arith.index_cast %get3A_1057 : i32 to index
      %get3A_1059 = arith.index_cast %add3A_1032 : i32 to index
      %get3A_1060 = arith.constant 16 : index
      %get3A_1061 = tpu.vector_load %arg8[%get3A_1058, %get3A_1059, %get3A_1060] {strides = array<i32>} : memref<4x160x64xf32, #tpu.memory_space<vmem>>, vector<1x1x16xf32>,
      %get3A_1062 = vector.shape_cast %get3A_1061 : vector<1x1x16xf32> to vector<16xf32>
      %mul3A_1063 = arith.mulf %get3A_1062, %select_n3A : vector<16xf32>
      %swap3A_1064 = arith.constant 1 : i32
      %swap3A_1065 = arith.index_cast %swap3A_1064 : i32 to index
      %swap3A_1066 = arith.index_cast %add3A_1032 : i32 to index
      %swap3A_1067 = arith.constant 16 : index
      %swap3A_1068 = tpu.vector_load %arg8[%swap3A_1065, %swap3A_1066, %swap3A_1067] {strides = array<i32>} : memref<4x160x64xf32, #tpu.memory_space<vmem>>, vector<1x1x16xf32>,
      %swap3A_1069 = vector.shape_cast %swap3A_1068 : vector<1x1x16xf32> to vector<16xf32>
      %swap3A_1070 = vector.shape_cast %mul3A_1063 : vector<16xf32> to vector<1x1x16xf32>
      tpu.vector_store %arg8[%swap3A_1065, %swap3A_1066, %swap3A_1067], %swap3A_1070 {strides = array<i32>} : memref<4x160x64xf32, #tpu.memory_space<vmem>>, vector<1x1x16xf32>,
      %get3A_1071 = arith.constant 1 : i32
      %get3A_1072 = arith.index_cast %get3A_1071 : i32 to index
      %get3A_1073 = arith.index_cast %add3A_1032 : i32 to index
      %get3A_1074 = arith.constant 32 : index
      %get3A_1075 = tpu.vector_load %arg8[%get3A_1072, %get3A_1073, %get3A_1074] {strides = array<i32>} : memref<4x160x64xf32, #tpu.memory_space<vmem>>, vector<1x1x16xf32>,
      %get3A_1076 = vector.shape_cast %get3A_1075 : vector<1x1x16xf32> to vector<16xf32>
      %mul3A_1077 = arith.mulf %get3A_1076, %select_n3A : vector<16xf32>
      %swap3A_1078 = arith.constant 1 : i32
      %swap3A_1079 = arith.index_cast %swap3A_1078 : i32 to index
      %swap3A_1080 = arith.index_cast %add3A_1032 : i32 to index
      %swap3A_1081 = arith.constant 32 : index
      %swap3A_1082 = tpu.vector_load %arg8[%swap3A_1079, %swap3A_1080, %swap3A_1081] {strides = array<i32>} : memref<4x160x64xf32, #tpu.memory_space<vmem>>, vector<1x1x16xf32>,
      %swap3A_1083 = vector.shape_cast %swap3A_1082 : vector<1x1x16xf32> to vector<16xf32>
      %swap3A_1084 = vector.shape_cast %mul3A_1077 : vector<16xf32> to vector<1x1x16xf32>
      tpu.vector_store %arg8[%swap3A_1079, %swap3A_1080, %swap3A_1081], %swap3A_1084 {strides = array<i32>} : memref<4x160x64xf32, #tpu.memory_space<vmem>>, vector<1x1x16xf32>,
      %get3A_1085 = arith.constant 1 : i32
      %get3A_1086 = arith.index_cast %get3A_1085 : i32 to index
      %get3A_1087 = arith.index_cast %add3A_1032 : i32 to index
      %get3A_1088 = arith.constant 48 : index
      %get3A_1089 = tpu.vector_load %arg8[%get3A_1086, %get3A_1087, %get3A_1088] {strides = array<i32>} : memref<4x160x64xf32, #tpu.memory_space<vmem>>, vector<1x1x16xf32>,
      %get3A_1090 = vector.shape_cast %get3A_1089 : vector<1x1x16xf32> to vector<16xf32>
      %mul3A_1091 = arith.mulf %get3A_1090, %select_n3A : vector<16xf32>
      %swap3A_1092 = arith.constant 1 : i32
      %swap3A_1093 = arith.index_cast %swap3A_1092 : i32 to index
      %swap3A_1094 = arith.index_cast %add3A_1032 : i32 to index
      %swap3A_1095 = arith.constant 48 : index
      %swap3A_1096 = tpu.vector_load %arg8[%swap3A_1093, %swap3A_1094, %swap3A_1095] {strides = array<i32>} : memref<4x160x64xf32, #tpu.memory_space<vmem>>, vector<1x1x16xf32>,
      %swap3A_1097 = vector.shape_cast %swap3A_1096 : vector<1x1x16xf32> to vector<16xf32>
      %swap3A_1098 = vector.shape_cast %mul3A_1091 : vector<16xf32> to vector<1x1x16xf32>
      tpu.vector_store %arg8[%swap3A_1093, %swap3A_1094, %swap3A_1095], %swap3A_1098 {strides = array<i32>} : memref<4x160x64xf32, #tpu.memory_space<vmem>>, vector<1x1x16xf32>,
      %mul3A_1099 = arith.constant 4 : i32
      %mul3A_1100 = arith.muli %scan3A_1027, %mul3A_1099 : i32
      %add3A_1101 = arith.constant 1 : i32
      %add3A_1102 = arith.addi %mul3A_1100, %add3A_1101 : i32
      %add3A_1103 = arith.constant 160 : i32
      %add3A_1104 = arith.addi %add3A_1103, %add3A_1102 : i32
      %get3A_1105 = arith.index_cast %add3A_1104 : i32 to index
      %get3A_1106 = arith.constant 0 : index
      %get3A_1107 = tpu.vector_load %arg11[%get3A_1105, %get3A_1106] {strides = array<i32>} : memref<640x16xf32, #tpu.memory_space<vmem>>, vector<1x16xf32>,
      %get3A_1108 = vector.shape_cast %get3A_1107 : vector<1x16xf32> to vector<16xf32>
      %gt3A_1109 = arith.constant 0.000000e+00 : f32
      %gt3A_1110 = vector.broadcast %gt3A_1109 : f32 to vector<16xf32>
      %gt3A_1111 = arith.cmpf ogt, %get3A_1108, %gt3A_1110 : vector<16xf32>
      %div3A_1112 = arith.constant 1.000000e+00 : f32
      %div3A_1113 = vector.broadcast %div3A_1112 : f32 to vector<16xf32>
      %div3A_1114 = arith.divf %div3A_1113, %get3A_1108 : vector<16xf32>
      %jit3A_1115 = arith.constant 0.000000e+00 : f32
      %broadcast_in_dim3A_1116 = vector.broadcast %jit3A_1115 : f32 to vector<16xf32>
      %select_n3A_1117 = arith.select %gt3A_1111, %div3A_1114, %broadcast_in_dim3A_1116 : vector<16xi1>, vector<16xf32>
      %get3A_1118 = arith.constant 1 : i32
      %get3A_1119 = arith.index_cast %get3A_1118 : i32 to index
      %get3A_1120 = arith.index_cast %add3A_1102 : i32 to index
      %get3A_1121 = arith.constant 0 : index
      %get3A_1122 = tpu.vector_load %arg8[%get3A_1119, %get3A_1120, %get3A_1121] {strides = array<i32>} : memref<4x160x64xf32, #tpu.memory_space<vmem>>, vector<1x1x16xf32>,
      %get3A_1123 = vector.shape_cast %get3A_1122 : vector<1x1x16xf32> to vector<16xf32>
      %mul3A_1124 = arith.mulf %get3A_1123, %select_n3A_1117 : vector<16xf32>
      %swap3A_1125 = arith.constant 1 : i32
      %swap3A_1126 = arith.index_cast %swap3A_1125 : i32 to index
      %swap3A_1127 = arith.index_cast %add3A_1102 : i32 to index
      %swap3A_1128 = arith.constant 0 : index
      %swap3A_1129 = tpu.vector_load %arg8[%swap3A_1126, %swap3A_1127, %swap3A_1128] {strides = array<i32>} : memref<4x160x64xf32, #tpu.memory_space<vmem>>, vector<1x1x16xf32>,
      %swap3A_1130 = vector.shape_cast %swap3A_1129 : vector<1x1x16xf32> to vector<16xf32>
      %swap3A_1131 = vector.shape_cast %mul3A_1124 : vector<16xf32> to vector<1x1x16xf32>
      tpu.vector_store %arg8[%swap3A_1126, %swap3A_1127, %swap3A_1128], %swap3A_1131 {strides = array<i32>} : memref<4x160x64xf32, #tpu.memory_space<vmem>>, vector<1x1x16xf32>,
      %get3A_1132 = arith.constant 1 : i32
      %get3A_1133 = arith.index_cast %get3A_1132 : i32 to index
      %get3A_1134 = arith.index_cast %add3A_1102 : i32 to index
      %get3A_1135 = arith.constant 16 : index
      %get3A_1136 = tpu.vector_load %arg8[%get3A_1133, %get3A_1134, %get3A_1135] {strides = array<i32>} : memref<4x160x64xf32, #tpu.memory_space<vmem>>, vector<1x1x16xf32>,
      %get3A_1137 = vector.shape_cast %get3A_1136 : vector<1x1x16xf32> to vector<16xf32>
      %mul3A_1138 = arith.mulf %get3A_1137, %select_n3A_1117 : vector<16xf32>
      %swap3A_1139 = arith.constant 1 : i32
      %swap3A_1140 = arith.index_cast %swap3A_1139 : i32 to index
      %swap3A_1141 = arith.index_cast %add3A_1102 : i32 to index
      %swap3A_1142 = arith.constant 16 : index
      %swap3A_1143 = tpu.vector_load %arg8[%swap3A_1140, %swap3A_1141, %swap3A_1142] {strides = array<i32>} : memref<4x160x64xf32, #tpu.memory_space<vmem>>, vector<1x1x16xf32>,
      %swap3A_1144 = vector.shape_cast %swap3A_1143 : vector<1x1x16xf32> to vector<16xf32>
      %swap3A_1145 = vector.shape_cast %mul3A_1138 : vector<16xf32> to vector<1x1x16xf32>
      tpu.vector_store %arg8[%swap3A_1140, %swap3A_1141, %swap3A_1142], %swap3A_1145 {strides = array<i32>} : memref<4x160x64xf32, #tpu.memory_space<vmem>>, vector<1x1x16xf32>,
      %get3A_1146 = arith.constant 1 : i32
      %get3A_1147 = arith.index_cast %get3A_1146 : i32 to index
      %get3A_1148 = arith.index_cast %add3A_1102 : i32 to index
      %get3A_1149 = arith.constant 32 : index
      %get3A_1150 = tpu.vector_load %arg8[%get3A_1147, %get3A_1148, %get3A_1149] {strides = array<i32>} : memref<4x160x64xf32, #tpu.memory_space<vmem>>, vector<1x1x16xf32>,
      %get3A_1151 = vector.shape_cast %get3A_1150 : vector<1x1x16xf32> to vector<16xf32>
      %mul3A_1152 = arith.mulf %get3A_1151, %select_n3A_1117 : vector<16xf32>
      %swap3A_1153 = arith.constant 1 : i32
      %swap3A_1154 = arith.index_cast %swap3A_1153 : i32 to index
      %swap3A_1155 = arith.index_cast %add3A_1102 : i32 to index
      %swap3A_1156 = arith.constant 32 : index
      %swap3A_1157 = tpu.vector_load %arg8[%swap3A_1154, %swap3A_1155, %swap3A_1156] {strides = array<i32>} : memref<4x160x64xf32, #tpu.memory_space<vmem>>, vector<1x1x16xf32>,
      %swap3A_1158 = vector.shape_cast %swap3A_1157 : vector<1x1x16xf32> to vector<16xf32>
      %swap3A_1159 = vector.shape_cast %mul3A_1152 : vector<16xf32> to vector<1x1x16xf32>
      tpu.vector_store %arg8[%swap3A_1154, %swap3A_1155, %swap3A_1156], %swap3A_1159 {strides = array<i32>} : memref<4x160x64xf32, #tpu.memory_space<vmem>>, vector<1x1x16xf32>,
      %get3A_1160 = arith.constant 1 : i32
      %get3A_1161 = arith.index_cast %get3A_1160 : i32 to index
      %get3A_1162 = arith.index_cast %add3A_1102 : i32 to index
      %get3A_1163 = arith.constant 48 : index
      %get3A_1164 = tpu.vector_load %arg8[%get3A_1161, %get3A_1162, %get3A_1163] {strides = array<i32>} : memref<4x160x64xf32, #tpu.memory_space<vmem>>, vector<1x1x16xf32>,
      %get3A_1165 = vector.shape_cast %get3A_1164 : vector<1x1x16xf32> to vector<16xf32>
      %mul3A_1166 = arith.mulf %get3A_1165, %select_n3A_1117 : vector<16xf32>
      %swap3A_1167 = arith.constant 1 : i32
      %swap3A_1168 = arith.index_cast %swap3A_1167 : i32 to index
      %swap3A_1169 = arith.index_cast %add3A_1102 : i32 to index
      %swap3A_1170 = arith.constant 48 : index
      %swap3A_1171 = tpu.vector_load %arg8[%swap3A_1168, %swap3A_1169, %swap3A_1170] {strides = array<i32>} : memref<4x160x64xf32, #tpu.memory_space<vmem>>, vector<1x1x16xf32>,
      %swap3A_1172 = vector.shape_cast %swap3A_1171 : vector<1x1x16xf32> to vector<16xf32>
      %swap3A_1173 = vector.shape_cast %mul3A_1166 : vector<16xf32> to vector<1x1x16xf32>
      tpu.vector_store %arg8[%swap3A_1168, %swap3A_1169, %swap3A_1170], %swap3A_1173 {strides = array<i32>} : memref<4x160x64xf32, #tpu.memory_space<vmem>>, vector<1x1x16xf32>,
      %mul3A_1174 = arith.constant 4 : i32
      %mul3A_1175 = arith.muli %scan3A_1027, %mul3A_1174 : i32
      %add3A_1176 = arith.constant 2 : i32
      %add3A_1177 = arith.addi %mul3A_1175, %add3A_1176 : i32
      %add3A_1178 = arith.constant 160 : i32
      %add3A_1179 = arith.addi %add3A_1178, %add3A_1177 : i32
      %get3A_1180 = arith.index_cast %add3A_1179 : i32 to index
      %get3A_1181 = arith.constant 0 : index
      %get3A_1182 = tpu.vector_load %arg11[%get3A_1180, %get3A_1181] {strides = array<i32>} : memref<640x16xf32, #tpu.memory_space<vmem>>, vector<1x16xf32>,
      %get3A_1183 = vector.shape_cast %get3A_1182 : vector<1x16xf32> to vector<16xf32>
      %gt3A_1184 = arith.constant 0.000000e+00 : f32
      %gt3A_1185 = vector.broadcast %gt3A_1184 : f32 to vector<16xf32>
      %gt3A_1186 = arith.cmpf ogt, %get3A_1183, %gt3A_1185 : vector<16xf32>
      %div3A_1187 = arith.constant 1.000000e+00 : f32
      %div3A_1188 = vector.broadcast %div3A_1187 : f32 to vector<16xf32>
      %div3A_1189 = arith.divf %div3A_1188, %get3A_1183 : vector<16xf32>
      %jit3A_1190 = arith.constant 0.000000e+00 : f32
      %broadcast_in_dim3A_1191 = vector.broadcast %jit3A_1190 : f32 to vector<16xf32>
      %select_n3A_1192 = arith.select %gt3A_1186, %div3A_1189, %broadcast_in_dim3A_1191 : vector<16xi1>, vector<16xf32>
      %get3A_1193 = arith.constant 1 : i32
      %get3A_1194 = arith.index_cast %get3A_1193 : i32 to index
      %get3A_1195 = arith.index_cast %add3A_1177 : i32 to index
      %get3A_1196 = arith.constant 0 : index
      %get3A_1197 = tpu.vector_load %arg8[%get3A_1194, %get3A_1195, %get3A_1196] {strides = array<i32>} : memref<4x160x64xf32, #tpu.memory_space<vmem>>, vector<1x1x16xf32>,
      %get3A_1198 = vector.shape_cast %get3A_1197 : vector<1x1x16xf32> to vector<16xf32>
      %mul3A_1199 = arith.mulf %get3A_1198, %select_n3A_1192 : vector<16xf32>
      %swap3A_1200 = arith.constant 1 : i32
      %swap3A_1201 = arith.index_cast %swap3A_1200 : i32 to index
      %swap3A_1202 = arith.index_cast %add3A_1177 : i32 to index
      %swap3A_1203 = arith.constant 0 : index
      %swap3A_1204 = tpu.vector_load %arg8[%swap3A_1201, %swap3A_1202, %swap3A_1203] {strides = array<i32>} : memref<4x160x64xf32, #tpu.memory_space<vmem>>, vector<1x1x16xf32>,
      %swap3A_1205 = vector.shape_cast %swap3A_1204 : vector<1x1x16xf32> to vector<16xf32>
      %swap3A_1206 = vector.shape_cast %mul3A_1199 : vector<16xf32> to vector<1x1x16xf32>
      tpu.vector_store %arg8[%swap3A_1201, %swap3A_1202, %swap3A_1203], %swap3A_1206 {strides = array<i32>} : memref<4x160x64xf32, #tpu.memory_space<vmem>>, vector<1x1x16xf32>,
      %get3A_1207 = arith.constant 1 : i32
      %get3A_1208 = arith.index_cast %get3A_1207 : i32 to index
      %get3A_1209 = arith.index_cast %add3A_1177 : i32 to index
      %get3A_1210 = arith.constant 16 : index
      %get3A_1211 = tpu.vector_load %arg8[%get3A_1208, %get3A_1209, %get3A_1210] {strides = array<i32>} : memref<4x160x64xf32, #tpu.memory_space<vmem>>, vector<1x1x16xf32>,
      %get3A_1212 = vector.shape_cast %get3A_1211 : vector<1x1x16xf32> to vector<16xf32>
      %mul3A_1213 = arith.mulf %get3A_1212, %select_n3A_1192 : vector<16xf32>
      %swap3A_1214 = arith.constant 1 : i32
      %swap3A_1215 = arith.index_cast %swap3A_1214 : i32 to index
      %swap3A_1216 = arith.index_cast %add3A_1177 : i32 to index
      %swap3A_1217 = arith.constant 16 : index
      %swap3A_1218 = tpu.vector_load %arg8[%swap3A_1215, %swap3A_1216, %swap3A_1217] {strides = array<i32>} : memref<4x160x64xf32, #tpu.memory_space<vmem>>, vector<1x1x16xf32>,
      %swap3A_1219 = vector.shape_cast %swap3A_1218 : vector<1x1x16xf32> to vector<16xf32>
      %swap3A_1220 = vector.shape_cast %mul3A_1213 : vector<16xf32> to vector<1x1x16xf32>
      tpu.vector_store %arg8[%swap3A_1215, %swap3A_1216, %swap3A_1217], %swap3A_1220 {strides = array<i32>} : memref<4x160x64xf32, #tpu.memory_space<vmem>>, vector<1x1x16xf32>,
      %get3A_1221 = arith.constant 1 : i32
      %get3A_1222 = arith.index_cast %get3A_1221 : i32 to index
      %get3A_1223 = arith.index_cast %add3A_1177 : i32 to index
      %get3A_1224 = arith.constant 32 : index
      %get3A_1225 = tpu.vector_load %arg8[%get3A_1222, %get3A_1223, %get3A_1224] {strides = array<i32>} : memref<4x160x64xf32, #tpu.memory_space<vmem>>, vector<1x1x16xf32>,
      %get3A_1226 = vector.shape_cast %get3A_1225 : vector<1x1x16xf32> to vector<16xf32>
      %mul3A_1227 = arith.mulf %get3A_1226, %select_n3A_1192 : vector<16xf32>
      %swap3A_1228 = arith.constant 1 : i32
      %swap3A_1229 = arith.index_cast %swap3A_1228 : i32 to index
      %swap3A_1230 = arith.index_cast %add3A_1177 : i32 to index
      %swap3A_1231 = arith.constant 32 : index
      %swap3A_1232 = tpu.vector_load %arg8[%swap3A_1229, %swap3A_1230, %swap3A_1231] {strides = array<i32>} : memref<4x160x64xf32, #tpu.memory_space<vmem>>, vector<1x1x16xf32>,
      %swap3A_1233 = vector.shape_cast %swap3A_1232 : vector<1x1x16xf32> to vector<16xf32>
      %swap3A_1234 = vector.shape_cast %mul3A_1227 : vector<16xf32> to vector<1x1x16xf32>
      tpu.vector_store %arg8[%swap3A_1229, %swap3A_1230, %swap3A_1231], %swap3A_1234 {strides = array<i32>} : memref<4x160x64xf32, #tpu.memory_space<vmem>>, vector<1x1x16xf32>,
      %get3A_1235 = arith.constant 1 : i32
      %get3A_1236 = arith.index_cast %get3A_1235 : i32 to index
      %get3A_1237 = arith.index_cast %add3A_1177 : i32 to index
      %get3A_1238 = arith.constant 48 : index
      %get3A_1239 = tpu.vector_load %arg8[%get3A_1236, %get3A_1237, %get3A_1238] {strides = array<i32>} : memref<4x160x64xf32, #tpu.memory_space<vmem>>, vector<1x1x16xf32>,
      %get3A_1240 = vector.shape_cast %get3A_1239 : vector<1x1x16xf32> to vector<16xf32>
      %mul3A_1241 = arith.mulf %get3A_1240, %select_n3A_1192 : vector<16xf32>
      %swap3A_1242 = arith.constant 1 : i32
      %swap3A_1243 = arith.index_cast %swap3A_1242 : i32 to index
      %swap3A_1244 = arith.index_cast %add3A_1177 : i32 to index
      %swap3A_1245 = arith.constant 48 : index
      %swap3A_1246 = tpu.vector_load %arg8[%swap3A_1243, %swap3A_1244, %swap3A_1245] {strides = array<i32>} : memref<4x160x64xf32, #tpu.memory_space<vmem>>, vector<1x1x16xf32>,
      %swap3A_1247 = vector.shape_cast %swap3A_1246 : vector<1x1x16xf32> to vector<16xf32>
      %swap3A_1248 = vector.shape_cast %mul3A_1241 : vector<16xf32> to vector<1x1x16xf32>
      tpu.vector_store %arg8[%swap3A_1243, %swap3A_1244, %swap3A_1245], %swap3A_1248 {strides = array<i32>} : memref<4x160x64xf32, #tpu.memory_space<vmem>>, vector<1x1x16xf32>,
      %mul3A_1249 = arith.constant 4 : i32
      %mul3A_1250 = arith.muli %scan3A_1027, %mul3A_1249 : i32
      %add3A_1251 = arith.constant 3 : i32
      %add3A_1252 = arith.addi %mul3A_1250, %add3A_1251 : i32
      %add3A_1253 = arith.constant 160 : i32
      %add3A_1254 = arith.addi %add3A_1253, %add3A_1252 : i32
      %get3A_1255 = arith.index_cast %add3A_1254 : i32 to index
      %get3A_1256 = arith.constant 0 : index
      %get3A_1257 = tpu.vector_load %arg11[%get3A_1255, %get3A_1256] {strides = array<i32>} : memref<640x16xf32, #tpu.memory_space<vmem>>, vector<1x16xf32>,
      %get3A_1258 = vector.shape_cast %get3A_1257 : vector<1x16xf32> to vector<16xf32>
      %gt3A_1259 = arith.constant 0.000000e+00 : f32
      %gt3A_1260 = vector.broadcast %gt3A_1259 : f32 to vector<16xf32>
      %gt3A_1261 = arith.cmpf ogt, %get3A_1258, %gt3A_1260 : vector<16xf32>
      %div3A_1262 = arith.constant 1.000000e+00 : f32
      %div3A_1263 = vector.broadcast %div3A_1262 : f32 to vector<16xf32>
      %div3A_1264 = arith.divf %div3A_1263, %get3A_1258 : vector<16xf32>
      %jit3A_1265 = arith.constant 0.000000e+00 : f32
      %broadcast_in_dim3A_1266 = vector.broadcast %jit3A_1265 : f32 to vector<16xf32>
      %select_n3A_1267 = arith.select %gt3A_1261, %div3A_1264, %broadcast_in_dim3A_1266 : vector<16xi1>, vector<16xf32>
      %get3A_1268 = arith.constant 1 : i32
      %get3A_1269 = arith.index_cast %get3A_1268 : i32 to index
      %get3A_1270 = arith.index_cast %add3A_1252 : i32 to index
      %get3A_1271 = arith.constant 0 : index
      %get3A_1272 = tpu.vector_load %arg8[%get3A_1269, %get3A_1270, %get3A_1271] {strides = array<i32>} : memref<4x160x64xf32, #tpu.memory_space<vmem>>, vector<1x1x16xf32>,
      %get3A_1273 = vector.shape_cast %get3A_1272 : vector<1x1x16xf32> to vector<16xf32>
      %mul3A_1274 = arith.mulf %get3A_1273, %select_n3A_1267 : vector<16xf32>
      %swap3A_1275 = arith.constant 1 : i32
      %swap3A_1276 = arith.index_cast %swap3A_1275 : i32 to index
      %swap3A_1277 = arith.index_cast %add3A_1252 : i32 to index
      %swap3A_1278 = arith.constant 0 : index
      %swap3A_1279 = tpu.vector_load %arg8[%swap3A_1276, %swap3A_1277, %swap3A_1278] {strides = array<i32>} : memref<4x160x64xf32, #tpu.memory_space<vmem>>, vector<1x1x16xf32>,
      %swap3A_1280 = vector.shape_cast %swap3A_1279 : vector<1x1x16xf32> to vector<16xf32>
      %swap3A_1281 = vector.shape_cast %mul3A_1274 : vector<16xf32> to vector<1x1x16xf32>
      tpu.vector_store %arg8[%swap3A_1276, %swap3A_1277, %swap3A_1278], %swap3A_1281 {strides = array<i32>} : memref<4x160x64xf32, #tpu.memory_space<vmem>>, vector<1x1x16xf32>,
      %get3A_1282 = arith.constant 1 : i32
      %get3A_1283 = arith.index_cast %get3A_1282 : i32 to index
      %get3A_1284 = arith.index_cast %add3A_1252 : i32 to index
      %get3A_1285 = arith.constant 16 : index
      %get3A_1286 = tpu.vector_load %arg8[%get3A_1283, %get3A_1284, %get3A_1285] {strides = array<i32>} : memref<4x160x64xf32, #tpu.memory_space<vmem>>, vector<1x1x16xf32>,
      %get3A_1287 = vector.shape_cast %get3A_1286 : vector<1x1x16xf32> to vector<16xf32>
      %mul3A_1288 = arith.mulf %get3A_1287, %select_n3A_1267 : vector<16xf32>
      %swap3A_1289 = arith.constant 1 : i32
      %swap3A_1290 = arith.index_cast %swap3A_1289 : i32 to index
      %swap3A_1291 = arith.index_cast %add3A_1252 : i32 to index
      %swap3A_1292 = arith.constant 16 : index
      %swap3A_1293 = tpu.vector_load %arg8[%swap3A_1290, %swap3A_1291, %swap3A_1292] {strides = array<i32>} : memref<4x160x64xf32, #tpu.memory_space<vmem>>, vector<1x1x16xf32>,
      %swap3A_1294 = vector.shape_cast %swap3A_1293 : vector<1x1x16xf32> to vector<16xf32>
      %swap3A_1295 = vector.shape_cast %mul3A_1288 : vector<16xf32> to vector<1x1x16xf32>
      tpu.vector_store %arg8[%swap3A_1290, %swap3A_1291, %swap3A_1292], %swap3A_1295 {strides = array<i32>} : memref<4x160x64xf32, #tpu.memory_space<vmem>>, vector<1x1x16xf32>,
      %get3A_1296 = arith.constant 1 : i32
      %get3A_1297 = arith.index_cast %get3A_1296 : i32 to index
      %get3A_1298 = arith.index_cast %add3A_1252 : i32 to index
      %get3A_1299 = arith.constant 32 : index
      %get3A_1300 = tpu.vector_load %arg8[%get3A_1297, %get3A_1298, %get3A_1299] {strides = array<i32>} : memref<4x160x64xf32, #tpu.memory_space<vmem>>, vector<1x1x16xf32>,
      %get3A_1301 = vector.shape_cast %get3A_1300 : vector<1x1x16xf32> to vector<16xf32>
      %mul3A_1302 = arith.mulf %get3A_1301, %select_n3A_1267 : vector<16xf32>
      %swap3A_1303 = arith.constant 1 : i32
      %swap3A_1304 = arith.index_cast %swap3A_1303 : i32 to index
      %swap3A_1305 = arith.index_cast %add3A_1252 : i32 to index
      %swap3A_1306 = arith.constant 32 : index
      %swap3A_1307 = tpu.vector_load %arg8[%swap3A_1304, %swap3A_1305, %swap3A_1306] {strides = array<i32>} : memref<4x160x64xf32, #tpu.memory_space<vmem>>, vector<1x1x16xf32>,
      %swap3A_1308 = vector.shape_cast %swap3A_1307 : vector<1x1x16xf32> to vector<16xf32>
      %swap3A_1309 = vector.shape_cast %mul3A_1302 : vector<16xf32> to vector<1x1x16xf32>
      tpu.vector_store %arg8[%swap3A_1304, %swap3A_1305, %swap3A_1306], %swap3A_1309 {strides = array<i32>} : memref<4x160x64xf32, #tpu.memory_space<vmem>>, vector<1x1x16xf32>,
      %get3A_1310 = arith.constant 1 : i32
      %get3A_1311 = arith.index_cast %get3A_1310 : i32 to index
      %get3A_1312 = arith.index_cast %add3A_1252 : i32 to index
      %get3A_1313 = arith.constant 48 : index
      %get3A_1314 = tpu.vector_load %arg8[%get3A_1311, %get3A_1312, %get3A_1313] {strides = array<i32>} : memref<4x160x64xf32, #tpu.memory_space<vmem>>, vector<1x1x16xf32>,
      %get3A_1315 = vector.shape_cast %get3A_1314 : vector<1x1x16xf32> to vector<16xf32>
      %mul3A_1316 = arith.mulf %get3A_1315, %select_n3A_1267 : vector<16xf32>
      %swap3A_1317 = arith.constant 1 : i32
      %swap3A_1318 = arith.index_cast %swap3A_1317 : i32 to index
      %swap3A_1319 = arith.index_cast %add3A_1252 : i32 to index
      %swap3A_1320 = arith.constant 48 : index
      %swap3A_1321 = tpu.vector_load %arg8[%swap3A_1318, %swap3A_1319, %swap3A_1320] {strides = array<i32>} : memref<4x160x64xf32, #tpu.memory_space<vmem>>, vector<1x1x16xf32>,
      %swap3A_1322 = vector.shape_cast %swap3A_1321 : vector<1x1x16xf32> to vector<16xf32>
      %swap3A_1323 = vector.shape_cast %mul3A_1316 : vector<16xf32> to vector<1x1x16xf32>
      tpu.vector_store %arg8[%swap3A_1318, %swap3A_1319, %swap3A_1320], %swap3A_1323 {strides = array<i32>} : memref<4x160x64xf32, #tpu.memory_space<vmem>>, vector<1x1x16xf32>,
      %scan3A_1324 = arith.constant 0 : i32
      scf.yield %scan3A_1324 : i32
    }
    %scan3A_977 = arith.constant 40 : i32
    %add3A_978 = arith.constant 160 : i32
    %add3A_979 = arith.addi %mul3A_5, %add3A_978 : i32
    %dma_start3A_980 = arith.constant 1 : i32
    %dma_start3A_981 = arith.constant 0 : i32
    %dma_start3A_982 = arith.constant 0 : i32
    %dma_start3A_983 = tpu.memref_slice %arg8[%dma_start3A_980, %dma_start3A_981, %dma_start3A_982] : memref<4x160x64xf32, #tpu.memory_space<vmem>> -> memref<1x160x64xf32, #tpu.memory_space<vmem>>
    %dma_start3A_984 = tpu.memref_squeeze %dma_start3A_983 : memref<1x160x64xf32, #tpu.memory_space<vmem>> -> memref<160x64xf32, #tpu.memory_space<vmem>>
    %dma_start3A_985 = tpu.memref_slice %arg5[%add3A_979, %mul3A_3] : memref<10000x128xf32, #tpu.memory_space<hbm>> -> memref<160x64xf32, #tpu.memory_space<hbm>>
    %dma_start3A_986 = tpu.memref_slice %arg5[%add3A_979, %mul3A_3] : memref<10000x128xf32, #tpu.memory_space<hbm>> -> memref<160x64xf32, #tpu.memory_space<hbm>>
    %dma_start3A_987 = arith.constant 0 : i32
    %dma_start3A_988 = arith.constant 0 : i32
    %dma_start3A_989 = tpu.memref_slice %arg8[%dma_start3A_980, %dma_start3A_987, %dma_start3A_988] : memref<4x160x64xf32, #tpu.memory_space<vmem>> -> memref<1x160x64xf32, #tpu.memory_space<vmem>>
    %dma_start3A_990 = tpu.memref_squeeze %dma_start3A_989 : memref<1x160x64xf32, #tpu.memory_space<vmem>> -> memref<160x64xf32, #tpu.memory_space<vmem>>
    tpu.enqueue_dma source(%dma_start3A_990 : memref<160x64xf32, #tpu.memory_space<vmem>>) target(%dma_start3A_986 : memref<160x64xf32, #tpu.memory_space<hbm>>) target_semaphore(%arg16 : memref<!tpu.dma_semaphore, #tpu.memory_space<semaphore_mem>>)
    %lt3A_991 = arith.constant 15 : i32
    %lt3A_992 = arith.cmpi slt, %arg1, %lt3A_991 : i32
    %convert_element_type3A_993 = arith.extui %lt3A_992 : i1 to i32
    %cond3A_994 = arith.constant 2 : i32
    %cond3A_995 = arith.constant 3 : i32
    %cond3A_996 = arith.constant 0 : i32
    %cond3A_997 = arith.cmpi ne, %convert_element_type3A_993, %cond3A_996 : i32
    scf.if %cond3A_997 {
      %dma_wait3A_1027 = arith.constant 0 : i32
      %dma_wait3A_1028 = arith.constant 0 : i32
      %dma_wait3A_1029 = tpu.memref_slice %arg8[%cond3A_994, %dma_wait3A_1027, %dma_wait3A_1028] : memref<4x160x64xf32, #tpu.memory_space<vmem>> -> memref<1x160x64xf32, #tpu.memory_space<vmem>>
      %dma_wait3A_1030 = tpu.memref_squeeze %dma_wait3A_1029 : memref<1x160x64xf32, #tpu.memory_space<vmem>> -> memref<160x64xf32, #tpu.memory_space<vmem>>
      %dma_wait3A_1031 = arith.constant 0 : i32
      %dma_wait3A_1032 = tpu.memref_slice %arg6[%add3A_893, %dma_wait3A_1031] : memref<10240x64xf32, #tpu.memory_space<vmem_shared>> -> memref<160x64xf32, #tpu.memory_space<vmem_shared>>
      %dma_wait3A_1033 = arith.constant 0 : i32
      %dma_wait3A_1034 = arith.constant 0 : i32
      %dma_wait3A_1035 = tpu.memref_slice %arg8[%cond3A_994, %dma_wait3A_1033, %dma_wait3A_1034] : memref<4x160x64xf32, #tpu.memory_space<vmem>> -> memref<1x160x64xf32, #tpu.memory_space<vmem>>
      %dma_wait3A_1036 = tpu.memref_squeeze %dma_wait3A_1035 : memref<1x160x64xf32, #tpu.memory_space<vmem>> -> memref<160x64xf32, #tpu.memory_space<vmem>>
      %dma_wait3A_1037 = arith.constant 0 : i32
      %dma_wait3A_1038 = tpu.memref_slice %arg6[%add3A_893, %dma_wait3A_1037] : memref<10240x64xf32, #tpu.memory_space<vmem_shared>> -> memref<160x64xf32, #tpu.memory_space<vmem_shared>>
      tpu.wait_dma2 semaphore(%arg13 : memref<!tpu.dma_semaphore, #tpu.memory_space<semaphore_mem>>) src(%dma_wait3A_1038 : memref<160x64xf32, #tpu.memory_space<vmem_shared>>) dst(%dma_wait3A_1036 : memref<160x64xf32, #tpu.memory_space<vmem>>)
      %scan3A_1039 = arith.constant 0 : i32
      %scan3A_1040 = arith.constant 0 : i32
      %scan3A_1041 = arith.constant 40 : i32
      %scan3A_1042 = arith.addi %scan3A_1040, %scan3A_1041 : i32
      %scan3A_1043 = arith.constant 1 : i32
      %scan3A_1044 = scf.for %scan3A_1113 = %scan3A_1040 to %scan3A_1042 step %scan3A_1043 iter_args(%scan3A_1114 = %scan3A_1039) -> (i32)  : i32 {
        %mul3A_1115 = arith.constant 4 : i32
        %mul3A_1116 = arith.muli %scan3A_1113, %mul3A_1115 : i32
        %add3A_1117 = arith.constant 0 : i32
        %add3A_1118 = arith.addi %mul3A_1116, %add3A_1117 : i32
        %add3A_1119 = arith.constant 320 : i32
        %add3A_1120 = arith.addi %add3A_1119, %add3A_1118 : i32
        %get3A = arith.index_cast %add3A_1120 : i32 to index
        %get3A_1121 = arith.constant 0 : index
        %get3A_1122 = tpu.vector_load %arg11[%get3A, %get3A_1121] {strides = array<i32>} : memref<640x16xf32, #tpu.memory_space<vmem>>, vector<1x16xf32>,
        %get3A_1123 = vector.shape_cast %get3A_1122 : vector<1x16xf32> to vector<16xf32>
        %gt3A = arith.constant 0.000000e+00 : f32
        %gt3A_1124 = vector.broadcast %gt3A : f32 to vector<16xf32>
        %gt3A_1125 = arith.cmpf ogt, %get3A_1123, %gt3A_1124 : vector<16xf32>
        %div3A = arith.constant 1.000000e+00 : f32
        %div3A_1126 = vector.broadcast %div3A : f32 to vector<16xf32>
        %div3A_1127 = arith.divf %div3A_1126, %get3A_1123 : vector<16xf32>
        %jit3A = arith.constant 0.000000e+00 : f32
        %broadcast_in_dim3A_1128 = vector.broadcast %jit3A : f32 to vector<16xf32>
        %select_n3A = arith.select %gt3A_1125, %div3A_1127, %broadcast_in_dim3A_1128 : vector<16xi1>, vector<16xf32>
        %get3A_1129 = arith.constant 2 : i32
        %get3A_1130 = arith.index_cast %get3A_1129 : i32 to index
        %get3A_1131 = arith.index_cast %add3A_1118 : i32 to index
        %get3A_1132 = arith.constant 0 : index
        %get3A_1133 = tpu.vector_load %arg8[%get3A_1130, %get3A_1131, %get3A_1132] {strides = array<i32>} : memref<4x160x64xf32, #tpu.memory_space<vmem>>, vector<1x1x16xf32>,
        %get3A_1134 = vector.shape_cast %get3A_1133 : vector<1x1x16xf32> to vector<16xf32>
        %mul3A_1135 = arith.mulf %get3A_1134, %select_n3A : vector<16xf32>
        %swap3A_1136 = arith.constant 2 : i32
        %swap3A_1137 = arith.index_cast %swap3A_1136 : i32 to index
        %swap3A_1138 = arith.index_cast %add3A_1118 : i32 to index
        %swap3A_1139 = arith.constant 0 : index
        %swap3A_1140 = tpu.vector_load %arg8[%swap3A_1137, %swap3A_1138, %swap3A_1139] {strides = array<i32>} : memref<4x160x64xf32, #tpu.memory_space<vmem>>, vector<1x1x16xf32>,
        %swap3A_1141 = vector.shape_cast %swap3A_1140 : vector<1x1x16xf32> to vector<16xf32>
        %swap3A_1142 = vector.shape_cast %mul3A_1135 : vector<16xf32> to vector<1x1x16xf32>
        tpu.vector_store %arg8[%swap3A_1137, %swap3A_1138, %swap3A_1139], %swap3A_1142 {strides = array<i32>} : memref<4x160x64xf32, #tpu.memory_space<vmem>>, vector<1x1x16xf32>,
        %get3A_1143 = arith.constant 2 : i32
        %get3A_1144 = arith.index_cast %get3A_1143 : i32 to index
        %get3A_1145 = arith.index_cast %add3A_1118 : i32 to index
        %get3A_1146 = arith.constant 16 : index
        %get3A_1147 = tpu.vector_load %arg8[%get3A_1144, %get3A_1145, %get3A_1146] {strides = array<i32>} : memref<4x160x64xf32, #tpu.memory_space<vmem>>, vector<1x1x16xf32>,
        %get3A_1148 = vector.shape_cast %get3A_1147 : vector<1x1x16xf32> to vector<16xf32>
        %mul3A_1149 = arith.mulf %get3A_1148, %select_n3A : vector<16xf32>
        %swap3A_1150 = arith.constant 2 : i32
        %swap3A_1151 = arith.index_cast %swap3A_1150 : i32 to index
        %swap3A_1152 = arith.index_cast %add3A_1118 : i32 to index
        %swap3A_1153 = arith.constant 16 : index
        %swap3A_1154 = tpu.vector_load %arg8[%swap3A_1151, %swap3A_1152, %swap3A_1153] {strides = array<i32>} : memref<4x160x64xf32, #tpu.memory_space<vmem>>, vector<1x1x16xf32>,
        %swap3A_1155 = vector.shape_cast %swap3A_1154 : vector<1x1x16xf32> to vector<16xf32>
        %swap3A_1156 = vector.shape_cast %mul3A_1149 : vector<16xf32> to vector<1x1x16xf32>
        tpu.vector_store %arg8[%swap3A_1151, %swap3A_1152, %swap3A_1153], %swap3A_1156 {strides = array<i32>} : memref<4x160x64xf32, #tpu.memory_space<vmem>>, vector<1x1x16xf32>,
        %get3A_1157 = arith.constant 2 : i32
        %get3A_1158 = arith.index_cast %get3A_1157 : i32 to index
        %get3A_1159 = arith.index_cast %add3A_1118 : i32 to index
        %get3A_1160 = arith.constant 32 : index
        %get3A_1161 = tpu.vector_load %arg8[%get3A_1158, %get3A_1159, %get3A_1160] {strides = array<i32>} : memref<4x160x64xf32, #tpu.memory_space<vmem>>, vector<1x1x16xf32>,
        %get3A_1162 = vector.shape_cast %get3A_1161 : vector<1x1x16xf32> to vector<16xf32>
        %mul3A_1163 = arith.mulf %get3A_1162, %select_n3A : vector<16xf32>
        %swap3A_1164 = arith.constant 2 : i32
        %swap3A_1165 = arith.index_cast %swap3A_1164 : i32 to index
        %swap3A_1166 = arith.index_cast %add3A_1118 : i32 to index
        %swap3A_1167 = arith.constant 32 : index
        %swap3A_1168 = tpu.vector_load %arg8[%swap3A_1165, %swap3A_1166, %swap3A_1167] {strides = array<i32>} : memref<4x160x64xf32, #tpu.memory_space<vmem>>, vector<1x1x16xf32>,
        %swap3A_1169 = vector.shape_cast %swap3A_1168 : vector<1x1x16xf32> to vector<16xf32>
        %swap3A_1170 = vector.shape_cast %mul3A_1163 : vector<16xf32> to vector<1x1x16xf32>
        tpu.vector_store %arg8[%swap3A_1165, %swap3A_1166, %swap3A_1167], %swap3A_1170 {strides = array<i32>} : memref<4x160x64xf32, #tpu.memory_space<vmem>>, vector<1x1x16xf32>,
        %get3A_1171 = arith.constant 2 : i32
        %get3A_1172 = arith.index_cast %get3A_1171 : i32 to index
        %get3A_1173 = arith.index_cast %add3A_1118 : i32 to index
        %get3A_1174 = arith.constant 48 : index
        %get3A_1175 = tpu.vector_load %arg8[%get3A_1172, %get3A_1173, %get3A_1174] {strides = array<i32>} : memref<4x160x64xf32, #tpu.memory_space<vmem>>, vector<1x1x16xf32>,
        %get3A_1176 = vector.shape_cast %get3A_1175 : vector<1x1x16xf32> to vector<16xf32>
        %mul3A_1177 = arith.mulf %get3A_1176, %select_n3A : vector<16xf32>
        %swap3A_1178 = arith.constant 2 : i32
        %swap3A_1179 = arith.index_cast %swap3A_1178 : i32 to index
        %swap3A_1180 = arith.index_cast %add3A_1118 : i32 to index
        %swap3A_1181 = arith.constant 48 : index
        %swap3A_1182 = tpu.vector_load %arg8[%swap3A_1179, %swap3A_1180, %swap3A_1181] {strides = array<i32>} : memref<4x160x64xf32, #tpu.memory_space<vmem>>, vector<1x1x16xf32>,
        %swap3A_1183 = vector.shape_cast %swap3A_1182 : vector<1x1x16xf32> to vector<16xf32>
        %swap3A_1184 = vector.shape_cast %mul3A_1177 : vector<16xf32> to vector<1x1x16xf32>
        tpu.vector_store %arg8[%swap3A_1179, %swap3A_1180, %swap3A_1181], %swap3A_1184 {strides = array<i32>} : memref<4x160x64xf32, #tpu.memory_space<vmem>>, vector<1x1x16xf32>,
        %mul3A_1185 = arith.constant 4 : i32
        %mul3A_1186 = arith.muli %scan3A_1113, %mul3A_1185 : i32
        %add3A_1187 = arith.constant 1 : i32
        %add3A_1188 = arith.addi %mul3A_1186, %add3A_1187 : i32
        %add3A_1189 = arith.constant 320 : i32
        %add3A_1190 = arith.addi %add3A_1189, %add3A_1188 : i32
        %get3A_1191 = arith.index_cast %add3A_1190 : i32 to index
        %get3A_1192 = arith.constant 0 : index
        %get3A_1193 = tpu.vector_load %arg11[%get3A_1191, %get3A_1192] {strides = array<i32>} : memref<640x16xf32, #tpu.memory_space<vmem>>, vector<1x16xf32>,
        %get3A_1194 = vector.shape_cast %get3A_1193 : vector<1x16xf32> to vector<16xf32>
        %gt3A_1195 = arith.constant 0.000000e+00 : f32
        %gt3A_1196 = vector.broadcast %gt3A_1195 : f32 to vector<16xf32>
        %gt3A_1197 = arith.cmpf ogt, %get3A_1194, %gt3A_1196 : vector<16xf32>
        %div3A_1198 = arith.constant 1.000000e+00 : f32
        %div3A_1199 = vector.broadcast %div3A_1198 : f32 to vector<16xf32>
        %div3A_1200 = arith.divf %div3A_1199, %get3A_1194 : vector<16xf32>
        %jit3A_1201 = arith.constant 0.000000e+00 : f32
        %broadcast_in_dim3A_1202 = vector.broadcast %jit3A_1201 : f32 to vector<16xf32>
        %select_n3A_1203 = arith.select %gt3A_1197, %div3A_1200, %broadcast_in_dim3A_1202 : vector<16xi1>, vector<16xf32>
        %get3A_1204 = arith.constant 2 : i32
        %get3A_1205 = arith.index_cast %get3A_1204 : i32 to index
        %get3A_1206 = arith.index_cast %add3A_1188 : i32 to index
        %get3A_1207 = arith.constant 0 : index
        %get3A_1208 = tpu.vector_load %arg8[%get3A_1205, %get3A_1206, %get3A_1207] {strides = array<i32>} : memref<4x160x64xf32, #tpu.memory_space<vmem>>, vector<1x1x16xf32>,
        %get3A_1209 = vector.shape_cast %get3A_1208 : vector<1x1x16xf32> to vector<16xf32>
        %mul3A_1210 = arith.mulf %get3A_1209, %select_n3A_1203 : vector<16xf32>
        %swap3A_1211 = arith.constant 2 : i32
        %swap3A_1212 = arith.index_cast %swap3A_1211 : i32 to index
        %swap3A_1213 = arith.index_cast %add3A_1188 : i32 to index
        %swap3A_1214 = arith.constant 0 : index
        %swap3A_1215 = tpu.vector_load %arg8[%swap3A_1212, %swap3A_1213, %swap3A_1214] {strides = array<i32>} : memref<4x160x64xf32, #tpu.memory_space<vmem>>, vector<1x1x16xf32>,
        %swap3A_1216 = vector.shape_cast %swap3A_1215 : vector<1x1x16xf32> to vector<16xf32>
        %swap3A_1217 = vector.shape_cast %mul3A_1210 : vector<16xf32> to vector<1x1x16xf32>
        tpu.vector_store %arg8[%swap3A_1212, %swap3A_1213, %swap3A_1214], %swap3A_1217 {strides = array<i32>} : memref<4x160x64xf32, #tpu.memory_space<vmem>>, vector<1x1x16xf32>,
        %get3A_1218 = arith.constant 2 : i32
        %get3A_1219 = arith.index_cast %get3A_1218 : i32 to index
        %get3A_1220 = arith.index_cast %add3A_1188 : i32 to index
        %get3A_1221 = arith.constant 16 : index
        %get3A_1222 = tpu.vector_load %arg8[%get3A_1219, %get3A_1220, %get3A_1221] {strides = array<i32>} : memref<4x160x64xf32, #tpu.memory_space<vmem>>, vector<1x1x16xf32>,
        %get3A_1223 = vector.shape_cast %get3A_1222 : vector<1x1x16xf32> to vector<16xf32>
        %mul3A_1224 = arith.mulf %get3A_1223, %select_n3A_1203 : vector<16xf32>
        %swap3A_1225 = arith.constant 2 : i32
        %swap3A_1226 = arith.index_cast %swap3A_1225 : i32 to index
        %swap3A_1227 = arith.index_cast %add3A_1188 : i32 to index
        %swap3A_1228 = arith.constant 16 : index
        %swap3A_1229 = tpu.vector_load %arg8[%swap3A_1226, %swap3A_1227, %swap3A_1228] {strides = array<i32>} : memref<4x160x64xf32, #tpu.memory_space<vmem>>, vector<1x1x16xf32>,
        %swap3A_1230 = vector.shape_cast %swap3A_1229 : vector<1x1x16xf32> to vector<16xf32>
        %swap3A_1231 = vector.shape_cast %mul3A_1224 : vector<16xf32> to vector<1x1x16xf32>
        tpu.vector_store %arg8[%swap3A_1226, %swap3A_1227, %swap3A_1228], %swap3A_1231 {strides = array<i32>} : memref<4x160x64xf32, #tpu.memory_space<vmem>>, vector<1x1x16xf32>,
        %get3A_1232 = arith.constant 2 : i32
        %get3A_1233 = arith.index_cast %get3A_1232 : i32 to index
        %get3A_1234 = arith.index_cast %add3A_1188 : i32 to index
        %get3A_1235 = arith.constant 32 : index
        %get3A_1236 = tpu.vector_load %arg8[%get3A_1233, %get3A_1234, %get3A_1235] {strides = array<i32>} : memref<4x160x64xf32, #tpu.memory_space<vmem>>, vector<1x1x16xf32>,
        %get3A_1237 = vector.shape_cast %get3A_1236 : vector<1x1x16xf32> to vector<16xf32>
        %mul3A_1238 = arith.mulf %get3A_1237, %select_n3A_1203 : vector<16xf32>
        %swap3A_1239 = arith.constant 2 : i32
        %swap3A_1240 = arith.index_cast %swap3A_1239 : i32 to index
        %swap3A_1241 = arith.index_cast %add3A_1188 : i32 to index
        %swap3A_1242 = arith.constant 32 : index
        %swap3A_1243 = tpu.vector_load %arg8[%swap3A_1240, %swap3A_1241, %swap3A_1242] {strides = array<i32>} : memref<4x160x64xf32, #tpu.memory_space<vmem>>, vector<1x1x16xf32>,
        %swap3A_1244 = vector.shape_cast %swap3A_1243 : vector<1x1x16xf32> to vector<16xf32>
        %swap3A_1245 = vector.shape_cast %mul3A_1238 : vector<16xf32> to vector<1x1x16xf32>
        tpu.vector_store %arg8[%swap3A_1240, %swap3A_1241, %swap3A_1242], %swap3A_1245 {strides = array<i32>} : memref<4x160x64xf32, #tpu.memory_space<vmem>>, vector<1x1x16xf32>,
        %get3A_1246 = arith.constant 2 : i32
        %get3A_1247 = arith.index_cast %get3A_1246 : i32 to index
        %get3A_1248 = arith.index_cast %add3A_1188 : i32 to index
        %get3A_1249 = arith.constant 48 : index
        %get3A_1250 = tpu.vector_load %arg8[%get3A_1247, %get3A_1248, %get3A_1249] {strides = array<i32>} : memref<4x160x64xf32, #tpu.memory_space<vmem>>, vector<1x1x16xf32>,
        %get3A_1251 = vector.shape_cast %get3A_1250 : vector<1x1x16xf32> to vector<16xf32>
        %mul3A_1252 = arith.mulf %get3A_1251, %select_n3A_1203 : vector<16xf32>
        %swap3A_1253 = arith.constant 2 : i32
        %swap3A_1254 = arith.index_cast %swap3A_1253 : i32 to index
        %swap3A_1255 = arith.index_cast %add3A_1188 : i32 to index
        %swap3A_1256 = arith.constant 48 : index
        %swap3A_1257 = tpu.vector_load %arg8[%swap3A_1254, %swap3A_1255, %swap3A_1256] {strides = array<i32>} : memref<4x160x64xf32, #tpu.memory_space<vmem>>, vector<1x1x16xf32>,
        %swap3A_1258 = vector.shape_cast %swap3A_1257 : vector<1x1x16xf32> to vector<16xf32>
        %swap3A_1259 = vector.shape_cast %mul3A_1252 : vector<16xf32> to vector<1x1x16xf32>
        tpu.vector_store %arg8[%swap3A_1254, %swap3A_1255, %swap3A_1256], %swap3A_1259 {strides = array<i32>} : memref<4x160x64xf32, #tpu.memory_space<vmem>>, vector<1x1x16xf32>,
        %mul3A_1260 = arith.constant 4 : i32
        %mul3A_1261 = arith.muli %scan3A_1113, %mul3A_1260 : i32
        %add3A_1262 = arith.constant 2 : i32
        %add3A_1263 = arith.addi %mul3A_1261, %add3A_1262 : i32
        %add3A_1264 = arith.constant 320 : i32
        %add3A_1265 = arith.addi %add3A_1264, %add3A_1263 : i32
        %get3A_1266 = arith.index_cast %add3A_1265 : i32 to index
        %get3A_1267 = arith.constant 0 : index
        %get3A_1268 = tpu.vector_load %arg11[%get3A_1266, %get3A_1267] {strides = array<i32>} : memref<640x16xf32, #tpu.memory_space<vmem>>, vector<1x16xf32>,
        %get3A_1269 = vector.shape_cast %get3A_1268 : vector<1x16xf32> to vector<16xf32>
        %gt3A_1270 = arith.constant 0.000000e+00 : f32
        %gt3A_1271 = vector.broadcast %gt3A_1270 : f32 to vector<16xf32>
        %gt3A_1272 = arith.cmpf ogt, %get3A_1269, %gt3A_1271 : vector<16xf32>
        %div3A_1273 = arith.constant 1.000000e+00 : f32
        %div3A_1274 = vector.broadcast %div3A_1273 : f32 to vector<16xf32>
        %div3A_1275 = arith.divf %div3A_1274, %get3A_1269 : vector<16xf32>
        %jit3A_1276 = arith.constant 0.000000e+00 : f32
        %broadcast_in_dim3A_1277 = vector.broadcast %jit3A_1276 : f32 to vector<16xf32>
        %select_n3A_1278 = arith.select %gt3A_1272, %div3A_1275, %broadcast_in_dim3A_1277 : vector<16xi1>, vector<16xf32>
        %get3A_1279 = arith.constant 2 : i32
        %get3A_1280 = arith.index_cast %get3A_1279 : i32 to index
        %get3A_1281 = arith.index_cast %add3A_1263 : i32 to index
        %get3A_1282 = arith.constant 0 : index
        %get3A_1283 = tpu.vector_load %arg8[%get3A_1280, %get3A_1281, %get3A_1282] {strides = array<i32>} : memref<4x160x64xf32, #tpu.memory_space<vmem>>, vector<1x1x16xf32>,
        %get3A_1284 = vector.shape_cast %get3A_1283 : vector<1x1x16xf32> to vector<16xf32>
        %mul3A_1285 = arith.mulf %get3A_1284, %select_n3A_1278 : vector<16xf32>
        %swap3A_1286 = arith.constant 2 : i32
        %swap3A_1287 = arith.index_cast %swap3A_1286 : i32 to index
        %swap3A_1288 = arith.index_cast %add3A_1263 : i32 to index
        %swap3A_1289 = arith.constant 0 : index
        %swap3A_1290 = tpu.vector_load %arg8[%swap3A_1287, %swap3A_1288, %swap3A_1289] {strides = array<i32>} : memref<4x160x64xf32, #tpu.memory_space<vmem>>, vector<1x1x16xf32>,
        %swap3A_1291 = vector.shape_cast %swap3A_1290 : vector<1x1x16xf32> to vector<16xf32>
        %swap3A_1292 = vector.shape_cast %mul3A_1285 : vector<16xf32> to vector<1x1x16xf32>
        tpu.vector_store %arg8[%swap3A_1287, %swap3A_1288, %swap3A_1289], %swap3A_1292 {strides = array<i32>} : memref<4x160x64xf32, #tpu.memory_space<vmem>>, vector<1x1x16xf32>,
        %get3A_1293 = arith.constant 2 : i32
        %get3A_1294 = arith.index_cast %get3A_1293 : i32 to index
        %get3A_1295 = arith.index_cast %add3A_1263 : i32 to index
        %get3A_1296 = arith.constant 16 : index
        %get3A_1297 = tpu.vector_load %arg8[%get3A_1294, %get3A_1295, %get3A_1296] {strides = array<i32>} : memref<4x160x64xf32, #tpu.memory_space<vmem>>, vector<1x1x16xf32>,
        %get3A_1298 = vector.shape_cast %get3A_1297 : vector<1x1x16xf32> to vector<16xf32>
        %mul3A_1299 = arith.mulf %get3A_1298, %select_n3A_1278 : vector<16xf32>
        %swap3A_1300 = arith.constant 2 : i32
        %swap3A_1301 = arith.index_cast %swap3A_1300 : i32 to index
        %swap3A_1302 = arith.index_cast %add3A_1263 : i32 to index
        %swap3A_1303 = arith.constant 16 : index
        %swap3A_1304 = tpu.vector_load %arg8[%swap3A_1301, %swap3A_1302, %swap3A_1303] {strides = array<i32>} : memref<4x160x64xf32, #tpu.memory_space<vmem>>, vector<1x1x16xf32>,
        %swap3A_1305 = vector.shape_cast %swap3A_1304 : vector<1x1x16xf32> to vector<16xf32>
        %swap3A_1306 = vector.shape_cast %mul3A_1299 : vector<16xf32> to vector<1x1x16xf32>
        tpu.vector_store %arg8[%swap3A_1301, %swap3A_1302, %swap3A_1303], %swap3A_1306 {strides = array<i32>} : memref<4x160x64xf32, #tpu.memory_space<vmem>>, vector<1x1x16xf32>,
        %get3A_1307 = arith.constant 2 : i32
        %get3A_1308 = arith.index_cast %get3A_1307 : i32 to index
        %get3A_1309 = arith.index_cast %add3A_1263 : i32 to index
        %get3A_1310 = arith.constant 32 : index
        %get3A_1311 = tpu.vector_load %arg8[%get3A_1308, %get3A_1309, %get3A_1310] {strides = array<i32>} : memref<4x160x64xf32, #tpu.memory_space<vmem>>, vector<1x1x16xf32>,
        %get3A_1312 = vector.shape_cast %get3A_1311 : vector<1x1x16xf32> to vector<16xf32>
        %mul3A_1313 = arith.mulf %get3A_1312, %select_n3A_1278 : vector<16xf32>
        %swap3A_1314 = arith.constant 2 : i32
        %swap3A_1315 = arith.index_cast %swap3A_1314 : i32 to index
        %swap3A_1316 = arith.index_cast %add3A_1263 : i32 to index
        %swap3A_1317 = arith.constant 32 : index
        %swap3A_1318 = tpu.vector_load %arg8[%swap3A_1315, %swap3A_1316, %swap3A_1317] {strides = array<i32>} : memref<4x160x64xf32, #tpu.memory_space<vmem>>, vector<1x1x16xf32>,
        %swap3A_1319 = vector.shape_cast %swap3A_1318 : vector<1x1x16xf32> to vector<16xf32>
        %swap3A_1320 = vector.shape_cast %mul3A_1313 : vector<16xf32> to vector<1x1x16xf32>
        tpu.vector_store %arg8[%swap3A_1315, %swap3A_1316, %swap3A_1317], %swap3A_1320 {strides = array<i32>} : memref<4x160x64xf32, #tpu.memory_space<vmem>>, vector<1x1x16xf32>,
        %get3A_1321 = arith.constant 2 : i32
        %get3A_1322 = arith.index_cast %get3A_1321 : i32 to index
        %get3A_1323 = arith.index_cast %add3A_1263 : i32 to index
        %get3A_1324 = arith.constant 48 : index
        %get3A_1325 = tpu.vector_load %arg8[%get3A_1322, %get3A_1323, %get3A_1324] {strides = array<i32>} : memref<4x160x64xf32, #tpu.memory_space<vmem>>, vector<1x1x16xf32>,
        %get3A_1326 = vector.shape_cast %get3A_1325 : vector<1x1x16xf32> to vector<16xf32>
        %mul3A_1327 = arith.mulf %get3A_1326, %select_n3A_1278 : vector<16xf32>
        %swap3A_1328 = arith.constant 2 : i32
        %swap3A_1329 = arith.index_cast %swap3A_1328 : i32 to index
        %swap3A_1330 = arith.index_cast %add3A_1263 : i32 to index
        %swap3A_1331 = arith.constant 48 : index
        %swap3A_1332 = tpu.vector_load %arg8[%swap3A_1329, %swap3A_1330, %swap3A_1331] {strides = array<i32>} : memref<4x160x64xf32, #tpu.memory_space<vmem>>, vector<1x1x16xf32>,
        %swap3A_1333 = vector.shape_cast %swap3A_1332 : vector<1x1x16xf32> to vector<16xf32>
        %swap3A_1334 = vector.shape_cast %mul3A_1327 : vector<16xf32> to vector<1x1x16xf32>
        tpu.vector_store %arg8[%swap3A_1329, %swap3A_1330, %swap3A_1331], %swap3A_1334 {strides = array<i32>} : memref<4x160x64xf32, #tpu.memory_space<vmem>>, vector<1x1x16xf32>,
        %mul3A_1335 = arith.constant 4 : i32
        %mul3A_1336 = arith.muli %scan3A_1113, %mul3A_1335 : i32
        %add3A_1337 = arith.constant 3 : i32
        %add3A_1338 = arith.addi %mul3A_1336, %add3A_1337 : i32
        %add3A_1339 = arith.constant 320 : i32
        %add3A_1340 = arith.addi %add3A_1339, %add3A_1338 : i32
        %get3A_1341 = arith.index_cast %add3A_1340 : i32 to index
        %get3A_1342 = arith.constant 0 : index
        %get3A_1343 = tpu.vector_load %arg11[%get3A_1341, %get3A_1342] {strides = array<i32>} : memref<640x16xf32, #tpu.memory_space<vmem>>, vector<1x16xf32>,
        %get3A_1344 = vector.shape_cast %get3A_1343 : vector<1x16xf32> to vector<16xf32>
        %gt3A_1345 = arith.constant 0.000000e+00 : f32
        %gt3A_1346 = vector.broadcast %gt3A_1345 : f32 to vector<16xf32>
        %gt3A_1347 = arith.cmpf ogt, %get3A_1344, %gt3A_1346 : vector<16xf32>
        %div3A_1348 = arith.constant 1.000000e+00 : f32
        %div3A_1349 = vector.broadcast %div3A_1348 : f32 to vector<16xf32>
        %div3A_1350 = arith.divf %div3A_1349, %get3A_1344 : vector<16xf32>
        %jit3A_1351 = arith.constant 0.000000e+00 : f32
        %broadcast_in_dim3A_1352 = vector.broadcast %jit3A_1351 : f32 to vector<16xf32>
        %select_n3A_1353 = arith.select %gt3A_1347, %div3A_1350, %broadcast_in_dim3A_1352 : vector<16xi1>, vector<16xf32>
        %get3A_1354 = arith.constant 2 : i32
        %get3A_1355 = arith.index_cast %get3A_1354 : i32 to index
        %get3A_1356 = arith.index_cast %add3A_1338 : i32 to index
        %get3A_1357 = arith.constant 0 : index
        %get3A_1358 = tpu.vector_load %arg8[%get3A_1355, %get3A_1356, %get3A_1357] {strides = array<i32>} : memref<4x160x64xf32, #tpu.memory_space<vmem>>, vector<1x1x16xf32>,
        %get3A_1359 = vector.shape_cast %get3A_1358 : vector<1x1x16xf32> to vector<16xf32>
        %mul3A_1360 = arith.mulf %get3A_1359, %select_n3A_1353 : vector<16xf32>
        %swap3A_1361 = arith.constant 2 : i32
        %swap3A_1362 = arith.index_cast %swap3A_1361 : i32 to index
        %swap3A_1363 = arith.index_cast %add3A_1338 : i32 to index
        %swap3A_1364 = arith.constant 0 : index
        %swap3A_1365 = tpu.vector_load %arg8[%swap3A_1362, %swap3A_1363, %swap3A_1364] {strides = array<i32>} : memref<4x160x64xf32, #tpu.memory_space<vmem>>, vector<1x1x16xf32>,
        %swap3A_1366 = vector.shape_cast %swap3A_1365 : vector<1x1x16xf32> to vector<16xf32>
        %swap3A_1367 = vector.shape_cast %mul3A_1360 : vector<16xf32> to vector<1x1x16xf32>
        tpu.vector_store %arg8[%swap3A_1362, %swap3A_1363, %swap3A_1364], %swap3A_1367 {strides = array<i32>} : memref<4x160x64xf32, #tpu.memory_space<vmem>>, vector<1x1x16xf32>,
        %get3A_1368 = arith.constant 2 : i32
        %get3A_1369 = arith.index_cast %get3A_1368 : i32 to index
        %get3A_1370 = arith.index_cast %add3A_1338 : i32 to index
        %get3A_1371 = arith.constant 16 : index
        %get3A_1372 = tpu.vector_load %arg8[%get3A_1369, %get3A_1370, %get3A_1371] {strides = array<i32>} : memref<4x160x64xf32, #tpu.memory_space<vmem>>, vector<1x1x16xf32>,
        %get3A_1373 = vector.shape_cast %get3A_1372 : vector<1x1x16xf32> to vector<16xf32>
        %mul3A_1374 = arith.mulf %get3A_1373, %select_n3A_1353 : vector<16xf32>
        %swap3A_1375 = arith.constant 2 : i32
        %swap3A_1376 = arith.index_cast %swap3A_1375 : i32 to index
        %swap3A_1377 = arith.index_cast %add3A_1338 : i32 to index
        %swap3A_1378 = arith.constant 16 : index
        %swap3A_1379 = tpu.vector_load %arg8[%swap3A_1376, %swap3A_1377, %swap3A_1378] {strides = array<i32>} : memref<4x160x64xf32, #tpu.memory_space<vmem>>, vector<1x1x16xf32>,
        %swap3A_1380 = vector.shape_cast %swap3A_1379 : vector<1x1x16xf32> to vector<16xf32>
        %swap3A_1381 = vector.shape_cast %mul3A_1374 : vector<16xf32> to vector<1x1x16xf32>
        tpu.vector_store %arg8[%swap3A_1376, %swap3A_1377, %swap3A_1378], %swap3A_1381 {strides = array<i32>} : memref<4x160x64xf32, #tpu.memory_space<vmem>>, vector<1x1x16xf32>,
        %get3A_1382 = arith.constant 2 : i32
        %get3A_1383 = arith.index_cast %get3A_1382 : i32 to index
        %get3A_1384 = arith.index_cast %add3A_1338 : i32 to index
        %get3A_1385 = arith.constant 32 : index
        %get3A_1386 = tpu.vector_load %arg8[%get3A_1383, %get3A_1384, %get3A_1385] {strides = array<i32>} : memref<4x160x64xf32, #tpu.memory_space<vmem>>, vector<1x1x16xf32>,
        %get3A_1387 = vector.shape_cast %get3A_1386 : vector<1x1x16xf32> to vector<16xf32>
        %mul3A_1388 = arith.mulf %get3A_1387, %select_n3A_1353 : vector<16xf32>
        %swap3A_1389 = arith.constant 2 : i32
        %swap3A_1390 = arith.index_cast %swap3A_1389 : i32 to index
        %swap3A_1391 = arith.index_cast %add3A_1338 : i32 to index
        %swap3A_1392 = arith.constant 32 : index
        %swap3A_1393 = tpu.vector_load %arg8[%swap3A_1390, %swap3A_1391, %swap3A_1392] {strides = array<i32>} : memref<4x160x64xf32, #tpu.memory_space<vmem>>, vector<1x1x16xf32>,
        %swap3A_1394 = vector.shape_cast %swap3A_1393 : vector<1x1x16xf32> to vector<16xf32>
        %swap3A_1395 = vector.shape_cast %mul3A_1388 : vector<16xf32> to vector<1x1x16xf32>
        tpu.vector_store %arg8[%swap3A_1390, %swap3A_1391, %swap3A_1392], %swap3A_1395 {strides = array<i32>} : memref<4x160x64xf32, #tpu.memory_space<vmem>>, vector<1x1x16xf32>,
        %get3A_1396 = arith.constant 2 : i32
        %get3A_1397 = arith.index_cast %get3A_1396 : i32 to index
        %get3A_1398 = arith.index_cast %add3A_1338 : i32 to index
        %get3A_1399 = arith.constant 48 : index
        %get3A_1400 = tpu.vector_load %arg8[%get3A_1397, %get3A_1398, %get3A_1399] {strides = array<i32>} : memref<4x160x64xf32, #tpu.memory_space<vmem>>, vector<1x1x16xf32>,
        %get3A_1401 = vector.shape_cast %get3A_1400 : vector<1x1x16xf32> to vector<16xf32>
        %mul3A_1402 = arith.mulf %get3A_1401, %select_n3A_1353 : vector<16xf32>
        %swap3A_1403 = arith.constant 2 : i32
        %swap3A_1404 = arith.index_cast %swap3A_1403 : i32 to index
        %swap3A_1405 = arith.index_cast %add3A_1338 : i32 to index
        %swap3A_1406 = arith.constant 48 : index
        %swap3A_1407 = tpu.vector_load %arg8[%swap3A_1404, %swap3A_1405, %swap3A_1406] {strides = array<i32>} : memref<4x160x64xf32, #tpu.memory_space<vmem>>, vector<1x1x16xf32>,
        %swap3A_1408 = vector.shape_cast %swap3A_1407 : vector<1x1x16xf32> to vector<16xf32>
        %swap3A_1409 = vector.shape_cast %mul3A_1402 : vector<16xf32> to vector<1x1x16xf32>
        tpu.vector_store %arg8[%swap3A_1404, %swap3A_1405, %swap3A_1406], %swap3A_1409 {strides = array<i32>} : memref<4x160x64xf32, #tpu.memory_space<vmem>>, vector<1x1x16xf32>,
        %scan3A_1410 = arith.constant 0 : i32
        scf.yield %scan3A_1410 : i32
      }
      %scan3A_1045 = arith.constant 40 : i32
      %add3A_1046 = arith.constant 320 : i32
      %add3A_1047 = arith.addi %mul3A_5, %add3A_1046 : i32
      %dma_start3A_1048 = arith.constant 2 : i32
      %dma_start3A_1049 = arith.constant 0 : i32
      %dma_start3A_1050 = arith.constant 0 : i32
      %dma_start3A_1051 = tpu.memref_slice %arg8[%dma_start3A_1048, %dma_start3A_1049, %dma_start3A_1050] : memref<4x160x64xf32, #tpu.memory_space<vmem>> -> memref<1x160x64xf32, #tpu.memory_space<vmem>>
      %dma_start3A_1052 = tpu.memref_squeeze %dma_start3A_1051 : memref<1x160x64xf32, #tpu.memory_space<vmem>> -> memref<160x64xf32, #tpu.memory_space<vmem>>
      %dma_start3A_1053 = tpu.memref_slice %arg5[%add3A_1047, %mul3A_3] : memref<10000x128xf32, #tpu.memory_space<hbm>> -> memref<160x64xf32, #tpu.memory_space<hbm>>
      %dma_start3A_1054 = tpu.memref_slice %arg5[%add3A_1047, %mul3A_3] : memref<10000x128xf32, #tpu.memory_space<hbm>> -> memref<160x64xf32, #tpu.memory_space<hbm>>
      %dma_start3A_1055 = arith.constant 0 : i32
      %dma_start3A_1056 = arith.constant 0 : i32
      %dma_start3A_1057 = tpu.memref_slice %arg8[%dma_start3A_1048, %dma_start3A_1055, %dma_start3A_1056] : memref<4x160x64xf32, #tpu.memory_space<vmem>> -> memref<1x160x64xf32, #tpu.memory_space<vmem>>
      %dma_start3A_1058 = tpu.memref_squeeze %dma_start3A_1057 : memref<1x160x64xf32, #tpu.memory_space<vmem>> -> memref<160x64xf32, #tpu.memory_space<vmem>>
      tpu.enqueue_dma source(%dma_start3A_1058 : memref<160x64xf32, #tpu.memory_space<vmem>>) target(%dma_start3A_1054 : memref<160x64xf32, #tpu.memory_space<hbm>>) target_semaphore(%arg16 : memref<!tpu.dma_semaphore, #tpu.memory_space<semaphore_mem>>)
      %dma_wait3A_1059 = arith.constant 0 : i32
      %dma_wait3A_1060 = arith.constant 0 : i32
      %dma_wait3A_1061 = tpu.memref_slice %arg8[%cond3A_995, %dma_wait3A_1059, %dma_wait3A_1060] : memref<4x160x64xf32, #tpu.memory_space<vmem>> -> memref<1x160x64xf32, #tpu.memory_space<vmem>>
      %dma_wait3A_1062 = tpu.memref_squeeze %dma_wait3A_1061 : memref<1x160x64xf32, #tpu.memory_space<vmem>> -> memref<160x64xf32, #tpu.memory_space<vmem>>
      %dma_wait3A_1063 = arith.constant 0 : i32
      %dma_wait3A_1064 = tpu.memref_slice %arg6[%add3A_908, %dma_wait3A_1063] : memref<10240x64xf32, #tpu.memory_space<vmem_shared>> -> memref<160x64xf32, #tpu.memory_space<vmem_shared>>
      %dma_wait3A_1065 = arith.constant 0 : i32
      %dma_wait3A_1066 = arith.constant 0 : i32
      %dma_wait3A_1067 = tpu.memref_slice %arg8[%cond3A_995, %dma_wait3A_1065, %dma_wait3A_1066] : memref<4x160x64xf32, #tpu.memory_space<vmem>> -> memref<1x160x64xf32, #tpu.memory_space<vmem>>
      %dma_wait3A_1068 = tpu.memref_squeeze %dma_wait3A_1067 : memref<1x160x64xf32, #tpu.memory_space<vmem>> -> memref<160x64xf32, #tpu.memory_space<vmem>>
      %dma_wait3A_1069 = arith.constant 0 : i32
      %dma_wait3A_1070 = tpu.memref_slice %arg6[%add3A_908, %dma_wait3A_1069] : memref<10240x64xf32, #tpu.memory_space<vmem_shared>> -> memref<160x64xf32, #tpu.memory_space<vmem_shared>>
      tpu.wait_dma2 semaphore(%arg13 : memref<!tpu.dma_semaphore, #tpu.memory_space<semaphore_mem>>) src(%dma_wait3A_1070 : memref<160x64xf32, #tpu.memory_space<vmem_shared>>) dst(%dma_wait3A_1068 : memref<160x64xf32, #tpu.memory_space<vmem>>)
      %scan3A_1071 = arith.constant 0 : i32
      %scan3A_1072 = arith.constant 0 : i32
      %scan3A_1073 = arith.constant 40 : i32
      %scan3A_1074 = arith.addi %scan3A_1072, %scan3A_1073 : i32
      %scan3A_1075 = arith.constant 1 : i32
      %scan3A_1076 = scf.for %scan3A_1113 = %scan3A_1072 to %scan3A_1074 step %scan3A_1075 iter_args(%scan3A_1114 = %scan3A_1071) -> (i32)  : i32 {
        %mul3A_1115 = arith.constant 4 : i32
        %mul3A_1116 = arith.muli %scan3A_1113, %mul3A_1115 : i32
        %add3A_1117 = arith.constant 0 : i32
        %add3A_1118 = arith.addi %mul3A_1116, %add3A_1117 : i32
        %add3A_1119 = arith.constant 480 : i32
        %add3A_1120 = arith.addi %add3A_1119, %add3A_1118 : i32
        %get3A = arith.index_cast %add3A_1120 : i32 to index
        %get3A_1121 = arith.constant 0 : index
        %get3A_1122 = tpu.vector_load %arg11[%get3A, %get3A_1121] {strides = array<i32>} : memref<640x16xf32, #tpu.memory_space<vmem>>, vector<1x16xf32>,
        %get3A_1123 = vector.shape_cast %get3A_1122 : vector<1x16xf32> to vector<16xf32>
        %gt3A = arith.constant 0.000000e+00 : f32
        %gt3A_1124 = vector.broadcast %gt3A : f32 to vector<16xf32>
        %gt3A_1125 = arith.cmpf ogt, %get3A_1123, %gt3A_1124 : vector<16xf32>
        %div3A = arith.constant 1.000000e+00 : f32
        %div3A_1126 = vector.broadcast %div3A : f32 to vector<16xf32>
        %div3A_1127 = arith.divf %div3A_1126, %get3A_1123 : vector<16xf32>
        %jit3A = arith.constant 0.000000e+00 : f32
        %broadcast_in_dim3A_1128 = vector.broadcast %jit3A : f32 to vector<16xf32>
        %select_n3A = arith.select %gt3A_1125, %div3A_1127, %broadcast_in_dim3A_1128 : vector<16xi1>, vector<16xf32>
        %get3A_1129 = arith.constant 3 : i32
        %get3A_1130 = arith.index_cast %get3A_1129 : i32 to index
        %get3A_1131 = arith.index_cast %add3A_1118 : i32 to index
        %get3A_1132 = arith.constant 0 : index
        %get3A_1133 = tpu.vector_load %arg8[%get3A_1130, %get3A_1131, %get3A_1132] {strides = array<i32>} : memref<4x160x64xf32, #tpu.memory_space<vmem>>, vector<1x1x16xf32>,
        %get3A_1134 = vector.shape_cast %get3A_1133 : vector<1x1x16xf32> to vector<16xf32>
        %mul3A_1135 = arith.mulf %get3A_1134, %select_n3A : vector<16xf32>
        %swap3A_1136 = arith.constant 3 : i32
        %swap3A_1137 = arith.index_cast %swap3A_1136 : i32 to index
        %swap3A_1138 = arith.index_cast %add3A_1118 : i32 to index
        %swap3A_1139 = arith.constant 0 : index
        %swap3A_1140 = tpu.vector_load %arg8[%swap3A_1137, %swap3A_1138, %swap3A_1139] {strides = array<i32>} : memref<4x160x64xf32, #tpu.memory_space<vmem>>, vector<1x1x16xf32>,
        %swap3A_1141 = vector.shape_cast %swap3A_1140 : vector<1x1x16xf32> to vector<16xf32>
        %swap3A_1142 = vector.shape_cast %mul3A_1135 : vector<16xf32> to vector<1x1x16xf32>
        tpu.vector_store %arg8[%swap3A_1137, %swap3A_1138, %swap3A_1139], %swap3A_1142 {strides = array<i32>} : memref<4x160x64xf32, #tpu.memory_space<vmem>>, vector<1x1x16xf32>,
        %get3A_1143 = arith.constant 3 : i32
        %get3A_1144 = arith.index_cast %get3A_1143 : i32 to index
        %get3A_1145 = arith.index_cast %add3A_1118 : i32 to index
        %get3A_1146 = arith.constant 16 : index
        %get3A_1147 = tpu.vector_load %arg8[%get3A_1144, %get3A_1145, %get3A_1146] {strides = array<i32>} : memref<4x160x64xf32, #tpu.memory_space<vmem>>, vector<1x1x16xf32>,
        %get3A_1148 = vector.shape_cast %get3A_1147 : vector<1x1x16xf32> to vector<16xf32>
        %mul3A_1149 = arith.mulf %get3A_1148, %select_n3A : vector<16xf32>
        %swap3A_1150 = arith.constant 3 : i32
        %swap3A_1151 = arith.index_cast %swap3A_1150 : i32 to index
        %swap3A_1152 = arith.index_cast %add3A_1118 : i32 to index
        %swap3A_1153 = arith.constant 16 : index
        %swap3A_1154 = tpu.vector_load %arg8[%swap3A_1151, %swap3A_1152, %swap3A_1153] {strides = array<i32>} : memref<4x160x64xf32, #tpu.memory_space<vmem>>, vector<1x1x16xf32>,
        %swap3A_1155 = vector.shape_cast %swap3A_1154 : vector<1x1x16xf32> to vector<16xf32>
        %swap3A_1156 = vector.shape_cast %mul3A_1149 : vector<16xf32> to vector<1x1x16xf32>
        tpu.vector_store %arg8[%swap3A_1151, %swap3A_1152, %swap3A_1153], %swap3A_1156 {strides = array<i32>} : memref<4x160x64xf32, #tpu.memory_space<vmem>>, vector<1x1x16xf32>,
        %get3A_1157 = arith.constant 3 : i32
        %get3A_1158 = arith.index_cast %get3A_1157 : i32 to index
        %get3A_1159 = arith.index_cast %add3A_1118 : i32 to index
        %get3A_1160 = arith.constant 32 : index
        %get3A_1161 = tpu.vector_load %arg8[%get3A_1158, %get3A_1159, %get3A_1160] {strides = array<i32>} : memref<4x160x64xf32, #tpu.memory_space<vmem>>, vector<1x1x16xf32>,
        %get3A_1162 = vector.shape_cast %get3A_1161 : vector<1x1x16xf32> to vector<16xf32>
        %mul3A_1163 = arith.mulf %get3A_1162, %select_n3A : vector<16xf32>
        %swap3A_1164 = arith.constant 3 : i32
        %swap3A_1165 = arith.index_cast %swap3A_1164 : i32 to index
        %swap3A_1166 = arith.index_cast %add3A_1118 : i32 to index
        %swap3A_1167 = arith.constant 32 : index
        %swap3A_1168 = tpu.vector_load %arg8[%swap3A_1165, %swap3A_1166, %swap3A_1167] {strides = array<i32>} : memref<4x160x64xf32, #tpu.memory_space<vmem>>, vector<1x1x16xf32>,
        %swap3A_1169 = vector.shape_cast %swap3A_1168 : vector<1x1x16xf32> to vector<16xf32>
        %swap3A_1170 = vector.shape_cast %mul3A_1163 : vector<16xf32> to vector<1x1x16xf32>
        tpu.vector_store %arg8[%swap3A_1165, %swap3A_1166, %swap3A_1167], %swap3A_1170 {strides = array<i32>} : memref<4x160x64xf32, #tpu.memory_space<vmem>>, vector<1x1x16xf32>,
        %get3A_1171 = arith.constant 3 : i32
        %get3A_1172 = arith.index_cast %get3A_1171 : i32 to index
        %get3A_1173 = arith.index_cast %add3A_1118 : i32 to index
        %get3A_1174 = arith.constant 48 : index
        %get3A_1175 = tpu.vector_load %arg8[%get3A_1172, %get3A_1173, %get3A_1174] {strides = array<i32>} : memref<4x160x64xf32, #tpu.memory_space<vmem>>, vector<1x1x16xf32>,
        %get3A_1176 = vector.shape_cast %get3A_1175 : vector<1x1x16xf32> to vector<16xf32>
        %mul3A_1177 = arith.mulf %get3A_1176, %select_n3A : vector<16xf32>
        %swap3A_1178 = arith.constant 3 : i32
        %swap3A_1179 = arith.index_cast %swap3A_1178 : i32 to index
        %swap3A_1180 = arith.index_cast %add3A_1118 : i32 to index
        %swap3A_1181 = arith.constant 48 : index
        %swap3A_1182 = tpu.vector_load %arg8[%swap3A_1179, %swap3A_1180, %swap3A_1181] {strides = array<i32>} : memref<4x160x64xf32, #tpu.memory_space<vmem>>, vector<1x1x16xf32>,
        %swap3A_1183 = vector.shape_cast %swap3A_1182 : vector<1x1x16xf32> to vector<16xf32>
        %swap3A_1184 = vector.shape_cast %mul3A_1177 : vector<16xf32> to vector<1x1x16xf32>
        tpu.vector_store %arg8[%swap3A_1179, %swap3A_1180, %swap3A_1181], %swap3A_1184 {strides = array<i32>} : memref<4x160x64xf32, #tpu.memory_space<vmem>>, vector<1x1x16xf32>,
        %mul3A_1185 = arith.constant 4 : i32
        %mul3A_1186 = arith.muli %scan3A_1113, %mul3A_1185 : i32
        %add3A_1187 = arith.constant 1 : i32
        %add3A_1188 = arith.addi %mul3A_1186, %add3A_1187 : i32
        %add3A_1189 = arith.constant 480 : i32
        %add3A_1190 = arith.addi %add3A_1189, %add3A_1188 : i32
        %get3A_1191 = arith.index_cast %add3A_1190 : i32 to index
        %get3A_1192 = arith.constant 0 : index
        %get3A_1193 = tpu.vector_load %arg11[%get3A_1191, %get3A_1192] {strides = array<i32>} : memref<640x16xf32, #tpu.memory_space<vmem>>, vector<1x16xf32>,
        %get3A_1194 = vector.shape_cast %get3A_1193 : vector<1x16xf32> to vector<16xf32>
        %gt3A_1195 = arith.constant 0.000000e+00 : f32
        %gt3A_1196 = vector.broadcast %gt3A_1195 : f32 to vector<16xf32>
        %gt3A_1197 = arith.cmpf ogt, %get3A_1194, %gt3A_1196 : vector<16xf32>
        %div3A_1198 = arith.constant 1.000000e+00 : f32
        %div3A_1199 = vector.broadcast %div3A_1198 : f32 to vector<16xf32>
        %div3A_1200 = arith.divf %div3A_1199, %get3A_1194 : vector<16xf32>
        %jit3A_1201 = arith.constant 0.000000e+00 : f32
        %broadcast_in_dim3A_1202 = vector.broadcast %jit3A_1201 : f32 to vector<16xf32>
        %select_n3A_1203 = arith.select %gt3A_1197, %div3A_1200, %broadcast_in_dim3A_1202 : vector<16xi1>, vector<16xf32>
        %get3A_1204 = arith.constant 3 : i32
        %get3A_1205 = arith.index_cast %get3A_1204 : i32 to index
        %get3A_1206 = arith.index_cast %add3A_1188 : i32 to index
        %get3A_1207 = arith.constant 0 : index
        %get3A_1208 = tpu.vector_load %arg8[%get3A_1205, %get3A_1206, %get3A_1207] {strides = array<i32>} : memref<4x160x64xf32, #tpu.memory_space<vmem>>, vector<1x1x16xf32>,
        %get3A_1209 = vector.shape_cast %get3A_1208 : vector<1x1x16xf32> to vector<16xf32>
        %mul3A_1210 = arith.mulf %get3A_1209, %select_n3A_1203 : vector<16xf32>
        %swap3A_1211 = arith.constant 3 : i32
        %swap3A_1212 = arith.index_cast %swap3A_1211 : i32 to index
        %swap3A_1213 = arith.index_cast %add3A_1188 : i32 to index
        %swap3A_1214 = arith.constant 0 : index
        %swap3A_1215 = tpu.vector_load %arg8[%swap3A_1212, %swap3A_1213, %swap3A_1214] {strides = array<i32>} : memref<4x160x64xf32, #tpu.memory_space<vmem>>, vector<1x1x16xf32>,
        %swap3A_1216 = vector.shape_cast %swap3A_1215 : vector<1x1x16xf32> to vector<16xf32>
        %swap3A_1217 = vector.shape_cast %mul3A_1210 : vector<16xf32> to vector<1x1x16xf32>
        tpu.vector_store %arg8[%swap3A_1212, %swap3A_1213, %swap3A_1214], %swap3A_1217 {strides = array<i32>} : memref<4x160x64xf32, #tpu.memory_space<vmem>>, vector<1x1x16xf32>,
        %get3A_1218 = arith.constant 3 : i32
        %get3A_1219 = arith.index_cast %get3A_1218 : i32 to index
        %get3A_1220 = arith.index_cast %add3A_1188 : i32 to index
        %get3A_1221 = arith.constant 16 : index
        %get3A_1222 = tpu.vector_load %arg8[%get3A_1219, %get3A_1220, %get3A_1221] {strides = array<i32>} : memref<4x160x64xf32, #tpu.memory_space<vmem>>, vector<1x1x16xf32>,
        %get3A_1223 = vector.shape_cast %get3A_1222 : vector<1x1x16xf32> to vector<16xf32>
        %mul3A_1224 = arith.mulf %get3A_1223, %select_n3A_1203 : vector<16xf32>
        %swap3A_1225 = arith.constant 3 : i32
        %swap3A_1226 = arith.index_cast %swap3A_1225 : i32 to index
        %swap3A_1227 = arith.index_cast %add3A_1188 : i32 to index
        %swap3A_1228 = arith.constant 16 : index
        %swap3A_1229 = tpu.vector_load %arg8[%swap3A_1226, %swap3A_1227, %swap3A_1228] {strides = array<i32>} : memref<4x160x64xf32, #tpu.memory_space<vmem>>, vector<1x1x16xf32>,
        %swap3A_1230 = vector.shape_cast %swap3A_1229 : vector<1x1x16xf32> to vector<16xf32>
        %swap3A_1231 = vector.shape_cast %mul3A_1224 : vector<16xf32> to vector<1x1x16xf32>
        tpu.vector_store %arg8[%swap3A_1226, %swap3A_1227, %swap3A_1228], %swap3A_1231 {strides = array<i32>} : memref<4x160x64xf32, #tpu.memory_space<vmem>>, vector<1x1x16xf32>,
        %get3A_1232 = arith.constant 3 : i32
        %get3A_1233 = arith.index_cast %get3A_1232 : i32 to index
        %get3A_1234 = arith.index_cast %add3A_1188 : i32 to index
        %get3A_1235 = arith.constant 32 : index
        %get3A_1236 = tpu.vector_load %arg8[%get3A_1233, %get3A_1234, %get3A_1235] {strides = array<i32>} : memref<4x160x64xf32, #tpu.memory_space<vmem>>, vector<1x1x16xf32>,
        %get3A_1237 = vector.shape_cast %get3A_1236 : vector<1x1x16xf32> to vector<16xf32>
        %mul3A_1238 = arith.mulf %get3A_1237, %select_n3A_1203 : vector<16xf32>
        %swap3A_1239 = arith.constant 3 : i32
        %swap3A_1240 = arith.index_cast %swap3A_1239 : i32 to index
        %swap3A_1241 = arith.index_cast %add3A_1188 : i32 to index
        %swap3A_1242 = arith.constant 32 : index
        %swap3A_1243 = tpu.vector_load %arg8[%swap3A_1240, %swap3A_1241, %swap3A_1242] {strides = array<i32>} : memref<4x160x64xf32, #tpu.memory_space<vmem>>, vector<1x1x16xf32>,
        %swap3A_1244 = vector.shape_cast %swap3A_1243 : vector<1x1x16xf32> to vector<16xf32>
        %swap3A_1245 = vector.shape_cast %mul3A_1238 : vector<16xf32> to vector<1x1x16xf32>
        tpu.vector_store %arg8[%swap3A_1240, %swap3A_1241, %swap3A_1242], %swap3A_1245 {strides = array<i32>} : memref<4x160x64xf32, #tpu.memory_space<vmem>>, vector<1x1x16xf32>,
        %get3A_1246 = arith.constant 3 : i32
        %get3A_1247 = arith.index_cast %get3A_1246 : i32 to index
        %get3A_1248 = arith.index_cast %add3A_1188 : i32 to index
        %get3A_1249 = arith.constant 48 : index
        %get3A_1250 = tpu.vector_load %arg8[%get3A_1247, %get3A_1248, %get3A_1249] {strides = array<i32>} : memref<4x160x64xf32, #tpu.memory_space<vmem>>, vector<1x1x16xf32>,
        %get3A_1251 = vector.shape_cast %get3A_1250 : vector<1x1x16xf32> to vector<16xf32>
        %mul3A_1252 = arith.mulf %get3A_1251, %select_n3A_1203 : vector<16xf32>
        %swap3A_1253 = arith.constant 3 : i32
        %swap3A_1254 = arith.index_cast %swap3A_1253 : i32 to index
        %swap3A_1255 = arith.index_cast %add3A_1188 : i32 to index
        %swap3A_1256 = arith.constant 48 : index
        %swap3A_1257 = tpu.vector_load %arg8[%swap3A_1254, %swap3A_1255, %swap3A_1256] {strides = array<i32>} : memref<4x160x64xf32, #tpu.memory_space<vmem>>, vector<1x1x16xf32>,
        %swap3A_1258 = vector.shape_cast %swap3A_1257 : vector<1x1x16xf32> to vector<16xf32>
        %swap3A_1259 = vector.shape_cast %mul3A_1252 : vector<16xf32> to vector<1x1x16xf32>
        tpu.vector_store %arg8[%swap3A_1254, %swap3A_1255, %swap3A_1256], %swap3A_1259 {strides = array<i32>} : memref<4x160x64xf32, #tpu.memory_space<vmem>>, vector<1x1x16xf32>,
        %mul3A_1260 = arith.constant 4 : i32
        %mul3A_1261 = arith.muli %scan3A_1113, %mul3A_1260 : i32
        %add3A_1262 = arith.constant 2 : i32
        %add3A_1263 = arith.addi %mul3A_1261, %add3A_1262 : i32
        %add3A_1264 = arith.constant 480 : i32
        %add3A_1265 = arith.addi %add3A_1264, %add3A_1263 : i32
        %get3A_1266 = arith.index_cast %add3A_1265 : i32 to index
        %get3A_1267 = arith.constant 0 : index
        %get3A_1268 = tpu.vector_load %arg11[%get3A_1266, %get3A_1267] {strides = array<i32>} : memref<640x16xf32, #tpu.memory_space<vmem>>, vector<1x16xf32>,
        %get3A_1269 = vector.shape_cast %get3A_1268 : vector<1x16xf32> to vector<16xf32>
        %gt3A_1270 = arith.constant 0.000000e+00 : f32
        %gt3A_1271 = vector.broadcast %gt3A_1270 : f32 to vector<16xf32>
        %gt3A_1272 = arith.cmpf ogt, %get3A_1269, %gt3A_1271 : vector<16xf32>
        %div3A_1273 = arith.constant 1.000000e+00 : f32
        %div3A_1274 = vector.broadcast %div3A_1273 : f32 to vector<16xf32>
        %div3A_1275 = arith.divf %div3A_1274, %get3A_1269 : vector<16xf32>
        %jit3A_1276 = arith.constant 0.000000e+00 : f32
        %broadcast_in_dim3A_1277 = vector.broadcast %jit3A_1276 : f32 to vector<16xf32>
        %select_n3A_1278 = arith.select %gt3A_1272, %div3A_1275, %broadcast_in_dim3A_1277 : vector<16xi1>, vector<16xf32>
        %get3A_1279 = arith.constant 3 : i32
        %get3A_1280 = arith.index_cast %get3A_1279 : i32 to index
        %get3A_1281 = arith.index_cast %add3A_1263 : i32 to index
        %get3A_1282 = arith.constant 0 : index
        %get3A_1283 = tpu.vector_load %arg8[%get3A_1280, %get3A_1281, %get3A_1282] {strides = array<i32>} : memref<4x160x64xf32, #tpu.memory_space<vmem>>, vector<1x1x16xf32>,
        %get3A_1284 = vector.shape_cast %get3A_1283 : vector<1x1x16xf32> to vector<16xf32>
        %mul3A_1285 = arith.mulf %get3A_1284, %select_n3A_1278 : vector<16xf32>
        %swap3A_1286 = arith.constant 3 : i32
        %swap3A_1287 = arith.index_cast %swap3A_1286 : i32 to index
        %swap3A_1288 = arith.index_cast %add3A_1263 : i32 to index
        %swap3A_1289 = arith.constant 0 : index
        %swap3A_1290 = tpu.vector_load %arg8[%swap3A_1287, %swap3A_1288, %swap3A_1289] {strides = array<i32>} : memref<4x160x64xf32, #tpu.memory_space<vmem>>, vector<1x1x16xf32>,
        %swap3A_1291 = vector.shape_cast %swap3A_1290 : vector<1x1x16xf32> to vector<16xf32>
        %swap3A_1292 = vector.shape_cast %mul3A_1285 : vector<16xf32> to vector<1x1x16xf32>
        tpu.vector_store %arg8[%swap3A_1287, %swap3A_1288, %swap3A_1289], %swap3A_1292 {strides = array<i32>} : memref<4x160x64xf32, #tpu.memory_space<vmem>>, vector<1x1x16xf32>,
        %get3A_1293 = arith.constant 3 : i32
        %get3A_1294 = arith.index_cast %get3A_1293 : i32 to index
        %get3A_1295 = arith.index_cast %add3A_1263 : i32 to index
        %get3A_1296 = arith.constant 16 : index
        %get3A_1297 = tpu.vector_load %arg8[%get3A_1294, %get3A_1295, %get3A_1296] {strides = array<i32>} : memref<4x160x64xf32, #tpu.memory_space<vmem>>, vector<1x1x16xf32>,
        %get3A_1298 = vector.shape_cast %get3A_1297 : vector<1x1x16xf32> to vector<16xf32>
        %mul3A_1299 = arith.mulf %get3A_1298, %select_n3A_1278 : vector<16xf32>
        %swap3A_1300 = arith.constant 3 : i32
        %swap3A_1301 = arith.index_cast %swap3A_1300 : i32 to index
        %swap3A_1302 = arith.index_cast %add3A_1263 : i32 to index
        %swap3A_1303 = arith.constant 16 : index
        %swap3A_1304 = tpu.vector_load %arg8[%swap3A_1301, %swap3A_1302, %swap3A_1303] {strides = array<i32>} : memref<4x160x64xf32, #tpu.memory_space<vmem>>, vector<1x1x16xf32>,
        %swap3A_1305 = vector.shape_cast %swap3A_1304 : vector<1x1x16xf32> to vector<16xf32>
        %swap3A_1306 = vector.shape_cast %mul3A_1299 : vector<16xf32> to vector<1x1x16xf32>
        tpu.vector_store %arg8[%swap3A_1301, %swap3A_1302, %swap3A_1303], %swap3A_1306 {strides = array<i32>} : memref<4x160x64xf32, #tpu.memory_space<vmem>>, vector<1x1x16xf32>,
        %get3A_1307 = arith.constant 3 : i32
        %get3A_1308 = arith.index_cast %get3A_1307 : i32 to index
        %get3A_1309 = arith.index_cast %add3A_1263 : i32 to index
        %get3A_1310 = arith.constant 32 : index
        %get3A_1311 = tpu.vector_load %arg8[%get3A_1308, %get3A_1309, %get3A_1310] {strides = array<i32>} : memref<4x160x64xf32, #tpu.memory_space<vmem>>, vector<1x1x16xf32>,
        %get3A_1312 = vector.shape_cast %get3A_1311 : vector<1x1x16xf32> to vector<16xf32>
        %mul3A_1313 = arith.mulf %get3A_1312, %select_n3A_1278 : vector<16xf32>
        %swap3A_1314 = arith.constant 3 : i32
        %swap3A_1315 = arith.index_cast %swap3A_1314 : i32 to index
        %swap3A_1316 = arith.index_cast %add3A_1263 : i32 to index
        %swap3A_1317 = arith.constant 32 : index
        %swap3A_1318 = tpu.vector_load %arg8[%swap3A_1315, %swap3A_1316, %swap3A_1317] {strides = array<i32>} : memref<4x160x64xf32, #tpu.memory_space<vmem>>, vector<1x1x16xf32>,
        %swap3A_1319 = vector.shape_cast %swap3A_1318 : vector<1x1x16xf32> to vector<16xf32>
        %swap3A_1320 = vector.shape_cast %mul3A_1313 : vector<16xf32> to vector<1x1x16xf32>
        tpu.vector_store %arg8[%swap3A_1315, %swap3A_1316, %swap3A_1317], %swap3A_1320 {strides = array<i32>} : memref<4x160x64xf32, #tpu.memory_space<vmem>>, vector<1x1x16xf32>,
        %get3A_1321 = arith.constant 3 : i32
        %get3A_1322 = arith.index_cast %get3A_1321 : i32 to index
        %get3A_1323 = arith.index_cast %add3A_1263 : i32 to index
        %get3A_1324 = arith.constant 48 : index
        %get3A_1325 = tpu.vector_load %arg8[%get3A_1322, %get3A_1323, %get3A_1324] {strides = array<i32>} : memref<4x160x64xf32, #tpu.memory_space<vmem>>, vector<1x1x16xf32>,
        %get3A_1326 = vector.shape_cast %get3A_1325 : vector<1x1x16xf32> to vector<16xf32>
        %mul3A_1327 = arith.mulf %get3A_1326, %select_n3A_1278 : vector<16xf32>
        %swap3A_1328 = arith.constant 3 : i32
        %swap3A_1329 = arith.index_cast %swap3A_1328 : i32 to index
        %swap3A_1330 = arith.index_cast %add3A_1263 : i32 to index
        %swap3A_1331 = arith.constant 48 : index
        %swap3A_1332 = tpu.vector_load %arg8[%swap3A_1329, %swap3A_1330, %swap3A_1331] {strides = array<i32>} : memref<4x160x64xf32, #tpu.memory_space<vmem>>, vector<1x1x16xf32>,
        %swap3A_1333 = vector.shape_cast %swap3A_1332 : vector<1x1x16xf32> to vector<16xf32>
        %swap3A_1334 = vector.shape_cast %mul3A_1327 : vector<16xf32> to vector<1x1x16xf32>
        tpu.vector_store %arg8[%swap3A_1329, %swap3A_1330, %swap3A_1331], %swap3A_1334 {strides = array<i32>} : memref<4x160x64xf32, #tpu.memory_space<vmem>>, vector<1x1x16xf32>,
        %mul3A_1335 = arith.constant 4 : i32
        %mul3A_1336 = arith.muli %scan3A_1113, %mul3A_1335 : i32
        %add3A_1337 = arith.constant 3 : i32
        %add3A_1338 = arith.addi %mul3A_1336, %add3A_1337 : i32
        %add3A_1339 = arith.constant 480 : i32
        %add3A_1340 = arith.addi %add3A_1339, %add3A_1338 : i32
        %get3A_1341 = arith.index_cast %add3A_1340 : i32 to index
        %get3A_1342 = arith.constant 0 : index
        %get3A_1343 = tpu.vector_load %arg11[%get3A_1341, %get3A_1342] {strides = array<i32>} : memref<640x16xf32, #tpu.memory_space<vmem>>, vector<1x16xf32>,
        %get3A_1344 = vector.shape_cast %get3A_1343 : vector<1x16xf32> to vector<16xf32>
        %gt3A_1345 = arith.constant 0.000000e+00 : f32
        %gt3A_1346 = vector.broadcast %gt3A_1345 : f32 to vector<16xf32>
        %gt3A_1347 = arith.cmpf ogt, %get3A_1344, %gt3A_1346 : vector<16xf32>
        %div3A_1348 = arith.constant 1.000000e+00 : f32
        %div3A_1349 = vector.broadcast %div3A_1348 : f32 to vector<16xf32>
        %div3A_1350 = arith.divf %div3A_1349, %get3A_1344 : vector<16xf32>
        %jit3A_1351 = arith.constant 0.000000e+00 : f32
        %broadcast_in_dim3A_1352 = vector.broadcast %jit3A_1351 : f32 to vector<16xf32>
        %select_n3A_1353 = arith.select %gt3A_1347, %div3A_1350, %broadcast_in_dim3A_1352 : vector<16xi1>, vector<16xf32>
        %get3A_1354 = arith.constant 3 : i32
        %get3A_1355 = arith.index_cast %get3A_1354 : i32 to index
        %get3A_1356 = arith.index_cast %add3A_1338 : i32 to index
        %get3A_1357 = arith.constant 0 : index
        %get3A_1358 = tpu.vector_load %arg8[%get3A_1355, %get3A_1356, %get3A_1357] {strides = array<i32>} : memref<4x160x64xf32, #tpu.memory_space<vmem>>, vector<1x1x16xf32>,
        %get3A_1359 = vector.shape_cast %get3A_1358 : vector<1x1x16xf32> to vector<16xf32>
        %mul3A_1360 = arith.mulf %get3A_1359, %select_n3A_1353 : vector<16xf32>
        %swap3A_1361 = arith.constant 3 : i32
        %swap3A_1362 = arith.index_cast %swap3A_1361 : i32 to index
        %swap3A_1363 = arith.index_cast %add3A_1338 : i32 to index
        %swap3A_1364 = arith.constant 0 : index
        %swap3A_1365 = tpu.vector_load %arg8[%swap3A_1362, %swap3A_1363, %swap3A_1364] {strides = array<i32>} : memref<4x160x64xf32, #tpu.memory_space<vmem>>, vector<1x1x16xf32>,
        %swap3A_1366 = vector.shape_cast %swap3A_1365 : vector<1x1x16xf32> to vector<16xf32>
        %swap3A_1367 = vector.shape_cast %mul3A_1360 : vector<16xf32> to vector<1x1x16xf32>
        tpu.vector_store %arg8[%swap3A_1362, %swap3A_1363, %swap3A_1364], %swap3A_1367 {strides = array<i32>} : memref<4x160x64xf32, #tpu.memory_space<vmem>>, vector<1x1x16xf32>,
        %get3A_1368 = arith.constant 3 : i32
        %get3A_1369 = arith.index_cast %get3A_1368 : i32 to index
        %get3A_1370 = arith.index_cast %add3A_1338 : i32 to index
        %get3A_1371 = arith.constant 16 : index
        %get3A_1372 = tpu.vector_load %arg8[%get3A_1369, %get3A_1370, %get3A_1371] {strides = array<i32>} : memref<4x160x64xf32, #tpu.memory_space<vmem>>, vector<1x1x16xf32>,
        %get3A_1373 = vector.shape_cast %get3A_1372 : vector<1x1x16xf32> to vector<16xf32>
        %mul3A_1374 = arith.mulf %get3A_1373, %select_n3A_1353 : vector<16xf32>
        %swap3A_1375 = arith.constant 3 : i32
        %swap3A_1376 = arith.index_cast %swap3A_1375 : i32 to index
        %swap3A_1377 = arith.index_cast %add3A_1338 : i32 to index
        %swap3A_1378 = arith.constant 16 : index
        %swap3A_1379 = tpu.vector_load %arg8[%swap3A_1376, %swap3A_1377, %swap3A_1378] {strides = array<i32>} : memref<4x160x64xf32, #tpu.memory_space<vmem>>, vector<1x1x16xf32>,
        %swap3A_1380 = vector.shape_cast %swap3A_1379 : vector<1x1x16xf32> to vector<16xf32>
        %swap3A_1381 = vector.shape_cast %mul3A_1374 : vector<16xf32> to vector<1x1x16xf32>
        tpu.vector_store %arg8[%swap3A_1376, %swap3A_1377, %swap3A_1378], %swap3A_1381 {strides = array<i32>} : memref<4x160x64xf32, #tpu.memory_space<vmem>>, vector<1x1x16xf32>,
        %get3A_1382 = arith.constant 3 : i32
        %get3A_1383 = arith.index_cast %get3A_1382 : i32 to index
        %get3A_1384 = arith.index_cast %add3A_1338 : i32 to index
        %get3A_1385 = arith.constant 32 : index
        %get3A_1386 = tpu.vector_load %arg8[%get3A_1383, %get3A_1384, %get3A_1385] {strides = array<i32>} : memref<4x160x64xf32, #tpu.memory_space<vmem>>, vector<1x1x16xf32>,
        %get3A_1387 = vector.shape_cast %get3A_1386 : vector<1x1x16xf32> to vector<16xf32>
        %mul3A_1388 = arith.mulf %get3A_1387, %select_n3A_1353 : vector<16xf32>
        %swap3A_1389 = arith.constant 3 : i32
        %swap3A_1390 = arith.index_cast %swap3A_1389 : i32 to index
        %swap3A_1391 = arith.index_cast %add3A_1338 : i32 to index
        %swap3A_1392 = arith.constant 32 : index
        %swap3A_1393 = tpu.vector_load %arg8[%swap3A_1390, %swap3A_1391, %swap3A_1392] {strides = array<i32>} : memref<4x160x64xf32, #tpu.memory_space<vmem>>, vector<1x1x16xf32>,
        %swap3A_1394 = vector.shape_cast %swap3A_1393 : vector<1x1x16xf32> to vector<16xf32>
        %swap3A_1395 = vector.shape_cast %mul3A_1388 : vector<16xf32> to vector<1x1x16xf32>
        tpu.vector_store %arg8[%swap3A_1390, %swap3A_1391, %swap3A_1392], %swap3A_1395 {strides = array<i32>} : memref<4x160x64xf32, #tpu.memory_space<vmem>>, vector<1x1x16xf32>,
        %get3A_1396 = arith.constant 3 : i32
        %get3A_1397 = arith.index_cast %get3A_1396 : i32 to index
        %get3A_1398 = arith.index_cast %add3A_1338 : i32 to index
        %get3A_1399 = arith.constant 48 : index
        %get3A_1400 = tpu.vector_load %arg8[%get3A_1397, %get3A_1398, %get3A_1399] {strides = array<i32>} : memref<4x160x64xf32, #tpu.memory_space<vmem>>, vector<1x1x16xf32>,
        %get3A_1401 = vector.shape_cast %get3A_1400 : vector<1x1x16xf32> to vector<16xf32>
        %mul3A_1402 = arith.mulf %get3A_1401, %select_n3A_1353 : vector<16xf32>
        %swap3A_1403 = arith.constant 3 : i32
        %swap3A_1404 = arith.index_cast %swap3A_1403 : i32 to index
        %swap3A_1405 = arith.index_cast %add3A_1338 : i32 to index
        %swap3A_1406 = arith.constant 48 : index
        %swap3A_1407 = tpu.vector_load %arg8[%swap3A_1404, %swap3A_1405, %swap3A_1406] {strides = array<i32>} : memref<4x160x64xf32, #tpu.memory_space<vmem>>, vector<1x1x16xf32>,
        %swap3A_1408 = vector.shape_cast %swap3A_1407 : vector<1x1x16xf32> to vector<16xf32>
        %swap3A_1409 = vector.shape_cast %mul3A_1402 : vector<16xf32> to vector<1x1x16xf32>
        tpu.vector_store %arg8[%swap3A_1404, %swap3A_1405, %swap3A_1406], %swap3A_1409 {strides = array<i32>} : memref<4x160x64xf32, #tpu.memory_space<vmem>>, vector<1x1x16xf32>,
        %scan3A_1410 = arith.constant 0 : i32
        scf.yield %scan3A_1410 : i32
      }
      %scan3A_1077 = arith.constant 40 : i32
      %add3A_1078 = arith.constant 480 : i32
      %add3A_1079 = arith.addi %mul3A_5, %add3A_1078 : i32
      %dma_start3A_1080 = arith.constant 3 : i32
      %dma_start3A_1081 = arith.constant 0 : i32
      %dma_start3A_1082 = arith.constant 0 : i32
      %dma_start3A_1083 = tpu.memref_slice %arg8[%dma_start3A_1080, %dma_start3A_1081, %dma_start3A_1082] : memref<4x160x64xf32, #tpu.memory_space<vmem>> -> memref<1x160x64xf32, #tpu.memory_space<vmem>>
      %dma_start3A_1084 = tpu.memref_squeeze %dma_start3A_1083 : memref<1x160x64xf32, #tpu.memory_space<vmem>> -> memref<160x64xf32, #tpu.memory_space<vmem>>
      %dma_start3A_1085 = tpu.memref_slice %arg5[%add3A_1079, %mul3A_3] : memref<10000x128xf32, #tpu.memory_space<hbm>> -> memref<160x64xf32, #tpu.memory_space<hbm>>
      %dma_start3A_1086 = tpu.memref_slice %arg5[%add3A_1079, %mul3A_3] : memref<10000x128xf32, #tpu.memory_space<hbm>> -> memref<160x64xf32, #tpu.memory_space<hbm>>
      %dma_start3A_1087 = arith.constant 0 : i32
      %dma_start3A_1088 = arith.constant 0 : i32
      %dma_start3A_1089 = tpu.memref_slice %arg8[%dma_start3A_1080, %dma_start3A_1087, %dma_start3A_1088] : memref<4x160x64xf32, #tpu.memory_space<vmem>> -> memref<1x160x64xf32, #tpu.memory_space<vmem>>
      %dma_start3A_1090 = tpu.memref_squeeze %dma_start3A_1089 : memref<1x160x64xf32, #tpu.memory_space<vmem>> -> memref<160x64xf32, #tpu.memory_space<vmem>>
      tpu.enqueue_dma source(%dma_start3A_1090 : memref<160x64xf32, #tpu.memory_space<vmem>>) target(%dma_start3A_1086 : memref<160x64xf32, #tpu.memory_space<hbm>>) target_semaphore(%arg16 : memref<!tpu.dma_semaphore, #tpu.memory_space<semaphore_mem>>)
      %dma_wait3A_1091 = arith.constant 2 : i32
      %dma_wait3A_1092 = arith.constant 0 : i32
      %dma_wait3A_1093 = arith.constant 0 : i32
      %dma_wait3A_1094 = tpu.memref_slice %arg8[%dma_wait3A_1091, %dma_wait3A_1092, %dma_wait3A_1093] : memref<4x160x64xf32, #tpu.memory_space<vmem>> -> memref<1x160x64xf32, #tpu.memory_space<vmem>>
      %dma_wait3A_1095 = tpu.memref_squeeze %dma_wait3A_1094 : memref<1x160x64xf32, #tpu.memory_space<vmem>> -> memref<160x64xf32, #tpu.memory_space<vmem>>
      %dma_wait3A_1096 = tpu.memref_slice %arg5[%add3A_1047, %mul3A_3] : memref<10000x128xf32, #tpu.memory_space<hbm>> -> memref<160x64xf32, #tpu.memory_space<hbm>>
      %dma_wait3A_1097 = tpu.memref_slice %arg5[%add3A_1047, %mul3A_3] : memref<10000x128xf32, #tpu.memory_space<hbm>> -> memref<160x64xf32, #tpu.memory_space<hbm>>
      %dma_wait3A_1098 = arith.constant 0 : i32
      %dma_wait3A_1099 = arith.constant 0 : i32
      %dma_wait3A_1100 = tpu.memref_slice %arg8[%dma_wait3A_1091, %dma_wait3A_1098, %dma_wait3A_1099] : memref<4x160x64xf32, #tpu.memory_space<vmem>> -> memref<1x160x64xf32, #tpu.memory_space<vmem>>
      %dma_wait3A_1101 = tpu.memref_squeeze %dma_wait3A_1100 : memref<1x160x64xf32, #tpu.memory_space<vmem>> -> memref<160x64xf32, #tpu.memory_space<vmem>>
      tpu.wait_dma2 semaphore(%arg16 : memref<!tpu.dma_semaphore, #tpu.memory_space<semaphore_mem>>) src(%dma_wait3A_1101 : memref<160x64xf32, #tpu.memory_space<vmem>>) dst(%dma_wait3A_1097 : memref<160x64xf32, #tpu.memory_space<hbm>>)
      %dma_wait3A_1102 = arith.constant 3 : i32
      %dma_wait3A_1103 = arith.constant 0 : i32
      %dma_wait3A_1104 = arith.constant 0 : i32
      %dma_wait3A_1105 = tpu.memref_slice %arg8[%dma_wait3A_1102, %dma_wait3A_1103, %dma_wait3A_1104] : memref<4x160x64xf32, #tpu.memory_space<vmem>> -> memref<1x160x64xf32, #tpu.memory_space<vmem>>
      %dma_wait3A_1106 = tpu.memref_squeeze %dma_wait3A_1105 : memref<1x160x64xf32, #tpu.memory_space<vmem>> -> memref<160x64xf32, #tpu.memory_space<vmem>>
      %dma_wait3A_1107 = tpu.memref_slice %arg5[%add3A_1079, %mul3A_3] : memref<10000x128xf32, #tpu.memory_space<hbm>> -> memref<160x64xf32, #tpu.memory_space<hbm>>
      %dma_wait3A_1108 = tpu.memref_slice %arg5[%add3A_1079, %mul3A_3] : memref<10000x128xf32, #tpu.memory_space<hbm>> -> memref<160x64xf32, #tpu.memory_space<hbm>>
      %dma_wait3A_1109 = arith.constant 0 : i32
      %dma_wait3A_1110 = arith.constant 0 : i32
      %dma_wait3A_1111 = tpu.memref_slice %arg8[%dma_wait3A_1102, %dma_wait3A_1109, %dma_wait3A_1110] : memref<4x160x64xf32, #tpu.memory_space<vmem>> -> memref<1x160x64xf32, #tpu.memory_space<vmem>>
      %dma_wait3A_1112 = tpu.memref_squeeze %dma_wait3A_1111 : memref<1x160x64xf32, #tpu.memory_space<vmem>> -> memref<160x64xf32, #tpu.memory_space<vmem>>
      tpu.wait_dma2 semaphore(%arg16 : memref<!tpu.dma_semaphore, #tpu.memory_space<semaphore_mem>>) src(%dma_wait3A_1112 : memref<160x64xf32, #tpu.memory_space<vmem>>) dst(%dma_wait3A_1108 : memref<160x64xf32, #tpu.memory_space<hbm>>)
    } else {
    }
    %eq3A_998 = arith.constant 15 : i32
    %eq3A_999 = arith.cmpi eq, %arg1, %eq3A_998 : i32
    %convert_element_type3A_1000 = arith.extui %eq3A_999 : i1 to i32
    %cond3A_1001 = arith.constant 2 : i32
    %cond3A_1002 = arith.constant 3 : i32
    %cond3A_1003 = arith.constant 0 : i32
    %cond3A_1004 = arith.cmpi ne, %convert_element_type3A_1000, %cond3A_1003 : i32
    scf.if %cond3A_1004 {
      %dma_wait3A_1027 = arith.constant 0 : i32
      %dma_wait3A_1028 = arith.constant 0 : i32
      %dma_wait3A_1029 = tpu.memref_slice %arg8[%cond3A_1001, %dma_wait3A_1027, %dma_wait3A_1028] : memref<4x160x64xf32, #tpu.memory_space<vmem>> -> memref<1x160x64xf32, #tpu.memory_space<vmem>>
      %dma_wait3A_1030 = tpu.memref_squeeze %dma_wait3A_1029 : memref<1x160x64xf32, #tpu.memory_space<vmem>> -> memref<160x64xf32, #tpu.memory_space<vmem>>
      %dma_wait3A_1031 = arith.constant 0 : i32
      %dma_wait3A_1032 = tpu.memref_slice %arg6[%add3A_893, %dma_wait3A_1031] : memref<10240x64xf32, #tpu.memory_space<vmem_shared>> -> memref<160x64xf32, #tpu.memory_space<vmem_shared>>
      %dma_wait3A_1033 = arith.constant 0 : i32
      %dma_wait3A_1034 = arith.constant 0 : i32
      %dma_wait3A_1035 = tpu.memref_slice %arg8[%cond3A_1001, %dma_wait3A_1033, %dma_wait3A_1034] : memref<4x160x64xf32, #tpu.memory_space<vmem>> -> memref<1x160x64xf32, #tpu.memory_space<vmem>>
      %dma_wait3A_1036 = tpu.memref_squeeze %dma_wait3A_1035 : memref<1x160x64xf32, #tpu.memory_space<vmem>> -> memref<160x64xf32, #tpu.memory_space<vmem>>
      %dma_wait3A_1037 = arith.constant 0 : i32
      %dma_wait3A_1038 = tpu.memref_slice %arg6[%add3A_893, %dma_wait3A_1037] : memref<10240x64xf32, #tpu.memory_space<vmem_shared>> -> memref<160x64xf32, #tpu.memory_space<vmem_shared>>
      tpu.wait_dma2 semaphore(%arg13 : memref<!tpu.dma_semaphore, #tpu.memory_space<semaphore_mem>>) src(%dma_wait3A_1038 : memref<160x64xf32, #tpu.memory_space<vmem_shared>>) dst(%dma_wait3A_1036 : memref<160x64xf32, #tpu.memory_space<vmem>>)
      %dma_wait3A_1039 = arith.constant 0 : i32
      %dma_wait3A_1040 = arith.constant 0 : i32
      %dma_wait3A_1041 = tpu.memref_slice %arg8[%cond3A_1002, %dma_wait3A_1039, %dma_wait3A_1040] : memref<4x160x64xf32, #tpu.memory_space<vmem>> -> memref<1x160x64xf32, #tpu.memory_space<vmem>>
      %dma_wait3A_1042 = tpu.memref_squeeze %dma_wait3A_1041 : memref<1x160x64xf32, #tpu.memory_space<vmem>> -> memref<160x64xf32, #tpu.memory_space<vmem>>
      %dma_wait3A_1043 = arith.constant 0 : i32
      %dma_wait3A_1044 = tpu.memref_slice %arg6[%add3A_908, %dma_wait3A_1043] : memref<10240x64xf32, #tpu.memory_space<vmem_shared>> -> memref<160x64xf32, #tpu.memory_space<vmem_shared>>
      %dma_wait3A_1045 = arith.constant 0 : i32
      %dma_wait3A_1046 = arith.constant 0 : i32
      %dma_wait3A_1047 = tpu.memref_slice %arg8[%cond3A_1002, %dma_wait3A_1045, %dma_wait3A_1046] : memref<4x160x64xf32, #tpu.memory_space<vmem>> -> memref<1x160x64xf32, #tpu.memory_space<vmem>>
      %dma_wait3A_1048 = tpu.memref_squeeze %dma_wait3A_1047 : memref<1x160x64xf32, #tpu.memory_space<vmem>> -> memref<160x64xf32, #tpu.memory_space<vmem>>
      %dma_wait3A_1049 = arith.constant 0 : i32
      %dma_wait3A_1050 = tpu.memref_slice %arg6[%add3A_908, %dma_wait3A_1049] : memref<10240x64xf32, #tpu.memory_space<vmem_shared>> -> memref<160x64xf32, #tpu.memory_space<vmem_shared>>
      tpu.wait_dma2 semaphore(%arg13 : memref<!tpu.dma_semaphore, #tpu.memory_space<semaphore_mem>>) src(%dma_wait3A_1050 : memref<160x64xf32, #tpu.memory_space<vmem_shared>>) dst(%dma_wait3A_1048 : memref<160x64xf32, #tpu.memory_space<vmem>>)
      %scan3A_1051 = arith.constant 0 : i32
      %scan3A_1052 = arith.constant 0 : i32
      %scan3A_1053 = arith.constant 20 : i32
      %scan3A_1054 = arith.addi %scan3A_1052, %scan3A_1053 : i32
      %scan3A_1055 = arith.constant 1 : i32
      %scan3A_1056 = scf.for %scan3A_1082 = %scan3A_1052 to %scan3A_1054 step %scan3A_1055 iter_args(%scan3A_1083 = %scan3A_1051) -> (i32)  : i32 {
        %mul3A_1084 = arith.constant 4 : i32
        %mul3A_1085 = arith.muli %scan3A_1082, %mul3A_1084 : i32
        %add3A_1086 = arith.constant 0 : i32
        %add3A_1087 = arith.addi %mul3A_1085, %add3A_1086 : i32
        %add3A_1088 = arith.constant 320 : i32
        %add3A_1089 = arith.addi %add3A_1088, %add3A_1087 : i32
        %get3A = arith.index_cast %add3A_1089 : i32 to index
        %get3A_1090 = arith.constant 0 : index
        %get3A_1091 = tpu.vector_load %arg11[%get3A, %get3A_1090] {strides = array<i32>} : memref<640x16xf32, #tpu.memory_space<vmem>>, vector<1x16xf32>,
        %get3A_1092 = vector.shape_cast %get3A_1091 : vector<1x16xf32> to vector<16xf32>
        %gt3A = arith.constant 0.000000e+00 : f32
        %gt3A_1093 = vector.broadcast %gt3A : f32 to vector<16xf32>
        %gt3A_1094 = arith.cmpf ogt, %get3A_1092, %gt3A_1093 : vector<16xf32>
        %div3A = arith.constant 1.000000e+00 : f32
        %div3A_1095 = vector.broadcast %div3A : f32 to vector<16xf32>
        %div3A_1096 = arith.divf %div3A_1095, %get3A_1092 : vector<16xf32>
        %jit3A = arith.constant 0.000000e+00 : f32
        %broadcast_in_dim3A_1097 = vector.broadcast %jit3A : f32 to vector<16xf32>
        %select_n3A = arith.select %gt3A_1094, %div3A_1096, %broadcast_in_dim3A_1097 : vector<16xi1>, vector<16xf32>
        %get3A_1098 = arith.constant 2 : i32
        %get3A_1099 = arith.index_cast %get3A_1098 : i32 to index
        %get3A_1100 = arith.index_cast %add3A_1087 : i32 to index
        %get3A_1101 = arith.constant 0 : index
        %get3A_1102 = tpu.vector_load %arg8[%get3A_1099, %get3A_1100, %get3A_1101] {strides = array<i32>} : memref<4x160x64xf32, #tpu.memory_space<vmem>>, vector<1x1x16xf32>,
        %get3A_1103 = vector.shape_cast %get3A_1102 : vector<1x1x16xf32> to vector<16xf32>
        %mul3A_1104 = arith.mulf %get3A_1103, %select_n3A : vector<16xf32>
        %swap3A_1105 = arith.constant 2 : i32
        %swap3A_1106 = arith.index_cast %swap3A_1105 : i32 to index
        %swap3A_1107 = arith.index_cast %add3A_1087 : i32 to index
        %swap3A_1108 = arith.constant 0 : index
        %swap3A_1109 = tpu.vector_load %arg8[%swap3A_1106, %swap3A_1107, %swap3A_1108] {strides = array<i32>} : memref<4x160x64xf32, #tpu.memory_space<vmem>>, vector<1x1x16xf32>,
        %swap3A_1110 = vector.shape_cast %swap3A_1109 : vector<1x1x16xf32> to vector<16xf32>
        %swap3A_1111 = vector.shape_cast %mul3A_1104 : vector<16xf32> to vector<1x1x16xf32>
        tpu.vector_store %arg8[%swap3A_1106, %swap3A_1107, %swap3A_1108], %swap3A_1111 {strides = array<i32>} : memref<4x160x64xf32, #tpu.memory_space<vmem>>, vector<1x1x16xf32>,
        %get3A_1112 = arith.constant 2 : i32
        %get3A_1113 = arith.index_cast %get3A_1112 : i32 to index
        %get3A_1114 = arith.index_cast %add3A_1087 : i32 to index
        %get3A_1115 = arith.constant 16 : index
        %get3A_1116 = tpu.vector_load %arg8[%get3A_1113, %get3A_1114, %get3A_1115] {strides = array<i32>} : memref<4x160x64xf32, #tpu.memory_space<vmem>>, vector<1x1x16xf32>,
        %get3A_1117 = vector.shape_cast %get3A_1116 : vector<1x1x16xf32> to vector<16xf32>
        %mul3A_1118 = arith.mulf %get3A_1117, %select_n3A : vector<16xf32>
        %swap3A_1119 = arith.constant 2 : i32
        %swap3A_1120 = arith.index_cast %swap3A_1119 : i32 to index
        %swap3A_1121 = arith.index_cast %add3A_1087 : i32 to index
        %swap3A_1122 = arith.constant 16 : index
        %swap3A_1123 = tpu.vector_load %arg8[%swap3A_1120, %swap3A_1121, %swap3A_1122] {strides = array<i32>} : memref<4x160x64xf32, #tpu.memory_space<vmem>>, vector<1x1x16xf32>,
        %swap3A_1124 = vector.shape_cast %swap3A_1123 : vector<1x1x16xf32> to vector<16xf32>
        %swap3A_1125 = vector.shape_cast %mul3A_1118 : vector<16xf32> to vector<1x1x16xf32>
        tpu.vector_store %arg8[%swap3A_1120, %swap3A_1121, %swap3A_1122], %swap3A_1125 {strides = array<i32>} : memref<4x160x64xf32, #tpu.memory_space<vmem>>, vector<1x1x16xf32>,
        %get3A_1126 = arith.constant 2 : i32
        %get3A_1127 = arith.index_cast %get3A_1126 : i32 to index
        %get3A_1128 = arith.index_cast %add3A_1087 : i32 to index
        %get3A_1129 = arith.constant 32 : index
        %get3A_1130 = tpu.vector_load %arg8[%get3A_1127, %get3A_1128, %get3A_1129] {strides = array<i32>} : memref<4x160x64xf32, #tpu.memory_space<vmem>>, vector<1x1x16xf32>,
        %get3A_1131 = vector.shape_cast %get3A_1130 : vector<1x1x16xf32> to vector<16xf32>
        %mul3A_1132 = arith.mulf %get3A_1131, %select_n3A : vector<16xf32>
        %swap3A_1133 = arith.constant 2 : i32
        %swap3A_1134 = arith.index_cast %swap3A_1133 : i32 to index
        %swap3A_1135 = arith.index_cast %add3A_1087 : i32 to index
        %swap3A_1136 = arith.constant 32 : index
        %swap3A_1137 = tpu.vector_load %arg8[%swap3A_1134, %swap3A_1135, %swap3A_1136] {strides = array<i32>} : memref<4x160x64xf32, #tpu.memory_space<vmem>>, vector<1x1x16xf32>,
        %swap3A_1138 = vector.shape_cast %swap3A_1137 : vector<1x1x16xf32> to vector<16xf32>
        %swap3A_1139 = vector.shape_cast %mul3A_1132 : vector<16xf32> to vector<1x1x16xf32>
        tpu.vector_store %arg8[%swap3A_1134, %swap3A_1135, %swap3A_1136], %swap3A_1139 {strides = array<i32>} : memref<4x160x64xf32, #tpu.memory_space<vmem>>, vector<1x1x16xf32>,
        %get3A_1140 = arith.constant 2 : i32
        %get3A_1141 = arith.index_cast %get3A_1140 : i32 to index
        %get3A_1142 = arith.index_cast %add3A_1087 : i32 to index
        %get3A_1143 = arith.constant 48 : index
        %get3A_1144 = tpu.vector_load %arg8[%get3A_1141, %get3A_1142, %get3A_1143] {strides = array<i32>} : memref<4x160x64xf32, #tpu.memory_space<vmem>>, vector<1x1x16xf32>,
        %get3A_1145 = vector.shape_cast %get3A_1144 : vector<1x1x16xf32> to vector<16xf32>
        %mul3A_1146 = arith.mulf %get3A_1145, %select_n3A : vector<16xf32>
        %swap3A_1147 = arith.constant 2 : i32
        %swap3A_1148 = arith.index_cast %swap3A_1147 : i32 to index
        %swap3A_1149 = arith.index_cast %add3A_1087 : i32 to index
        %swap3A_1150 = arith.constant 48 : index
        %swap3A_1151 = tpu.vector_load %arg8[%swap3A_1148, %swap3A_1149, %swap3A_1150] {strides = array<i32>} : memref<4x160x64xf32, #tpu.memory_space<vmem>>, vector<1x1x16xf32>,
        %swap3A_1152 = vector.shape_cast %swap3A_1151 : vector<1x1x16xf32> to vector<16xf32>
        %swap3A_1153 = vector.shape_cast %mul3A_1146 : vector<16xf32> to vector<1x1x16xf32>
        tpu.vector_store %arg8[%swap3A_1148, %swap3A_1149, %swap3A_1150], %swap3A_1153 {strides = array<i32>} : memref<4x160x64xf32, #tpu.memory_space<vmem>>, vector<1x1x16xf32>,
        %mul3A_1154 = arith.constant 4 : i32
        %mul3A_1155 = arith.muli %scan3A_1082, %mul3A_1154 : i32
        %add3A_1156 = arith.constant 1 : i32
        %add3A_1157 = arith.addi %mul3A_1155, %add3A_1156 : i32
        %add3A_1158 = arith.constant 320 : i32
        %add3A_1159 = arith.addi %add3A_1158, %add3A_1157 : i32
        %get3A_1160 = arith.index_cast %add3A_1159 : i32 to index
        %get3A_1161 = arith.constant 0 : index
        %get3A_1162 = tpu.vector_load %arg11[%get3A_1160, %get3A_1161] {strides = array<i32>} : memref<640x16xf32, #tpu.memory_space<vmem>>, vector<1x16xf32>,
        %get3A_1163 = vector.shape_cast %get3A_1162 : vector<1x16xf32> to vector<16xf32>
        %gt3A_1164 = arith.constant 0.000000e+00 : f32
        %gt3A_1165 = vector.broadcast %gt3A_1164 : f32 to vector<16xf32>
        %gt3A_1166 = arith.cmpf ogt, %get3A_1163, %gt3A_1165 : vector<16xf32>
        %div3A_1167 = arith.constant 1.000000e+00 : f32
        %div3A_1168 = vector.broadcast %div3A_1167 : f32 to vector<16xf32>
        %div3A_1169 = arith.divf %div3A_1168, %get3A_1163 : vector<16xf32>
        %jit3A_1170 = arith.constant 0.000000e+00 : f32
        %broadcast_in_dim3A_1171 = vector.broadcast %jit3A_1170 : f32 to vector<16xf32>
        %select_n3A_1172 = arith.select %gt3A_1166, %div3A_1169, %broadcast_in_dim3A_1171 : vector<16xi1>, vector<16xf32>
        %get3A_1173 = arith.constant 2 : i32
        %get3A_1174 = arith.index_cast %get3A_1173 : i32 to index
        %get3A_1175 = arith.index_cast %add3A_1157 : i32 to index
        %get3A_1176 = arith.constant 0 : index
        %get3A_1177 = tpu.vector_load %arg8[%get3A_1174, %get3A_1175, %get3A_1176] {strides = array<i32>} : memref<4x160x64xf32, #tpu.memory_space<vmem>>, vector<1x1x16xf32>,
        %get3A_1178 = vector.shape_cast %get3A_1177 : vector<1x1x16xf32> to vector<16xf32>
        %mul3A_1179 = arith.mulf %get3A_1178, %select_n3A_1172 : vector<16xf32>
        %swap3A_1180 = arith.constant 2 : i32
        %swap3A_1181 = arith.index_cast %swap3A_1180 : i32 to index
        %swap3A_1182 = arith.index_cast %add3A_1157 : i32 to index
        %swap3A_1183 = arith.constant 0 : index
        %swap3A_1184 = tpu.vector_load %arg8[%swap3A_1181, %swap3A_1182, %swap3A_1183] {strides = array<i32>} : memref<4x160x64xf32, #tpu.memory_space<vmem>>, vector<1x1x16xf32>,
        %swap3A_1185 = vector.shape_cast %swap3A_1184 : vector<1x1x16xf32> to vector<16xf32>
        %swap3A_1186 = vector.shape_cast %mul3A_1179 : vector<16xf32> to vector<1x1x16xf32>
        tpu.vector_store %arg8[%swap3A_1181, %swap3A_1182, %swap3A_1183], %swap3A_1186 {strides = array<i32>} : memref<4x160x64xf32, #tpu.memory_space<vmem>>, vector<1x1x16xf32>,
        %get3A_1187 = arith.constant 2 : i32
        %get3A_1188 = arith.index_cast %get3A_1187 : i32 to index
        %get3A_1189 = arith.index_cast %add3A_1157 : i32 to index
        %get3A_1190 = arith.constant 16 : index
        %get3A_1191 = tpu.vector_load %arg8[%get3A_1188, %get3A_1189, %get3A_1190] {strides = array<i32>} : memref<4x160x64xf32, #tpu.memory_space<vmem>>, vector<1x1x16xf32>,
        %get3A_1192 = vector.shape_cast %get3A_1191 : vector<1x1x16xf32> to vector<16xf32>
        %mul3A_1193 = arith.mulf %get3A_1192, %select_n3A_1172 : vector<16xf32>
        %swap3A_1194 = arith.constant 2 : i32
        %swap3A_1195 = arith.index_cast %swap3A_1194 : i32 to index
        %swap3A_1196 = arith.index_cast %add3A_1157 : i32 to index
        %swap3A_1197 = arith.constant 16 : index
        %swap3A_1198 = tpu.vector_load %arg8[%swap3A_1195, %swap3A_1196, %swap3A_1197] {strides = array<i32>} : memref<4x160x64xf32, #tpu.memory_space<vmem>>, vector<1x1x16xf32>,
        %swap3A_1199 = vector.shape_cast %swap3A_1198 : vector<1x1x16xf32> to vector<16xf32>
        %swap3A_1200 = vector.shape_cast %mul3A_1193 : vector<16xf32> to vector<1x1x16xf32>
        tpu.vector_store %arg8[%swap3A_1195, %swap3A_1196, %swap3A_1197], %swap3A_1200 {strides = array<i32>} : memref<4x160x64xf32, #tpu.memory_space<vmem>>, vector<1x1x16xf32>,
        %get3A_1201 = arith.constant 2 : i32
        %get3A_1202 = arith.index_cast %get3A_1201 : i32 to index
        %get3A_1203 = arith.index_cast %add3A_1157 : i32 to index
        %get3A_1204 = arith.constant 32 : index
        %get3A_1205 = tpu.vector_load %arg8[%get3A_1202, %get3A_1203, %get3A_1204] {strides = array<i32>} : memref<4x160x64xf32, #tpu.memory_space<vmem>>, vector<1x1x16xf32>,
        %get3A_1206 = vector.shape_cast %get3A_1205 : vector<1x1x16xf32> to vector<16xf32>
        %mul3A_1207 = arith.mulf %get3A_1206, %select_n3A_1172 : vector<16xf32>
        %swap3A_1208 = arith.constant 2 : i32
        %swap3A_1209 = arith.index_cast %swap3A_1208 : i32 to index
        %swap3A_1210 = arith.index_cast %add3A_1157 : i32 to index
        %swap3A_1211 = arith.constant 32 : index
        %swap3A_1212 = tpu.vector_load %arg8[%swap3A_1209, %swap3A_1210, %swap3A_1211] {strides = array<i32>} : memref<4x160x64xf32, #tpu.memory_space<vmem>>, vector<1x1x16xf32>,
        %swap3A_1213 = vector.shape_cast %swap3A_1212 : vector<1x1x16xf32> to vector<16xf32>
        %swap3A_1214 = vector.shape_cast %mul3A_1207 : vector<16xf32> to vector<1x1x16xf32>
        tpu.vector_store %arg8[%swap3A_1209, %swap3A_1210, %swap3A_1211], %swap3A_1214 {strides = array<i32>} : memref<4x160x64xf32, #tpu.memory_space<vmem>>, vector<1x1x16xf32>,
        %get3A_1215 = arith.constant 2 : i32
        %get3A_1216 = arith.index_cast %get3A_1215 : i32 to index
        %get3A_1217 = arith.index_cast %add3A_1157 : i32 to index
        %get3A_1218 = arith.constant 48 : index
        %get3A_1219 = tpu.vector_load %arg8[%get3A_1216, %get3A_1217, %get3A_1218] {strides = array<i32>} : memref<4x160x64xf32, #tpu.memory_space<vmem>>, vector<1x1x16xf32>,
        %get3A_1220 = vector.shape_cast %get3A_1219 : vector<1x1x16xf32> to vector<16xf32>
        %mul3A_1221 = arith.mulf %get3A_1220, %select_n3A_1172 : vector<16xf32>
        %swap3A_1222 = arith.constant 2 : i32
        %swap3A_1223 = arith.index_cast %swap3A_1222 : i32 to index
        %swap3A_1224 = arith.index_cast %add3A_1157 : i32 to index
        %swap3A_1225 = arith.constant 48 : index
        %swap3A_1226 = tpu.vector_load %arg8[%swap3A_1223, %swap3A_1224, %swap3A_1225] {strides = array<i32>} : memref<4x160x64xf32, #tpu.memory_space<vmem>>, vector<1x1x16xf32>,
        %swap3A_1227 = vector.shape_cast %swap3A_1226 : vector<1x1x16xf32> to vector<16xf32>
        %swap3A_1228 = vector.shape_cast %mul3A_1221 : vector<16xf32> to vector<1x1x16xf32>
        tpu.vector_store %arg8[%swap3A_1223, %swap3A_1224, %swap3A_1225], %swap3A_1228 {strides = array<i32>} : memref<4x160x64xf32, #tpu.memory_space<vmem>>, vector<1x1x16xf32>,
        %mul3A_1229 = arith.constant 4 : i32
        %mul3A_1230 = arith.muli %scan3A_1082, %mul3A_1229 : i32
        %add3A_1231 = arith.constant 2 : i32
        %add3A_1232 = arith.addi %mul3A_1230, %add3A_1231 : i32
        %add3A_1233 = arith.constant 320 : i32
        %add3A_1234 = arith.addi %add3A_1233, %add3A_1232 : i32
        %get3A_1235 = arith.index_cast %add3A_1234 : i32 to index
        %get3A_1236 = arith.constant 0 : index
        %get3A_1237 = tpu.vector_load %arg11[%get3A_1235, %get3A_1236] {strides = array<i32>} : memref<640x16xf32, #tpu.memory_space<vmem>>, vector<1x16xf32>,
        %get3A_1238 = vector.shape_cast %get3A_1237 : vector<1x16xf32> to vector<16xf32>
        %gt3A_1239 = arith.constant 0.000000e+00 : f32
        %gt3A_1240 = vector.broadcast %gt3A_1239 : f32 to vector<16xf32>
        %gt3A_1241 = arith.cmpf ogt, %get3A_1238, %gt3A_1240 : vector<16xf32>
        %div3A_1242 = arith.constant 1.000000e+00 : f32
        %div3A_1243 = vector.broadcast %div3A_1242 : f32 to vector<16xf32>
        %div3A_1244 = arith.divf %div3A_1243, %get3A_1238 : vector<16xf32>
        %jit3A_1245 = arith.constant 0.000000e+00 : f32
        %broadcast_in_dim3A_1246 = vector.broadcast %jit3A_1245 : f32 to vector<16xf32>
        %select_n3A_1247 = arith.select %gt3A_1241, %div3A_1244, %broadcast_in_dim3A_1246 : vector<16xi1>, vector<16xf32>
        %get3A_1248 = arith.constant 2 : i32
        %get3A_1249 = arith.index_cast %get3A_1248 : i32 to index
        %get3A_1250 = arith.index_cast %add3A_1232 : i32 to index
        %get3A_1251 = arith.constant 0 : index
        %get3A_1252 = tpu.vector_load %arg8[%get3A_1249, %get3A_1250, %get3A_1251] {strides = array<i32>} : memref<4x160x64xf32, #tpu.memory_space<vmem>>, vector<1x1x16xf32>,
        %get3A_1253 = vector.shape_cast %get3A_1252 : vector<1x1x16xf32> to vector<16xf32>
        %mul3A_1254 = arith.mulf %get3A_1253, %select_n3A_1247 : vector<16xf32>
        %swap3A_1255 = arith.constant 2 : i32
        %swap3A_1256 = arith.index_cast %swap3A_1255 : i32 to index
        %swap3A_1257 = arith.index_cast %add3A_1232 : i32 to index
        %swap3A_1258 = arith.constant 0 : index
        %swap3A_1259 = tpu.vector_load %arg8[%swap3A_1256, %swap3A_1257, %swap3A_1258] {strides = array<i32>} : memref<4x160x64xf32, #tpu.memory_space<vmem>>, vector<1x1x16xf32>,
        %swap3A_1260 = vector.shape_cast %swap3A_1259 : vector<1x1x16xf32> to vector<16xf32>
        %swap3A_1261 = vector.shape_cast %mul3A_1254 : vector<16xf32> to vector<1x1x16xf32>
        tpu.vector_store %arg8[%swap3A_1256, %swap3A_1257, %swap3A_1258], %swap3A_1261 {strides = array<i32>} : memref<4x160x64xf32, #tpu.memory_space<vmem>>, vector<1x1x16xf32>,
        %get3A_1262 = arith.constant 2 : i32
        %get3A_1263 = arith.index_cast %get3A_1262 : i32 to index
        %get3A_1264 = arith.index_cast %add3A_1232 : i32 to index
        %get3A_1265 = arith.constant 16 : index
        %get3A_1266 = tpu.vector_load %arg8[%get3A_1263, %get3A_1264, %get3A_1265] {strides = array<i32>} : memref<4x160x64xf32, #tpu.memory_space<vmem>>, vector<1x1x16xf32>,
        %get3A_1267 = vector.shape_cast %get3A_1266 : vector<1x1x16xf32> to vector<16xf32>
        %mul3A_1268 = arith.mulf %get3A_1267, %select_n3A_1247 : vector<16xf32>
        %swap3A_1269 = arith.constant 2 : i32
        %swap3A_1270 = arith.index_cast %swap3A_1269 : i32 to index
        %swap3A_1271 = arith.index_cast %add3A_1232 : i32 to index
        %swap3A_1272 = arith.constant 16 : index
        %swap3A_1273 = tpu.vector_load %arg8[%swap3A_1270, %swap3A_1271, %swap3A_1272] {strides = array<i32>} : memref<4x160x64xf32, #tpu.memory_space<vmem>>, vector<1x1x16xf32>,
        %swap3A_1274 = vector.shape_cast %swap3A_1273 : vector<1x1x16xf32> to vector<16xf32>
        %swap3A_1275 = vector.shape_cast %mul3A_1268 : vector<16xf32> to vector<1x1x16xf32>
        tpu.vector_store %arg8[%swap3A_1270, %swap3A_1271, %swap3A_1272], %swap3A_1275 {strides = array<i32>} : memref<4x160x64xf32, #tpu.memory_space<vmem>>, vector<1x1x16xf32>,
        %get3A_1276 = arith.constant 2 : i32
        %get3A_1277 = arith.index_cast %get3A_1276 : i32 to index
        %get3A_1278 = arith.index_cast %add3A_1232 : i32 to index
        %get3A_1279 = arith.constant 32 : index
        %get3A_1280 = tpu.vector_load %arg8[%get3A_1277, %get3A_1278, %get3A_1279] {strides = array<i32>} : memref<4x160x64xf32, #tpu.memory_space<vmem>>, vector<1x1x16xf32>,
        %get3A_1281 = vector.shape_cast %get3A_1280 : vector<1x1x16xf32> to vector<16xf32>
        %mul3A_1282 = arith.mulf %get3A_1281, %select_n3A_1247 : vector<16xf32>
        %swap3A_1283 = arith.constant 2 : i32
        %swap3A_1284 = arith.index_cast %swap3A_1283 : i32 to index
        %swap3A_1285 = arith.index_cast %add3A_1232 : i32 to index
        %swap3A_1286 = arith.constant 32 : index
        %swap3A_1287 = tpu.vector_load %arg8[%swap3A_1284, %swap3A_1285, %swap3A_1286] {strides = array<i32>} : memref<4x160x64xf32, #tpu.memory_space<vmem>>, vector<1x1x16xf32>,
        %swap3A_1288 = vector.shape_cast %swap3A_1287 : vector<1x1x16xf32> to vector<16xf32>
        %swap3A_1289 = vector.shape_cast %mul3A_1282 : vector<16xf32> to vector<1x1x16xf32>
        tpu.vector_store %arg8[%swap3A_1284, %swap3A_1285, %swap3A_1286], %swap3A_1289 {strides = array<i32>} : memref<4x160x64xf32, #tpu.memory_space<vmem>>, vector<1x1x16xf32>,
        %get3A_1290 = arith.constant 2 : i32
        %get3A_1291 = arith.index_cast %get3A_1290 : i32 to index
        %get3A_1292 = arith.index_cast %add3A_1232 : i32 to index
        %get3A_1293 = arith.constant 48 : index
        %get3A_1294 = tpu.vector_load %arg8[%get3A_1291, %get3A_1292, %get3A_1293] {strides = array<i32>} : memref<4x160x64xf32, #tpu.memory_space<vmem>>, vector<1x1x16xf32>,
        %get3A_1295 = vector.shape_cast %get3A_1294 : vector<1x1x16xf32> to vector<16xf32>
        %mul3A_1296 = arith.mulf %get3A_1295, %select_n3A_1247 : vector<16xf32>
        %swap3A_1297 = arith.constant 2 : i32
        %swap3A_1298 = arith.index_cast %swap3A_1297 : i32 to index
        %swap3A_1299 = arith.index_cast %add3A_1232 : i32 to index
        %swap3A_1300 = arith.constant 48 : index
        %swap3A_1301 = tpu.vector_load %arg8[%swap3A_1298, %swap3A_1299, %swap3A_1300] {strides = array<i32>} : memref<4x160x64xf32, #tpu.memory_space<vmem>>, vector<1x1x16xf32>,
        %swap3A_1302 = vector.shape_cast %swap3A_1301 : vector<1x1x16xf32> to vector<16xf32>
        %swap3A_1303 = vector.shape_cast %mul3A_1296 : vector<16xf32> to vector<1x1x16xf32>
        tpu.vector_store %arg8[%swap3A_1298, %swap3A_1299, %swap3A_1300], %swap3A_1303 {strides = array<i32>} : memref<4x160x64xf32, #tpu.memory_space<vmem>>, vector<1x1x16xf32>,
        %mul3A_1304 = arith.constant 4 : i32
        %mul3A_1305 = arith.muli %scan3A_1082, %mul3A_1304 : i32
        %add3A_1306 = arith.constant 3 : i32
        %add3A_1307 = arith.addi %mul3A_1305, %add3A_1306 : i32
        %add3A_1308 = arith.constant 320 : i32
        %add3A_1309 = arith.addi %add3A_1308, %add3A_1307 : i32
        %get3A_1310 = arith.index_cast %add3A_1309 : i32 to index
        %get3A_1311 = arith.constant 0 : index
        %get3A_1312 = tpu.vector_load %arg11[%get3A_1310, %get3A_1311] {strides = array<i32>} : memref<640x16xf32, #tpu.memory_space<vmem>>, vector<1x16xf32>,
        %get3A_1313 = vector.shape_cast %get3A_1312 : vector<1x16xf32> to vector<16xf32>
        %gt3A_1314 = arith.constant 0.000000e+00 : f32
        %gt3A_1315 = vector.broadcast %gt3A_1314 : f32 to vector<16xf32>
        %gt3A_1316 = arith.cmpf ogt, %get3A_1313, %gt3A_1315 : vector<16xf32>
        %div3A_1317 = arith.constant 1.000000e+00 : f32
        %div3A_1318 = vector.broadcast %div3A_1317 : f32 to vector<16xf32>
        %div3A_1319 = arith.divf %div3A_1318, %get3A_1313 : vector<16xf32>
        %jit3A_1320 = arith.constant 0.000000e+00 : f32
        %broadcast_in_dim3A_1321 = vector.broadcast %jit3A_1320 : f32 to vector<16xf32>
        %select_n3A_1322 = arith.select %gt3A_1316, %div3A_1319, %broadcast_in_dim3A_1321 : vector<16xi1>, vector<16xf32>
        %get3A_1323 = arith.constant 2 : i32
        %get3A_1324 = arith.index_cast %get3A_1323 : i32 to index
        %get3A_1325 = arith.index_cast %add3A_1307 : i32 to index
        %get3A_1326 = arith.constant 0 : index
        %get3A_1327 = tpu.vector_load %arg8[%get3A_1324, %get3A_1325, %get3A_1326] {strides = array<i32>} : memref<4x160x64xf32, #tpu.memory_space<vmem>>, vector<1x1x16xf32>,
        %get3A_1328 = vector.shape_cast %get3A_1327 : vector<1x1x16xf32> to vector<16xf32>
        %mul3A_1329 = arith.mulf %get3A_1328, %select_n3A_1322 : vector<16xf32>
        %swap3A_1330 = arith.constant 2 : i32
        %swap3A_1331 = arith.index_cast %swap3A_1330 : i32 to index
        %swap3A_1332 = arith.index_cast %add3A_1307 : i32 to index
        %swap3A_1333 = arith.constant 0 : index
        %swap3A_1334 = tpu.vector_load %arg8[%swap3A_1331, %swap3A_1332, %swap3A_1333] {strides = array<i32>} : memref<4x160x64xf32, #tpu.memory_space<vmem>>, vector<1x1x16xf32>,
        %swap3A_1335 = vector.shape_cast %swap3A_1334 : vector<1x1x16xf32> to vector<16xf32>
        %swap3A_1336 = vector.shape_cast %mul3A_1329 : vector<16xf32> to vector<1x1x16xf32>
        tpu.vector_store %arg8[%swap3A_1331, %swap3A_1332, %swap3A_1333], %swap3A_1336 {strides = array<i32>} : memref<4x160x64xf32, #tpu.memory_space<vmem>>, vector<1x1x16xf32>,
        %get3A_1337 = arith.constant 2 : i32
        %get3A_1338 = arith.index_cast %get3A_1337 : i32 to index
        %get3A_1339 = arith.index_cast %add3A_1307 : i32 to index
        %get3A_1340 = arith.constant 16 : index
        %get3A_1341 = tpu.vector_load %arg8[%get3A_1338, %get3A_1339, %get3A_1340] {strides = array<i32>} : memref<4x160x64xf32, #tpu.memory_space<vmem>>, vector<1x1x16xf32>,
        %get3A_1342 = vector.shape_cast %get3A_1341 : vector<1x1x16xf32> to vector<16xf32>
        %mul3A_1343 = arith.mulf %get3A_1342, %select_n3A_1322 : vector<16xf32>
        %swap3A_1344 = arith.constant 2 : i32
        %swap3A_1345 = arith.index_cast %swap3A_1344 : i32 to index
        %swap3A_1346 = arith.index_cast %add3A_1307 : i32 to index
        %swap3A_1347 = arith.constant 16 : index
        %swap3A_1348 = tpu.vector_load %arg8[%swap3A_1345, %swap3A_1346, %swap3A_1347] {strides = array<i32>} : memref<4x160x64xf32, #tpu.memory_space<vmem>>, vector<1x1x16xf32>,
        %swap3A_1349 = vector.shape_cast %swap3A_1348 : vector<1x1x16xf32> to vector<16xf32>
        %swap3A_1350 = vector.shape_cast %mul3A_1343 : vector<16xf32> to vector<1x1x16xf32>
        tpu.vector_store %arg8[%swap3A_1345, %swap3A_1346, %swap3A_1347], %swap3A_1350 {strides = array<i32>} : memref<4x160x64xf32, #tpu.memory_space<vmem>>, vector<1x1x16xf32>,
        %get3A_1351 = arith.constant 2 : i32
        %get3A_1352 = arith.index_cast %get3A_1351 : i32 to index
        %get3A_1353 = arith.index_cast %add3A_1307 : i32 to index
        %get3A_1354 = arith.constant 32 : index
        %get3A_1355 = tpu.vector_load %arg8[%get3A_1352, %get3A_1353, %get3A_1354] {strides = array<i32>} : memref<4x160x64xf32, #tpu.memory_space<vmem>>, vector<1x1x16xf32>,
        %get3A_1356 = vector.shape_cast %get3A_1355 : vector<1x1x16xf32> to vector<16xf32>
        %mul3A_1357 = arith.mulf %get3A_1356, %select_n3A_1322 : vector<16xf32>
        %swap3A_1358 = arith.constant 2 : i32
        %swap3A_1359 = arith.index_cast %swap3A_1358 : i32 to index
        %swap3A_1360 = arith.index_cast %add3A_1307 : i32 to index
        %swap3A_1361 = arith.constant 32 : index
        %swap3A_1362 = tpu.vector_load %arg8[%swap3A_1359, %swap3A_1360, %swap3A_1361] {strides = array<i32>} : memref<4x160x64xf32, #tpu.memory_space<vmem>>, vector<1x1x16xf32>,
        %swap3A_1363 = vector.shape_cast %swap3A_1362 : vector<1x1x16xf32> to vector<16xf32>
        %swap3A_1364 = vector.shape_cast %mul3A_1357 : vector<16xf32> to vector<1x1x16xf32>
        tpu.vector_store %arg8[%swap3A_1359, %swap3A_1360, %swap3A_1361], %swap3A_1364 {strides = array<i32>} : memref<4x160x64xf32, #tpu.memory_space<vmem>>, vector<1x1x16xf32>,
        %get3A_1365 = arith.constant 2 : i32
        %get3A_1366 = arith.index_cast %get3A_1365 : i32 to index
        %get3A_1367 = arith.index_cast %add3A_1307 : i32 to index
        %get3A_1368 = arith.constant 48 : index
        %get3A_1369 = tpu.vector_load %arg8[%get3A_1366, %get3A_1367, %get3A_1368] {strides = array<i32>} : memref<4x160x64xf32, #tpu.memory_space<vmem>>, vector<1x1x16xf32>,
        %get3A_1370 = vector.shape_cast %get3A_1369 : vector<1x1x16xf32> to vector<16xf32>
        %mul3A_1371 = arith.mulf %get3A_1370, %select_n3A_1322 : vector<16xf32>
        %swap3A_1372 = arith.constant 2 : i32
        %swap3A_1373 = arith.index_cast %swap3A_1372 : i32 to index
        %swap3A_1374 = arith.index_cast %add3A_1307 : i32 to index
        %swap3A_1375 = arith.constant 48 : index
        %swap3A_1376 = tpu.vector_load %arg8[%swap3A_1373, %swap3A_1374, %swap3A_1375] {strides = array<i32>} : memref<4x160x64xf32, #tpu.memory_space<vmem>>, vector<1x1x16xf32>,
        %swap3A_1377 = vector.shape_cast %swap3A_1376 : vector<1x1x16xf32> to vector<16xf32>
        %swap3A_1378 = vector.shape_cast %mul3A_1371 : vector<16xf32> to vector<1x1x16xf32>
        tpu.vector_store %arg8[%swap3A_1373, %swap3A_1374, %swap3A_1375], %swap3A_1378 {strides = array<i32>} : memref<4x160x64xf32, #tpu.memory_space<vmem>>, vector<1x1x16xf32>,
        %scan3A_1379 = arith.constant 0 : i32
        scf.yield %scan3A_1379 : i32
      }
      %scan3A_1057 = arith.constant 20 : i32
      %add3A_1058 = arith.constant 320 : i32
      %add3A_1059 = arith.addi %mul3A_5, %add3A_1058 : i32
      %dma_start3A_1060 = arith.constant 2 : i32
      %dma_start3A_1061 = arith.constant 0 : i32
      %dma_start3A_1062 = arith.constant 0 : i32
      %dma_start3A_1063 = tpu.memref_slice %arg8[%dma_start3A_1060, %dma_start3A_1061, %dma_start3A_1062] : memref<4x160x64xf32, #tpu.memory_space<vmem>> -> memref<1x80x64xf32, #tpu.memory_space<vmem>>
      %dma_start3A_1064 = tpu.memref_squeeze %dma_start3A_1063 : memref<1x80x64xf32, #tpu.memory_space<vmem>> -> memref<80x64xf32, #tpu.memory_space<vmem>>
      %dma_start3A_1065 = tpu.memref_slice %arg5[%add3A_1059, %mul3A_3] : memref<10000x128xf32, #tpu.memory_space<hbm>> -> memref<80x64xf32, #tpu.memory_space<hbm>>
      %dma_start3A_1066 = tpu.memref_slice %arg5[%add3A_1059, %mul3A_3] : memref<10000x128xf32, #tpu.memory_space<hbm>> -> memref<80x64xf32, #tpu.memory_space<hbm>>
      %dma_start3A_1067 = arith.constant 0 : i32
      %dma_start3A_1068 = arith.constant 0 : i32
      %dma_start3A_1069 = tpu.memref_slice %arg8[%dma_start3A_1060, %dma_start3A_1067, %dma_start3A_1068] : memref<4x160x64xf32, #tpu.memory_space<vmem>> -> memref<1x80x64xf32, #tpu.memory_space<vmem>>
      %dma_start3A_1070 = tpu.memref_squeeze %dma_start3A_1069 : memref<1x80x64xf32, #tpu.memory_space<vmem>> -> memref<80x64xf32, #tpu.memory_space<vmem>>
      tpu.enqueue_dma source(%dma_start3A_1070 : memref<80x64xf32, #tpu.memory_space<vmem>>) target(%dma_start3A_1066 : memref<80x64xf32, #tpu.memory_space<hbm>>) target_semaphore(%arg16 : memref<!tpu.dma_semaphore, #tpu.memory_space<semaphore_mem>>)
      %dma_wait3A_1071 = arith.constant 2 : i32
      %dma_wait3A_1072 = arith.constant 0 : i32
      %dma_wait3A_1073 = arith.constant 0 : i32
      %dma_wait3A_1074 = tpu.memref_slice %arg8[%dma_wait3A_1071, %dma_wait3A_1072, %dma_wait3A_1073] : memref<4x160x64xf32, #tpu.memory_space<vmem>> -> memref<1x80x64xf32, #tpu.memory_space<vmem>>
      %dma_wait3A_1075 = tpu.memref_squeeze %dma_wait3A_1074 : memref<1x80x64xf32, #tpu.memory_space<vmem>> -> memref<80x64xf32, #tpu.memory_space<vmem>>
      %dma_wait3A_1076 = tpu.memref_slice %arg5[%add3A_1059, %mul3A_3] : memref<10000x128xf32, #tpu.memory_space<hbm>> -> memref<80x64xf32, #tpu.memory_space<hbm>>
      %dma_wait3A_1077 = tpu.memref_slice %arg5[%add3A_1059, %mul3A_3] : memref<10000x128xf32, #tpu.memory_space<hbm>> -> memref<80x64xf32, #tpu.memory_space<hbm>>
      %dma_wait3A_1078 = arith.constant 0 : i32
      %dma_wait3A_1079 = arith.constant 0 : i32
      %dma_wait3A_1080 = tpu.memref_slice %arg8[%dma_wait3A_1071, %dma_wait3A_1078, %dma_wait3A_1079] : memref<4x160x64xf32, #tpu.memory_space<vmem>> -> memref<1x80x64xf32, #tpu.memory_space<vmem>>
      %dma_wait3A_1081 = tpu.memref_squeeze %dma_wait3A_1080 : memref<1x80x64xf32, #tpu.memory_space<vmem>> -> memref<80x64xf32, #tpu.memory_space<vmem>>
      tpu.wait_dma2 semaphore(%arg16 : memref<!tpu.dma_semaphore, #tpu.memory_space<semaphore_mem>>) src(%dma_wait3A_1081 : memref<80x64xf32, #tpu.memory_space<vmem>>) dst(%dma_wait3A_1077 : memref<80x64xf32, #tpu.memory_space<hbm>>)
    } else {
    }
    %dma_wait3A_1005 = arith.constant 0 : i32
    %dma_wait3A_1006 = arith.constant 0 : i32
    %dma_wait3A_1007 = arith.constant 0 : i32
    %dma_wait3A_1008 = tpu.memref_slice %arg8[%dma_wait3A_1005, %dma_wait3A_1006, %dma_wait3A_1007] : memref<4x160x64xf32, #tpu.memory_space<vmem>> -> memref<1x160x64xf32, #tpu.memory_space<vmem>>
    %dma_wait3A_1009 = tpu.memref_squeeze %dma_wait3A_1008 : memref<1x160x64xf32, #tpu.memory_space<vmem>> -> memref<160x64xf32, #tpu.memory_space<vmem>>
    %dma_wait3A_1010 = tpu.memref_slice %arg5[%add3A_946, %mul3A_3] : memref<10000x128xf32, #tpu.memory_space<hbm>> -> memref<160x64xf32, #tpu.memory_space<hbm>>
    %dma_wait3A_1011 = tpu.memref_slice %arg5[%add3A_946, %mul3A_3] : memref<10000x128xf32, #tpu.memory_space<hbm>> -> memref<160x64xf32, #tpu.memory_space<hbm>>
    %dma_wait3A_1012 = arith.constant 0 : i32
    %dma_wait3A_1013 = arith.constant 0 : i32
    %dma_wait3A_1014 = tpu.memref_slice %arg8[%dma_wait3A_1005, %dma_wait3A_1012, %dma_wait3A_1013] : memref<4x160x64xf32, #tpu.memory_space<vmem>> -> memref<1x160x64xf32, #tpu.memory_space<vmem>>
    %dma_wait3A_1015 = tpu.memref_squeeze %dma_wait3A_1014 : memref<1x160x64xf32, #tpu.memory_space<vmem>> -> memref<160x64xf32, #tpu.memory_space<vmem>>
    tpu.wait_dma2 semaphore(%arg16 : memref<!tpu.dma_semaphore, #tpu.memory_space<semaphore_mem>>) src(%dma_wait3A_1015 : memref<160x64xf32, #tpu.memory_space<vmem>>) dst(%dma_wait3A_1011 : memref<160x64xf32, #tpu.memory_space<hbm>>)
    %dma_wait3A_1016 = arith.constant 1 : i32
    %dma_wait3A_1017 = arith.constant 0 : i32
    %dma_wait3A_1018 = arith.constant 0 : i32
    %dma_wait3A_1019 = tpu.memref_slice %arg8[%dma_wait3A_1016, %dma_wait3A_1017, %dma_wait3A_1018] : memref<4x160x64xf32, #tpu.memory_space<vmem>> -> memref<1x160x64xf32, #tpu.memory_space<vmem>>
    %dma_wait3A_1020 = tpu.memref_squeeze %dma_wait3A_1019 : memref<1x160x64xf32, #tpu.memory_space<vmem>> -> memref<160x64xf32, #tpu.memory_space<vmem>>
    %dma_wait3A_1021 = tpu.memref_slice %arg5[%add3A_979, %mul3A_3] : memref<10000x128xf32, #tpu.memory_space<hbm>> -> memref<160x64xf32, #tpu.memory_space<hbm>>
    %dma_wait3A_1022 = tpu.memref_slice %arg5[%add3A_979, %mul3A_3] : memref<10000x128xf32, #tpu.memory_space<hbm>> -> memref<160x64xf32, #tpu.memory_space<hbm>>
    %dma_wait3A_1023 = arith.constant 0 : i32
    %dma_wait3A_1024 = arith.constant 0 : i32
    %dma_wait3A_1025 = tpu.memref_slice %arg8[%dma_wait3A_1016, %dma_wait3A_1023, %dma_wait3A_1024] : memref<4x160x64xf32, #tpu.memory_space<vmem>> -> memref<1x160x64xf32, #tpu.memory_space<vmem>>
    %dma_wait3A_1026 = tpu.memref_squeeze %dma_wait3A_1025 : memref<1x160x64xf32, #tpu.memory_space<vmem>> -> memref<160x64xf32, #tpu.memory_space<vmem>>
    tpu.wait_dma2 semaphore(%arg16 : memref<!tpu.dma_semaphore, #tpu.memory_space<semaphore_mem>>) src(%dma_wait3A_1026 : memref<160x64xf32, #tpu.memory_space<vmem>>) dst(%dma_wait3A_1022 : memref<160x64xf32, #tpu.memory_space<hbm>>)
    return
  }
}

</mosaic_0001>

<sc_bundles>
// kernel: kernel.3.cloned.1.call-start
scs
__scs_entry_jumppad:
0x0: {  	(pc) =	sbr.rel $0x88, $3  }
0x1: {  	(tag) =	ssettag $0x0;
	lr =	simm.s32 $0x1  }
0x2: {  	[smem:$0x3F9F] =	sst lr;
	_ =	strace $0xD0000000  }
0x3: {  	_ = 	snop  }
0x4: {  	_ = 	snop  }
0x5: {  	_ = 	snop  }
0x6: {  	_ = 	snop  }
0x7: {  	_ = 	snop  }
__scs_overlays_trampoline_lowered:
0x8: {  	[smem:$0x3FAE] =	sst s0  }
0x9: {  	[smem:$0x3FAF] =	sst s1  }
0xa: {  	[smem:$0x3FB0] =	sst s2  }
0xb: {  	[smem:$0x3FB1] =	sst s3  }
0xc: {  	[smem:$0x3FB2] =	sst s4  }
0xd: {  	[smem:$0x3FB3] =	sst s5  }
0xe: {  	[smem:$0x3FB4] =	sst s6  }
0xf: {  	[smem:$0x3FB5] =	sst s7  }
0x10: {  	[smem:$0x3FB6] =	sst s8  }
0x11: {  	[smem:$0x3FB7] =	sst s9;
	s0 =	simm.s32 @!p0 $0x0  }
0x12: {  	s1 =	sld [smem:$0x3F9D];
	s0 =	simm.s32 @p0 $0x1  }
0x13: {  	[smem:$0x3FB8] =	sst s0;
	s0 =	simm.s32 @!p1 $0x0  }
0x14: {  	s2 =	sld [smem:$0x3F9C];
	s0 =	simm.s32 @p1 $0x1  }
0x15: {  	[smem:$0x3FB9] =	sst s0;
	s0 =	simm.s32 @!p2 $0x0  }
0x16: {  	s3 =	sld [smem:$0x3FDB];
	s0 =	simm.s32 @p2 $0x1  }
0x17: {  	s4 =	simm.s32 $0x1BF5;
	[smem:$0x3FBB] =	sst s0  }
0x18: {  	s0 =	sld [smem:$0x3F9E];
	_ =	swait.ge [sflag:s4], $0x0  }
0x19: {  	s7 =	sld [smem:$0x3F9F]  }
0x1a: {  	s8 =	sadd.s32 $0xFFFFE003, lr  }
0x1b: {  	s9 =	sadd.s32 $0xFFFFFEF7, lr;
	s5 =	simm.s32 $0xFFFFFFFF;
	p2 =	slt.u32 s8, $0xFFFFF086  }
0x1c: {  	p1 =	slt.u32 s9, $0xF7A;
	s5 =	simm.s32 @!p2 $0x0  }
0x1d: {  	s5 =	simm.s32 @p1 $0x1;
	p0 =	seq.s32 s7, s2  }
0x1e: {  	s7 =	smul.u32 @!p0 $0xF7A, s2;
	p2 =	seq.s32 @!p0 s5, $0x0  }
0x1f: {  	s9 =	smul.u32 $0xF7A, s1;
	s8 =	simm.s32 @!p0 $0x1BF5;
	p2 =	por !p2, p0  }
0x20: {  	[sflag:s8] =	ssyncset.s32 @!p0 $0xFFFFF086;
	s6 =	sadd.s32 @!p0 s3, s7;
	s7 =	simm.s32 @!p0 $0x108  }
0x21: {  	s3 =	sadd.s32 s3, s9;
	s6 =	sadd.s32 @!p0 $0x88, s6;
	s7 =	simm.s32 @p2 $0x1082  }
0x22: {  	[simem:s7], [sflag:s8] =	dma.local @!p0 [hbm:s6], $0xF7A  }
0x23: {  	s9 =	sor.u32 $0xD0000000, s2;
	s6 =	simm.s32 $0x108;
	_ =	swait.ge @!p0 [sflag:s8], $0x0  }
0x24: {  	s3 =	sadd.s32 $0x88, s3;
	s6 =	simm.s32 @!p1 $0x1082;
	[sflag:s4] =	ssyncset.s32 $0xFFFFF086  }
0x25: {  	[simem:s6], [sflag:s4] =	dma.local [hbm:s3], $0xF7A  }
0x26: {  	[smem:$0x3F9F] =	sst s1;
	(tag) =	ssettag s2;
	_ =	strace s9  }
0x27: {  	s1 =	sld [smem:$0x3FAF]  }
0x28: {  	s2 =	sld [smem:$0x3FB0]  }
0x29: {  	s4 =	sld [smem:$0x3FB2]  }
0x2a: {  	p0 =	seq.s32 s5, $0x0;
	s5 =	sld [smem:$0x3FB3]  }
0x2b: {  	s6 =	sld [smem:$0x3FB4]  }
0x2c: {  	s7 =	sld [smem:$0x3FB5]  }
0x2d: {  	s3 =	simm.s32 $0x108;
	s8 =	sld [smem:$0x3FB6]  }
0x2e: {  	s3 =	simm.s32 @!p0 $0x1082;
	s9 =	sld [smem:$0x3FB7]  }
0x2f: {  	lr =	sadd.s32 s0, s3;
	s0 =	sld [smem:$0x3FAE]  }
0x30: {  	s3 =	sld [smem:$0x3FB1]  }
0x31: {  	[smem:$0x3FBA] =	sst s10  }
0x32: {  	s10 =	sld [smem:$0x3FB8];
	_ =	sdelay $0x3  }
0x33: {  	p0 =	seq.s32 s10, $0x1;
	s10 =	sld [smem:$0x3FBA];
	_ =	sdelay $0x3  }
0x34: {  	[smem:$0x3FBA] =	sst s10  }
0x35: {  	s10 =	sld [smem:$0x3FB9];
	_ =	sdelay $0x3  }
0x36: {  	p1 =	seq.s32 s10, $0x1;
	s10 =	sld [smem:$0x3FBA];
	_ =	sdelay $0x3  }
0x37: {  	[smem:$0x3FBA] =	sst s10  }
0x38: {  	s10 =	sld [smem:$0x3FBB]  }
0x39: {  	_ = 	snop;
	(pc) =	sbr.ind lr, $3  }
0x3a: {  	_ = 	snop  }
0x3b: {  	_ = 	snop  }
0x3c: {  	p2 =	seq.s32 s10, $0x1;
	s10 =	sld [smem:$0x3FBA]  }
0x3d: {  	_ =	shalt  }
0x3e: {  	_ =	shalt  }
0x3f: {  	_ =	shalt  }
0x40: {  	_ =	shalt  }
0x41: {  	_ =	shalt  }
0x42: {  	_ =	shalt  }
0x43: {  	_ =	shalt  }
0x44: {  	_ =	shalt  }
0x45: {  	_ =	shalt  }
0x46: {  	_ =	shalt  }
0x47: {  	_ =	shalt  }
0x48: {  	_ =	shalt  }
0x49: {  	_ =	shalt  }
0x4a: {  	_ =	shalt  }
0x4b: {  	_ =	shalt  }
0x4c: {  	_ =	shalt  }
0x4d: {  	_ =	shalt  }
0x4e: {  	_ =	shalt  }
0x4f: {  	_ =	shalt  }
0x50: {  	_ =	shalt  }
0x51: {  	_ =	shalt  }
0x52: {  	_ =	shalt  }
0x53: {  	_ =	shalt  }
0x54: {  	_ =	shalt  }
0x55: {  	_ =	shalt  }
0x56: {  	_ =	shalt  }
0x57: {  	_ =	shalt  }
0x58: {  	_ =	shalt  }
0x59: {  	_ =	shalt  }
0x5a: {  	_ =	shalt  }
0x5b: {  	_ =	shalt  }
0x5c: {  	_ =	shalt  }
0x5d: {  	_ =	shalt  }
0x5e: {  	_ =	shalt  }
0x5f: {  	_ =	shalt  }
0x60: {  	_ =	shalt  }
0x61: {  	_ =	shalt  }
0x62: {  	_ =	shalt  }
0x63: {  	_ =	shalt  }
0x64: {  	_ =	shalt  }
0x65: {  	_ =	shalt  }
0x66: {  	_ =	shalt  }
0x67: {  	_ =	shalt  }
0x68: {  	_ =	shalt  }
0x69: {  	_ =	shalt  }
0x6a: {  	_ =	shalt  }
0x6b: {  	_ =	shalt  }
0x6c: {  	_ =	shalt  }
0x6d: {  	_ =	shalt  }
0x6e: {  	_ =	shalt  }
0x6f: {  	_ =	shalt  }
0x70: {  	_ =	shalt  }
0x71: {  	_ =	shalt  }
0x72: {  	_ =	shalt  }
0x73: {  	_ =	shalt  }
0x74: {  	_ =	shalt  }
0x75: {  	_ =	shalt  }
0x76: {  	_ =	shalt  }
0x77: {  	_ =	shalt  }
0x78: {  	_ =	shalt  }
0x79: {  	_ =	shalt  }
0x7a: {  	_ =	shalt  }
0x7b: {  	_ =	shalt  }
0x7c: {  	_ =	shalt  }
0x7d: {  	_ =	shalt  }
0x7e: {  	_ =	shalt  }
0x7f: {  	_ =	shalt  }
0x80: {  	_ =	shalt  }
0x81: {  	_ =	shalt  }
0x82: {  	_ =	shalt  }
0x83: {  	_ =	shalt  }
0x84: {  	_ =	shalt  }
0x85: {  	_ =	shalt  }
0x86: {  	_ =	shalt  }
0x87: {  	_ =	shalt  }
.Lfunc_end0:
.L_simem_size_0:
called_computation_lowered:
.L_overlay_start_0:
0x88: {  	s2 =	sld [smem:$0x3FD9]  }
0x89: {  	s3 =	sld [smem:$0x3FFE];
	_ =	sdelay $0x1  }
0x8a: {  	s1 =	srdreg.scid  }
0x8b: {  	s0 =	sand.u32 $0x1, s1  }
0x8c: {  	s17 =	sshll.u32 s0, $0xA;
	s2 =	sadd.s32 s3, s2  }
0x8d: {  	s2 =	sadd.s32 s2, s17  }
0x8e: {  	[smem:$0x3FC6] =	sst s2  }
0x8f: {  	_ = 	snop  }
0x90: {  	s2 =	sld [smem:$0x3FC9]  }
0x91: {  	s18 =	sld [smem:$0x3FC8]  }
0x92: {  	s4 =	sld [smem:$0x3FD0];
	(tm) =	ssettm $0x1  }
0x93: {  	s5 =	sld [smem:$0x3FFB];
	_ =	sdelay $0x3  }
0x94: {  	_ =	strace s5  }
0x95: {  	s5 =	sld [smem:$0x3FFC];
	_ =	sdelay $0x3  }
0x96: {  	_ =	strace s5  }
0x97: {  	s5 =	sld [smem:$0x3FFD];
	_ =	sdelay $0x3  }
0x98: {  	_ =	strace s5  }
0x99: {  	_ =	strace $0x8FFFFFFF  }
0x9a: {  	s19 =	sld [smem:$0x3FDB];
	_ =	sdelay $0x1  }
0x9b: {  	s6 =	simm.s32 $_scs_section_size  }
0x9c: {  	s7 =	simm.s32 $_size__tile_overlayer_lowered;
	s8 =	simm.s32 $_tile_overlayer_lowered  }
0x9d: {  	s22 =	simm.s32 $0x1BFF;
	s21 =	sshll.u32 s8, $0x1;
	s5 =	sadd.s32 s6, s19  }
0x9e: {  	s9 =	simm.s32 $0x0;
	s20 =	sshll.u32 s7, $0x1;
	s7 =	sadd.s32 s21, s5  }
0x9f: {  	[timem:s9], [sflag:s22] =	dma.local [hbm:s7], s20  }
0xa0: {  	_ =	swait.ge [sflag:s22], s20  }
0xa1: {  	s6 =	ssub.s32 $0x0, s20;
	[sflag:s22] =	ssyncset.done $0x0  }
0xa2: {  	[sflag:s22] =	ssyncadd.s32 s6;
	_ =	sdelay $0x1  }
0xa3: {  	s23 =	simm.s32 $0x1B8B  }
0xa4: {  	_ =	swait.ge [sflag:s23], $0x1  }
0xa5: {  	[sflag:s23] =	ssyncset.done $0x0  }
0xa6: {  	s25 =	simm.s32 $0x1B8E;
	s24 =	sld [smem:$0x3FFE];
	[sflag:s23] =	ssyncadd.s32 $0xFFFFFFFF  }
0xa7: {  	s26 =	simm.s32 $execute0_lowered;
	[smem:$0x3FD2] =	sst s25  }
0xa8: {  	s7 =	sshll.u32 s26, $0x1;
	_ =	strace $0x80000046;
	[dreg:$0x1] =	wrdreg $0xFFFFFFFF  }
0xa9: {  	s28 =	simm.s32 $_size_execute0_lowered;
	s5 =	sadd.s32 s5, s7;
	[dreg:$0x0] =	wrdreg $0x0  }
0xaa: {  	s7 =	sshll.u32 s28, $0x1;
	[dreg:$0x2] =	wrdreg s5  }
0xab: {  	[dreg:$0x3] =	wrdreg s7  }
0xac: {  	[dreg:$0x4] =	wrdreg $0xC0  }
0xad: {  	_ =	task [dreg:s9], $0x5FFFF  }
0xae: {  	[dreg:$0x1] =	wrdreg $0xFFFFFFFF  }
0xaf: {  	[dreg:$0x0] =	wrdreg $0x60  }
0xb0: {  	[dreg:$0x2] =	wrdreg s2  }
0xb1: {  	[dreg:$0x3] =	wrdreg s18  }
0xb2: {  	[dreg:$0x4] =	wrdreg s24  }
0xb3: {  	[dreg:$0x5] =	wrdreg s4  }
0xb4: {  	[dreg:$0x6] =	wrdreg $0x0  }
0xb5: {  	[dreg:$0x7] =	wrdreg $0xA0000  }
0xb6: {  	[dreg:$0x8] =	wrdreg $0x9  }
0xb7: {  	_ =	task.clear_ibuf [dreg:s9], $0x9FFFF;
	_ =	strace $0x90000046  }
0xb8: {  	s29 =	simm.s32 $0x9;
	_ =	strace $0x80000048  }
0xb9: {  	_ =	swait.ge [sflag:s29], $0x1  }
0xba: {  	[sflag:s29] =	ssyncadd.s32 $0xFFFFFFFF  }
0xbb: {  	_ =	strace $0x90000048  }
0xbc: {  	_ =	sfence  }
0xbd: {  	s30 =	sld [smem:$0x0];
	_ =	sdelay $0x2  }
0xbe: {  	s31 =	sshll.u32 s1, $0xD;
	s1 =	sshrl.u32 s1, $0x2  }
0xbf: {  	s3 =	sand.u32 $0x4000, s31;
	s1 =	sadd.s32 s1, s30  }
0xc0: {  	s0 =	sor.u32 s3, s0;
	s1 =	sshll.u32 s1, $0x11  }
0xc1: {  	s0 =	sor.u32 s1, s0  }
0xc2: {  	s0 =	sadd.s32 $0x8F2B, s0  }
0xc3: {  	[sflag:s0] =	ssyncadd.remote.s32 $0x1  }
0xc4: {  	_ =	sfence.sel $0xFFFF  }
0xc5: {  	[dreg:$0x0] =	wrdreg $0xFFFFFFFF;
	(pc) =	sbr.abs _section_cstart, $3  }
0xc6: {  	[dreg:$0x1] =	wrdreg $0xFFFFFFFF  }
0xc7: {  	_ =	task.clear_ibuf [dreg:s9], $0x2FFFF;
	_ =	strace $0x9FFFFFFF  }
0xc8: {  	(tm) =	ssettm $0x7FFFFFFF  }
0xc9: {  	_ =	shalt  }
tec
execute0_lowered:
.L_overlay_start_1:
0x0: {  	(tag) =	ssettag $0x1  }
0x1: {  	s3 =	rddreg [dreg:$0x0]  }
0x2: {  	s6 =	rddreg [dreg:$0x1]  }
0x3: {  	s5 =	rddreg [dreg:$0x2]  }
0x4: {  	s0 =	rddreg [dreg:$0x3]  }
0x5: {  	s1 =	rddreg [dreg:$0x4]  }
0x6: {  	s2 =	rddreg [dreg:$0x5]  }
0x7: {  	s4 =	simm.s32 $0x0;
	s7 =	srdreg.scid;
	s21 =	stileid.u32  }
0x8: {  	s28 =	simm.s32 $0x16800;
	s29 =	simm.s32 $0x40;
	s30 =	simm.s32 $0x80  }
0x9: {  	s31 =	simm.s32 $0xC800;
	[smem:$0x7FF] =	sst s4;
	s8 =	smul.u32 $0x280, s21  }
0xa: {  	s7 =	sand.u32 $0x1, s7;
	s5 =	sadd.s32 $0x400, s5;
	s10 =	smul.u32 $0x14000, s21  }
0xb: {  	s12 =	smul.u32 $0x50, s21;
	s20 =	sshll.u32 s21, $0x3;
	p0 =	seq.s32 s21, $0xF  }
0xc: {  	_ =	strace $0x80000047;
	s9 =	ssub.s32 $0x2, s7;
	s13 =	sshll.u32 s7, $0x6  }
0xd: {  	s15 =	sor.u32 $0x4, s20;
	s11 =	sshrl.u32 s9, $0x1;
	s10 =	sor.u32 s13, s10  }
0xe: {  	s16 =	sadd.s32 s6, s12;
	s12 =	sadd.s32 $0xA0, s8;
	s15 =	smin.u32 s15, $0x7B  }
0xf: {  	s17 =	sadd.s32 $0x140, s8;
	s8 =	sadd.s32 $0x1E0, s8;
	s9 =	ssub.s32 s9, s11  }
0x10: {  	s10 =	sshrl.u32 s10, $0x3;
	s22 =	sshll.u32 s12, $0x7;
	[dreg:$0x7] =	wrdreg s16  }
0x11: {  	s16 =	sadd.s32 $0x14, s16;
	s23 =	smul.u32 $0xA, s15;
	s24 =	smin.u32 s17, $0x2670  }
0x12: {  	s11 =	sor.u32 $0x6, s20;
	s18 =	smin.u32 s8, $0x2670;
	s19 =	sshll.u32 s17, $0x7  }
0x13: {  	s20 =	sshll.u32 s8, $0x7;
	s14 =	sadd.s32 s3, s10;
	[dreg:$0x9] =	wrdreg s16  }
0x14: {  	s15 =	sshll.u32 s24, $0x7;
	s11 =	smin.u32 s11, $0x7B;
	s18 =	sshll.u32 s18, $0x7  }
0x15: {  	[dreg:$0x8] =	wrdreg s14;
	s14 =	sor.u32 s13, s22;
	s11 =	smul.u32 $0xA, s11  }
0x16: {  	s15 =	sor.u32 s13, s15;
	s26 =	sor.u32 s13, s18;
	s18 =	smul.u32 $0x28000, s21  }
0x17: {  	s22 =	sor.u32 s13, s19;
	s13 =	sor.u32 s13, s20;
	s19 =	sshll.u32 s21, $0x6  }
0x18: {  	s16 =	sshrl.u32 s14, $0x3;
	s14 =	sadd.s32 s6, s23;
	s25 =	sshrl.u32 s15, $0x3  }
0x19: {  	s23 =	smul.u32 $0xA000, s21;
	s13 =	sshrl.u32 s13, $0x3;
	s21 =	simm.s32 $0x5  }
0x1a: {  	[dreg:$0xa] =	wrdreg s14;
	s14 =	sadd.s32 s3, s25;
	s6 =	sadd.s32 s6, s11  }
0x1b: {  	s11 =	sshrl.u32 s26, $0x3;
	s24 =	sshrl.u32 s18, $0x2;
	s26 =	sadd.s32 s0, s10  }
0x1c: {  	s10 =	sadd.s32 s0, s16;
	s15 =	sadd.s32 s0, s13;
	[dreg:$0xb] =	wrdreg s14  }
0x1d: {  	s18 =	sshll.u32 s12, $0x6;
	s12 =	simm.s32 $0x0;
	[dreg:$0xc] =	wrdreg s6  }
0x1e: {  	s6 =	sadd.s32 s3, s11;
	s3 =	sadd.s32 s3, s16;
	[dreg:$0xf] =	wrdreg s26  }
0x1f: {  	s14 =	sadd.s32 s24, s1;
	s25 =	sshrl.u32 s23, $0x2;
	[dreg:$0x10] =	wrdreg s10  }
0x20: {  	s11 =	sshrl.u32 s22, $0x3;
	[dreg:$0x12] =	wrdreg s15;
	s16 =	sshll.u32 s7, $0x3  }
0x21: {  	s22 =	sshll.u32 s17, $0x6;
	s23 =	sshll.u32 s8, $0x6;
	s26 =	smax.u32 s9, $0x1  }
0x22: {  	s17 =	simm.s32 $0x11800;
	s7 =	simm.s32 $0x2;
	s8 =	simm.s32 $0x8  }
0x23: {  	s9 =	simm.s32 $0x7;
	s10 =	simm.s32 $0x50;
	[dreg:$0xd] =	wrdreg s6  }
0x24: {  	s15 =	simm.s32 $0x3;
	[dreg:$0xe] =	wrdreg s3;
	s6 =	sadd.s32 s0, s11  }
0x25: {  	s0 =	sadd.s32 s16, s0;
	s20 =	sadd.s32 s25, s2;
	[dreg:$0x17] =	wrdreg s26  }
0x26: {  	s3 =	sadd.s32 s18, s1;
	s24 =	sadd.s32 s22, s1;
	[dreg:$0x11] =	wrdreg s6  }
.Ltmp0:
0x27: {  	s25 =	sadd.s32 s23, s1;
	[dreg:$0x13] =	wrdreg s3;
	(pc) =	sbr.rel .LBB2_1-.Ltmp0, $4  }
0x28: {  	s26 =	sor.u32 $0x1C07, s19;
	s18 =	simm.s32 $0x14000;
	[dreg:$0x14] =	wrdreg s24  }
0x29: {  	s11 =	simm.s32 $0x16A80;
	s16 =	simm.s32 $0x4;
	[dreg:$0x15] =	wrdreg s25  }
0x2a: {  	s0 =	sadd.s32 $0x26C00, s0;
	s3 =	simm.s32 $0xF000;
	s24 =	simm.s32 $0x1  }
0x2b: {  	v0 =	vimm.f32 $1.000000000e+00;
	s6 =	simm.s32 $0x6;
	[dreg:$0x16] =	wrdreg s0;
	s0 =	simm.s32 $0x168A0  }
.LBB2_10:
0x2c: {  	v2 =	vld [tilespmem:s23+$0x140C0]  }
0x2d: {  	v3 =	vld [tilespmem:s23+$0x140F0]  }
0x2e: {  	v4 =	vld [tilespmem:s23+$0x140D0]  }
0x2f: {  	v5 =	vld [tilespmem:s23+$0x140E0];
	vm0 =	vgt.f32 v1, $0.0e+00;
	v1 =	vpop (erf)  }
0x30: {  	v1 =	vnsel vm0, $0x0, v1  }
0x31: {  	v2 =	vmul.f32 v1, v2  }
0x32: {  	v3 =	vmul.f32 v3, v1  }
0x33: {  	v4 =	vmul.f32 v4, v1;
	[tilespmem:s23+$0x140C0] =	vst v2  }
0x34: {  	v1 =	vmul.f32 v5, v1;
	[tilespmem:s23+$0x140F0] =	vst v3  }
0x35: {  	[tilespmem:s23+$0x140D0] =	vst v4  }
0x36: {  	s13 =	rddreg [dreg:$0x12];
	[tilespmem:s23+$0x140E0] =	vst v1  }
0x37: {  	[hbm4b:s13+s29] =	stream.strided.scatter [tilespmem:s18], [sflag:$0x5], $0x2800, s30, s29, $0x38;
	[tilespmem:$0x19780] =	vst v63  }
0x38: {  	_ =	swait.ge [sflag:s21], $0x2800  }
0x39: {  	[sflag:s21] =	ssyncset.done $0x0  }
0x3a: {  	[sflag:s21] =	ssyncadd.s32 $0xFFFFD800  }
0x3b: {  	_ =	swait.ge [sflag:s21], $0x2800  }
0x3c: {  	[sflag:s21] =	ssyncset.done $0x0  }
0x3d: {  	[sflag:s21] =	ssyncadd.s32 $0xFFFFD800  }
.LBB2_14:
0x3e: {  	_ =	swait.ge [sflag:s21], $0x2800  }
0x3f: {  	[sflag:s21] =	ssyncset.done $0x0  }
0x40: {  	[sflag:s21] =	ssyncadd.s32 $0xFFFFD800  }
0x41: {  	_ =	swait.ge [sflag:s21], $0x2800  }
0x42: {  	s12 =	sadd.s32 $0x1, s12;
	s13 =	rddreg [dreg:$0x17]  }
0x43: {  	p1 =	sne.s32 s12, s13  }
.Ltmp1:
0x44: {  	_ = 	snop;
	(pc) =	sbr.rel @!p1 .LBB2_15-.Ltmp1, $3  }
0x45: {  	_ =	sdelay $0x1  }
0x46: {  	[sflag:s21] =	ssyncset.done $0x0  }
0x47: {  	[sflag:s21] =	ssyncadd.s32 $0xFFFFD800  }
.LBB2_1:
0x48: {  	s13 =	rddreg [dreg:$0x7]  }
0x49: {  	[tilespmem:s28], [sflag:$0x1] =	stream.linear.gather [hbm4b:s13+s4], $0xA0, $0x38;
	[tilespmem:$0x19780] =	vst v63  }
0x4a: {  	s23 =	rddreg [dreg:$0x8]  }
0x4b: {  	[tilespmem:s31], [sflag:$0x2] =	stream.strided.gather [hbm4b:s23+s29], $0x2800, s30, s29, $0x38;
	[tilespmem:$0x19780] =	vst v63  }
0x4c: {  	s25 =	rddreg [dreg:$0x9]  }
0x4d: {  	[tilespmem:s0], [sflag:$0x1] =	stream.linear.gather [hbm4b:s25+s4], $0xA0, $0x38;
	[tilespmem:$0x19780] =	vst v63  }
0x4e: {  	s22 =	rddreg [dreg:$0xe]  }
0x4f: {  	[tilespmem:s3], [sflag:$0x2] =	stream.strided.gather [hbm4b:s22+s29], $0x2800, s30, s29, $0x38;
	[tilespmem:$0x19780] =	vst v63  }
0x50: {  	s23 =	rddreg [dreg:$0xa];
	s22 =	simm.s32 $0x16940  }
0x51: {  	[tilespmem:s22], [sflag:$0x1] =	stream.linear.gather [hbm4b:s23+s4], $0xA0, $0x38;
	[tilespmem:$0x19780] =	vst v63  }
0x52: {  	s25 =	rddreg [dreg:$0xb]  }
0x53: {  	[tilespmem:s17], [sflag:$0x2] =	stream.strided.gather [hbm4b:s25+s29], $0x2800, s30, s29, $0x38;
	[tilespmem:$0x19780] =	vst v63  }
0x54: {  	s22 =	rddreg [dreg:$0xc];
	s23 =	simm.s32 $0x169E0  }
0x55: {  	[tilespmem:s23], [sflag:$0x1] =	stream.linear.gather [hbm4b:s22+s4], $0xA0, $0x38;
	[tilespmem:$0x19780] =	vst v63  }
0x56: {  	s25 =	rddreg [dreg:$0xd]  }
0x57: {  	[tilespmem:s18], [sflag:$0x2] =	stream.strided.gather [hbm4b:s25+s29], $0x2800, s30, s29, $0x38;
	[tilespmem:$0x19780] =	vst v63  }
0x58: {  	[tilespmem:$0x16A80] =	vst v0  }
0x59: {  	[tilespmem:$0x16A90] =	vst v0  }
0x5a: {  	[tilespmem:$0x16AA0] =	vst v0  }
0x5b: {  	[tilespmem:$0x16AB0] =	vst v0  }
0x5c: {  	[tilespmem:$0x16AC0] =	vst v0  }
0x5d: {  	[tilespmem:$0x16AD0] =	vst v0  }
0x5e: {  	[tilespmem:$0x16AE0] =	vst v0  }
0x5f: {  	[tilespmem:$0x16AF0] =	vst v0  }
0x60: {  	[tilespmem:$0x16B00] =	vst v0  }
0x61: {  	[tilespmem:$0x16B10] =	vst v0  }
0x62: {  	[tilespmem:$0x16B20] =	vst v0  }
0x63: {  	[tilespmem:$0x16B30] =	vst v0  }
0x64: {  	[tilespmem:$0x16B40] =	vst v0  }
0x65: {  	[tilespmem:$0x16B50] =	vst v0  }
0x66: {  	[tilespmem:$0x16B60] =	vst v0  }
0x67: {  	[tilespmem:$0x16B70] =	vst v0  }
0x68: {  	[tilespmem:$0x16B80] =	vst v0  }
0x69: {  	[tilespmem:$0x16B90] =	vst v0  }
0x6a: {  	[tilespmem:$0x16BA0] =	vst v0  }
0x6b: {  	[tilespmem:$0x16BB0] =	vst v0  }
0x6c: {  	[tilespmem:$0x16BC0] =	vst v0  }
0x6d: {  	[tilespmem:$0x16BD0] =	vst v0  }
0x6e: {  	[tilespmem:$0x16BE0] =	vst v0  }
0x6f: {  	[tilespmem:$0x16BF0] =	vst v0  }
0x70: {  	[tilespmem:$0x16C00] =	vst v0  }
0x71: {  	[tilespmem:$0x16C10] =	vst v0  }
0x72: {  	[tilespmem:$0x16C20] =	vst v0  }
0x73: {  	[tilespmem:$0x16C30] =	vst v0  }
0x74: {  	[tilespmem:$0x16C40] =	vst v0  }
0x75: {  	[tilespmem:$0x16C50] =	vst v0  }
0x76: {  	[tilespmem:$0x16C60] =	vst v0  }
0x77: {  	[tilespmem:$0x16C70] =	vst v0  }
0x78: {  	[tilespmem:$0x16C80] =	vst v0  }
0x79: {  	[tilespmem:$0x16C90] =	vst v0  }
0x7a: {  	[tilespmem:$0x16CA0] =	vst v0  }
0x7b: {  	[tilespmem:$0x16CB0] =	vst v0  }
0x7c: {  	[tilespmem:$0x16CC0] =	vst v0  }
0x7d: {  	[tilespmem:$0x16CD0] =	vst v0  }
0x7e: {  	[tilespmem:$0x16CE0] =	vst v0  }
0x7f: {  	[tilespmem:$0x16CF0] =	vst v0  }
0x80: {  	[tilespmem:$0x16D00] =	vst v0  }
0x81: {  	[tilespmem:$0x16D10] =	vst v0  }
0x82: {  	[tilespmem:$0x16D20] =	vst v0  }
0x83: {  	[tilespmem:$0x16D30] =	vst v0  }
0x84: {  	[tilespmem:$0x16D40] =	vst v0  }
0x85: {  	[tilespmem:$0x16D50] =	vst v0  }
0x86: {  	[tilespmem:$0x16D60] =	vst v0  }
0x87: {  	[tilespmem:$0x16D70] =	vst v0  }
0x88: {  	[tilespmem:$0x16D80] =	vst v0  }
0x89: {  	[tilespmem:$0x16D90] =	vst v0  }
0x8a: {  	[tilespmem:$0x16DA0] =	vst v0  }
0x8b: {  	[tilespmem:$0x16DB0] =	vst v0  }
0x8c: {  	[tilespmem:$0x16DC0] =	vst v0  }
0x8d: {  	[tilespmem:$0x16DD0] =	vst v0  }
0x8e: {  	[tilespmem:$0x16DE0] =	vst v0  }
0x8f: {  	[tilespmem:$0x16DF0] =	vst v0  }
0x90: {  	[tilespmem:$0x16E00] =	vst v0  }
0x91: {  	[tilespmem:$0x16E10] =	vst v0  }
0x92: {  	[tilespmem:$0x16E20] =	vst v0  }
0x93: {  	[tilespmem:$0x16E30] =	vst v0  }
0x94: {  	[tilespmem:$0x16E40] =	vst v0  }
0x95: {  	[tilespmem:$0x16E50] =	vst v0  }
0x96: {  	[tilespmem:$0x16E60] =	vst v0  }
0x97: {  	[tilespmem:$0x16E70] =	vst v0  }
0x98: {  	[tilespmem:$0x16E80] =	vst v0  }
0x99: {  	[tilespmem:$0x16E90] =	vst v0  }
0x9a: {  	[tilespmem:$0x16EA0] =	vst v0  }
0x9b: {  	[tilespmem:$0x16EB0] =	vst v0  }
0x9c: {  	[tilespmem:$0x16EC0] =	vst v0  }
0x9d: {  	[tilespmem:$0x16ED0] =	vst v0  }
0x9e: {  	[tilespmem:$0x16EE0] =	vst v0  }
0x9f: {  	[tilespmem:$0x16EF0] =	vst v0  }
0xa0: {  	[tilespmem:$0x16F00] =	vst v0  }
0xa1: {  	[tilespmem:$0x16F10] =	vst v0  }
0xa2: {  	[tilespmem:$0x16F20] =	vst v0  }
0xa3: {  	[tilespmem:$0x16F30] =	vst v0  }
0xa4: {  	[tilespmem:$0x16F40] =	vst v0  }
0xa5: {  	[tilespmem:$0x16F50] =	vst v0  }
0xa6: {  	[tilespmem:$0x16F60] =	vst v0  }
0xa7: {  	s22 =	sshrl.u32 s14, $0x3;
	s23 =	sor.u32 $0x1C08, s19;
	s25 =	sshrl.u32 s20, $0x3;
	[tilespmem:$0x16F70] =	vst v0  }
0xa8: {  	[spmem:s22], [sflag:s26] =	dma.local [hbm:s5], $0x1400  }
0xa9: {  	[spmem:s25@s7], [sflag:s23] =	dma.strided [hbm:s5@s8], $0x500, s24, $0x2   }
0xaa: {  	_ =	swait.ge [sflag:s9], $0x1400  }
0xab: {  	[sflag:s9] =	ssyncset.done $0x0  }
0xac: {  	[sflag:s9] =	ssyncadd.s32 $0xFFFFEC00  }
0xad: {  	_ =	swait.ge [sflag:s8], $0x500  }
0xae: {  	[sflag:s8] =	ssyncset.done $0x0  }
0xaf: {  	[sflag:s8] =	ssyncadd.s32 $0xFFFFFB00  }
0xb0: {  	[bflag:$0x0] =	sbarrier.arrive $0xFFFF  }
0xb1: {  	_ =	swait.ge [sflag:s24], $0xA0  }
0xb2: {  	[sflag:s24] =	ssyncset.done $0x0  }
0xb3: {  	[sflag:s24] =	ssyncadd.s32 $0xFFFFFF60  }
0xb4: {  	_ =	swait.ge [sflag:s7], $0x2800  }
0xb5: {  	[sflag:s7] =	ssyncset.done $0x0  }
0xb6: {  	[sflag:s7] =	ssyncadd.s32 $0xFFFFD800  }
0xb7: {  	[spmem:s1] =	stream.indirect.scatter.add.f32 [tilespmem:s31], [sflag:$0x3], $0x40, s28, s10, $0xb8;
	[tilespmem:$0x19780] =	vst v63  }
0xb8: {  	_ = 	snop  }
0xb9: {  	[spmem:s2] =	stream.indirect.scatter.add.f32 [tilespmem:s11], [sflag:$0x4], $0x10, s28, s10, $0xb8;
	[tilespmem:$0x19780] =	vst v63  }
0xba: {  	s23 =	simm.s32 $0x16850;
	s25 =	simm.s32 $0xDC00  }
0xbb: {  	[spmem:s1] =	stream.indirect.scatter.add.f32 [tilespmem:s25], [sflag:$0x3], $0x40, s23, s10, $0xb8;
	[tilespmem:$0x19780] =	vst v63  }
0xbc: {  	_ = 	snop  }
0xbd: {  	[spmem:s2] =	stream.indirect.scatter.add.f32 [tilespmem:s11], [sflag:$0x4], $0x10, s23, s10, $0xb8;
	[tilespmem:$0x19780] =	vst v63  }
0xbe: {  	_ =	swait.ge [sflag:s24], $0xA0  }
0xbf: {  	[sflag:s24] =	ssyncset.done $0x0  }
0xc0: {  	[sflag:s24] =	ssyncadd.s32 $0xFFFFFF60  }
0xc1: {  	_ =	swait.ge [sflag:s7], $0x2800  }
0xc2: {  	[sflag:s7] =	ssyncset.done $0x0  }
0xc3: {  	[sflag:s7] =	ssyncadd.s32 $0xFFFFD800  }
0xc4: {  	[spmem:s1] =	stream.indirect.scatter.add.f32 [tilespmem:s3], [sflag:$0x3], $0x40, s0, s10, $0xb8;
	[tilespmem:$0x19780] =	vst v63  }
0xc5: {  	_ = 	snop  }
0xc6: {  	[spmem:s2] =	stream.indirect.scatter.add.f32 [tilespmem:s11], [sflag:$0x4], $0x10, s0, s10, $0xb8;
	[tilespmem:$0x19780] =	vst v63  }
0xc7: {  	s25 =	simm.s32 $0x10400;
	s23 =	simm.s32 $0x168F0  }
0xc8: {  	[spmem:s1] =	stream.indirect.scatter.add.f32 [tilespmem:s25], [sflag:$0x3], $0x40, s23, s10, $0xb8;
	[tilespmem:$0x19780] =	vst v63  }
0xc9: {  	_ = 	snop  }
0xca: {  	[spmem:s2] =	stream.indirect.scatter.add.f32 [tilespmem:s11], [sflag:$0x4], $0x10, s23, s10, $0xb8;
	[tilespmem:$0x19780] =	vst v63  }
0xcb: {  	_ =	swait.ge [sflag:s24], $0xA0  }
0xcc: {  	[sflag:s24] =	ssyncset.done $0x0  }
0xcd: {  	[sflag:s24] =	ssyncadd.s32 $0xFFFFFF60  }
0xce: {  	_ =	swait.ge [sflag:s7], $0x2800  }
0xcf: {  	[sflag:s7] =	ssyncset.done $0x0  }
0xd0: {  	s13 =	simm.s32 @p0 $0x1;
	[sflag:s7] =	ssyncadd.s32 $0xFFFFD800  }
0xd1: {  	_ =	swait.ge @p0 [sflag:s13], $0xA0  }
0xd2: {  	[sflag:s13] =	ssyncset.done @p0 $0x0  }
0xd3: {  	[sflag:s13] =	ssyncadd.s32 @p0 $0xFFFFFF60;
	s13 =	simm.s32 @p0 $0x2  }
0xd4: {  	_ =	swait.ge @p0 [sflag:s13], $0x2800  }
0xd5: {  	s22 =	simm.s32 @p0 $0x16990;
	[sflag:s13] =	ssyncset.done @p0 $0x0  }
0xd6: {  	s23 =	simm.s32 @p0 $0x12C00;
	[sflag:s13] =	ssyncadd.s32 @p0 $0xFFFFD800;
	s13 =	simm.s32 @p0 $0x50  }
0xd7: {  	[spmem:s1] =	stream.indirect.scatter.add.f32 @p0 [tilespmem:s23], [sflag:$0x3], $0x40, s22, s13, $0xb8;
	[tilespmem:$0x19780] =	vst v63  }
0xd8: {  	s23 =	simm.s32 @p0 $0x16A80  }
0xd9: {  	[spmem:s2] =	stream.indirect.scatter.add.f32 @p0 [tilespmem:s23], [sflag:$0x4], $0x10, s22, s13, $0xb8;
	[tilespmem:$0x19780] =	vst v63  }
0xda: {  	s13 =	simm.s32 @!p0 $0x50;
	s22 =	simm.s32 @!p0 $0x16940;
	s23 =	simm.s32 @!p0 $0x11800  }
0xdb: {  	[spmem:s1] =	stream.indirect.scatter.add.f32 @!p0 [tilespmem:s23], [sflag:$0x3], $0x40, s22, s13, $0xb8;
	[tilespmem:$0x19780] =	vst v63  }
0xdc: {  	s23 =	simm.s32 @!p0 $0x16A80  }
0xdd: {  	[spmem:s2] =	stream.indirect.scatter.add.f32 @!p0 [tilespmem:s23], [sflag:$0x4], $0x10, s22, s13, $0xb8;
	[tilespmem:$0x19780] =	vst v63  }
0xde: {  	s25 =	simm.s32 @!p0 $0x12C00;
	s22 =	simm.s32 @!p0 $0x16990  }
0xdf: {  	[spmem:s1] =	stream.indirect.scatter.add.f32 @!p0 [tilespmem:s25], [sflag:$0x3], $0x40, s22, s13, $0xb8;
	[tilespmem:$0x19780] =	vst v63  }
0xe0: {  	_ = 	snop  }
0xe1: {  	[spmem:s2] =	stream.indirect.scatter.add.f32 @!p0 [tilespmem:s23], [sflag:$0x4], $0x10, s22, s13, $0xb8;
	[tilespmem:$0x19780] =	vst v63  }
0xe2: {  	s22 =	simm.s32 @!p0 $0x1  }
0xe3: {  	_ =	swait.ge @!p0 [sflag:s22], $0xA0  }
0xe4: {  	[sflag:s22] =	ssyncset.done @!p0 $0x0  }
0xe5: {  	[sflag:s22] =	ssyncadd.s32 @!p0 $0xFFFFFF60;
	s22 =	simm.s32 @!p0 $0x2  }
0xe6: {  	_ =	swait.ge @!p0 [sflag:s22], $0x2800  }
0xe7: {  	[sflag:s22] =	ssyncset.done @!p0 $0x0  }
0xe8: {  	s25 =	simm.s32 @!p0 $0x14000;
	[sflag:s22] =	ssyncadd.s32 @!p0 $0xFFFFD800;
	s22 =	simm.s32 @!p0 $0x169E0  }
0xe9: {  	[spmem:s1] =	stream.indirect.scatter.add.f32 @!p0 [tilespmem:s25], [sflag:$0x3], $0x40, s22, s13, $0xb8;
	[tilespmem:$0x19780] =	vst v63  }
0xea: {  	_ = 	snop  }
0xeb: {  	[spmem:s2] =	stream.indirect.scatter.add.f32 @!p0 [tilespmem:s23], [sflag:$0x4], $0x10, s22, s13, $0xb8;
	[tilespmem:$0x19780] =	vst v63  }
0xec: {  	s25 =	simm.s32 @!p0 $0x15400;
	s22 =	simm.s32 @!p0 $0x16A30  }
0xed: {  	[spmem:s1] =	stream.indirect.scatter.add.f32 @!p0 [tilespmem:s25], [sflag:$0x3], $0x40, s22, s13, $0xb8;
	[tilespmem:$0x19780] =	vst v63  }
0xee: {  	_ = 	snop  }
0xef: {  	[spmem:s2] =	stream.indirect.scatter.add.f32 @!p0 [tilespmem:s23], [sflag:$0x4], $0x10, s22, s13, $0xb8;
	[tilespmem:$0x19780] =	vst v63  }
0xf0: {  	s13 =	simm.s32 @!p0 $0x3  }
0xf1: {  	_ =	swait.ge @!p0 [sflag:s13], $0x1400  }
0xf2: {  	[sflag:s13] =	ssyncset.done @!p0 $0x0  }
0xf3: {  	s22 =	simm.s32 @!p0 $0x4;
	[sflag:s13] =	ssyncadd.s32 @!p0 $0xFFFFEC00  }
0xf4: {  	_ =	swait.ge @!p0 [sflag:s22], $0x500  }
0xf5: {  	[sflag:s22] =	ssyncset.done @!p0 $0x0  }
0xf6: {  	[sflag:s22] =	ssyncadd.s32 @!p0 $0xFFFFFB00  }
0xf7: {  	_ =	swait.ge @!p0 [sflag:s13], $0x1400  }
0xf8: {  	[sflag:s13] =	ssyncset.done @!p0 $0x0  }
0xf9: {  	[sflag:s13] =	ssyncadd.s32 @!p0 $0xFFFFEC00  }
0xfa: {  	_ =	swait.ge @!p0 [sflag:s22], $0x500  }
0xfb: {  	[sflag:s22] =	ssyncset.done @!p0 $0x0  }
0xfc: {  	[sflag:s22] =	ssyncadd.s32 @!p0 $0xFFFFFB00  }
0xfd: {  	_ =	swait.ge @!p0 [sflag:s13], $0x1400  }
0xfe: {  	[sflag:s13] =	ssyncset.done @!p0 $0x0  }
0xff: {  	[sflag:s13] =	ssyncadd.s32 @!p0 $0xFFFFEC00  }
0x100: {  	_ =	swait.ge @!p0 [sflag:s22], $0x500  }
0x101: {  	[sflag:s22] =	ssyncset.done @!p0 $0x0  }
0x102: {  	[sflag:s22] =	ssyncadd.s32 @!p0 $0xFFFFFB00  }
0x103: {  	_ =	swait.ge [sflag:s15], $0x1400  }
0x104: {  	[sflag:s15] =	ssyncset.done $0x0  }
0x105: {  	[sflag:s15] =	ssyncadd.s32 $0xFFFFEC00  }
0x106: {  	_ =	swait.ge [sflag:s16], $0x500  }
0x107: {  	[sflag:s16] =	ssyncset.done $0x0  }
0x108: {  	[sflag:s16] =	ssyncadd.s32 $0xFFFFFB00  }
0x109: {  	_ =	swait.ge [sflag:s15], $0x1400  }
0x10a: {  	[sflag:s15] =	ssyncset.done $0x0  }
0x10b: {  	[sflag:s15] =	ssyncadd.s32 $0xFFFFEC00  }
0x10c: {  	_ =	swait.ge [sflag:s16], $0x500  }
0x10d: {  	[sflag:s16] =	ssyncset.done $0x0  }
0x10e: {  	[sflag:s16] =	ssyncadd.s32 $0xFFFFFB00  }
0x10f: {  	_ =	swait.ge [sflag:s15], $0x1400  }
0x110: {  	[sflag:s15] =	ssyncset.done $0x0  }
0x111: {  	[sflag:s15] =	ssyncadd.s32 $0xFFFFEC00  }
0x112: {  	_ =	swait.ge [sflag:s16], $0x500  }
0x113: {  	[sflag:s16] =	ssyncset.done $0x0  }
0x114: {  	[sflag:s16] =	ssyncadd.s32 $0xFFFFFB00  }
0x115: {  	_ =	swait.ge [sflag:s15], $0x1400  }
0x116: {  	[sflag:s15] =	ssyncset.done $0x0  }
0x117: {  	[sflag:s15] =	ssyncadd.s32 $0xFFFFEC00  }
0x118: {  	_ =	swait.ge [sflag:s16], $0x500  }
0x119: {  	[sflag:s16] =	ssyncset.done $0x0  }
0x11a: {  	[sflag:s16] =	ssyncadd.s32 $0xFFFFFB00  }
0x11b: {  	_ =	swait.ge [sflag:s15], $0x1400  }
0x11c: {  	[sflag:s15] =	ssyncset.done $0x0  }
0x11d: {  	[sflag:s15] =	ssyncadd.s32 $0xFFFFEC00  }
0x11e: {  	_ =	swait.ge [sflag:s16], $0x500  }
0x11f: {  	[sflag:s16] =	ssyncset.done $0x0  }
0x120: {  	[sflag:s16] =	ssyncadd.s32 $0xFFFFFB00  }
0x121: {  	s23 =	simm.s32 $0x16F80;
	[bflag:$0x0] =	sbarrier.arrive $0xFFFF  }
0x122: {  	[tilespmem:s23], [sflag:$0x6] =	stream.linear.gather [spmem:s20], $0x2800, $0x38;
	[tilespmem:$0x19780] =	vst v63  }
0x123: {  	_ = 	snop  }
0x124: {  	[tilespmem:s31], [sflag:$0x2] =	stream.linear.gather [spmem:s14], $0x2800, $0x38;
	[tilespmem:$0x19780] =	vst v63  }
0x125: {  	s25 =	rddreg [dreg:$0x13]  }
0x126: {  	[tilespmem:s3], [sflag:$0x2] =	stream.linear.gather [spmem:s25], $0x2800, $0x38;
	[tilespmem:$0x19780] =	vst v63  }
0x127: {  	s22 =	rddreg [dreg:$0x14]  }
0x128: {  	[tilespmem:s17], [sflag:$0x2] =	stream.linear.gather [spmem:s22], $0x2800, $0x38;
	[tilespmem:$0x19780] =	vst v63  }
0x129: {  	s23 =	rddreg [dreg:$0x15]  }
0x12a: {  	[tilespmem:s18], [sflag:$0x2] =	stream.linear.gather [spmem:s23], $0x2800, $0x38;
	[tilespmem:$0x19780] =	vst v63  }
0x12b: {  	_ =	swait.ge [sflag:s6], $0x2800  }
0x12c: {  	[sflag:s6] =	ssyncset.done $0x0  }
0x12d: {  	[sflag:s6] =	ssyncadd.s32 $0xFFFFD800  }
0x12e: {  	_ =	swait.ge [sflag:s7], $0x2800  }
0x12f: {  	[sflag:s7] =	ssyncset.done $0x0  }
0x130: {  	s25 =	simm.s32 $0x0;
	[sflag:s7] =	ssyncadd.s32 $0xFFFFD800  }
0x131: {  	v1 =	vld [tilespmem:s25+$0x16F80];
	_ =	sdelay $0x4  }
0x132: {  	(erf) = vrcp.f32 v1;
	_ =	sdelay $0x4  }
0x133: {  	s22 =	simm.s32 $0xC880  }
0x134: {  	v2 =	vld [tilespmem:s22+$0xFFFFFFB0]  }
0x135: {  	v3 =	vld [tilespmem:s22+$0xFFFFFF80]  }
0x136: {  	v4 =	vld [tilespmem:s22+$0xFFFFFF90]  }
0x137: {  	v5 =	vld [tilespmem:s22+$0xFFFFFFA0];
	vm0 =	vgt.f32 v1, $0.0e+00;
	v1 =	vpop (erf)  }
0x138: {  	v1 =	vnsel vm0, $0x0, v1  }
0x139: {  	v2 =	vmul.f32 v2, v1  }
0x13a: {  	v3 =	vmul.f32 v1, v3  }
0x13b: {  	v4 =	vmul.f32 v4, v1;
	[tilespmem:s22+$0xFFFFFFB0] =	vst v2  }
0x13c: {  	v1 =	vmul.f32 v5, v1;
	[tilespmem:s22+$0xFFFFFF80] =	vst v3  }
0x13d: {  	[tilespmem:s22+$0xFFFFFF90] =	vst v4  }
0x13e: {  	[tilespmem:s22+$0xFFFFFFA0] =	vst v1  }
0x13f: {  	v1 =	vld [tilespmem:s25+$0x16F90];
	_ =	sdelay $0x4  }
0x140: {  	(erf) = vrcp.f32 v1;
	_ =	sdelay $0x5  }
0x141: {  	v2 =	vld [tilespmem:s22+$0xFFFFFFC0]  }
0x142: {  	v3 =	vld [tilespmem:s22+$0xFFFFFFF0]  }
0x143: {  	v60 =	vld [tilespmem:s22+$0xFFFFFFD0]  }
0x144: {  	v61 =	vld [tilespmem:s22+$0xFFFFFFE0];
	vm14 =	vgt.f32 v1, $0.0e+00;
	v1 =	vpop (erf)  }
0x145: {  	v1 =	vnsel vm14, $0x0, v1  }
0x146: {  	v2 =	vmul.f32 v1, v2  }
0x147: {  	v3 =	vmul.f32 v3, v1  }
0x148: {  	v4 =	vmul.f32 v60, v1;
	[tilespmem:s22+$0xFFFFFFC0] =	vst v2  }
0x149: {  	v1 =	vmul.f32 v61, v1;
	[tilespmem:s22+$0xFFFFFFF0] =	vst v3  }
0x14a: {  	[tilespmem:s22+$0xFFFFFFD0] =	vst v4  }
0x14b: {  	[tilespmem:s22+$0xFFFFFFE0] =	vst v1  }
0x14c: {  	v1 =	vld [tilespmem:s25+$0x16FA0];
	_ =	sdelay $0x4  }
0x14d: {  	(erf) = vrcp.f32 v1;
	_ =	sdelay $0x5  }
0x14e: {  	v2 =	vld [tilespmem:s22+$0x0]  }
0x14f: {  	v3 =	vld [tilespmem:s22+$0x10]  }
0x150: {  	v62 =	vld [tilespmem:s22+$0x30]  }
0x151: {  	v63 =	vld [tilespmem:s22+$0x20];
	vm15 =	vgt.f32 v1, $0.0e+00;
	v1 =	vpop (erf)  }
0x152: {  	v1 =	vnsel vm15, $0x0, v1  }
0x153: {  	v2 =	vmul.f32 v1, v2  }
0x154: {  	v3 =	vmul.f32 v3, v1  }
0x155: {  	v4 =	vmul.f32 v62, v1;
	[tilespmem:s22+$0x0] =	vst v2  }
0x156: {  	v1 =	vmul.f32 v63, v1;
	[tilespmem:s22+$0x10] =	vst v3  }
0x157: {  	[tilespmem:s22+$0x30] =	vst v4  }
0x158: {  	[tilespmem:s22+$0x20] =	vst v1  }
0x159: {  	v1 =	vld [tilespmem:s25+$0x16FB0];
	_ =	sdelay $0x4  }
0x15a: {  	s13 =	simm.s32 $0x100;
	s23 =	simm.s32 $0xC880;
	(erf) = vrcp.f32 v1  }
.LBB2_2:
0x15b: {  	_ =	sdelay $0x1  }
0x15c: {  	p1 =	sne.s32 s13, $0x2700  }
0x15d: {  	v2 =	vld [tilespmem:s22+$0x70];
	s23 =	sadd.s32 $0x100, s23;
	s25 =	smov.u32 s13;
	s13 =	sadd.s32 $0x100, s13  }
0x15e: {  	v3 =	vld [tilespmem:s22+$0x40]  }
0x15f: {  	v4 =	vld [tilespmem:s22+$0x50]  }
0x160: {  	v5 =	vld [tilespmem:s22+$0x60];
	_ =	sdelay $0x1  }
0x161: {  	vm0 =	vgt.f32 v1, $0.0e+00;
	v1 =	vpop (erf)  }
0x162: {  	v1 =	vnsel vm0, $0x0, v1  }
0x163: {  	v3 =	vmul.f32 v1, v3;
	v4 =	vmul.f32 v4, v1  }
0x164: {  	v5 =	vmul.f32 v5, v1;
	v1 =	vmul.f32 v2, v1  }
0x165: {  	[tilespmem:s22+$0x40] =	vst v3  }
0x166: {  	[tilespmem:s22+$0x70] =	vst v1  }
0x167: {  	[tilespmem:s22+$0x50] =	vst v4  }
0x168: {  	s25 =	sshra.s32 s25, $0x2;
	[tilespmem:s22+$0x60] =	vst v5;
	s22 =	smov.u32 s23  }
0x169: {  	v1 =	vld [tilespmem:s25+$0x16F80];
	_ =	sdelay $0x4  }
0x16a: {  	(erf) = vrcp.f32 v1;
	_ =	sdelay $0x3  }
0x16b: {  	v2 =	vld [tilespmem:s23+$0xFFFFFFA0]  }
0x16c: {  	v3 =	vld [tilespmem:s23+$0xFFFFFFB0]  }
0x16d: {  	v4 =	vld [tilespmem:s23+$0xFFFFFF80]  }
0x16e: {  	v5 =	vld [tilespmem:s23+$0xFFFFFF90];
	_ =	sdelay $0x1  }
0x16f: {  	vm0 =	vgt.f32 v1, $0.0e+00;
	v1 =	vpop (erf)  }
0x170: {  	v1 =	vnsel vm0, $0x0, v1  }
0x171: {  	v4 =	vmul.f32 v1, v4;
	v3 =	vmul.f32 v3, v1  }
0x172: {  	v5 =	vmul.f32 v5, v1;
	v1 =	vmul.f32 v2, v1  }
0x173: {  	[tilespmem:s23+$0xFFFFFFB0] =	vst v3  }
0x174: {  	[tilespmem:s23+$0xFFFFFF80] =	vst v4  }
0x175: {  	[tilespmem:s23+$0xFFFFFF90] =	vst v5  }
0x176: {  	[tilespmem:s23+$0xFFFFFFA0] =	vst v1  }
0x177: {  	v1 =	vld [tilespmem:s25+$0x16F90];
	_ =	sdelay $0x4  }
0x178: {  	(erf) = vrcp.f32 v1;
	_ =	sdelay $0x3  }
0x179: {  	v2 =	vld [tilespmem:s23+$0xFFFFFFF0]  }
0x17a: {  	v3 =	vld [tilespmem:s23+$0xFFFFFFD0]  }
0x17b: {  	v4 =	vld [tilespmem:s23+$0xFFFFFFC0]  }
0x17c: {  	v5 =	vld [tilespmem:s23+$0xFFFFFFE0];
	_ =	sdelay $0x1  }
0x17d: {  	vm0 =	vgt.f32 v1, $0.0e+00;
	v1 =	vpop (erf)  }
0x17e: {  	v1 =	vnsel vm0, $0x0, v1  }
0x17f: {  	v4 =	vmul.f32 v1, v4;
	v3 =	vmul.f32 v3, v1  }
0x180: {  	v5 =	vmul.f32 v5, v1;
	v1 =	vmul.f32 v2, v1  }
0x181: {  	[tilespmem:s23+$0xFFFFFFC0] =	vst v4  }
0x182: {  	[tilespmem:s23+$0xFFFFFFF0] =	vst v1  }
0x183: {  	[tilespmem:s23+$0xFFFFFFD0] =	vst v3  }
0x184: {  	[tilespmem:s23+$0xFFFFFFE0] =	vst v5  }
0x185: {  	v1 =	vld [tilespmem:s25+$0x16FA0];
	_ =	sdelay $0x4  }
0x186: {  	(erf) = vrcp.f32 v1;
	_ =	sdelay $0x3  }
0x187: {  	v2 =	vld [tilespmem:s23+$0x30]  }
0x188: {  	v3 =	vld [tilespmem:s23+$0x10]  }
0x189: {  	v4 =	vld [tilespmem:s23+$0x0]  }
0x18a: {  	v5 =	vld [tilespmem:s23+$0x20];
	_ =	sdelay $0x1  }
0x18b: {  	vm0 =	vgt.f32 v1, $0.0e+00;
	v1 =	vpop (erf)  }
0x18c: {  	v1 =	vnsel vm0, $0x0, v1  }
0x18d: {  	v4 =	vmul.f32 v1, v4;
	v3 =	vmul.f32 v3, v1  }
0x18e: {  	v5 =	vmul.f32 v5, v1;
	v1 =	vmul.f32 v2, v1  }
0x18f: {  	[tilespmem:s23+$0x0] =	vst v4  }
0x190: {  	[tilespmem:s23+$0x10] =	vst v3  }
0x191: {  	[tilespmem:s23+$0x30] =	vst v1  }
0x192: {  	[tilespmem:s23+$0x20] =	vst v5  }
0x193: {  	v1 =	vld [tilespmem:s25+$0x16FB0]  }
.Ltmp2:
0x194: {  	(pc) =	sbr.rel @p1 .LBB2_2-.Ltmp2, $2  }
0x195: {  	_ =	sdelay $0x2  }
0x196: {  	(erf) = vrcp.f32 v1  }
0x197: {  	_ =	sdelay $0x4  }
0x198: {  	v2 =	vld [tilespmem:s22+$0x40]  }
0x199: {  	v3 =	vld [tilespmem:s22+$0x70]  }
0x19a: {  	v4 =	vld [tilespmem:s22+$0x50]  }
0x19b: {  	v5 =	vld [tilespmem:s22+$0x60];
	vm0 =	vgt.f32 v1, $0.0e+00;
	v1 =	vpop (erf)  }
0x19c: {  	v1 =	vnsel vm0, $0x0, v1  }
0x19d: {  	v2 =	vmul.f32 v1, v2  }
0x19e: {  	v3 =	vmul.f32 v3, v1  }
0x19f: {  	v4 =	vmul.f32 v4, v1;
	[tilespmem:s22+$0x40] =	vst v2  }
0x1a0: {  	v1 =	vmul.f32 v5, v1;
	[tilespmem:s22+$0x70] =	vst v3  }
0x1a1: {  	[tilespmem:s22+$0x50] =	vst v4  }
0x1a2: {  	s13 =	rddreg [dreg:$0xf];
	[tilespmem:s22+$0x60] =	vst v1  }
0x1a3: {  	[hbm4b:s13+s29] =	stream.strided.scatter [tilespmem:s31], [sflag:$0x5], $0x2800, s30, s29, $0x38;
	[tilespmem:$0x19780] =	vst v63  }
0x1a4: {  	_ =	swait.ge [sflag:s7], $0x2800  }
0x1a5: {  	[sflag:s7] =	ssyncset.done $0x0  }
0x1a6: {  	s25 =	simm.s32 $0x0;
	[sflag:s7] =	ssyncadd.s32 $0xFFFFD800  }
0x1a7: {  	v1 =	vld [tilespmem:s25+$0x17980];
	_ =	sdelay $0x4  }
0x1a8: {  	(erf) = vrcp.f32 v1;
	_ =	sdelay $0x4  }
0x1a9: {  	s22 =	simm.s32 $0xF0F0  }
0x1aa: {  	v2 =	vld [tilespmem:s22+$0xFFFFFF40]  }
0x1ab: {  	v3 =	vld [tilespmem:s22+$0xFFFFFF10]  }
0x1ac: {  	v58 =	vld [tilespmem:s22+$0xFFFFFF20]  }
0x1ad: {  	v59 =	vld [tilespmem:s22+$0xFFFFFF30];
	vm13 =	vgt.f32 v1, $0.0e+00;
	v1 =	vpop (erf)  }
0x1ae: {  	v1 =	vnsel vm13, $0x0, v1  }
0x1af: {  	v2 =	vmul.f32 v2, v1  }
0x1b0: {  	v3 =	vmul.f32 v1, v3  }
0x1b1: {  	v4 =	vmul.f32 v58, v1;
	[tilespmem:s22+$0xFFFFFF40] =	vst v2  }
0x1b2: {  	v1 =	vmul.f32 v59, v1;
	[tilespmem:s22+$0xFFFFFF10] =	vst v3  }
0x1b3: {  	[tilespmem:s22+$0xFFFFFF20] =	vst v4  }
0x1b4: {  	[tilespmem:s22+$0xFFFFFF30] =	vst v1  }
0x1b5: {  	v1 =	vld [tilespmem:s25+$0x17990];
	_ =	sdelay $0x4  }
0x1b6: {  	(erf) = vrcp.f32 v1;
	_ =	sdelay $0x5  }
0x1b7: {  	v2 =	vld [tilespmem:s22+$0xFFFFFF50]  }
0x1b8: {  	v3 =	vld [tilespmem:s22+$0xFFFFFF80]  }
0x1b9: {  	v60 =	vld [tilespmem:s22+$0xFFFFFF60]  }
0x1ba: {  	v61 =	vld [tilespmem:s22+$0xFFFFFF70];
	vm14 =	vgt.f32 v1, $0.0e+00;
	v1 =	vpop (erf)  }
0x1bb: {  	v1 =	vnsel vm14, $0x0, v1  }
0x1bc: {  	v2 =	vmul.f32 v1, v2  }
0x1bd: {  	v3 =	vmul.f32 v3, v1  }
0x1be: {  	v4 =	vmul.f32 v60, v1;
	[tilespmem:s22+$0xFFFFFF50] =	vst v2  }
0x1bf: {  	v1 =	vmul.f32 v61, v1;
	[tilespmem:s22+$0xFFFFFF80] =	vst v3  }
0x1c0: {  	[tilespmem:s22+$0xFFFFFF60] =	vst v4  }
0x1c1: {  	[tilespmem:s22+$0xFFFFFF70] =	vst v1  }
0x1c2: {  	v1 =	vld [tilespmem:s25+$0x179A0];
	_ =	sdelay $0x4  }
0x1c3: {  	(erf) = vrcp.f32 v1;
	_ =	sdelay $0x5  }
0x1c4: {  	v2 =	vld [tilespmem:s22+$0xFFFFFF90]  }
0x1c5: {  	v3 =	vld [tilespmem:s22+$0xFFFFFFA0]  }
0x1c6: {  	v62 =	vld [tilespmem:s22+$0xFFFFFFC0]  }
0x1c7: {  	v63 =	vld [tilespmem:s22+$0xFFFFFFB0];
	vm15 =	vgt.f32 v1, $0.0e+00;
	v1 =	vpop (erf)  }
0x1c8: {  	v1 =	vnsel vm15, $0x0, v1  }
0x1c9: {  	v2 =	vmul.f32 v1, v2  }
0x1ca: {  	v3 =	vmul.f32 v3, v1  }
0x1cb: {  	v4 =	vmul.f32 v62, v1;
	[tilespmem:s22+$0xFFFFFF90] =	vst v2  }
0x1cc: {  	v1 =	vmul.f32 v63, v1;
	[tilespmem:s22+$0xFFFFFFA0] =	vst v3  }
0x1cd: {  	[tilespmem:s22+$0xFFFFFFC0] =	vst v4  }
0x1ce: {  	[tilespmem:s22+$0xFFFFFFB0] =	vst v1  }
0x1cf: {  	v1 =	vld [tilespmem:s25+$0x179B0];
	_ =	sdelay $0x4  }
0x1d0: {  	s23 =	simm.s32 $0xF0F0;
	s13 =	simm.s32 $0x100;
	(erf) = vrcp.f32 v1  }
.LBB2_4:
0x1d1: {  	_ =	sdelay $0x1  }
0x1d2: {  	p1 =	sne.s32 s13, $0x2700  }
0x1d3: {  	v2 =	vld [tilespmem:s22+$0xFFFFFFF0];
	s23 =	sadd.s32 $0x100, s23;
	s25 =	smov.u32 s13;
	s13 =	sadd.s32 $0x100, s13  }
0x1d4: {  	v3 =	vld [tilespmem:s22+$0xFFFFFFD0]  }
0x1d5: {  	v4 =	vld [tilespmem:s22+$0xFFFFFFE0]  }
0x1d6: {  	v5 =	vld [tilespmem:s22+$0x0];
	_ =	sdelay $0x1  }
0x1d7: {  	vm0 =	vgt.f32 v1, $0.0e+00;
	v1 =	vpop (erf)  }
0x1d8: {  	v1 =	vnsel vm0, $0x0, v1  }
0x1d9: {  	v3 =	vmul.f32 v1, v3;
	v4 =	vmul.f32 v4, v1  }
0x1da: {  	v2 =	vmul.f32 v2, v1;
	v1 =	vmul.f32 v5, v1  }
0x1db: {  	[tilespmem:s22+$0xFFFFFFD0] =	vst v3  }
0x1dc: {  	[tilespmem:s22+$0x0] =	vst v1  }
0x1dd: {  	[tilespmem:s22+$0xFFFFFFE0] =	vst v4  }
0x1de: {  	s25 =	sshra.s32 s25, $0x2;
	[tilespmem:s22+$0xFFFFFFF0] =	vst v2;
	s22 =	smov.u32 s23  }
0x1df: {  	v1 =	vld [tilespmem:s25+$0x17980];
	_ =	sdelay $0x4  }
0x1e0: {  	(erf) = vrcp.f32 v1;
	_ =	sdelay $0x3  }
0x1e1: {  	v2 =	vld [tilespmem:s23+$0xFFFFFF30]  }
0x1e2: {  	v3 =	vld [tilespmem:s23+$0xFFFFFF40]  }
0x1e3: {  	v4 =	vld [tilespmem:s23+$0xFFFFFF10]  }
0x1e4: {  	v5 =	vld [tilespmem:s23+$0xFFFFFF20];
	_ =	sdelay $0x1  }
0x1e5: {  	vm0 =	vgt.f32 v1, $0.0e+00;
	v1 =	vpop (erf)  }
0x1e6: {  	v1 =	vnsel vm0, $0x0, v1  }
0x1e7: {  	v4 =	vmul.f32 v1, v4;
	v3 =	vmul.f32 v3, v1  }
0x1e8: {  	v5 =	vmul.f32 v5, v1;
	v1 =	vmul.f32 v2, v1  }
0x1e9: {  	[tilespmem:s23+$0xFFFFFF40] =	vst v3  }
0x1ea: {  	[tilespmem:s23+$0xFFFFFF10] =	vst v4  }
0x1eb: {  	[tilespmem:s23+$0xFFFFFF20] =	vst v5  }
0x1ec: {  	[tilespmem:s23+$0xFFFFFF30] =	vst v1  }
0x1ed: {  	v1 =	vld [tilespmem:s25+$0x17990];
	_ =	sdelay $0x4  }
0x1ee: {  	(erf) = vrcp.f32 v1;
	_ =	sdelay $0x3  }
0x1ef: {  	v2 =	vld [tilespmem:s23+$0xFFFFFF80]  }
0x1f0: {  	v3 =	vld [tilespmem:s23+$0xFFFFFF60]  }
0x1f1: {  	v4 =	vld [tilespmem:s23+$0xFFFFFF50]  }
0x1f2: {  	v5 =	vld [tilespmem:s23+$0xFFFFFF70];
	_ =	sdelay $0x1  }
0x1f3: {  	vm0 =	vgt.f32 v1, $0.0e+00;
	v1 =	vpop (erf)  }
0x1f4: {  	v1 =	vnsel vm0, $0x0, v1  }
0x1f5: {  	v4 =	vmul.f32 v1, v4;
	v3 =	vmul.f32 v3, v1  }
0x1f6: {  	v5 =	vmul.f32 v5, v1;
	v1 =	vmul.f32 v2, v1  }
0x1f7: {  	[tilespmem:s23+$0xFFFFFF50] =	vst v4  }
0x1f8: {  	[tilespmem:s23+$0xFFFFFF80] =	vst v1  }
0x1f9: {  	[tilespmem:s23+$0xFFFFFF60] =	vst v3  }
0x1fa: {  	[tilespmem:s23+$0xFFFFFF70] =	vst v5  }
0x1fb: {  	v1 =	vld [tilespmem:s25+$0x179A0];
	_ =	sdelay $0x4  }
0x1fc: {  	(erf) = vrcp.f32 v1;
	_ =	sdelay $0x3  }
0x1fd: {  	v2 =	vld [tilespmem:s23+$0xFFFFFFC0]  }
0x1fe: {  	v3 =	vld [tilespmem:s23+$0xFFFFFFA0]  }
0x1ff: {  	v4 =	vld [tilespmem:s23+$0xFFFFFF90]  }
0x200: {  	v5 =	vld [tilespmem:s23+$0xFFFFFFB0];
	_ =	sdelay $0x1  }
0x201: {  	vm0 =	vgt.f32 v1, $0.0e+00;
	v1 =	vpop (erf)  }
0x202: {  	v1 =	vnsel vm0, $0x0, v1  }
0x203: {  	v4 =	vmul.f32 v1, v4;
	v3 =	vmul.f32 v3, v1  }
0x204: {  	v5 =	vmul.f32 v5, v1;
	v1 =	vmul.f32 v2, v1  }
0x205: {  	[tilespmem:s23+$0xFFFFFF90] =	vst v4  }
0x206: {  	[tilespmem:s23+$0xFFFFFFA0] =	vst v3  }
0x207: {  	[tilespmem:s23+$0xFFFFFFC0] =	vst v1  }
0x208: {  	[tilespmem:s23+$0xFFFFFFB0] =	vst v5  }
0x209: {  	v1 =	vld [tilespmem:s25+$0x179B0]  }
.Ltmp3:
0x20a: {  	(pc) =	sbr.rel @p1 .LBB2_4-.Ltmp3, $2  }
0x20b: {  	_ =	sdelay $0x2  }
0x20c: {  	(erf) = vrcp.f32 v1  }
0x20d: {  	_ =	sdelay $0x4  }
0x20e: {  	v2 =	vld [tilespmem:s22+$0xFFFFFFD0]  }
0x20f: {  	v3 =	vld [tilespmem:s22+$0x0]  }
0x210: {  	v4 =	vld [tilespmem:s22+$0xFFFFFFE0]  }
0x211: {  	v5 =	vld [tilespmem:s22+$0xFFFFFFF0];
	vm0 =	vgt.f32 v1, $0.0e+00;
	v1 =	vpop (erf)  }
0x212: {  	v1 =	vnsel vm0, $0x0, v1  }
0x213: {  	v2 =	vmul.f32 v1, v2  }
0x214: {  	v3 =	vmul.f32 v3, v1  }
0x215: {  	v4 =	vmul.f32 v4, v1;
	[tilespmem:s22+$0xFFFFFFD0] =	vst v2  }
0x216: {  	v1 =	vmul.f32 v5, v1;
	[tilespmem:s22+$0x0] =	vst v3  }
0x217: {  	[tilespmem:s22+$0xFFFFFFE0] =	vst v4  }
.Ltmp4:
0x218: {  	s13 =	rddreg [dreg:$0x10];
	[tilespmem:s22+$0xFFFFFFF0] =	vst v1;
	(pc) =	sbr.rel @!p0 .LBB2_6-.Ltmp4, $4  }
0x219: {  	[hbm4b:s13+s29] =	stream.strided.scatter [tilespmem:s3], [sflag:$0x5], $0x2800, s30, s29, $0x38;
	[tilespmem:$0x19780] =	vst v63  }
0x21a: {  	_ =	swait.ge [sflag:s7], $0x2800  }
0x21b: {  	[sflag:s7] =	ssyncset.done $0x0  }
0x21c: {  	[sflag:s7] =	ssyncadd.s32 $0xFFFFD800  }
0x21d: {  	_ =	swait.ge [sflag:s7], $0x2800  }
0x21e: {  	[sflag:s7] =	ssyncset.done $0x0  }
0x21f: {  	s22 =	simm.s32 $0x183B0;
	[sflag:s7] =	ssyncadd.s32 $0xFFFFD800  }
0x220: {  	v1 =	vld [tilespmem:s22+$0xFFFFFFD0];
	_ =	sdelay $0x4  }
0x221: {  	(erf) = vrcp.f32 v1;
	_ =	sdelay $0x4  }
0x222: {  	s23 =	simm.s32 $0x0  }
0x223: {  	v2 =	vld [tilespmem:s23+$0x11810]  }
0x224: {  	v3 =	vld [tilespmem:s23+$0x11800]  }
0x225: {  	v4 =	vld [tilespmem:s23+$0x11830]  }
0x226: {  	v5 =	vld [tilespmem:s23+$0x11820];
	vm0 =	vgt.f32 v1, $0.0e+00;
	v1 =	vpop (erf)  }
0x227: {  	v1 =	vnsel vm0, $0x0, v1  }
0x228: {  	v2 =	vmul.f32 v2, v1  }
0x229: {  	v3 =	vmul.f32 v1, v3  }
0x22a: {  	[tilespmem:s23+$0x11810] =	vst v2;
	v2 =	vmul.f32 v4, v1  }
0x22b: {  	v1 =	vmul.f32 v5, v1;
	[tilespmem:s23+$0x11800] =	vst v3  }
0x22c: {  	[tilespmem:s23+$0x11830] =	vst v2  }
0x22d: {  	[tilespmem:s23+$0x11820] =	vst v1  }
0x22e: {  	v1 =	vld [tilespmem:s22+$0xFFFFFFE0];
	_ =	sdelay $0x4  }
0x22f: {  	(erf) = vrcp.f32 v1;
	_ =	sdelay $0x5  }
0x230: {  	v2 =	vld [tilespmem:s23+$0x11840]  }
0x231: {  	v3 =	vld [tilespmem:s23+$0x11850]  }
0x232: {  	v60 =	vld [tilespmem:s23+$0x11870]  }
0x233: {  	v61 =	vld [tilespmem:s23+$0x11860];
	vm14 =	vgt.f32 v1, $0.0e+00;
	v1 =	vpop (erf)  }
0x234: {  	v1 =	vnsel vm14, $0x0, v1  }
0x235: {  	v2 =	vmul.f32 v1, v2  }
0x236: {  	v3 =	vmul.f32 v3, v1  }
0x237: {  	v4 =	vmul.f32 v60, v1;
	[tilespmem:s23+$0x11840] =	vst v2  }
0x238: {  	v1 =	vmul.f32 v61, v1;
	[tilespmem:s23+$0x11850] =	vst v3  }
0x239: {  	[tilespmem:s23+$0x11870] =	vst v4  }
0x23a: {  	[tilespmem:s23+$0x11860] =	vst v1  }
0x23b: {  	v1 =	vld [tilespmem:s22+$0xFFFFFFF0];
	_ =	sdelay $0x4  }
0x23c: {  	(erf) = vrcp.f32 v1;
	_ =	sdelay $0x5  }
0x23d: {  	v2 =	vld [tilespmem:s23+$0x11880]  }
0x23e: {  	v3 =	vld [tilespmem:s23+$0x118B0]  }
0x23f: {  	v62 =	vld [tilespmem:s23+$0x118A0]  }
0x240: {  	v63 =	vld [tilespmem:s23+$0x11890];
	vm15 =	vgt.f32 v1, $0.0e+00;
	v1 =	vpop (erf)  }
0x241: {  	v1 =	vnsel vm15, $0x0, v1  }
0x242: {  	v2 =	vmul.f32 v1, v2  }
0x243: {  	v3 =	vmul.f32 v3, v1  }
0x244: {  	v4 =	vmul.f32 v62, v1;
	[tilespmem:s23+$0x11880] =	vst v2  }
0x245: {  	v1 =	vmul.f32 v63, v1;
	[tilespmem:s23+$0x118B0] =	vst v3  }
0x246: {  	[tilespmem:s23+$0x118A0] =	vst v4  }
0x247: {  	[tilespmem:s23+$0x11890] =	vst v1  }
0x248: {  	v1 =	vld [tilespmem:s22+$0x0];
	_ =	sdelay $0x4  }
0x249: {  	s13 =	simm.s32 $0x400;
	(erf) = vrcp.f32 v1  }
.LBB2_12:
0x24a: {  	p1 =	sne.s32 s13, $0x4C00  }
0x24b: {  	s22 =	sadd.s32 $0x40, s22;
	s25 =	smov.u32 s13;
	s13 =	sadd.s32 $0x400, s13  }
0x24c: {  	_ = 	snop  }
0x24d: {  	v2 =	vld [tilespmem:s23+$0x118F0]  }
0x24e: {  	v3 =	vld [tilespmem:s23+$0x118D0]  }
0x24f: {  	v4 =	vld [tilespmem:s23+$0x118C0]  }
0x250: {  	v5 =	vld [tilespmem:s23+$0x118E0];
	_ =	sdelay $0x1  }
0x251: {  	vm0 =	vgt.f32 v1, $0.0e+00;
	v1 =	vpop (erf)  }
0x252: {  	v1 =	vnsel vm0, $0x0, v1  }
0x253: {  	v4 =	vmul.f32 v1, v4;
	v3 =	vmul.f32 v3, v1  }
0x254: {  	v5 =	vmul.f32 v5, v1;
	v1 =	vmul.f32 v2, v1  }
0x255: {  	[tilespmem:s23+$0x118C0] =	vst v4  }
0x256: {  	[tilespmem:s23+$0x118F0] =	vst v1  }
0x257: {  	[tilespmem:s23+$0x118D0] =	vst v3  }
0x258: {  	[tilespmem:s23+$0x118E0] =	vst v5  }
0x259: {  	v1 =	vld [tilespmem:s22+$0xFFFFFFD0];
	_ =	sdelay $0x4  }
0x25a: {  	(erf) = vrcp.f32 v1;
	_ =	sdelay $0x3  }
0x25b: {  	s23 =	sshra.s32 s25, $0x2  }
0x25c: {  	v2 =	vld [tilespmem:s23+$0x11820]  }
0x25d: {  	v3 =	vld [tilespmem:s23+$0x11810]  }
0x25e: {  	v4 =	vld [tilespmem:s23+$0x11800]  }
0x25f: {  	vm0 =	vgt.f32 v1, $0.0e+00;
	v1 =	vld [tilespmem:s23+$0x11830]  }
0x260: {  	v5 =	vpop (erf)  }
0x261: {  	v5 =	vnsel vm0, $0x0, v5  }
0x262: {  	v3 =	vmul.f32 v3, v5;
	v2 =	vmul.f32 v2, v5  }
0x263: {  	v4 =	vmul.f32 v5, v4  }
0x264: {  	[tilespmem:s23+$0x11810] =	vst v3;
	v1 =	vmul.f32 v1, v5  }
0x265: {  	[tilespmem:s23+$0x11800] =	vst v4  }
0x266: {  	[tilespmem:s23+$0x11830] =	vst v1  }
0x267: {  	[tilespmem:s23+$0x11820] =	vst v2  }
0x268: {  	v1 =	vld [tilespmem:s22+$0xFFFFFFE0];
	_ =	sdelay $0x4  }
0x269: {  	(erf) = vrcp.f32 v1;
	_ =	sdelay $0x3  }
0x26a: {  	v2 =	vld [tilespmem:s23+$0x11870]  }
0x26b: {  	v3 =	vld [tilespmem:s23+$0x11850]  }
0x26c: {  	v4 =	vld [tilespmem:s23+$0x11840]  }
0x26d: {  	v5 =	vld [tilespmem:s23+$0x11860];
	_ =	sdelay $0x1  }
0x26e: {  	vm0 =	vgt.f32 v1, $0.0e+00;
	v1 =	vpop (erf)  }
0x26f: {  	v1 =	vnsel vm0, $0x0, v1  }
0x270: {  	v4 =	vmul.f32 v1, v4;
	v3 =	vmul.f32 v3, v1  }
0x271: {  	v5 =	vmul.f32 v5, v1;
	v1 =	vmul.f32 v2, v1  }
0x272: {  	[tilespmem:s23+$0x11840] =	vst v4  }
0x273: {  	[tilespmem:s23+$0x11850] =	vst v3  }
0x274: {  	[tilespmem:s23+$0x11870] =	vst v1;
	_ =	sdelay $0x1  }
0x275: {  	[tilespmem:s23+$0x11860] =	vst v5  }
0x276: {  	v1 =	vld [tilespmem:s22+$0xFFFFFFF0];
	_ =	sdelay $0x4  }
0x277: {  	(erf) = vrcp.f32 v1;
	_ =	sdelay $0x3  }
0x278: {  	v2 =	vld [tilespmem:s23+$0x118B0]  }
0x279: {  	v3 =	vld [tilespmem:s23+$0x11890]  }
0x27a: {  	v4 =	vld [tilespmem:s23+$0x11880]  }
0x27b: {  	v5 =	vld [tilespmem:s23+$0x118A0];
	_ =	sdelay $0x1  }
0x27c: {  	vm0 =	vgt.f32 v1, $0.0e+00;
	v1 =	vpop (erf)  }
0x27d: {  	v1 =	vnsel vm0, $0x0, v1  }
0x27e: {  	v4 =	vmul.f32 v1, v4;
	v3 =	vmul.f32 v3, v1  }
0x27f: {  	v5 =	vmul.f32 v5, v1;
	v1 =	vmul.f32 v2, v1  }
0x280: {  	[tilespmem:s23+$0x11880] =	vst v4  }
0x281: {  	[tilespmem:s23+$0x118B0] =	vst v1  }
0x282: {  	[tilespmem:s23+$0x118A0] =	vst v5  }
0x283: {  	[tilespmem:s23+$0x11890] =	vst v3  }
0x284: {  	v1 =	vld [tilespmem:s22+$0x0]  }
.Ltmp5:
0x285: {  	(pc) =	sbr.rel @p1 .LBB2_12-.Ltmp5, $2  }
0x286: {  	_ =	sdelay $0x2  }
0x287: {  	(erf) = vrcp.f32 v1  }
0x288: {  	_ =	sdelay $0x4  }
0x289: {  	v2 =	vld [tilespmem:s23+$0x118C0]  }
0x28a: {  	v3 =	vld [tilespmem:s23+$0x118F0]  }
0x28b: {  	v4 =	vld [tilespmem:s23+$0x118D0]  }
0x28c: {  	v5 =	vld [tilespmem:s23+$0x118E0];
	vm0 =	vgt.f32 v1, $0.0e+00;
	v1 =	vpop (erf)  }
0x28d: {  	v1 =	vnsel vm0, $0x0, v1  }
0x28e: {  	v2 =	vmul.f32 v1, v2  }
0x28f: {  	v3 =	vmul.f32 v3, v1  }
0x290: {  	v4 =	vmul.f32 v4, v1;
	[tilespmem:s23+$0x118C0] =	vst v2  }
0x291: {  	v1 =	vmul.f32 v5, v1;
	[tilespmem:s23+$0x118F0] =	vst v3  }
0x292: {  	[tilespmem:s23+$0x118D0] =	vst v4  }
.Ltmp6:
0x293: {  	s13 =	rddreg [dreg:$0x16];
	[tilespmem:s23+$0x118E0] =	vst v1;
	(pc) =	sbr.rel .LBB2_14-.Ltmp6, $4  }
0x294: {  	[hbm4b:s13+s29] =	stream.strided.scatter [tilespmem:s17], [sflag:$0x5], $0x1400, s30, s29, $0x38;
	[tilespmem:$0x19780] =	vst v63  }
0x295: {  	_ =	swait.ge [sflag:s21], $0x1400  }
0x296: {  	[sflag:s21] =	ssyncset.done $0x0  }
0x297: {  	[sflag:s21] =	ssyncadd.s32 $0xFFFFEC00  }
.LBB2_6:
0x298: {  	s22 =	simm.s32 $0x183B0  }
0x299: {  	v1 =	vld [tilespmem:s22+$0xFFFFFFD0];
	_ =	sdelay $0x4  }
0x29a: {  	(erf) = vrcp.f32 v1;
	_ =	sdelay $0x4  }
0x29b: {  	s23 =	simm.s32 $0x0  }
0x29c: {  	v2 =	vld [tilespmem:s23+$0x11810]  }
0x29d: {  	v3 =	vld [tilespmem:s23+$0x11800]  }
0x29e: {  	v4 =	vld [tilespmem:s23+$0x11830]  }
0x29f: {  	v5 =	vld [tilespmem:s23+$0x11820];
	vm0 =	vgt.f32 v1, $0.0e+00;
	v1 =	vpop (erf)  }
0x2a0: {  	v1 =	vnsel vm0, $0x0, v1  }
0x2a1: {  	v2 =	vmul.f32 v2, v1  }
0x2a2: {  	v3 =	vmul.f32 v1, v3  }
0x2a3: {  	[tilespmem:s23+$0x11810] =	vst v2;
	v2 =	vmul.f32 v4, v1  }
0x2a4: {  	v1 =	vmul.f32 v5, v1;
	[tilespmem:s23+$0x11800] =	vst v3  }
0x2a5: {  	[tilespmem:s23+$0x11830] =	vst v2  }
0x2a6: {  	[tilespmem:s23+$0x11820] =	vst v1  }
0x2a7: {  	v1 =	vld [tilespmem:s22+$0xFFFFFFE0];
	_ =	sdelay $0x4  }
0x2a8: {  	(erf) = vrcp.f32 v1;
	_ =	sdelay $0x5  }
0x2a9: {  	v2 =	vld [tilespmem:s23+$0x11840]  }
0x2aa: {  	v3 =	vld [tilespmem:s23+$0x11850]  }
0x2ab: {  	v60 =	vld [tilespmem:s23+$0x11870]  }
0x2ac: {  	v61 =	vld [tilespmem:s23+$0x11860];
	vm14 =	vgt.f32 v1, $0.0e+00;
	v1 =	vpop (erf)  }
0x2ad: {  	v1 =	vnsel vm14, $0x0, v1  }
0x2ae: {  	v2 =	vmul.f32 v1, v2  }
0x2af: {  	v3 =	vmul.f32 v3, v1  }
0x2b0: {  	v4 =	vmul.f32 v60, v1;
	[tilespmem:s23+$0x11840] =	vst v2  }
0x2b1: {  	v1 =	vmul.f32 v61, v1;
	[tilespmem:s23+$0x11850] =	vst v3  }
0x2b2: {  	[tilespmem:s23+$0x11870] =	vst v4  }
0x2b3: {  	[tilespmem:s23+$0x11860] =	vst v1  }
0x2b4: {  	v1 =	vld [tilespmem:s22+$0xFFFFFFF0];
	_ =	sdelay $0x4  }
0x2b5: {  	(erf) = vrcp.f32 v1;
	_ =	sdelay $0x5  }
0x2b6: {  	v2 =	vld [tilespmem:s23+$0x11880]  }
0x2b7: {  	v3 =	vld [tilespmem:s23+$0x118B0]  }
0x2b8: {  	v62 =	vld [tilespmem:s23+$0x118A0]  }
0x2b9: {  	v63 =	vld [tilespmem:s23+$0x11890];
	vm15 =	vgt.f32 v1, $0.0e+00;
	v1 =	vpop (erf)  }
0x2ba: {  	v1 =	vnsel vm15, $0x0, v1  }
0x2bb: {  	v2 =	vmul.f32 v1, v2  }
0x2bc: {  	v3 =	vmul.f32 v3, v1  }
0x2bd: {  	v4 =	vmul.f32 v62, v1;
	[tilespmem:s23+$0x11880] =	vst v2  }
0x2be: {  	v1 =	vmul.f32 v63, v1;
	[tilespmem:s23+$0x118B0] =	vst v3  }
0x2bf: {  	[tilespmem:s23+$0x118A0] =	vst v4  }
0x2c0: {  	[tilespmem:s23+$0x11890] =	vst v1  }
0x2c1: {  	v1 =	vld [tilespmem:s22+$0x0];
	_ =	sdelay $0x4  }
0x2c2: {  	s13 =	simm.s32 $0x400;
	(erf) = vrcp.f32 v1  }
.LBB2_7:
0x2c3: {  	p1 =	sne.s32 s13, $0x9C00  }
0x2c4: {  	s22 =	sadd.s32 $0x40, s22;
	s25 =	smov.u32 s13;
	s13 =	sadd.s32 $0x400, s13  }
0x2c5: {  	_ = 	snop  }
0x2c6: {  	v2 =	vld [tilespmem:s23+$0x118F0]  }
0x2c7: {  	v3 =	vld [tilespmem:s23+$0x118D0]  }
0x2c8: {  	v4 =	vld [tilespmem:s23+$0x118C0]  }
0x2c9: {  	v5 =	vld [tilespmem:s23+$0x118E0];
	_ =	sdelay $0x1  }
0x2ca: {  	vm0 =	vgt.f32 v1, $0.0e+00;
	v1 =	vpop (erf)  }
0x2cb: {  	v1 =	vnsel vm0, $0x0, v1  }
0x2cc: {  	v4 =	vmul.f32 v1, v4;
	v3 =	vmul.f32 v3, v1  }
0x2cd: {  	v5 =	vmul.f32 v5, v1;
	v1 =	vmul.f32 v2, v1  }
0x2ce: {  	[tilespmem:s23+$0x118C0] =	vst v4  }
0x2cf: {  	[tilespmem:s23+$0x118F0] =	vst v1  }
0x2d0: {  	[tilespmem:s23+$0x118D0] =	vst v3  }
0x2d1: {  	[tilespmem:s23+$0x118E0] =	vst v5  }
0x2d2: {  	v1 =	vld [tilespmem:s22+$0xFFFFFFD0];
	_ =	sdelay $0x4  }
0x2d3: {  	(erf) = vrcp.f32 v1;
	_ =	sdelay $0x3  }
0x2d4: {  	s23 =	sshra.s32 s25, $0x2  }
0x2d5: {  	v2 =	vld [tilespmem:s23+$0x11820]  }
0x2d6: {  	v3 =	vld [tilespmem:s23+$0x11810]  }
0x2d7: {  	v4 =	vld [tilespmem:s23+$0x11800]  }
0x2d8: {  	vm0 =	vgt.f32 v1, $0.0e+00;
	v1 =	vld [tilespmem:s23+$0x11830]  }
0x2d9: {  	v5 =	vpop (erf)  }
0x2da: {  	v5 =	vnsel vm0, $0x0, v5  }
0x2db: {  	v3 =	vmul.f32 v3, v5;
	v2 =	vmul.f32 v2, v5  }
0x2dc: {  	v4 =	vmul.f32 v5, v4  }
0x2dd: {  	[tilespmem:s23+$0x11810] =	vst v3;
	v1 =	vmul.f32 v1, v5  }
0x2de: {  	[tilespmem:s23+$0x11800] =	vst v4  }
0x2df: {  	[tilespmem:s23+$0x11830] =	vst v1  }
0x2e0: {  	[tilespmem:s23+$0x11820] =	vst v2  }
0x2e1: {  	v1 =	vld [tilespmem:s22+$0xFFFFFFE0];
	_ =	sdelay $0x4  }
0x2e2: {  	(erf) = vrcp.f32 v1;
	_ =	sdelay $0x3  }
0x2e3: {  	v2 =	vld [tilespmem:s23+$0x11870]  }
0x2e4: {  	v3 =	vld [tilespmem:s23+$0x11850]  }
0x2e5: {  	v4 =	vld [tilespmem:s23+$0x11840]  }
0x2e6: {  	v5 =	vld [tilespmem:s23+$0x11860];
	_ =	sdelay $0x1  }
0x2e7: {  	vm0 =	vgt.f32 v1, $0.0e+00;
	v1 =	vpop (erf)  }
0x2e8: {  	v1 =	vnsel vm0, $0x0, v1  }
0x2e9: {  	v4 =	vmul.f32 v1, v4;
	v3 =	vmul.f32 v3, v1  }
0x2ea: {  	v5 =	vmul.f32 v5, v1;
	v1 =	vmul.f32 v2, v1  }
0x2eb: {  	[tilespmem:s23+$0x11840] =	vst v4  }
0x2ec: {  	[tilespmem:s23+$0x11850] =	vst v3  }
0x2ed: {  	[tilespmem:s23+$0x11870] =	vst v1;
	_ =	sdelay $0x1  }
0x2ee: {  	[tilespmem:s23+$0x11860] =	vst v5  }
0x2ef: {  	v1 =	vld [tilespmem:s22+$0xFFFFFFF0];
	_ =	sdelay $0x4  }
0x2f0: {  	(erf) = vrcp.f32 v1;
	_ =	sdelay $0x3  }
0x2f1: {  	v2 =	vld [tilespmem:s23+$0x118B0]  }
0x2f2: {  	v3 =	vld [tilespmem:s23+$0x11890]  }
0x2f3: {  	v4 =	vld [tilespmem:s23+$0x11880]  }
0x2f4: {  	v5 =	vld [tilespmem:s23+$0x118A0];
	_ =	sdelay $0x1  }
0x2f5: {  	vm0 =	vgt.f32 v1, $0.0e+00;
	v1 =	vpop (erf)  }
0x2f6: {  	v1 =	vnsel vm0, $0x0, v1  }
0x2f7: {  	v4 =	vmul.f32 v1, v4;
	v3 =	vmul.f32 v3, v1  }
0x2f8: {  	v5 =	vmul.f32 v5, v1;
	v1 =	vmul.f32 v2, v1  }
0x2f9: {  	[tilespmem:s23+$0x11880] =	vst v4  }
0x2fa: {  	[tilespmem:s23+$0x118B0] =	vst v1  }
0x2fb: {  	[tilespmem:s23+$0x118A0] =	vst v5  }
0x2fc: {  	[tilespmem:s23+$0x11890] =	vst v3  }
0x2fd: {  	v1 =	vld [tilespmem:s22+$0x0]  }
.Ltmp7:
0x2fe: {  	(pc) =	sbr.rel @p1 .LBB2_7-.Ltmp7, $2  }
0x2ff: {  	_ =	sdelay $0x2  }
0x300: {  	(erf) = vrcp.f32 v1  }
0x301: {  	_ =	sdelay $0x4  }
0x302: {  	v2 =	vld [tilespmem:s23+$0x118C0]  }
0x303: {  	v3 =	vld [tilespmem:s23+$0x118F0]  }
0x304: {  	v4 =	vld [tilespmem:s23+$0x118D0]  }
0x305: {  	v5 =	vld [tilespmem:s23+$0x118E0];
	vm0 =	vgt.f32 v1, $0.0e+00;
	v1 =	vpop (erf)  }
0x306: {  	v1 =	vnsel vm0, $0x0, v1  }
0x307: {  	v2 =	vmul.f32 v1, v2  }
0x308: {  	v3 =	vmul.f32 v3, v1  }
0x309: {  	v4 =	vmul.f32 v4, v1;
	[tilespmem:s23+$0x118C0] =	vst v2  }
0x30a: {  	v1 =	vmul.f32 v5, v1;
	[tilespmem:s23+$0x118F0] =	vst v3  }
0x30b: {  	[tilespmem:s23+$0x118D0] =	vst v4  }
0x30c: {  	s13 =	rddreg [dreg:$0x11];
	[tilespmem:s23+$0x118E0] =	vst v1  }
0x30d: {  	[hbm4b:s13+s29] =	stream.strided.scatter [tilespmem:s17], [sflag:$0x5], $0x2800, s30, s29, $0x38;
	[tilespmem:$0x19780] =	vst v63  }
0x30e: {  	_ =	swait.ge [sflag:s7], $0x2800  }
0x30f: {  	[sflag:s7] =	ssyncset.done $0x0  }
0x310: {  	s22 =	simm.s32 $0x18DB0;
	[sflag:s7] =	ssyncadd.s32 $0xFFFFD800  }
0x311: {  	v1 =	vld [tilespmem:s22+$0xFFFFFFD0];
	_ =	sdelay $0x4  }
0x312: {  	(erf) = vrcp.f32 v1;
	_ =	sdelay $0x4  }
0x313: {  	s23 =	simm.s32 $0x0  }
0x314: {  	v2 =	vld [tilespmem:s23+$0x14010]  }
0x315: {  	v3 =	vld [tilespmem:s23+$0x14000]  }
0x316: {  	v58 =	vld [tilespmem:s23+$0x14030]  }
0x317: {  	v59 =	vld [tilespmem:s23+$0x14020];
	vm13 =	vgt.f32 v1, $0.0e+00;
	v1 =	vpop (erf)  }
0x318: {  	v1 =	vnsel vm13, $0x0, v1  }
0x319: {  	v2 =	vmul.f32 v2, v1  }
0x31a: {  	v3 =	vmul.f32 v1, v3  }
0x31b: {  	[tilespmem:s23+$0x14010] =	vst v2;
	v2 =	vmul.f32 v58, v1  }
0x31c: {  	v1 =	vmul.f32 v59, v1;
	[tilespmem:s23+$0x14000] =	vst v3  }
0x31d: {  	[tilespmem:s23+$0x14030] =	vst v2  }
0x31e: {  	[tilespmem:s23+$0x14020] =	vst v1  }
0x31f: {  	v1 =	vld [tilespmem:s22+$0xFFFFFFE0];
	_ =	sdelay $0x4  }
0x320: {  	(erf) = vrcp.f32 v1;
	_ =	sdelay $0x5  }
0x321: {  	v2 =	vld [tilespmem:s23+$0x14040]  }
0x322: {  	v3 =	vld [tilespmem:s23+$0x14050]  }
0x323: {  	v60 =	vld [tilespmem:s23+$0x14070]  }
0x324: {  	v61 =	vld [tilespmem:s23+$0x14060];
	vm14 =	vgt.f32 v1, $0.0e+00;
	v1 =	vpop (erf)  }
0x325: {  	v1 =	vnsel vm14, $0x0, v1  }
0x326: {  	v2 =	vmul.f32 v1, v2  }
0x327: {  	v3 =	vmul.f32 v3, v1  }
0x328: {  	v4 =	vmul.f32 v60, v1;
	[tilespmem:s23+$0x14040] =	vst v2  }
0x329: {  	v1 =	vmul.f32 v61, v1;
	[tilespmem:s23+$0x14050] =	vst v3  }
0x32a: {  	[tilespmem:s23+$0x14070] =	vst v4  }
0x32b: {  	[tilespmem:s23+$0x14060] =	vst v1  }
0x32c: {  	v1 =	vld [tilespmem:s22+$0xFFFFFFF0];
	_ =	sdelay $0x4  }
0x32d: {  	(erf) = vrcp.f32 v1;
	_ =	sdelay $0x5  }
0x32e: {  	v2 =	vld [tilespmem:s23+$0x14080]  }
0x32f: {  	v3 =	vld [tilespmem:s23+$0x140B0]  }
0x330: {  	v62 =	vld [tilespmem:s23+$0x140A0]  }
0x331: {  	v63 =	vld [tilespmem:s23+$0x14090];
	vm15 =	vgt.f32 v1, $0.0e+00;
	v1 =	vpop (erf)  }
0x332: {  	v1 =	vnsel vm15, $0x0, v1  }
0x333: {  	v2 =	vmul.f32 v1, v2  }
0x334: {  	v3 =	vmul.f32 v3, v1  }
0x335: {  	v4 =	vmul.f32 v62, v1;
	[tilespmem:s23+$0x14080] =	vst v2  }
0x336: {  	v1 =	vmul.f32 v63, v1;
	[tilespmem:s23+$0x140B0] =	vst v3  }
0x337: {  	[tilespmem:s23+$0x140A0] =	vst v4  }
0x338: {  	[tilespmem:s23+$0x14090] =	vst v1  }
0x339: {  	v1 =	vld [tilespmem:s22+$0x0];
	_ =	sdelay $0x4  }
0x33a: {  	s13 =	simm.s32 $0x400;
	(erf) = vrcp.f32 v1  }
.LBB2_9:
0x33b: {  	p1 =	sne.s32 s13, $0x9C00  }
0x33c: {  	s22 =	sadd.s32 $0x40, s22;
	s25 =	smov.u32 s13;
	s13 =	sadd.s32 $0x400, s13  }
0x33d: {  	_ = 	snop  }
0x33e: {  	v2 =	vld [tilespmem:s23+$0x140F0]  }
0x33f: {  	v3 =	vld [tilespmem:s23+$0x140D0]  }
0x340: {  	v4 =	vld [tilespmem:s23+$0x140C0]  }
0x341: {  	v5 =	vld [tilespmem:s23+$0x140E0];
	_ =	sdelay $0x1  }
0x342: {  	vm0 =	vgt.f32 v1, $0.0e+00;
	v1 =	vpop (erf)  }
0x343: {  	v1 =	vnsel vm0, $0x0, v1  }
0x344: {  	v4 =	vmul.f32 v1, v4;
	v3 =	vmul.f32 v3, v1  }
0x345: {  	v5 =	vmul.f32 v5, v1;
	v1 =	vmul.f32 v2, v1  }
0x346: {  	[tilespmem:s23+$0x140C0] =	vst v4  }
0x347: {  	[tilespmem:s23+$0x140F0] =	vst v1  }
0x348: {  	[tilespmem:s23+$0x140D0] =	vst v3  }
0x349: {  	[tilespmem:s23+$0x140E0] =	vst v5  }
0x34a: {  	v1 =	vld [tilespmem:s22+$0xFFFFFFD0];
	_ =	sdelay $0x4  }
0x34b: {  	(erf) = vrcp.f32 v1;
	_ =	sdelay $0x3  }
0x34c: {  	s23 =	sshra.s32 s25, $0x2  }
0x34d: {  	v2 =	vld [tilespmem:s23+$0x14020]  }
0x34e: {  	v3 =	vld [tilespmem:s23+$0x14010]  }
0x34f: {  	v4 =	vld [tilespmem:s23+$0x14000]  }
0x350: {  	vm0 =	vgt.f32 v1, $0.0e+00;
	v1 =	vld [tilespmem:s23+$0x14030]  }
0x351: {  	v5 =	vpop (erf)  }
0x352: {  	v5 =	vnsel vm0, $0x0, v5  }
0x353: {  	v3 =	vmul.f32 v3, v5;
	v2 =	vmul.f32 v2, v5  }
0x354: {  	v4 =	vmul.f32 v5, v4  }
0x355: {  	[tilespmem:s23+$0x14010] =	vst v3;
	v1 =	vmul.f32 v1, v5  }
0x356: {  	[tilespmem:s23+$0x14000] =	vst v4  }
0x357: {  	[tilespmem:s23+$0x14030] =	vst v1  }
0x358: {  	[tilespmem:s23+$0x14020] =	vst v2  }
0x359: {  	v1 =	vld [tilespmem:s22+$0xFFFFFFE0];
	_ =	sdelay $0x4  }
0x35a: {  	(erf) = vrcp.f32 v1;
	_ =	sdelay $0x3  }
0x35b: {  	v2 =	vld [tilespmem:s23+$0x14070]  }
0x35c: {  	v3 =	vld [tilespmem:s23+$0x14050]  }
0x35d: {  	v4 =	vld [tilespmem:s23+$0x14040]  }
0x35e: {  	v5 =	vld [tilespmem:s23+$0x14060];
	_ =	sdelay $0x1  }
0x35f: {  	vm0 =	vgt.f32 v1, $0.0e+00;
	v1 =	vpop (erf)  }
0x360: {  	v1 =	vnsel vm0, $0x0, v1  }
0x361: {  	v4 =	vmul.f32 v1, v4;
	v3 =	vmul.f32 v3, v1  }
0x362: {  	v5 =	vmul.f32 v5, v1;
	v1 =	vmul.f32 v2, v1  }
0x363: {  	[tilespmem:s23+$0x14040] =	vst v4  }
0x364: {  	[tilespmem:s23+$0x14050] =	vst v3  }
0x365: {  	[tilespmem:s23+$0x14070] =	vst v1;
	_ =	sdelay $0x1  }
0x366: {  	[tilespmem:s23+$0x14060] =	vst v5  }
0x367: {  	v1 =	vld [tilespmem:s22+$0xFFFFFFF0];
	_ =	sdelay $0x4  }
0x368: {  	(erf) = vrcp.f32 v1;
	_ =	sdelay $0x3  }
0x369: {  	v2 =	vld [tilespmem:s23+$0x140B0]  }
0x36a: {  	v3 =	vld [tilespmem:s23+$0x14090]  }
0x36b: {  	v4 =	vld [tilespmem:s23+$0x14080]  }
0x36c: {  	v5 =	vld [tilespmem:s23+$0x140A0];
	_ =	sdelay $0x1  }
0x36d: {  	vm0 =	vgt.f32 v1, $0.0e+00;
	v1 =	vpop (erf)  }
0x36e: {  	v1 =	vnsel vm0, $0x0, v1  }
0x36f: {  	v4 =	vmul.f32 v1, v4;
	v3 =	vmul.f32 v3, v1  }
0x370: {  	v5 =	vmul.f32 v5, v1;
	v1 =	vmul.f32 v2, v1  }
0x371: {  	[tilespmem:s23+$0x14080] =	vst v4  }
0x372: {  	[tilespmem:s23+$0x140B0] =	vst v1  }
0x373: {  	[tilespmem:s23+$0x140A0] =	vst v5  }
0x374: {  	[tilespmem:s23+$0x14090] =	vst v3  }
0x375: {  	v1 =	vld [tilespmem:s22+$0x0]  }
.Ltmp8:
0x376: {  	(pc) =	sbr.rel @p1 .LBB2_9-.Ltmp8, $2  }
0x377: {  	_ =	sdelay $0x2  }
0x378: {  	(erf) = vrcp.f32 v1  }
.Ltmp9:
0x379: {  	_ = 	snop;
	(pc) =	sbr.rel .LBB2_10-.Ltmp9, $1  }
0x37a: {  	_ =	sdelay $0x3  }
.LBB2_15:
0x37b: {  	_ =	sfence.sel $0x180000  }
0x37c: {  	[bflag:$0x0] =	sbarrier.arrive $0xFFFF  }
0x37d: {  	_ =	strace $0x90000047  }
0x37e: {  	s0 =	stileid.u32;
	[bflag:$0x2] =	sbarrier.arrive $0xFFFF  }
0x37f: {  	p0 =	sne.s32 s0, $0x0;
	s0 =	rddreg [dreg:$0x6]  }
0x380: {  	s0 =	sadd.s32 @!p0 $0x100000, s0  }
0x381: {  	[sflag:s0] =	ssyncadd.tile.s32 @!p0 $0x1;
	_ =	shalt  }
.Lfunc_end2:
_tile_overlayer_lowered:
.L_overlay_start_2:
0x382: {  	(tag) =	ssettag $0x2  }
0x383: {  	s0 =	rddreg [dreg:$0x0];
	s2 =	stileid.u32  }
0x384: {  	s1 =	rddreg [dreg:$0x1];
	p0 =	sne.s32 s2, $0x0  }
0x385: {  	s3 =	rddreg [dreg:$0x2];
	[bflag:$0x3] =	sbarrier.arrive $0xFFFF;
	s2 =	simm.s32 @!p0 $0x1C09  }
0x386: {  	[timem:s3], [sflag:s2] =	dma.local @!p0 [hbm:s0], s1  }
0x387: {  	s0 =	simm.s32 @!p0 $0x9  }
0x388: {  	_ =	swait.ge @!p0 [sflag:s0], s1  }
0x389: {  	s1 =	ssub.s32 @!p0 $0x0, s1;
	[sflag:s0] =	ssyncset.done @!p0 $0x0  }
0x38a: {  	[sflag:s0] =	ssyncadd.s32 @!p0 s1  }
0x38b: {  	[bflag:$0x3] =	sbarrier.arrive $0xFFFF  }
0x38c: {  	_ =	shalt  }

</sc_bundles>
